<compile_context>
chip_gen: v7x
topology: tpu7x:2x2x1
jax: 0.10.2.dev20260603
libtpu: 0.0.44.dev20260713+nightly
codegen_flags: <defaults>
</compile_context>

<pallas_src>
import functools

import jax
import jax.numpy as jnp
from jax import lax
from jax.experimental import pallas as pl
from jax.experimental.pallas import tpu as pltpu
from jax.experimental.pallas import tpu_sc as plsc

EPS = 1e-08
EPSILON = 0.35
_K = 4
_BR = 1024
_CHUNK = 32
_PADV = -1e30

_LOG2C = (-3.02831933, 6.06583812, -5.26412469, 3.21884619,
          -1.23427016, 0.26686075, -0.02482583)
_LN2 = 0.6931471805599453


def _tc_body(x_hbm, t_ref, avg_ref, stats_ref, bufs_ref, sems):
    i = pl.program_id(0)
    nb = pl.num_programs(0)
    br, c = bufs_ref.shape[1], bufs_ref.shape[2]

    @pl.when(i == 0)
    def _():
        avg_ref[...] = jnp.zeros_like(avg_ref)
        for k in range(_K - 1):
            pltpu.make_async_copy(
                x_hbm.at[pl.ds(k * br, br), :], bufs_ref.at[k], sems.at[k]
            ).start()

    j = i + _K - 1

    @pl.when(j < nb)
    def _():
        slot = lax.rem(j, _K)
        pltpu.make_async_copy(
            x_hbm.at[pl.ds(j * br, br), :], bufs_ref.at[slot], sems.at[slot]
        ).start()

    cur = lax.rem(i, _K)
    pltpu.make_async_copy(
        x_hbm.at[pl.ds(i * br, br), :], bufs_ref.at[cur], sems.at[cur]
    ).wait()
    x = bufs_ref[cur]
    m = jnp.max(x, axis=1, keepdims=True)
    e = jnp.exp(x - m)
    ones_c = jnp.ones((c, 1), jnp.float32)
    s = jnp.dot(e, ones_c, preferred_element_type=jnp.float32)
    sumx = jnp.dot(x, ones_c, preferred_element_type=jnp.float32)
    p = jnp.clip(e * (1.0 / s), EPS, 1.0 - EPS)
    part = jnp.dot(jnp.ones((1, br), jnp.float32), p,
                   preferred_element_type=jnp.float32)
    avg_ref[...] += part
    t = t_ref[0, 0, :]
    cols = lax.broadcasted_iota(jnp.int32, (br, c), 1)
    xt = jnp.sum(jnp.where(cols == t[:, None], x, 0.0), axis=1)
    mf, sf, sxf = m[:, 0], s[:, 0], sumx[:, 0]
    nq = br // 64
    for q in range(nq):
        sl = slice(q * 64, (q + 1) * 64)
        stats_ref[q, 0, :] = mf[sl]
        stats_ref[q, 1, :] = sf[sl]
        stats_ref[q, 2, :] = sxf[sl]
        stats_ref[q, 3, :] = xt[sl]


def _tc_phase1(x, t3):
    n, c = x.shape
    nb, _, br = t3.shape
    nq = br // 64
    return pl.pallas_call(
        _tc_body,
        grid=(nb,),
        in_specs=[
            pl.BlockSpec(memory_space=pl.ANY),
            pl.BlockSpec((1, 1, br), lambda i: (i, 0, 0)),
        ],
        out_specs=[
            pl.BlockSpec((1, c), lambda i: (0, 0)),
            pl.BlockSpec((nq, 4, 64), lambda i: (i, 0, 0)),
        ],
        out_shape=[
            jax.ShapeDtypeStruct((1, c), jnp.float32),
            jax.ShapeDtypeStruct((nb * nq, 4, 64), jnp.float32),
        ],
        scratch_shapes=[
            pltpu.VMEM((_K, br, c), jnp.float32),
            pltpu.SemaphoreType.DMA((_K,)),
        ],
    )(x, t3)


def _sc_phase1(x_pad, t_sc):
    n_sc, cp = x_pad.shape
    info = plsc.get_sparse_core_info()
    ncores, nsub, lanes = info.num_cores, info.num_subcores, info.num_lanes
    nw = ncores * nsub
    rpw = n_sc // nw
    nch = rpw // _CHUNK
    nvr = cp // lanes
    mesh = plsc.VectorSubcoreMesh(core_axis_name="c", subcore_axis_name="s")

    @functools.partial(
        pl.kernel,
        mesh=mesh,
        compiler_params=pltpu.CompilerParams(
            use_tc_tiling_on_sc=False, needs_layout_passes=False
        ),
        out_type=[
            jax.ShapeDtypeStruct((nw, 4, rpw), jnp.float32),
            jax.ShapeDtypeStruct((nw, cp), jnp.float32),
        ],
        scratch_types=[
            pltpu.VMEM((2, _CHUNK, cp), jnp.float32),
            pltpu.VMEM((_CHUNK, cp), jnp.float32),
            pltpu.VMEM((cp,), jnp.float32),
            pltpu.VMEM((4, rpw), jnp.float32),
            pltpu.VMEM((rpw,), jnp.int32),
            pltpu.SemaphoreType.DMA,
            pltpu.SemaphoreType.DMA,
        ],
    )
    def sc1(x_hbm, t_hbm, stats_out, avg_out, xbuf, ebuf, avga, stv, tv,
            sem0, sem1):
        wid = lax.axis_index("s") * ncores + lax.axis_index("c")
        base = wid * rpw
        sems = (sem0, sem1)
        zero16 = jnp.zeros((lanes,), jnp.float32)
        for h in range(nvr):
            avga[pl.ds(h * lanes, lanes)] = zero16
        for row in range(3):
            for h in range(rpw // lanes):
                stv[row, pl.ds(h * lanes, lanes)] = zero16
        pltpu.sync_copy(t_hbm.at[pl.ds(base, rpw)], tv)
        pltpu.async_copy(x_hbm.at[pl.ds(base, _CHUNK)], xbuf.at[0], sem0)
        for k in range(nch):
            cur = k % 2
            if k + 1 < nch:
                pltpu.async_copy(
                    x_hbm.at[pl.ds(base + (k + 1) * _CHUNK, _CHUNK)],
                    xbuf.at[(k + 1) % 2], sems[(k + 1) % 2],
                )
            pltpu.make_async_copy(
                x_hbm.at[pl.ds(base + k * _CHUNK, _CHUNK)],
                xbuf.at[cur], sems[cur],
            ).wait()
            xcur = xbuf.at[cur]
            for g in range(_CHUNK // lanes):
                rows = lax.iota(jnp.int32, lanes) + g * lanes
                tvals = tv[pl.ds(k * _CHUNK + g * lanes, lanes)]
                xt16 = plsc.load_gather(xcur, [rows, tvals])
                stv[3, pl.ds(k * _CHUNK + g * lanes, lanes)] = xt16

            def row_body(rr, _):
                mvs = [jnp.full((lanes,), -3e38, jnp.float32)] * 4
                for h in range(nvr):
                    mvs[h % 4] = jnp.maximum(
                        mvs[h % 4], xcur[rr, pl.ds(h * lanes, lanes)])
                m = jnp.max(jnp.maximum(jnp.maximum(mvs[0], mvs[1]),
                                        jnp.maximum(mvs[2], mvs[3])))
                svs = [zero16] * 4
                xvs = [zero16] * 4
                for h in range(nvr):
                    v = xcur[rr, pl.ds(h * lanes, lanes)]
                    ev = jnp.exp(v - m)
                    ebuf[rr, pl.ds(h * lanes, lanes)] = ev
                    svs[h % 4] = svs[h % 4] + ev
                    xvs[h % 4] = xvs[h % 4] + jnp.where(v > -1e29, v, 0.0)
                sv = (svs[0] + svs[1]) + (svs[2] + svs[3])
                xv = (xvs[0] + xvs[1]) + (xvs[2] + xvs[3])
                s = jnp.sum(sv)
                rs = 1.0 / jnp.full((lanes,), s, jnp.float32)
                for h in range(nvr):
                    ev = ebuf[rr, pl.ds(h * lanes, lanes)]
                    pv = jnp.clip(ev * rs, EPS, 1.0 - EPS)
                    avga[pl.ds(h * lanes, lanes)] = (
                        avga[pl.ds(h * lanes, lanes)] + pv)
                grp = k * _CHUNK + (rr // lanes) * lanes
                lane = lax.rem(rr, lanes)
                onehot = lax.iota(jnp.int32, lanes) == lane
                plsc.addupdate(stv.at[0, pl.ds(grp, lanes)],
                               jnp.where(onehot, m, 0.0))
                plsc.addupdate(stv.at[1, pl.ds(grp, lanes)],
                               jnp.where(onehot, s, 0.0))
                plsc.addupdate(stv.at[2, pl.ds(grp, lanes)],
                               jnp.where(onehot, jnp.sum(xv), 0.0))
                return 0

            lax.fori_loop(0, _CHUNK, row_body, 0)
        pltpu.sync_copy(stv, stats_out.at[wid])
        pltpu.sync_copy(avga, avg_out.at[wid])

    return sc1(x_pad, t_sc)


def _poly_log(s):
    bits = plsc.bitcast(s, jnp.int32)
    ebits = lax.shift_right_logical(bits, 23) - 127
    mant = lax.bitwise_or(lax.bitwise_and(bits, 0x007FFFFF), 0x3F800000)
    mf = plsc.bitcast(mant, jnp.float32)
    p = jnp.full_like(mf, _LOG2C[6])
    for cc in _LOG2C[5::-1]:
        p = p * mf + cc
    return (ebits.astype(jnp.float32) + p) * _LN2


def _sc_phase2(t, stats_a, avg_sum, n, c):
    info = plsc.get_sparse_core_info()
    ncores, nsub, lanes = info.num_cores, info.num_subcores, info.num_lanes
    nw = ncores * nsub
    rpw = n // nw
    nq = rpw // 64
    a_coef = EPSILON / (c - 1)
    b_coef = 1.0 - EPSILON - a_coef
    cf = float(c)
    nf = float(n)
    mesh = plsc.VectorSubcoreMesh(core_axis_name="c", subcore_axis_name="s")

    @functools.partial(
        pl.kernel,
        mesh=mesh,
        compiler_params=pltpu.CompilerParams(
            use_tc_tiling_on_sc=False, needs_layout_passes=False
        ),
        out_type=jax.ShapeDtypeStruct((nw, 4, lanes), jnp.float32),
        scratch_types=[
            pltpu.VMEM((rpw,), jnp.int32),
            pltpu.VMEM((nq, 4, 64), jnp.float32),
            pltpu.VMEM((1024,), jnp.float32),
            pltpu.VMEM((4, lanes), jnp.float32),
        ],
    )
    def sc2(t_hbm, sa_hbm, avg_hbm, out_hbm, t_v, st_v, avg_v, acc_v):
        wid = lax.axis_index("s") * ncores + lax.axis_index("c")
        base = wid * rpw
        pltpu.sync_copy(t_hbm.at[pl.ds(base, rpw)], t_v)
        pltpu.sync_copy(avg_hbm.at[0], avg_v.at[pl.ds(0, c)])
        for q in range(nq):
            pltpu.sync_copy(sa_hbm.at[wid * nq + q], st_v.at[q])

        zero = jnp.zeros((lanes,), jnp.float32)
        s1, s0, ss = zero, zero, zero
        for q in range(nq):
            for r in range(64 // lanes):
                off = r * lanes
                mv = st_v[q, 0, pl.ds(off, lanes)]
                sv = st_v[q, 1, pl.ds(off, lanes)]
                sxv = st_v[q, 2, pl.ds(off, lanes)]
                xtv = st_v[q, 3, pl.ds(off, lanes)]
                lse = mv + _poly_log(sv)
                pt = jnp.exp(xtv - lse)
                pt = jnp.minimum(jnp.maximum(pt, EPS), 1.0 - EPS)
                idx = t_v[pl.ds(q * 64 + off, lanes)]
                av = plsc.load_gather(avg_v, [idx])
                mask = jnp.where(pt * nf >= av, 1.0, 0.0)
                loss = a_coef * (cf * lse - sxv) + b_coef * (lse - xtv)
                s1 = s1 + loss * mask
                s0 = s0 + mask
                ss = ss + loss
        acc_v[0, :] = s1
        acc_v[1, :] = s0
        acc_v[2, :] = ss
        acc_v[3, :] = zero
        pltpu.sync_copy(acc_v, out_hbm.at[wid])

    return sc2(t, stats_a, avg_sum)


def kernel(prediction, target_label):
    n, c = prediction.shape
    t3 = target_label.reshape(n // _BR, 1, _BR)
    avg_a, stats_a = _tc_phase1(prediction, t3)
    parts = _sc_phase2(target_label, stats_a, avg_a, n, c)
    s1 = jnp.sum(parts[:, 0, :])
    s0 = jnp.sum(parts[:, 1, :])
    ss = jnp.sum(parts[:, 2, :])
    loss_conf = s1 / jnp.maximum(s0, 1.0)
    return jnp.where(s0 > 0.0, loss_conf, ss / n)

# --- scband reference (transcript-rebuilt; emitter-appended) ---
"""Pipeline reference for scband-dce-27401891349242 (READ-ONLY COPY).

The authoritative reference and input builder live on the scoring server;
editing this copy changes nothing except your own understanding.
"""

import jax, jax.numpy as jnp
import numpy as np

EPS = 1e-08
NUM_CLASS = 1000
EPSILON = 0.35

def setup_inputs(seed: int = 0) -> dict:
    key = jax.random.key(seed)
    k1, k2 = jax.random.split(key)
    prediction = jax.random.normal(k1, (16384, NUM_CLASS), dtype=jnp.float32)
    target_label = jax.random.randint(k2, (16384,), 0, NUM_CLASS, dtype=jnp.int32)
    return {"prediction": prediction, "target_label": target_label}

def reference(prediction, target_label):
    N, C = prediction.shape
    # one-hot ground truth labels
    y_true = jax.nn.one_hot(target_label, C, dtype=jnp.float32)
    # softmax probs, clamped
    y_pred = jax.nn.softmax(prediction, axis=1)
    y_pred = jnp.clip(y_pred, EPS, 1.0 - EPS)
    # smooth labels: fill eps/(C-1), scatter 1-eps at target index
    smooth_labels = jnp.where(y_true > 0.0, 1.0 - EPSILON, EPSILON / (C - 1)).astype(jnp.float32)
    # prob of ground-truth class per sample
    pred_tmp = jnp.sum(y_true * y_pred, axis=-1).reshape(-1, 1)
    # class-wise average prediction probability over the batch
    avg = jnp.mean(y_pred, axis=0).reshape(-1, 1)
    avg_ref = jnp.matmul(y_true, avg)
    # keep only 'clean' samples whose GT prob >= class average
    pred = jnp.where(pred_tmp >= avg_ref, pred_tmp, jnp.zeros_like(pred_tmp))
    mask = (pred[:, 0] != 0.0).astype(jnp.float32)
    # soft cross entropy with smooth labels, per-sample
    log_logits = jax.nn.log_softmax(prediction, axis=1)
    losses = -jnp.sum(log_logits * smooth_labels, axis=1)
    n_conf = jnp.sum(mask)
    # mean over confident subset (matches torch.index_select + mean reduction)
    loss_conf = jnp.sum(losses * mask) / jnp.maximum(n_conf, 1.0)
    # fallback: mean over all samples when no sample is confident
    loss_all = jnp.mean(losses)
    return jnp.where(n_conf > 0.0, loss_conf, loss_all)

if __name__ == "__main__":
    import jax
    _d = setup_inputs()
    print(jax.jit(kernel)(*tuple(_d.values())))

</pallas_src>

<mosaic_0001>
#map = affine_map<(d0, d1) -> (0)>
#map1 = affine_map<(d0, d1) -> (0, 0, 0)>
#map2 = affine_map<(d0, d1) -> (0, 0)>
module attributes {stable_mosaic.version = 14 : i64} {
  func.func @sc2(%arg0: i32, %arg1: i32, %arg2: memref<16384xi32, #tpu.memory_space<hbm>>, %arg3: memref<256x4x64xf32, #tpu.memory_space<hbm>>, %arg4: memref<1x1000xf32, #tpu.memory_space<hbm>>, %arg5: memref<32x4x16xf32, #tpu.memory_space<hbm>>, %arg6: memref<512xi32, #tpu.memory_space<vmem>>, %arg7: memref<8x4x64xf32, #tpu.memory_space<vmem>>, %arg8: memref<1024xf32, #tpu.memory_space<vmem>>, %arg9: memref<4x16xf32, #tpu.memory_space<vmem>>) attributes {dimension_semantics = [#tpu.dimension_semantics<core_parallel>, #tpu.dimension_semantics<subcore_parallel>], iteration_bounds = array<i64: 2, 16>, scalar_prefetch = 0 : i64, scratch_operands = 4 : i64, tpu.core_type = #tpu.core_type<sc_vector_subcore>, window_params = [{transform_indices = #map}, {transform_indices = #map1}, {transform_indices = #map2}, {transform_indices = #map1}]} {
    %mul3A = arith.constant 2 : i32
    %mul3A_0 = arith.muli %arg1, %mul3A : i32
    %add3A = arith.addi %mul3A_0, %arg0 : i32
    %mul3A_1 = arith.constant 512 : i32
    %mul3A_2 = arith.muli %add3A, %mul3A_1 : i32
    "tpu.region"() ({
      %run_scoped3A_3437 = tpu.sem_alloc : memref<!tpu.dma_semaphore, #tpu.memory_space<semaphore_mem>>
      %dma_start3A = tpu.memref_slice %arg2[%mul3A_2] : memref<16384xi32, #tpu.memory_space<hbm>> -> memref<512xi32, #tpu.memory_space<hbm>>
      %dma_start3A_3438 = tpu.memref_slice %arg2[%mul3A_2] : memref<16384xi32, #tpu.memory_space<hbm>> -> memref<512xi32, #tpu.memory_space<hbm>>
      tpu.enqueue_dma source(%dma_start3A_3438 : memref<512xi32, #tpu.memory_space<hbm>>) target(%arg6 : memref<512xi32, #tpu.memory_space<vmem>>) target_semaphore(%run_scoped3A_3437 : memref<!tpu.dma_semaphore, #tpu.memory_space<semaphore_mem>>)
      %dma_wait3A = tpu.memref_slice %arg2[%mul3A_2] : memref<16384xi32, #tpu.memory_space<hbm>> -> memref<512xi32, #tpu.memory_space<hbm>>
      %dma_wait3A_3439 = tpu.memref_slice %arg2[%mul3A_2] : memref<16384xi32, #tpu.memory_space<hbm>> -> memref<512xi32, #tpu.memory_space<hbm>>
      tpu.wait_dma2 semaphore(%run_scoped3A_3437 : memref<!tpu.dma_semaphore, #tpu.memory_space<semaphore_mem>>) src(%dma_wait3A_3439 : memref<512xi32, #tpu.memory_space<hbm>>) dst(%arg6 : memref<512xi32, #tpu.memory_space<vmem>>)
      tpu.yield
    }) : () -> ()
    %run_scoped3A = arith.constant 0 : i32
    "tpu.region"() ({
      %run_scoped3A_3437 = tpu.sem_alloc : memref<!tpu.dma_semaphore, #tpu.memory_space<semaphore_mem>>
      %dma_start3A = arith.constant 0 : i32
      %dma_start3A_3438 = tpu.memref_slice %arg8[%dma_start3A] : memref<1024xf32, #tpu.memory_space<vmem>> -> memref<1000xf32, #tpu.memory_space<vmem>>
      %dma_start3A_3439 = arith.constant 0 : i32
      %dma_start3A_3440 = tpu.memref_slice %arg4[%run_scoped3A, %dma_start3A_3439] : memref<1x1000xf32, #tpu.memory_space<hbm>> -> memref<1x1000xf32, #tpu.memory_space<hbm>>
      %dma_start3A_3441 = tpu.memref_squeeze %dma_start3A_3440 : memref<1x1000xf32, #tpu.memory_space<hbm>> -> memref<1000xf32, #tpu.memory_space<hbm>>
      %dma_start3A_3442 = arith.constant 0 : i32
      %dma_start3A_3443 = tpu.memref_slice %arg8[%dma_start3A_3442] : memref<1024xf32, #tpu.memory_space<vmem>> -> memref<1000xf32, #tpu.memory_space<vmem>>
      %dma_start3A_3444 = arith.constant 0 : i32
      %dma_start3A_3445 = tpu.memref_slice %arg4[%run_scoped3A, %dma_start3A_3444] : memref<1x1000xf32, #tpu.memory_space<hbm>> -> memref<1x1000xf32, #tpu.memory_space<hbm>>
      %dma_start3A_3446 = tpu.memref_squeeze %dma_start3A_3445 : memref<1x1000xf32, #tpu.memory_space<hbm>> -> memref<1000xf32, #tpu.memory_space<hbm>>
      tpu.enqueue_dma source(%dma_start3A_3446 : memref<1000xf32, #tpu.memory_space<hbm>>) target(%dma_start3A_3443 : memref<1000xf32, #tpu.memory_space<vmem>>) target_semaphore(%run_scoped3A_3437 : memref<!tpu.dma_semaphore, #tpu.memory_space<semaphore_mem>>)
      %dma_wait3A = arith.constant 0 : i32
      %dma_wait3A_3447 = tpu.memref_slice %arg8[%dma_wait3A] : memref<1024xf32, #tpu.memory_space<vmem>> -> memref<1000xf32, #tpu.memory_space<vmem>>
      %dma_wait3A_3448 = arith.constant 0 : i32
      %dma_wait3A_3449 = tpu.memref_slice %arg4[%run_scoped3A, %dma_wait3A_3448] : memref<1x1000xf32, #tpu.memory_space<hbm>> -> memref<1x1000xf32, #tpu.memory_space<hbm>>
      %dma_wait3A_3450 = tpu.memref_squeeze %dma_wait3A_3449 : memref<1x1000xf32, #tpu.memory_space<hbm>> -> memref<1000xf32, #tpu.memory_space<hbm>>
      %dma_wait3A_3451 = arith.constant 0 : i32
      %dma_wait3A_3452 = tpu.memref_slice %arg8[%dma_wait3A_3451] : memref<1024xf32, #tpu.memory_space<vmem>> -> memref<1000xf32, #tpu.memory_space<vmem>>
      %dma_wait3A_3453 = arith.constant 0 : i32
      %dma_wait3A_3454 = tpu.memref_slice %arg4[%run_scoped3A, %dma_wait3A_3453] : memref<1x1000xf32, #tpu.memory_space<hbm>> -> memref<1x1000xf32, #tpu.memory_space<hbm>>
      %dma_wait3A_3455 = tpu.memref_squeeze %dma_wait3A_3454 : memref<1x1000xf32, #tpu.memory_space<hbm>> -> memref<1000xf32, #tpu.memory_space<hbm>>
      tpu.wait_dma2 semaphore(%run_scoped3A_3437 : memref<!tpu.dma_semaphore, #tpu.memory_space<semaphore_mem>>) src(%dma_wait3A_3455 : memref<1000xf32, #tpu.memory_space<hbm>>) dst(%dma_wait3A_3452 : memref<1000xf32, #tpu.memory_space<vmem>>)
      tpu.yield
    }) : () -> ()
    %mul3A_3 = arith.constant 8 : i32
    %mul3A_4 = arith.muli %add3A, %mul3A_3 : i32
    %add3A_5 = arith.constant 0 : i32
    %add3A_6 = arith.addi %mul3A_4, %add3A_5 : i32
    %run_scoped3A_7 = arith.constant 0 : i32
    "tpu.region"() ({
      %run_scoped3A_3437 = tpu.sem_alloc : memref<!tpu.dma_semaphore, #tpu.memory_space<semaphore_mem>>
      %dma_start3A = arith.constant 0 : i32
      %dma_start3A_3438 = arith.constant 0 : i32
      %dma_start3A_3439 = tpu.memref_slice %arg7[%run_scoped3A_7, %dma_start3A, %dma_start3A_3438] : memref<8x4x64xf32, #tpu.memory_space<vmem>> -> memref<1x4x64xf32, #tpu.memory_space<vmem>>
      %dma_start3A_3440 = tpu.memref_squeeze %dma_start3A_3439 : memref<1x4x64xf32, #tpu.memory_space<vmem>> -> memref<4x64xf32, #tpu.memory_space<vmem>>
      %dma_start3A_3441 = arith.constant 0 : i32
      %dma_start3A_3442 = arith.constant 0 : i32
      %dma_start3A_3443 = tpu.memref_slice %arg3[%add3A_6, %dma_start3A_3441, %dma_start3A_3442] : memref<256x4x64xf32, #tpu.memory_space<hbm>> -> memref<1x4x64xf32, #tpu.memory_space<hbm>>
      %dma_start3A_3444 = tpu.memref_squeeze %dma_start3A_3443 : memref<1x4x64xf32, #tpu.memory_space<hbm>> -> memref<4x64xf32, #tpu.memory_space<hbm>>
      %dma_start3A_3445 = arith.constant 0 : i32
      %dma_start3A_3446 = arith.constant 0 : i32
      %dma_start3A_3447 = tpu.memref_slice %arg7[%run_scoped3A_7, %dma_start3A_3445, %dma_start3A_3446] : memref<8x4x64xf32, #tpu.memory_space<vmem>> -> memref<1x4x64xf32, #tpu.memory_space<vmem>>
      %dma_start3A_3448 = tpu.memref_squeeze %dma_start3A_3447 : memref<1x4x64xf32, #tpu.memory_space<vmem>> -> memref<4x64xf32, #tpu.memory_space<vmem>>
      %dma_start3A_3449 = arith.constant 0 : i32
      %dma_start3A_3450 = arith.constant 0 : i32
      %dma_start3A_3451 = tpu.memref_slice %arg3[%add3A_6, %dma_start3A_3449, %dma_start3A_3450] : memref<256x4x64xf32, #tpu.memory_space<hbm>> -> memref<1x4x64xf32, #tpu.memory_space<hbm>>
      %dma_start3A_3452 = tpu.memref_squeeze %dma_start3A_3451 : memref<1x4x64xf32, #tpu.memory_space<hbm>> -> memref<4x64xf32, #tpu.memory_space<hbm>>
      tpu.enqueue_dma source(%dma_start3A_3452 : memref<4x64xf32, #tpu.memory_space<hbm>>) target(%dma_start3A_3448 : memref<4x64xf32, #tpu.memory_space<vmem>>) target_semaphore(%run_scoped3A_3437 : memref<!tpu.dma_semaphore, #tpu.memory_space<semaphore_mem>>)
      %dma_wait3A = arith.constant 0 : i32
      %dma_wait3A_3453 = arith.constant 0 : i32
      %dma_wait3A_3454 = tpu.memref_slice %arg7[%run_scoped3A_7, %dma_wait3A, %dma_wait3A_3453] : memref<8x4x64xf32, #tpu.memory_space<vmem>> -> memref<1x4x64xf32, #tpu.memory_space<vmem>>
      %dma_wait3A_3455 = tpu.memref_squeeze %dma_wait3A_3454 : memref<1x4x64xf32, #tpu.memory_space<vmem>> -> memref<4x64xf32, #tpu.memory_space<vmem>>
      %dma_wait3A_3456 = arith.constant 0 : i32
      %dma_wait3A_3457 = arith.constant 0 : i32
      %dma_wait3A_3458 = tpu.memref_slice %arg3[%add3A_6, %dma_wait3A_3456, %dma_wait3A_3457] : memref<256x4x64xf32, #tpu.memory_space<hbm>> -> memref<1x4x64xf32, #tpu.memory_space<hbm>>
      %dma_wait3A_3459 = tpu.memref_squeeze %dma_wait3A_3458 : memref<1x4x64xf32, #tpu.memory_space<hbm>> -> memref<4x64xf32, #tpu.memory_space<hbm>>
      %dma_wait3A_3460 = arith.constant 0 : i32
      %dma_wait3A_3461 = arith.constant 0 : i32
      %dma_wait3A_3462 = tpu.memref_slice %arg7[%run_scoped3A_7, %dma_wait3A_3460, %dma_wait3A_3461] : memref<8x4x64xf32, #tpu.memory_space<vmem>> -> memref<1x4x64xf32, #tpu.memory_space<vmem>>
      %dma_wait3A_3463 = tpu.memref_squeeze %dma_wait3A_3462 : memref<1x4x64xf32, #tpu.memory_space<vmem>> -> memref<4x64xf32, #tpu.memory_space<vmem>>
      %dma_wait3A_3464 = arith.constant 0 : i32
      %dma_wait3A_3465 = arith.constant 0 : i32
      %dma_wait3A_3466 = tpu.memref_slice %arg3[%add3A_6, %dma_wait3A_3464, %dma_wait3A_3465] : memref<256x4x64xf32, #tpu.memory_space<hbm>> -> memref<1x4x64xf32, #tpu.memory_space<hbm>>
      %dma_wait3A_3467 = tpu.memref_squeeze %dma_wait3A_3466 : memref<1x4x64xf32, #tpu.memory_space<hbm>> -> memref<4x64xf32, #tpu.memory_space<hbm>>
      tpu.wait_dma2 semaphore(%run_scoped3A_3437 : memref<!tpu.dma_semaphore, #tpu.memory_space<semaphore_mem>>) src(%dma_wait3A_3467 : memref<4x64xf32, #tpu.memory_space<hbm>>) dst(%dma_wait3A_3463 : memref<4x64xf32, #tpu.memory_space<vmem>>)
      tpu.yield
    }) : () -> ()
    %mul3A_8 = arith.constant 8 : i32
    %mul3A_9 = arith.muli %add3A, %mul3A_8 : i32
    %add3A_10 = arith.constant 1 : i32
    %add3A_11 = arith.addi %mul3A_9, %add3A_10 : i32
    %run_scoped3A_12 = arith.constant 1 : i32
    "tpu.region"() ({
      %run_scoped3A_3437 = tpu.sem_alloc : memref<!tpu.dma_semaphore, #tpu.memory_space<semaphore_mem>>
      %dma_start3A = arith.constant 0 : i32
      %dma_start3A_3438 = arith.constant 0 : i32
      %dma_start3A_3439 = tpu.memref_slice %arg7[%run_scoped3A_12, %dma_start3A, %dma_start3A_3438] : memref<8x4x64xf32, #tpu.memory_space<vmem>> -> memref<1x4x64xf32, #tpu.memory_space<vmem>>
      %dma_start3A_3440 = tpu.memref_squeeze %dma_start3A_3439 : memref<1x4x64xf32, #tpu.memory_space<vmem>> -> memref<4x64xf32, #tpu.memory_space<vmem>>
      %dma_start3A_3441 = arith.constant 0 : i32
      %dma_start3A_3442 = arith.constant 0 : i32
      %dma_start3A_3443 = tpu.memref_slice %arg3[%add3A_11, %dma_start3A_3441, %dma_start3A_3442] : memref<256x4x64xf32, #tpu.memory_space<hbm>> -> memref<1x4x64xf32, #tpu.memory_space<hbm>>
      %dma_start3A_3444 = tpu.memref_squeeze %dma_start3A_3443 : memref<1x4x64xf32, #tpu.memory_space<hbm>> -> memref<4x64xf32, #tpu.memory_space<hbm>>
      %dma_start3A_3445 = arith.constant 0 : i32
      %dma_start3A_3446 = arith.constant 0 : i32
      %dma_start3A_3447 = tpu.memref_slice %arg7[%run_scoped3A_12, %dma_start3A_3445, %dma_start3A_3446] : memref<8x4x64xf32, #tpu.memory_space<vmem>> -> memref<1x4x64xf32, #tpu.memory_space<vmem>>
      %dma_start3A_3448 = tpu.memref_squeeze %dma_start3A_3447 : memref<1x4x64xf32, #tpu.memory_space<vmem>> -> memref<4x64xf32, #tpu.memory_space<vmem>>
      %dma_start3A_3449 = arith.constant 0 : i32
      %dma_start3A_3450 = arith.constant 0 : i32
      %dma_start3A_3451 = tpu.memref_slice %arg3[%add3A_11, %dma_start3A_3449, %dma_start3A_3450] : memref<256x4x64xf32, #tpu.memory_space<hbm>> -> memref<1x4x64xf32, #tpu.memory_space<hbm>>
      %dma_start3A_3452 = tpu.memref_squeeze %dma_start3A_3451 : memref<1x4x64xf32, #tpu.memory_space<hbm>> -> memref<4x64xf32, #tpu.memory_space<hbm>>
      tpu.enqueue_dma source(%dma_start3A_3452 : memref<4x64xf32, #tpu.memory_space<hbm>>) target(%dma_start3A_3448 : memref<4x64xf32, #tpu.memory_space<vmem>>) target_semaphore(%run_scoped3A_3437 : memref<!tpu.dma_semaphore, #tpu.memory_space<semaphore_mem>>)
      %dma_wait3A = arith.constant 0 : i32
      %dma_wait3A_3453 = arith.constant 0 : i32
      %dma_wait3A_3454 = tpu.memref_slice %arg7[%run_scoped3A_12, %dma_wait3A, %dma_wait3A_3453] : memref<8x4x64xf32, #tpu.memory_space<vmem>> -> memref<1x4x64xf32, #tpu.memory_space<vmem>>
      %dma_wait3A_3455 = tpu.memref_squeeze %dma_wait3A_3454 : memref<1x4x64xf32, #tpu.memory_space<vmem>> -> memref<4x64xf32, #tpu.memory_space<vmem>>
      %dma_wait3A_3456 = arith.constant 0 : i32
      %dma_wait3A_3457 = arith.constant 0 : i32
      %dma_wait3A_3458 = tpu.memref_slice %arg3[%add3A_11, %dma_wait3A_3456, %dma_wait3A_3457] : memref<256x4x64xf32, #tpu.memory_space<hbm>> -> memref<1x4x64xf32, #tpu.memory_space<hbm>>
      %dma_wait3A_3459 = tpu.memref_squeeze %dma_wait3A_3458 : memref<1x4x64xf32, #tpu.memory_space<hbm>> -> memref<4x64xf32, #tpu.memory_space<hbm>>
      %dma_wait3A_3460 = arith.constant 0 : i32
      %dma_wait3A_3461 = arith.constant 0 : i32
      %dma_wait3A_3462 = tpu.memref_slice %arg7[%run_scoped3A_12, %dma_wait3A_3460, %dma_wait3A_3461] : memref<8x4x64xf32, #tpu.memory_space<vmem>> -> memref<1x4x64xf32, #tpu.memory_space<vmem>>
      %dma_wait3A_3463 = tpu.memref_squeeze %dma_wait3A_3462 : memref<1x4x64xf32, #tpu.memory_space<vmem>> -> memref<4x64xf32, #tpu.memory_space<vmem>>
      %dma_wait3A_3464 = arith.constant 0 : i32
      %dma_wait3A_3465 = arith.constant 0 : i32
      %dma_wait3A_3466 = tpu.memref_slice %arg3[%add3A_11, %dma_wait3A_3464, %dma_wait3A_3465] : memref<256x4x64xf32, #tpu.memory_space<hbm>> -> memref<1x4x64xf32, #tpu.memory_space<hbm>>
      %dma_wait3A_3467 = tpu.memref_squeeze %dma_wait3A_3466 : memref<1x4x64xf32, #tpu.memory_space<hbm>> -> memref<4x64xf32, #tpu.memory_space<hbm>>
      tpu.wait_dma2 semaphore(%run_scoped3A_3437 : memref<!tpu.dma_semaphore, #tpu.memory_space<semaphore_mem>>) src(%dma_wait3A_3467 : memref<4x64xf32, #tpu.memory_space<hbm>>) dst(%dma_wait3A_3463 : memref<4x64xf32, #tpu.memory_space<vmem>>)
      tpu.yield
    }) : () -> ()
    %mul3A_13 = arith.constant 8 : i32
    %mul3A_14 = arith.muli %add3A, %mul3A_13 : i32
    %add3A_15 = arith.constant 2 : i32
    %add3A_16 = arith.addi %mul3A_14, %add3A_15 : i32
    %run_scoped3A_17 = arith.constant 2 : i32
    "tpu.region"() ({
      %run_scoped3A_3437 = tpu.sem_alloc : memref<!tpu.dma_semaphore, #tpu.memory_space<semaphore_mem>>
      %dma_start3A = arith.constant 0 : i32
      %dma_start3A_3438 = arith.constant 0 : i32
      %dma_start3A_3439 = tpu.memref_slice %arg7[%run_scoped3A_17, %dma_start3A, %dma_start3A_3438] : memref<8x4x64xf32, #tpu.memory_space<vmem>> -> memref<1x4x64xf32, #tpu.memory_space<vmem>>
      %dma_start3A_3440 = tpu.memref_squeeze %dma_start3A_3439 : memref<1x4x64xf32, #tpu.memory_space<vmem>> -> memref<4x64xf32, #tpu.memory_space<vmem>>
      %dma_start3A_3441 = arith.constant 0 : i32
      %dma_start3A_3442 = arith.constant 0 : i32
      %dma_start3A_3443 = tpu.memref_slice %arg3[%add3A_16, %dma_start3A_3441, %dma_start3A_3442] : memref<256x4x64xf32, #tpu.memory_space<hbm>> -> memref<1x4x64xf32, #tpu.memory_space<hbm>>
      %dma_start3A_3444 = tpu.memref_squeeze %dma_start3A_3443 : memref<1x4x64xf32, #tpu.memory_space<hbm>> -> memref<4x64xf32, #tpu.memory_space<hbm>>
      %dma_start3A_3445 = arith.constant 0 : i32
      %dma_start3A_3446 = arith.constant 0 : i32
      %dma_start3A_3447 = tpu.memref_slice %arg7[%run_scoped3A_17, %dma_start3A_3445, %dma_start3A_3446] : memref<8x4x64xf32, #tpu.memory_space<vmem>> -> memref<1x4x64xf32, #tpu.memory_space<vmem>>
      %dma_start3A_3448 = tpu.memref_squeeze %dma_start3A_3447 : memref<1x4x64xf32, #tpu.memory_space<vmem>> -> memref<4x64xf32, #tpu.memory_space<vmem>>
      %dma_start3A_3449 = arith.constant 0 : i32
      %dma_start3A_3450 = arith.constant 0 : i32
      %dma_start3A_3451 = tpu.memref_slice %arg3[%add3A_16, %dma_start3A_3449, %dma_start3A_3450] : memref<256x4x64xf32, #tpu.memory_space<hbm>> -> memref<1x4x64xf32, #tpu.memory_space<hbm>>
      %dma_start3A_3452 = tpu.memref_squeeze %dma_start3A_3451 : memref<1x4x64xf32, #tpu.memory_space<hbm>> -> memref<4x64xf32, #tpu.memory_space<hbm>>
      tpu.enqueue_dma source(%dma_start3A_3452 : memref<4x64xf32, #tpu.memory_space<hbm>>) target(%dma_start3A_3448 : memref<4x64xf32, #tpu.memory_space<vmem>>) target_semaphore(%run_scoped3A_3437 : memref<!tpu.dma_semaphore, #tpu.memory_space<semaphore_mem>>)
      %dma_wait3A = arith.constant 0 : i32
      %dma_wait3A_3453 = arith.constant 0 : i32
      %dma_wait3A_3454 = tpu.memref_slice %arg7[%run_scoped3A_17, %dma_wait3A, %dma_wait3A_3453] : memref<8x4x64xf32, #tpu.memory_space<vmem>> -> memref<1x4x64xf32, #tpu.memory_space<vmem>>
      %dma_wait3A_3455 = tpu.memref_squeeze %dma_wait3A_3454 : memref<1x4x64xf32, #tpu.memory_space<vmem>> -> memref<4x64xf32, #tpu.memory_space<vmem>>
      %dma_wait3A_3456 = arith.constant 0 : i32
      %dma_wait3A_3457 = arith.constant 0 : i32
      %dma_wait3A_3458 = tpu.memref_slice %arg3[%add3A_16, %dma_wait3A_3456, %dma_wait3A_3457] : memref<256x4x64xf32, #tpu.memory_space<hbm>> -> memref<1x4x64xf32, #tpu.memory_space<hbm>>
      %dma_wait3A_3459 = tpu.memref_squeeze %dma_wait3A_3458 : memref<1x4x64xf32, #tpu.memory_space<hbm>> -> memref<4x64xf32, #tpu.memory_space<hbm>>
      %dma_wait3A_3460 = arith.constant 0 : i32
      %dma_wait3A_3461 = arith.constant 0 : i32
      %dma_wait3A_3462 = tpu.memref_slice %arg7[%run_scoped3A_17, %dma_wait3A_3460, %dma_wait3A_3461] : memref<8x4x64xf32, #tpu.memory_space<vmem>> -> memref<1x4x64xf32, #tpu.memory_space<vmem>>
      %dma_wait3A_3463 = tpu.memref_squeeze %dma_wait3A_3462 : memref<1x4x64xf32, #tpu.memory_space<vmem>> -> memref<4x64xf32, #tpu.memory_space<vmem>>
      %dma_wait3A_3464 = arith.constant 0 : i32
      %dma_wait3A_3465 = arith.constant 0 : i32
      %dma_wait3A_3466 = tpu.memref_slice %arg3[%add3A_16, %dma_wait3A_3464, %dma_wait3A_3465] : memref<256x4x64xf32, #tpu.memory_space<hbm>> -> memref<1x4x64xf32, #tpu.memory_space<hbm>>
      %dma_wait3A_3467 = tpu.memref_squeeze %dma_wait3A_3466 : memref<1x4x64xf32, #tpu.memory_space<hbm>> -> memref<4x64xf32, #tpu.memory_space<hbm>>
      tpu.wait_dma2 semaphore(%run_scoped3A_3437 : memref<!tpu.dma_semaphore, #tpu.memory_space<semaphore_mem>>) src(%dma_wait3A_3467 : memref<4x64xf32, #tpu.memory_space<hbm>>) dst(%dma_wait3A_3463 : memref<4x64xf32, #tpu.memory_space<vmem>>)
      tpu.yield
    }) : () -> ()
    %mul3A_18 = arith.constant 8 : i32
    %mul3A_19 = arith.muli %add3A, %mul3A_18 : i32
    %add3A_20 = arith.constant 3 : i32
    %add3A_21 = arith.addi %mul3A_19, %add3A_20 : i32
    %run_scoped3A_22 = arith.constant 3 : i32
    "tpu.region"() ({
      %run_scoped3A_3437 = tpu.sem_alloc : memref<!tpu.dma_semaphore, #tpu.memory_space<semaphore_mem>>
      %dma_start3A = arith.constant 0 : i32
      %dma_start3A_3438 = arith.constant 0 : i32
      %dma_start3A_3439 = tpu.memref_slice %arg7[%run_scoped3A_22, %dma_start3A, %dma_start3A_3438] : memref<8x4x64xf32, #tpu.memory_space<vmem>> -> memref<1x4x64xf32, #tpu.memory_space<vmem>>
      %dma_start3A_3440 = tpu.memref_squeeze %dma_start3A_3439 : memref<1x4x64xf32, #tpu.memory_space<vmem>> -> memref<4x64xf32, #tpu.memory_space<vmem>>
      %dma_start3A_3441 = arith.constant 0 : i32
      %dma_start3A_3442 = arith.constant 0 : i32
      %dma_start3A_3443 = tpu.memref_slice %arg3[%add3A_21, %dma_start3A_3441, %dma_start3A_3442] : memref<256x4x64xf32, #tpu.memory_space<hbm>> -> memref<1x4x64xf32, #tpu.memory_space<hbm>>
      %dma_start3A_3444 = tpu.memref_squeeze %dma_start3A_3443 : memref<1x4x64xf32, #tpu.memory_space<hbm>> -> memref<4x64xf32, #tpu.memory_space<hbm>>
      %dma_start3A_3445 = arith.constant 0 : i32
      %dma_start3A_3446 = arith.constant 0 : i32
      %dma_start3A_3447 = tpu.memref_slice %arg7[%run_scoped3A_22, %dma_start3A_3445, %dma_start3A_3446] : memref<8x4x64xf32, #tpu.memory_space<vmem>> -> memref<1x4x64xf32, #tpu.memory_space<vmem>>
      %dma_start3A_3448 = tpu.memref_squeeze %dma_start3A_3447 : memref<1x4x64xf32, #tpu.memory_space<vmem>> -> memref<4x64xf32, #tpu.memory_space<vmem>>
      %dma_start3A_3449 = arith.constant 0 : i32
      %dma_start3A_3450 = arith.constant 0 : i32
      %dma_start3A_3451 = tpu.memref_slice %arg3[%add3A_21, %dma_start3A_3449, %dma_start3A_3450] : memref<256x4x64xf32, #tpu.memory_space<hbm>> -> memref<1x4x64xf32, #tpu.memory_space<hbm>>
      %dma_start3A_3452 = tpu.memref_squeeze %dma_start3A_3451 : memref<1x4x64xf32, #tpu.memory_space<hbm>> -> memref<4x64xf32, #tpu.memory_space<hbm>>
      tpu.enqueue_dma source(%dma_start3A_3452 : memref<4x64xf32, #tpu.memory_space<hbm>>) target(%dma_start3A_3448 : memref<4x64xf32, #tpu.memory_space<vmem>>) target_semaphore(%run_scoped3A_3437 : memref<!tpu.dma_semaphore, #tpu.memory_space<semaphore_mem>>)
      %dma_wait3A = arith.constant 0 : i32
      %dma_wait3A_3453 = arith.constant 0 : i32
      %dma_wait3A_3454 = tpu.memref_slice %arg7[%run_scoped3A_22, %dma_wait3A, %dma_wait3A_3453] : memref<8x4x64xf32, #tpu.memory_space<vmem>> -> memref<1x4x64xf32, #tpu.memory_space<vmem>>
      %dma_wait3A_3455 = tpu.memref_squeeze %dma_wait3A_3454 : memref<1x4x64xf32, #tpu.memory_space<vmem>> -> memref<4x64xf32, #tpu.memory_space<vmem>>
      %dma_wait3A_3456 = arith.constant 0 : i32
      %dma_wait3A_3457 = arith.constant 0 : i32
      %dma_wait3A_3458 = tpu.memref_slice %arg3[%add3A_21, %dma_wait3A_3456, %dma_wait3A_3457] : memref<256x4x64xf32, #tpu.memory_space<hbm>> -> memref<1x4x64xf32, #tpu.memory_space<hbm>>
      %dma_wait3A_3459 = tpu.memref_squeeze %dma_wait3A_3458 : memref<1x4x64xf32, #tpu.memory_space<hbm>> -> memref<4x64xf32, #tpu.memory_space<hbm>>
      %dma_wait3A_3460 = arith.constant 0 : i32
      %dma_wait3A_3461 = arith.constant 0 : i32
      %dma_wait3A_3462 = tpu.memref_slice %arg7[%run_scoped3A_22, %dma_wait3A_3460, %dma_wait3A_3461] : memref<8x4x64xf32, #tpu.memory_space<vmem>> -> memref<1x4x64xf32, #tpu.memory_space<vmem>>
      %dma_wait3A_3463 = tpu.memref_squeeze %dma_wait3A_3462 : memref<1x4x64xf32, #tpu.memory_space<vmem>> -> memref<4x64xf32, #tpu.memory_space<vmem>>
      %dma_wait3A_3464 = arith.constant 0 : i32
      %dma_wait3A_3465 = arith.constant 0 : i32
      %dma_wait3A_3466 = tpu.memref_slice %arg3[%add3A_21, %dma_wait3A_3464, %dma_wait3A_3465] : memref<256x4x64xf32, #tpu.memory_space<hbm>> -> memref<1x4x64xf32, #tpu.memory_space<hbm>>
      %dma_wait3A_3467 = tpu.memref_squeeze %dma_wait3A_3466 : memref<1x4x64xf32, #tpu.memory_space<hbm>> -> memref<4x64xf32, #tpu.memory_space<hbm>>
      tpu.wait_dma2 semaphore(%run_scoped3A_3437 : memref<!tpu.dma_semaphore, #tpu.memory_space<semaphore_mem>>) src(%dma_wait3A_3467 : memref<4x64xf32, #tpu.memory_space<hbm>>) dst(%dma_wait3A_3463 : memref<4x64xf32, #tpu.memory_space<vmem>>)
      tpu.yield
    }) : () -> ()
    %mul3A_23 = arith.constant 8 : i32
    %mul3A_24 = arith.muli %add3A, %mul3A_23 : i32
    %add3A_25 = arith.constant 4 : i32
    %add3A_26 = arith.addi %mul3A_24, %add3A_25 : i32
    %run_scoped3A_27 = arith.constant 4 : i32
    "tpu.region"() ({
      %run_scoped3A_3437 = tpu.sem_alloc : memref<!tpu.dma_semaphore, #tpu.memory_space<semaphore_mem>>
      %dma_start3A = arith.constant 0 : i32
      %dma_start3A_3438 = arith.constant 0 : i32
      %dma_start3A_3439 = tpu.memref_slice %arg7[%run_scoped3A_27, %dma_start3A, %dma_start3A_3438] : memref<8x4x64xf32, #tpu.memory_space<vmem>> -> memref<1x4x64xf32, #tpu.memory_space<vmem>>
      %dma_start3A_3440 = tpu.memref_squeeze %dma_start3A_3439 : memref<1x4x64xf32, #tpu.memory_space<vmem>> -> memref<4x64xf32, #tpu.memory_space<vmem>>
      %dma_start3A_3441 = arith.constant 0 : i32
      %dma_start3A_3442 = arith.constant 0 : i32
      %dma_start3A_3443 = tpu.memref_slice %arg3[%add3A_26, %dma_start3A_3441, %dma_start3A_3442] : memref<256x4x64xf32, #tpu.memory_space<hbm>> -> memref<1x4x64xf32, #tpu.memory_space<hbm>>
      %dma_start3A_3444 = tpu.memref_squeeze %dma_start3A_3443 : memref<1x4x64xf32, #tpu.memory_space<hbm>> -> memref<4x64xf32, #tpu.memory_space<hbm>>
      %dma_start3A_3445 = arith.constant 0 : i32
      %dma_start3A_3446 = arith.constant 0 : i32
      %dma_start3A_3447 = tpu.memref_slice %arg7[%run_scoped3A_27, %dma_start3A_3445, %dma_start3A_3446] : memref<8x4x64xf32, #tpu.memory_space<vmem>> -> memref<1x4x64xf32, #tpu.memory_space<vmem>>
      %dma_start3A_3448 = tpu.memref_squeeze %dma_start3A_3447 : memref<1x4x64xf32, #tpu.memory_space<vmem>> -> memref<4x64xf32, #tpu.memory_space<vmem>>
      %dma_start3A_3449 = arith.constant 0 : i32
      %dma_start3A_3450 = arith.constant 0 : i32
      %dma_start3A_3451 = tpu.memref_slice %arg3[%add3A_26, %dma_start3A_3449, %dma_start3A_3450] : memref<256x4x64xf32, #tpu.memory_space<hbm>> -> memref<1x4x64xf32, #tpu.memory_space<hbm>>
      %dma_start3A_3452 = tpu.memref_squeeze %dma_start3A_3451 : memref<1x4x64xf32, #tpu.memory_space<hbm>> -> memref<4x64xf32, #tpu.memory_space<hbm>>
      tpu.enqueue_dma source(%dma_start3A_3452 : memref<4x64xf32, #tpu.memory_space<hbm>>) target(%dma_start3A_3448 : memref<4x64xf32, #tpu.memory_space<vmem>>) target_semaphore(%run_scoped3A_3437 : memref<!tpu.dma_semaphore, #tpu.memory_space<semaphore_mem>>)
      %dma_wait3A = arith.constant 0 : i32
      %dma_wait3A_3453 = arith.constant 0 : i32
      %dma_wait3A_3454 = tpu.memref_slice %arg7[%run_scoped3A_27, %dma_wait3A, %dma_wait3A_3453] : memref<8x4x64xf32, #tpu.memory_space<vmem>> -> memref<1x4x64xf32, #tpu.memory_space<vmem>>
      %dma_wait3A_3455 = tpu.memref_squeeze %dma_wait3A_3454 : memref<1x4x64xf32, #tpu.memory_space<vmem>> -> memref<4x64xf32, #tpu.memory_space<vmem>>
      %dma_wait3A_3456 = arith.constant 0 : i32
      %dma_wait3A_3457 = arith.constant 0 : i32
      %dma_wait3A_3458 = tpu.memref_slice %arg3[%add3A_26, %dma_wait3A_3456, %dma_wait3A_3457] : memref<256x4x64xf32, #tpu.memory_space<hbm>> -> memref<1x4x64xf32, #tpu.memory_space<hbm>>
      %dma_wait3A_3459 = tpu.memref_squeeze %dma_wait3A_3458 : memref<1x4x64xf32, #tpu.memory_space<hbm>> -> memref<4x64xf32, #tpu.memory_space<hbm>>
      %dma_wait3A_3460 = arith.constant 0 : i32
      %dma_wait3A_3461 = arith.constant 0 : i32
      %dma_wait3A_3462 = tpu.memref_slice %arg7[%run_scoped3A_27, %dma_wait3A_3460, %dma_wait3A_3461] : memref<8x4x64xf32, #tpu.memory_space<vmem>> -> memref<1x4x64xf32, #tpu.memory_space<vmem>>
      %dma_wait3A_3463 = tpu.memref_squeeze %dma_wait3A_3462 : memref<1x4x64xf32, #tpu.memory_space<vmem>> -> memref<4x64xf32, #tpu.memory_space<vmem>>
      %dma_wait3A_3464 = arith.constant 0 : i32
      %dma_wait3A_3465 = arith.constant 0 : i32
      %dma_wait3A_3466 = tpu.memref_slice %arg3[%add3A_26, %dma_wait3A_3464, %dma_wait3A_3465] : memref<256x4x64xf32, #tpu.memory_space<hbm>> -> memref<1x4x64xf32, #tpu.memory_space<hbm>>
      %dma_wait3A_3467 = tpu.memref_squeeze %dma_wait3A_3466 : memref<1x4x64xf32, #tpu.memory_space<hbm>> -> memref<4x64xf32, #tpu.memory_space<hbm>>
      tpu.wait_dma2 semaphore(%run_scoped3A_3437 : memref<!tpu.dma_semaphore, #tpu.memory_space<semaphore_mem>>) src(%dma_wait3A_3467 : memref<4x64xf32, #tpu.memory_space<hbm>>) dst(%dma_wait3A_3463 : memref<4x64xf32, #tpu.memory_space<vmem>>)
      tpu.yield
    }) : () -> ()
    %mul3A_28 = arith.constant 8 : i32
    %mul3A_29 = arith.muli %add3A, %mul3A_28 : i32
    %add3A_30 = arith.constant 5 : i32
    %add3A_31 = arith.addi %mul3A_29, %add3A_30 : i32
    %run_scoped3A_32 = arith.constant 5 : i32
    "tpu.region"() ({
      %run_scoped3A_3437 = tpu.sem_alloc : memref<!tpu.dma_semaphore, #tpu.memory_space<semaphore_mem>>
      %dma_start3A = arith.constant 0 : i32
      %dma_start3A_3438 = arith.constant 0 : i32
      %dma_start3A_3439 = tpu.memref_slice %arg7[%run_scoped3A_32, %dma_start3A, %dma_start3A_3438] : memref<8x4x64xf32, #tpu.memory_space<vmem>> -> memref<1x4x64xf32, #tpu.memory_space<vmem>>
      %dma_start3A_3440 = tpu.memref_squeeze %dma_start3A_3439 : memref<1x4x64xf32, #tpu.memory_space<vmem>> -> memref<4x64xf32, #tpu.memory_space<vmem>>
      %dma_start3A_3441 = arith.constant 0 : i32
      %dma_start3A_3442 = arith.constant 0 : i32
      %dma_start3A_3443 = tpu.memref_slice %arg3[%add3A_31, %dma_start3A_3441, %dma_start3A_3442] : memref<256x4x64xf32, #tpu.memory_space<hbm>> -> memref<1x4x64xf32, #tpu.memory_space<hbm>>
      %dma_start3A_3444 = tpu.memref_squeeze %dma_start3A_3443 : memref<1x4x64xf32, #tpu.memory_space<hbm>> -> memref<4x64xf32, #tpu.memory_space<hbm>>
      %dma_start3A_3445 = arith.constant 0 : i32
      %dma_start3A_3446 = arith.constant 0 : i32
      %dma_start3A_3447 = tpu.memref_slice %arg7[%run_scoped3A_32, %dma_start3A_3445, %dma_start3A_3446] : memref<8x4x64xf32, #tpu.memory_space<vmem>> -> memref<1x4x64xf32, #tpu.memory_space<vmem>>
      %dma_start3A_3448 = tpu.memref_squeeze %dma_start3A_3447 : memref<1x4x64xf32, #tpu.memory_space<vmem>> -> memref<4x64xf32, #tpu.memory_space<vmem>>
      %dma_start3A_3449 = arith.constant 0 : i32
      %dma_start3A_3450 = arith.constant 0 : i32
      %dma_start3A_3451 = tpu.memref_slice %arg3[%add3A_31, %dma_start3A_3449, %dma_start3A_3450] : memref<256x4x64xf32, #tpu.memory_space<hbm>> -> memref<1x4x64xf32, #tpu.memory_space<hbm>>
      %dma_start3A_3452 = tpu.memref_squeeze %dma_start3A_3451 : memref<1x4x64xf32, #tpu.memory_space<hbm>> -> memref<4x64xf32, #tpu.memory_space<hbm>>
      tpu.enqueue_dma source(%dma_start3A_3452 : memref<4x64xf32, #tpu.memory_space<hbm>>) target(%dma_start3A_3448 : memref<4x64xf32, #tpu.memory_space<vmem>>) target_semaphore(%run_scoped3A_3437 : memref<!tpu.dma_semaphore, #tpu.memory_space<semaphore_mem>>)
      %dma_wait3A = arith.constant 0 : i32
      %dma_wait3A_3453 = arith.constant 0 : i32
      %dma_wait3A_3454 = tpu.memref_slice %arg7[%run_scoped3A_32, %dma_wait3A, %dma_wait3A_3453] : memref<8x4x64xf32, #tpu.memory_space<vmem>> -> memref<1x4x64xf32, #tpu.memory_space<vmem>>
      %dma_wait3A_3455 = tpu.memref_squeeze %dma_wait3A_3454 : memref<1x4x64xf32, #tpu.memory_space<vmem>> -> memref<4x64xf32, #tpu.memory_space<vmem>>
      %dma_wait3A_3456 = arith.constant 0 : i32
      %dma_wait3A_3457 = arith.constant 0 : i32
      %dma_wait3A_3458 = tpu.memref_slice %arg3[%add3A_31, %dma_wait3A_3456, %dma_wait3A_3457] : memref<256x4x64xf32, #tpu.memory_space<hbm>> -> memref<1x4x64xf32, #tpu.memory_space<hbm>>
      %dma_wait3A_3459 = tpu.memref_squeeze %dma_wait3A_3458 : memref<1x4x64xf32, #tpu.memory_space<hbm>> -> memref<4x64xf32, #tpu.memory_space<hbm>>
      %dma_wait3A_3460 = arith.constant 0 : i32
      %dma_wait3A_3461 = arith.constant 0 : i32
      %dma_wait3A_3462 = tpu.memref_slice %arg7[%run_scoped3A_32, %dma_wait3A_3460, %dma_wait3A_3461] : memref<8x4x64xf32, #tpu.memory_space<vmem>> -> memref<1x4x64xf32, #tpu.memory_space<vmem>>
      %dma_wait3A_3463 = tpu.memref_squeeze %dma_wait3A_3462 : memref<1x4x64xf32, #tpu.memory_space<vmem>> -> memref<4x64xf32, #tpu.memory_space<vmem>>
      %dma_wait3A_3464 = arith.constant 0 : i32
      %dma_wait3A_3465 = arith.constant 0 : i32
      %dma_wait3A_3466 = tpu.memref_slice %arg3[%add3A_31, %dma_wait3A_3464, %dma_wait3A_3465] : memref<256x4x64xf32, #tpu.memory_space<hbm>> -> memref<1x4x64xf32, #tpu.memory_space<hbm>>
      %dma_wait3A_3467 = tpu.memref_squeeze %dma_wait3A_3466 : memref<1x4x64xf32, #tpu.memory_space<hbm>> -> memref<4x64xf32, #tpu.memory_space<hbm>>
      tpu.wait_dma2 semaphore(%run_scoped3A_3437 : memref<!tpu.dma_semaphore, #tpu.memory_space<semaphore_mem>>) src(%dma_wait3A_3467 : memref<4x64xf32, #tpu.memory_space<hbm>>) dst(%dma_wait3A_3463 : memref<4x64xf32, #tpu.memory_space<vmem>>)
      tpu.yield
    }) : () -> ()
    %mul3A_33 = arith.constant 8 : i32
    %mul3A_34 = arith.muli %add3A, %mul3A_33 : i32
    %add3A_35 = arith.constant 6 : i32
    %add3A_36 = arith.addi %mul3A_34, %add3A_35 : i32
    %run_scoped3A_37 = arith.constant 6 : i32
    "tpu.region"() ({
      %run_scoped3A_3437 = tpu.sem_alloc : memref<!tpu.dma_semaphore, #tpu.memory_space<semaphore_mem>>
      %dma_start3A = arith.constant 0 : i32
      %dma_start3A_3438 = arith.constant 0 : i32
      %dma_start3A_3439 = tpu.memref_slice %arg7[%run_scoped3A_37, %dma_start3A, %dma_start3A_3438] : memref<8x4x64xf32, #tpu.memory_space<vmem>> -> memref<1x4x64xf32, #tpu.memory_space<vmem>>
      %dma_start3A_3440 = tpu.memref_squeeze %dma_start3A_3439 : memref<1x4x64xf32, #tpu.memory_space<vmem>> -> memref<4x64xf32, #tpu.memory_space<vmem>>
      %dma_start3A_3441 = arith.constant 0 : i32
      %dma_start3A_3442 = arith.constant 0 : i32
      %dma_start3A_3443 = tpu.memref_slice %arg3[%add3A_36, %dma_start3A_3441, %dma_start3A_3442] : memref<256x4x64xf32, #tpu.memory_space<hbm>> -> memref<1x4x64xf32, #tpu.memory_space<hbm>>
      %dma_start3A_3444 = tpu.memref_squeeze %dma_start3A_3443 : memref<1x4x64xf32, #tpu.memory_space<hbm>> -> memref<4x64xf32, #tpu.memory_space<hbm>>
      %dma_start3A_3445 = arith.constant 0 : i32
      %dma_start3A_3446 = arith.constant 0 : i32
      %dma_start3A_3447 = tpu.memref_slice %arg7[%run_scoped3A_37, %dma_start3A_3445, %dma_start3A_3446] : memref<8x4x64xf32, #tpu.memory_space<vmem>> -> memref<1x4x64xf32, #tpu.memory_space<vmem>>
      %dma_start3A_3448 = tpu.memref_squeeze %dma_start3A_3447 : memref<1x4x64xf32, #tpu.memory_space<vmem>> -> memref<4x64xf32, #tpu.memory_space<vmem>>
      %dma_start3A_3449 = arith.constant 0 : i32
      %dma_start3A_3450 = arith.constant 0 : i32
      %dma_start3A_3451 = tpu.memref_slice %arg3[%add3A_36, %dma_start3A_3449, %dma_start3A_3450] : memref<256x4x64xf32, #tpu.memory_space<hbm>> -> memref<1x4x64xf32, #tpu.memory_space<hbm>>
      %dma_start3A_3452 = tpu.memref_squeeze %dma_start3A_3451 : memref<1x4x64xf32, #tpu.memory_space<hbm>> -> memref<4x64xf32, #tpu.memory_space<hbm>>
      tpu.enqueue_dma source(%dma_start3A_3452 : memref<4x64xf32, #tpu.memory_space<hbm>>) target(%dma_start3A_3448 : memref<4x64xf32, #tpu.memory_space<vmem>>) target_semaphore(%run_scoped3A_3437 : memref<!tpu.dma_semaphore, #tpu.memory_space<semaphore_mem>>)
      %dma_wait3A = arith.constant 0 : i32
      %dma_wait3A_3453 = arith.constant 0 : i32
      %dma_wait3A_3454 = tpu.memref_slice %arg7[%run_scoped3A_37, %dma_wait3A, %dma_wait3A_3453] : memref<8x4x64xf32, #tpu.memory_space<vmem>> -> memref<1x4x64xf32, #tpu.memory_space<vmem>>
      %dma_wait3A_3455 = tpu.memref_squeeze %dma_wait3A_3454 : memref<1x4x64xf32, #tpu.memory_space<vmem>> -> memref<4x64xf32, #tpu.memory_space<vmem>>
      %dma_wait3A_3456 = arith.constant 0 : i32
      %dma_wait3A_3457 = arith.constant 0 : i32
      %dma_wait3A_3458 = tpu.memref_slice %arg3[%add3A_36, %dma_wait3A_3456, %dma_wait3A_3457] : memref<256x4x64xf32, #tpu.memory_space<hbm>> -> memref<1x4x64xf32, #tpu.memory_space<hbm>>
      %dma_wait3A_3459 = tpu.memref_squeeze %dma_wait3A_3458 : memref<1x4x64xf32, #tpu.memory_space<hbm>> -> memref<4x64xf32, #tpu.memory_space<hbm>>
      %dma_wait3A_3460 = arith.constant 0 : i32
      %dma_wait3A_3461 = arith.constant 0 : i32
      %dma_wait3A_3462 = tpu.memref_slice %arg7[%run_scoped3A_37, %dma_wait3A_3460, %dma_wait3A_3461] : memref<8x4x64xf32, #tpu.memory_space<vmem>> -> memref<1x4x64xf32, #tpu.memory_space<vmem>>
      %dma_wait3A_3463 = tpu.memref_squeeze %dma_wait3A_3462 : memref<1x4x64xf32, #tpu.memory_space<vmem>> -> memref<4x64xf32, #tpu.memory_space<vmem>>
      %dma_wait3A_3464 = arith.constant 0 : i32
      %dma_wait3A_3465 = arith.constant 0 : i32
      %dma_wait3A_3466 = tpu.memref_slice %arg3[%add3A_36, %dma_wait3A_3464, %dma_wait3A_3465] : memref<256x4x64xf32, #tpu.memory_space<hbm>> -> memref<1x4x64xf32, #tpu.memory_space<hbm>>
      %dma_wait3A_3467 = tpu.memref_squeeze %dma_wait3A_3466 : memref<1x4x64xf32, #tpu.memory_space<hbm>> -> memref<4x64xf32, #tpu.memory_space<hbm>>
      tpu.wait_dma2 semaphore(%run_scoped3A_3437 : memref<!tpu.dma_semaphore, #tpu.memory_space<semaphore_mem>>) src(%dma_wait3A_3467 : memref<4x64xf32, #tpu.memory_space<hbm>>) dst(%dma_wait3A_3463 : memref<4x64xf32, #tpu.memory_space<vmem>>)
      tpu.yield
    }) : () -> ()
    %mul3A_38 = arith.constant 8 : i32
    %mul3A_39 = arith.muli %add3A, %mul3A_38 : i32
    %add3A_40 = arith.constant 7 : i32
    %add3A_41 = arith.addi %mul3A_39, %add3A_40 : i32
    %run_scoped3A_42 = arith.constant 7 : i32
    "tpu.region"() ({
      %run_scoped3A_3437 = tpu.sem_alloc : memref<!tpu.dma_semaphore, #tpu.memory_space<semaphore_mem>>
      %dma_start3A = arith.constant 0 : i32
      %dma_start3A_3438 = arith.constant 0 : i32
      %dma_start3A_3439 = tpu.memref_slice %arg7[%run_scoped3A_42, %dma_start3A, %dma_start3A_3438] : memref<8x4x64xf32, #tpu.memory_space<vmem>> -> memref<1x4x64xf32, #tpu.memory_space<vmem>>
      %dma_start3A_3440 = tpu.memref_squeeze %dma_start3A_3439 : memref<1x4x64xf32, #tpu.memory_space<vmem>> -> memref<4x64xf32, #tpu.memory_space<vmem>>
      %dma_start3A_3441 = arith.constant 0 : i32
      %dma_start3A_3442 = arith.constant 0 : i32
      %dma_start3A_3443 = tpu.memref_slice %arg3[%add3A_41, %dma_start3A_3441, %dma_start3A_3442] : memref<256x4x64xf32, #tpu.memory_space<hbm>> -> memref<1x4x64xf32, #tpu.memory_space<hbm>>
      %dma_start3A_3444 = tpu.memref_squeeze %dma_start3A_3443 : memref<1x4x64xf32, #tpu.memory_space<hbm>> -> memref<4x64xf32, #tpu.memory_space<hbm>>
      %dma_start3A_3445 = arith.constant 0 : i32
      %dma_start3A_3446 = arith.constant 0 : i32
      %dma_start3A_3447 = tpu.memref_slice %arg7[%run_scoped3A_42, %dma_start3A_3445, %dma_start3A_3446] : memref<8x4x64xf32, #tpu.memory_space<vmem>> -> memref<1x4x64xf32, #tpu.memory_space<vmem>>
      %dma_start3A_3448 = tpu.memref_squeeze %dma_start3A_3447 : memref<1x4x64xf32, #tpu.memory_space<vmem>> -> memref<4x64xf32, #tpu.memory_space<vmem>>
      %dma_start3A_3449 = arith.constant 0 : i32
      %dma_start3A_3450 = arith.constant 0 : i32
      %dma_start3A_3451 = tpu.memref_slice %arg3[%add3A_41, %dma_start3A_3449, %dma_start3A_3450] : memref<256x4x64xf32, #tpu.memory_space<hbm>> -> memref<1x4x64xf32, #tpu.memory_space<hbm>>
      %dma_start3A_3452 = tpu.memref_squeeze %dma_start3A_3451 : memref<1x4x64xf32, #tpu.memory_space<hbm>> -> memref<4x64xf32, #tpu.memory_space<hbm>>
      tpu.enqueue_dma source(%dma_start3A_3452 : memref<4x64xf32, #tpu.memory_space<hbm>>) target(%dma_start3A_3448 : memref<4x64xf32, #tpu.memory_space<vmem>>) target_semaphore(%run_scoped3A_3437 : memref<!tpu.dma_semaphore, #tpu.memory_space<semaphore_mem>>)
      %dma_wait3A = arith.constant 0 : i32
      %dma_wait3A_3453 = arith.constant 0 : i32
      %dma_wait3A_3454 = tpu.memref_slice %arg7[%run_scoped3A_42, %dma_wait3A, %dma_wait3A_3453] : memref<8x4x64xf32, #tpu.memory_space<vmem>> -> memref<1x4x64xf32, #tpu.memory_space<vmem>>
      %dma_wait3A_3455 = tpu.memref_squeeze %dma_wait3A_3454 : memref<1x4x64xf32, #tpu.memory_space<vmem>> -> memref<4x64xf32, #tpu.memory_space<vmem>>
      %dma_wait3A_3456 = arith.constant 0 : i32
      %dma_wait3A_3457 = arith.constant 0 : i32
      %dma_wait3A_3458 = tpu.memref_slice %arg3[%add3A_41, %dma_wait3A_3456, %dma_wait3A_3457] : memref<256x4x64xf32, #tpu.memory_space<hbm>> -> memref<1x4x64xf32, #tpu.memory_space<hbm>>
      %dma_wait3A_3459 = tpu.memref_squeeze %dma_wait3A_3458 : memref<1x4x64xf32, #tpu.memory_space<hbm>> -> memref<4x64xf32, #tpu.memory_space<hbm>>
      %dma_wait3A_3460 = arith.constant 0 : i32
      %dma_wait3A_3461 = arith.constant 0 : i32
      %dma_wait3A_3462 = tpu.memref_slice %arg7[%run_scoped3A_42, %dma_wait3A_3460, %dma_wait3A_3461] : memref<8x4x64xf32, #tpu.memory_space<vmem>> -> memref<1x4x64xf32, #tpu.memory_space<vmem>>
      %dma_wait3A_3463 = tpu.memref_squeeze %dma_wait3A_3462 : memref<1x4x64xf32, #tpu.memory_space<vmem>> -> memref<4x64xf32, #tpu.memory_space<vmem>>
      %dma_wait3A_3464 = arith.constant 0 : i32
      %dma_wait3A_3465 = arith.constant 0 : i32
      %dma_wait3A_3466 = tpu.memref_slice %arg3[%add3A_41, %dma_wait3A_3464, %dma_wait3A_3465] : memref<256x4x64xf32, #tpu.memory_space<hbm>> -> memref<1x4x64xf32, #tpu.memory_space<hbm>>
      %dma_wait3A_3467 = tpu.memref_squeeze %dma_wait3A_3466 : memref<1x4x64xf32, #tpu.memory_space<hbm>> -> memref<4x64xf32, #tpu.memory_space<hbm>>
      tpu.wait_dma2 semaphore(%run_scoped3A_3437 : memref<!tpu.dma_semaphore, #tpu.memory_space<semaphore_mem>>) src(%dma_wait3A_3467 : memref<4x64xf32, #tpu.memory_space<hbm>>) dst(%dma_wait3A_3463 : memref<4x64xf32, #tpu.memory_space<vmem>>)
      tpu.yield
    }) : () -> ()
    %broadcast_in_dim3A = arith.constant 0.000000e+00 : f32
    %broadcast_in_dim3A_43 = vector.broadcast %broadcast_in_dim3A : f32 to vector<16xf32>
    %get3A = arith.constant 0 : i32
    %get3A_44 = arith.constant 0 : i32
    %get3A_45 = arith.index_cast %get3A : i32 to index
    %get3A_46 = arith.index_cast %get3A_44 : i32 to index
    %get3A_47 = arith.constant 0 : index
    %get3A_48 = tpu.vector_load %arg7[%get3A_45, %get3A_46, %get3A_47] {strides = array<i32>} : memref<8x4x64xf32, #tpu.memory_space<vmem>>, vector<16xf32>,
    %get3A_49 = arith.constant 0 : i32
    %get3A_50 = arith.constant 1 : i32
    %get3A_51 = arith.index_cast %get3A_49 : i32 to index
    %get3A_52 = arith.index_cast %get3A_50 : i32 to index
    %get3A_53 = arith.constant 0 : index
    %get3A_54 = tpu.vector_load %arg7[%get3A_51, %get3A_52, %get3A_53] {strides = array<i32>} : memref<8x4x64xf32, #tpu.memory_space<vmem>>, vector<16xf32>,
    %get3A_55 = arith.constant 0 : i32
    %get3A_56 = arith.constant 2 : i32
    %get3A_57 = arith.index_cast %get3A_55 : i32 to index
    %get3A_58 = arith.index_cast %get3A_56 : i32 to index
    %get3A_59 = arith.constant 0 : index
    %get3A_60 = tpu.vector_load %arg7[%get3A_57, %get3A_58, %get3A_59] {strides = array<i32>} : memref<8x4x64xf32, #tpu.memory_space<vmem>>, vector<16xf32>,
    %get3A_61 = arith.constant 0 : i32
    %get3A_62 = arith.constant 3 : i32
    %get3A_63 = arith.index_cast %get3A_61 : i32 to index
    %get3A_64 = arith.index_cast %get3A_62 : i32 to index
    %get3A_65 = arith.constant 0 : index
    %get3A_66 = tpu.vector_load %arg7[%get3A_63, %get3A_64, %get3A_65] {strides = array<i32>} : memref<8x4x64xf32, #tpu.memory_space<vmem>>, vector<16xf32>,
    %bitcast3A = vector.bitcast %get3A_54 : vector<16xf32> to vector<16xi32>
    %shift_right_logical3A = arith.constant 23 : i32
    %shift_right_logical3A_67 = vector.broadcast %shift_right_logical3A : i32 to vector<16xi32>
    %shift_right_logical3A_68 = arith.shrui %bitcast3A, %shift_right_logical3A_67 : vector<16xi32>
    %sub3A = arith.constant 127 : i32
    %sub3A_69 = vector.broadcast %sub3A : i32 to vector<16xi32>
    %sub3A_70 = arith.subi %shift_right_logical3A_68, %sub3A_69 : vector<16xi32>
    %and3A = arith.constant 8388607 : i32
    %and3A_71 = vector.broadcast %and3A : i32 to vector<16xi32>
    %and3A_72 = arith.andi %bitcast3A, %and3A_71 : vector<16xi32>
    %or3A = arith.constant 1065353216 : i32
    %or3A_73 = vector.broadcast %or3A : i32 to vector<16xi32>
    %or3A_74 = arith.ori %and3A_72, %or3A_73 : vector<16xi32>
    %bitcast3A_75 = vector.bitcast %or3A_74 : vector<16xi32> to vector<16xf32>
    %broadcast_in_dim3A_76 = arith.constant -0.02482583 : f32
    %broadcast_in_dim3A_77 = vector.broadcast %broadcast_in_dim3A_76 : f32 to vector<16xf32>
    %mul3A_78 = arith.mulf %broadcast_in_dim3A_77, %bitcast3A_75 : vector<16xf32>
    %add3A_79 = arith.constant 0.266860753 : f32
    %add3A_80 = vector.broadcast %add3A_79 : f32 to vector<16xf32>
    %add3A_81 = arith.addf %mul3A_78, %add3A_80 : vector<16xf32>
    %mul3A_82 = arith.mulf %add3A_81, %bitcast3A_75 : vector<16xf32>
    %add3A_83 = arith.constant -1.23427022 : f32
    %add3A_84 = vector.broadcast %add3A_83 : f32 to vector<16xf32>
    %add3A_85 = arith.addf %mul3A_82, %add3A_84 : vector<16xf32>
    %mul3A_86 = arith.mulf %add3A_85, %bitcast3A_75 : vector<16xf32>
    %add3A_87 = arith.constant 3.21884608 : f32
    %add3A_88 = vector.broadcast %add3A_87 : f32 to vector<16xf32>
    %add3A_89 = arith.addf %mul3A_86, %add3A_88 : vector<16xf32>
    %mul3A_90 = arith.mulf %add3A_89, %bitcast3A_75 : vector<16xf32>
    %add3A_91 = arith.constant -5.26412487 : f32
    %add3A_92 = vector.broadcast %add3A_91 : f32 to vector<16xf32>
    %add3A_93 = arith.addf %mul3A_90, %add3A_92 : vector<16xf32>
    %mul3A_94 = arith.mulf %add3A_93, %bitcast3A_75 : vector<16xf32>
    %add3A_95 = arith.constant 6.06583834 : f32
    %add3A_96 = vector.broadcast %add3A_95 : f32 to vector<16xf32>
    %add3A_97 = arith.addf %mul3A_94, %add3A_96 : vector<16xf32>
    %mul3A_98 = arith.mulf %add3A_97, %bitcast3A_75 : vector<16xf32>
    %add3A_99 = arith.constant -3.02831936 : f32
    %add3A_100 = vector.broadcast %add3A_99 : f32 to vector<16xf32>
    %add3A_101 = arith.addf %mul3A_98, %add3A_100 : vector<16xf32>
    %convert_element_type3A = arith.sitofp %sub3A_70 : vector<16xi32> to vector<16xf32>
    %add3A_102 = arith.addf %convert_element_type3A, %add3A_101 : vector<16xf32>
    %mul3A_103 = arith.constant 0.693147182 : f32
    %mul3A_104 = vector.broadcast %mul3A_103 : f32 to vector<16xf32>
    %mul3A_105 = arith.mulf %add3A_102, %mul3A_104 : vector<16xf32>
    %add3A_106 = arith.addf %get3A_48, %mul3A_105 : vector<16xf32>
    %sub3A_107 = arith.subf %get3A_66, %add3A_106 : vector<16xf32>
    %exp3A = math.exp %sub3A_107 : vector<16xf32>
    %max3A = arith.constant 9.99999993E-9 : f32
    %max3A_108 = vector.broadcast %max3A : f32 to vector<16xf32>
    %max3A_109 = arith.maximumf %exp3A, %max3A_108 : vector<16xf32>
    %min3A = arith.constant 1.000000e+00 : f32
    %min3A_110 = vector.broadcast %min3A : f32 to vector<16xf32>
    %min3A_111 = arith.minimumf %max3A_109, %min3A_110 : vector<16xf32>
    %get3A_112 = arith.constant 0 : index
    %get3A_113 = tpu.vector_load %arg6[%get3A_112] {strides = array<i32>} : memref<512xi32, #tpu.memory_space<vmem>>, vector<16xi32>,
    %gather3A = tpu.vector_load_idx %arg8[%get3A_113] : memref<1024xf32, #tpu.memory_space<vmem>>[vector<16xi32>], vector<16xf32>,
    %mul3A_114 = arith.constant 1.638400e+04 : f32
    %mul3A_115 = vector.broadcast %mul3A_114 : f32 to vector<16xf32>
    %mul3A_116 = arith.mulf %min3A_111, %mul3A_115 : vector<16xf32>
    %ge3A = arith.cmpf oge, %mul3A_116, %gather3A : vector<16xf32>
    %jit3A = arith.constant 1.000000e+00 : f32
    %jit3A_117 = arith.constant 0.000000e+00 : f32
    %broadcast_in_dim3A_118 = vector.broadcast %jit3A : f32 to vector<16xf32>
    %broadcast_in_dim3A_119 = vector.broadcast %jit3A_117 : f32 to vector<16xf32>
    %select_n3A = arith.select %ge3A, %broadcast_in_dim3A_118, %broadcast_in_dim3A_119 : vector<16xi1>, vector<16xf32>
    %mul3A_120 = arith.constant 1.000000e+03 : f32
    %mul3A_121 = vector.broadcast %mul3A_120 : f32 to vector<16xf32>
    %mul3A_122 = arith.mulf %mul3A_121, %add3A_106 : vector<16xf32>
    %sub3A_123 = arith.subf %mul3A_122, %get3A_60 : vector<16xf32>
    %mul3A_124 = arith.constant 3.50350339E-4 : f32
    %mul3A_125 = vector.broadcast %mul3A_124 : f32 to vector<16xf32>
    %mul3A_126 = arith.mulf %mul3A_125, %sub3A_123 : vector<16xf32>
    %sub3A_127 = arith.subf %add3A_106, %get3A_66 : vector<16xf32>
    %mul3A_128 = arith.constant 0.64964962 : f32
    %mul3A_129 = vector.broadcast %mul3A_128 : f32 to vector<16xf32>
    %mul3A_130 = arith.mulf %mul3A_129, %sub3A_127 : vector<16xf32>
    %add3A_131 = arith.addf %mul3A_126, %mul3A_130 : vector<16xf32>
    %mul3A_132 = arith.mulf %add3A_131, %select_n3A : vector<16xf32>
    %add3A_133 = arith.addf %broadcast_in_dim3A_43, %mul3A_132 : vector<16xf32>
    %add3A_134 = arith.addf %broadcast_in_dim3A_43, %select_n3A : vector<16xf32>
    %add3A_135 = arith.addf %broadcast_in_dim3A_43, %add3A_131 : vector<16xf32>
    %get3A_136 = arith.constant 0 : i32
    %get3A_137 = arith.constant 0 : i32
    %get3A_138 = arith.index_cast %get3A_136 : i32 to index
    %get3A_139 = arith.index_cast %get3A_137 : i32 to index
    %get3A_140 = arith.constant 16 : index
    %get3A_141 = tpu.vector_load %arg7[%get3A_138, %get3A_139, %get3A_140] {strides = array<i32>} : memref<8x4x64xf32, #tpu.memory_space<vmem>>, vector<16xf32>,
    %get3A_142 = arith.constant 0 : i32
    %get3A_143 = arith.constant 1 : i32
    %get3A_144 = arith.index_cast %get3A_142 : i32 to index
    %get3A_145 = arith.index_cast %get3A_143 : i32 to index
    %get3A_146 = arith.constant 16 : index
    %get3A_147 = tpu.vector_load %arg7[%get3A_144, %get3A_145, %get3A_146] {strides = array<i32>} : memref<8x4x64xf32, #tpu.memory_space<vmem>>, vector<16xf32>,
    %get3A_148 = arith.constant 0 : i32
    %get3A_149 = arith.constant 2 : i32
    %get3A_150 = arith.index_cast %get3A_148 : i32 to index
    %get3A_151 = arith.index_cast %get3A_149 : i32 to index
    %get3A_152 = arith.constant 16 : index
    %get3A_153 = tpu.vector_load %arg7[%get3A_150, %get3A_151, %get3A_152] {strides = array<i32>} : memref<8x4x64xf32, #tpu.memory_space<vmem>>, vector<16xf32>,
    %get3A_154 = arith.constant 0 : i32
    %get3A_155 = arith.constant 3 : i32
    %get3A_156 = arith.index_cast %get3A_154 : i32 to index
    %get3A_157 = arith.index_cast %get3A_155 : i32 to index
    %get3A_158 = arith.constant 16 : index
    %get3A_159 = tpu.vector_load %arg7[%get3A_156, %get3A_157, %get3A_158] {strides = array<i32>} : memref<8x4x64xf32, #tpu.memory_space<vmem>>, vector<16xf32>,
    %bitcast3A_160 = vector.bitcast %get3A_147 : vector<16xf32> to vector<16xi32>
    %shift_right_logical3A_161 = arith.constant 23 : i32
    %shift_right_logical3A_162 = vector.broadcast %shift_right_logical3A_161 : i32 to vector<16xi32>
    %shift_right_logical3A_163 = arith.shrui %bitcast3A_160, %shift_right_logical3A_162 : vector<16xi32>
    %sub3A_164 = arith.constant 127 : i32
    %sub3A_165 = vector.broadcast %sub3A_164 : i32 to vector<16xi32>
    %sub3A_166 = arith.subi %shift_right_logical3A_163, %sub3A_165 : vector<16xi32>
    %and3A_167 = arith.constant 8388607 : i32
    %and3A_168 = vector.broadcast %and3A_167 : i32 to vector<16xi32>
    %and3A_169 = arith.andi %bitcast3A_160, %and3A_168 : vector<16xi32>
    %or3A_170 = arith.constant 1065353216 : i32
    %or3A_171 = vector.broadcast %or3A_170 : i32 to vector<16xi32>
    %or3A_172 = arith.ori %and3A_169, %or3A_171 : vector<16xi32>
    %bitcast3A_173 = vector.bitcast %or3A_172 : vector<16xi32> to vector<16xf32>
    %broadcast_in_dim3A_174 = arith.constant -0.02482583 : f32
    %broadcast_in_dim3A_175 = vector.broadcast %broadcast_in_dim3A_174 : f32 to vector<16xf32>
    %mul3A_176 = arith.mulf %broadcast_in_dim3A_175, %bitcast3A_173 : vector<16xf32>
    %add3A_177 = arith.constant 0.266860753 : f32
    %add3A_178 = vector.broadcast %add3A_177 : f32 to vector<16xf32>
    %add3A_179 = arith.addf %mul3A_176, %add3A_178 : vector<16xf32>
    %mul3A_180 = arith.mulf %add3A_179, %bitcast3A_173 : vector<16xf32>
    %add3A_181 = arith.constant -1.23427022 : f32
    %add3A_182 = vector.broadcast %add3A_181 : f32 to vector<16xf32>
    %add3A_183 = arith.addf %mul3A_180, %add3A_182 : vector<16xf32>
    %mul3A_184 = arith.mulf %add3A_183, %bitcast3A_173 : vector<16xf32>
    %add3A_185 = arith.constant 3.21884608 : f32
    %add3A_186 = vector.broadcast %add3A_185 : f32 to vector<16xf32>
    %add3A_187 = arith.addf %mul3A_184, %add3A_186 : vector<16xf32>
    %mul3A_188 = arith.mulf %add3A_187, %bitcast3A_173 : vector<16xf32>
    %add3A_189 = arith.constant -5.26412487 : f32
    %add3A_190 = vector.broadcast %add3A_189 : f32 to vector<16xf32>
    %add3A_191 = arith.addf %mul3A_188, %add3A_190 : vector<16xf32>
    %mul3A_192 = arith.mulf %add3A_191, %bitcast3A_173 : vector<16xf32>
    %add3A_193 = arith.constant 6.06583834 : f32
    %add3A_194 = vector.broadcast %add3A_193 : f32 to vector<16xf32>
    %add3A_195 = arith.addf %mul3A_192, %add3A_194 : vector<16xf32>
    %mul3A_196 = arith.mulf %add3A_195, %bitcast3A_173 : vector<16xf32>
    %add3A_197 = arith.constant -3.02831936 : f32
    %add3A_198 = vector.broadcast %add3A_197 : f32 to vector<16xf32>
    %add3A_199 = arith.addf %mul3A_196, %add3A_198 : vector<16xf32>
    %convert_element_type3A_200 = arith.sitofp %sub3A_166 : vector<16xi32> to vector<16xf32>
    %add3A_201 = arith.addf %convert_element_type3A_200, %add3A_199 : vector<16xf32>
    %mul3A_202 = arith.constant 0.693147182 : f32
    %mul3A_203 = vector.broadcast %mul3A_202 : f32 to vector<16xf32>
    %mul3A_204 = arith.mulf %add3A_201, %mul3A_203 : vector<16xf32>
    %add3A_205 = arith.addf %get3A_141, %mul3A_204 : vector<16xf32>
    %sub3A_206 = arith.subf %get3A_159, %add3A_205 : vector<16xf32>
    %exp3A_207 = math.exp %sub3A_206 : vector<16xf32>
    %max3A_208 = arith.constant 9.99999993E-9 : f32
    %max3A_209 = vector.broadcast %max3A_208 : f32 to vector<16xf32>
    %max3A_210 = arith.maximumf %exp3A_207, %max3A_209 : vector<16xf32>
    %min3A_211 = arith.constant 1.000000e+00 : f32
    %min3A_212 = vector.broadcast %min3A_211 : f32 to vector<16xf32>
    %min3A_213 = arith.minimumf %max3A_210, %min3A_212 : vector<16xf32>
    %get3A_214 = arith.constant 16 : index
    %get3A_215 = tpu.vector_load %arg6[%get3A_214] {strides = array<i32>} : memref<512xi32, #tpu.memory_space<vmem>>, vector<16xi32>,
    %gather3A_216 = tpu.vector_load_idx %arg8[%get3A_215] : memref<1024xf32, #tpu.memory_space<vmem>>[vector<16xi32>], vector<16xf32>,
    %mul3A_217 = arith.constant 1.638400e+04 : f32
    %mul3A_218 = vector.broadcast %mul3A_217 : f32 to vector<16xf32>
    %mul3A_219 = arith.mulf %min3A_213, %mul3A_218 : vector<16xf32>
    %ge3A_220 = arith.cmpf oge, %mul3A_219, %gather3A_216 : vector<16xf32>
    %jit3A_221 = arith.constant 1.000000e+00 : f32
    %jit3A_222 = arith.constant 0.000000e+00 : f32
    %broadcast_in_dim3A_223 = vector.broadcast %jit3A_221 : f32 to vector<16xf32>
    %broadcast_in_dim3A_224 = vector.broadcast %jit3A_222 : f32 to vector<16xf32>
    %select_n3A_225 = arith.select %ge3A_220, %broadcast_in_dim3A_223, %broadcast_in_dim3A_224 : vector<16xi1>, vector<16xf32>
    %mul3A_226 = arith.constant 1.000000e+03 : f32
    %mul3A_227 = vector.broadcast %mul3A_226 : f32 to vector<16xf32>
    %mul3A_228 = arith.mulf %mul3A_227, %add3A_205 : vector<16xf32>
    %sub3A_229 = arith.subf %mul3A_228, %get3A_153 : vector<16xf32>
    %mul3A_230 = arith.constant 3.50350339E-4 : f32
    %mul3A_231 = vector.broadcast %mul3A_230 : f32 to vector<16xf32>
    %mul3A_232 = arith.mulf %mul3A_231, %sub3A_229 : vector<16xf32>
    %sub3A_233 = arith.subf %add3A_205, %get3A_159 : vector<16xf32>
    %mul3A_234 = arith.constant 0.64964962 : f32
    %mul3A_235 = vector.broadcast %mul3A_234 : f32 to vector<16xf32>
    %mul3A_236 = arith.mulf %mul3A_235, %sub3A_233 : vector<16xf32>
    %add3A_237 = arith.addf %mul3A_232, %mul3A_236 : vector<16xf32>
    %mul3A_238 = arith.mulf %add3A_237, %select_n3A_225 : vector<16xf32>
    %add3A_239 = arith.addf %add3A_133, %mul3A_238 : vector<16xf32>
    %add3A_240 = arith.addf %add3A_134, %select_n3A_225 : vector<16xf32>
    %add3A_241 = arith.addf %add3A_135, %add3A_237 : vector<16xf32>
    %get3A_242 = arith.constant 0 : i32
    %get3A_243 = arith.constant 0 : i32
    %get3A_244 = arith.index_cast %get3A_242 : i32 to index
    %get3A_245 = arith.index_cast %get3A_243 : i32 to index
    %get3A_246 = arith.constant 32 : index
    %get3A_247 = tpu.vector_load %arg7[%get3A_244, %get3A_245, %get3A_246] {strides = array<i32>} : memref<8x4x64xf32, #tpu.memory_space<vmem>>, vector<16xf32>,
    %get3A_248 = arith.constant 0 : i32
    %get3A_249 = arith.constant 1 : i32
    %get3A_250 = arith.index_cast %get3A_248 : i32 to index
    %get3A_251 = arith.index_cast %get3A_249 : i32 to index
    %get3A_252 = arith.constant 32 : index
    %get3A_253 = tpu.vector_load %arg7[%get3A_250, %get3A_251, %get3A_252] {strides = array<i32>} : memref<8x4x64xf32, #tpu.memory_space<vmem>>, vector<16xf32>,
    %get3A_254 = arith.constant 0 : i32
    %get3A_255 = arith.constant 2 : i32
    %get3A_256 = arith.index_cast %get3A_254 : i32 to index
    %get3A_257 = arith.index_cast %get3A_255 : i32 to index
    %get3A_258 = arith.constant 32 : index
    %get3A_259 = tpu.vector_load %arg7[%get3A_256, %get3A_257, %get3A_258] {strides = array<i32>} : memref<8x4x64xf32, #tpu.memory_space<vmem>>, vector<16xf32>,
    %get3A_260 = arith.constant 0 : i32
    %get3A_261 = arith.constant 3 : i32
    %get3A_262 = arith.index_cast %get3A_260 : i32 to index
    %get3A_263 = arith.index_cast %get3A_261 : i32 to index
    %get3A_264 = arith.constant 32 : index
    %get3A_265 = tpu.vector_load %arg7[%get3A_262, %get3A_263, %get3A_264] {strides = array<i32>} : memref<8x4x64xf32, #tpu.memory_space<vmem>>, vector<16xf32>,
    %bitcast3A_266 = vector.bitcast %get3A_253 : vector<16xf32> to vector<16xi32>
    %shift_right_logical3A_267 = arith.constant 23 : i32
    %shift_right_logical3A_268 = vector.broadcast %shift_right_logical3A_267 : i32 to vector<16xi32>
    %shift_right_logical3A_269 = arith.shrui %bitcast3A_266, %shift_right_logical3A_268 : vector<16xi32>
    %sub3A_270 = arith.constant 127 : i32
    %sub3A_271 = vector.broadcast %sub3A_270 : i32 to vector<16xi32>
    %sub3A_272 = arith.subi %shift_right_logical3A_269, %sub3A_271 : vector<16xi32>
    %and3A_273 = arith.constant 8388607 : i32
    %and3A_274 = vector.broadcast %and3A_273 : i32 to vector<16xi32>
    %and3A_275 = arith.andi %bitcast3A_266, %and3A_274 : vector<16xi32>
    %or3A_276 = arith.constant 1065353216 : i32
    %or3A_277 = vector.broadcast %or3A_276 : i32 to vector<16xi32>
    %or3A_278 = arith.ori %and3A_275, %or3A_277 : vector<16xi32>
    %bitcast3A_279 = vector.bitcast %or3A_278 : vector<16xi32> to vector<16xf32>
    %broadcast_in_dim3A_280 = arith.constant -0.02482583 : f32
    %broadcast_in_dim3A_281 = vector.broadcast %broadcast_in_dim3A_280 : f32 to vector<16xf32>
    %mul3A_282 = arith.mulf %broadcast_in_dim3A_281, %bitcast3A_279 : vector<16xf32>
    %add3A_283 = arith.constant 0.266860753 : f32
    %add3A_284 = vector.broadcast %add3A_283 : f32 to vector<16xf32>
    %add3A_285 = arith.addf %mul3A_282, %add3A_284 : vector<16xf32>
    %mul3A_286 = arith.mulf %add3A_285, %bitcast3A_279 : vector<16xf32>
    %add3A_287 = arith.constant -1.23427022 : f32
    %add3A_288 = vector.broadcast %add3A_287 : f32 to vector<16xf32>
    %add3A_289 = arith.addf %mul3A_286, %add3A_288 : vector<16xf32>
    %mul3A_290 = arith.mulf %add3A_289, %bitcast3A_279 : vector<16xf32>
    %add3A_291 = arith.constant 3.21884608 : f32
    %add3A_292 = vector.broadcast %add3A_291 : f32 to vector<16xf32>
    %add3A_293 = arith.addf %mul3A_290, %add3A_292 : vector<16xf32>
    %mul3A_294 = arith.mulf %add3A_293, %bitcast3A_279 : vector<16xf32>
    %add3A_295 = arith.constant -5.26412487 : f32
    %add3A_296 = vector.broadcast %add3A_295 : f32 to vector<16xf32>
    %add3A_297 = arith.addf %mul3A_294, %add3A_296 : vector<16xf32>
    %mul3A_298 = arith.mulf %add3A_297, %bitcast3A_279 : vector<16xf32>
    %add3A_299 = arith.constant 6.06583834 : f32
    %add3A_300 = vector.broadcast %add3A_299 : f32 to vector<16xf32>
    %add3A_301 = arith.addf %mul3A_298, %add3A_300 : vector<16xf32>
    %mul3A_302 = arith.mulf %add3A_301, %bitcast3A_279 : vector<16xf32>
    %add3A_303 = arith.constant -3.02831936 : f32
    %add3A_304 = vector.broadcast %add3A_303 : f32 to vector<16xf32>
    %add3A_305 = arith.addf %mul3A_302, %add3A_304 : vector<16xf32>
    %convert_element_type3A_306 = arith.sitofp %sub3A_272 : vector<16xi32> to vector<16xf32>
    %add3A_307 = arith.addf %convert_element_type3A_306, %add3A_305 : vector<16xf32>
    %mul3A_308 = arith.constant 0.693147182 : f32
    %mul3A_309 = vector.broadcast %mul3A_308 : f32 to vector<16xf32>
    %mul3A_310 = arith.mulf %add3A_307, %mul3A_309 : vector<16xf32>
    %add3A_311 = arith.addf %get3A_247, %mul3A_310 : vector<16xf32>
    %sub3A_312 = arith.subf %get3A_265, %add3A_311 : vector<16xf32>
    %exp3A_313 = math.exp %sub3A_312 : vector<16xf32>
    %max3A_314 = arith.constant 9.99999993E-9 : f32
    %max3A_315 = vector.broadcast %max3A_314 : f32 to vector<16xf32>
    %max3A_316 = arith.maximumf %exp3A_313, %max3A_315 : vector<16xf32>
    %min3A_317 = arith.constant 1.000000e+00 : f32
    %min3A_318 = vector.broadcast %min3A_317 : f32 to vector<16xf32>
    %min3A_319 = arith.minimumf %max3A_316, %min3A_318 : vector<16xf32>
    %get3A_320 = arith.constant 32 : index
    %get3A_321 = tpu.vector_load %arg6[%get3A_320] {strides = array<i32>} : memref<512xi32, #tpu.memory_space<vmem>>, vector<16xi32>,
    %gather3A_322 = tpu.vector_load_idx %arg8[%get3A_321] : memref<1024xf32, #tpu.memory_space<vmem>>[vector<16xi32>], vector<16xf32>,
    %mul3A_323 = arith.constant 1.638400e+04 : f32
    %mul3A_324 = vector.broadcast %mul3A_323 : f32 to vector<16xf32>
    %mul3A_325 = arith.mulf %min3A_319, %mul3A_324 : vector<16xf32>
    %ge3A_326 = arith.cmpf oge, %mul3A_325, %gather3A_322 : vector<16xf32>
    %jit3A_327 = arith.constant 1.000000e+00 : f32
    %jit3A_328 = arith.constant 0.000000e+00 : f32
    %broadcast_in_dim3A_329 = vector.broadcast %jit3A_327 : f32 to vector<16xf32>
    %broadcast_in_dim3A_330 = vector.broadcast %jit3A_328 : f32 to vector<16xf32>
    %select_n3A_331 = arith.select %ge3A_326, %broadcast_in_dim3A_329, %broadcast_in_dim3A_330 : vector<16xi1>, vector<16xf32>
    %mul3A_332 = arith.constant 1.000000e+03 : f32
    %mul3A_333 = vector.broadcast %mul3A_332 : f32 to vector<16xf32>
    %mul3A_334 = arith.mulf %mul3A_333, %add3A_311 : vector<16xf32>
    %sub3A_335 = arith.subf %mul3A_334, %get3A_259 : vector<16xf32>
    %mul3A_336 = arith.constant 3.50350339E-4 : f32
    %mul3A_337 = vector.broadcast %mul3A_336 : f32 to vector<16xf32>
    %mul3A_338 = arith.mulf %mul3A_337, %sub3A_335 : vector<16xf32>
    %sub3A_339 = arith.subf %add3A_311, %get3A_265 : vector<16xf32>
    %mul3A_340 = arith.constant 0.64964962 : f32
    %mul3A_341 = vector.broadcast %mul3A_340 : f32 to vector<16xf32>
    %mul3A_342 = arith.mulf %mul3A_341, %sub3A_339 : vector<16xf32>
    %add3A_343 = arith.addf %mul3A_338, %mul3A_342 : vector<16xf32>
    %mul3A_344 = arith.mulf %add3A_343, %select_n3A_331 : vector<16xf32>
    %add3A_345 = arith.addf %add3A_239, %mul3A_344 : vector<16xf32>
    %add3A_346 = arith.addf %add3A_240, %select_n3A_331 : vector<16xf32>
    %add3A_347 = arith.addf %add3A_241, %add3A_343 : vector<16xf32>
    %get3A_348 = arith.constant 0 : i32
    %get3A_349 = arith.constant 0 : i32
    %get3A_350 = arith.index_cast %get3A_348 : i32 to index
    %get3A_351 = arith.index_cast %get3A_349 : i32 to index
    %get3A_352 = arith.constant 48 : index
    %get3A_353 = tpu.vector_load %arg7[%get3A_350, %get3A_351, %get3A_352] {strides = array<i32>} : memref<8x4x64xf32, #tpu.memory_space<vmem>>, vector<16xf32>,
    %get3A_354 = arith.constant 0 : i32
    %get3A_355 = arith.constant 1 : i32
    %get3A_356 = arith.index_cast %get3A_354 : i32 to index
    %get3A_357 = arith.index_cast %get3A_355 : i32 to index
    %get3A_358 = arith.constant 48 : index
    %get3A_359 = tpu.vector_load %arg7[%get3A_356, %get3A_357, %get3A_358] {strides = array<i32>} : memref<8x4x64xf32, #tpu.memory_space<vmem>>, vector<16xf32>,
    %get3A_360 = arith.constant 0 : i32
    %get3A_361 = arith.constant 2 : i32
    %get3A_362 = arith.index_cast %get3A_360 : i32 to index
    %get3A_363 = arith.index_cast %get3A_361 : i32 to index
    %get3A_364 = arith.constant 48 : index
    %get3A_365 = tpu.vector_load %arg7[%get3A_362, %get3A_363, %get3A_364] {strides = array<i32>} : memref<8x4x64xf32, #tpu.memory_space<vmem>>, vector<16xf32>,
    %get3A_366 = arith.constant 0 : i32
    %get3A_367 = arith.constant 3 : i32
    %get3A_368 = arith.index_cast %get3A_366 : i32 to index
    %get3A_369 = arith.index_cast %get3A_367 : i32 to index
    %get3A_370 = arith.constant 48 : index
    %get3A_371 = tpu.vector_load %arg7[%get3A_368, %get3A_369, %get3A_370] {strides = array<i32>} : memref<8x4x64xf32, #tpu.memory_space<vmem>>, vector<16xf32>,
    %bitcast3A_372 = vector.bitcast %get3A_359 : vector<16xf32> to vector<16xi32>
    %shift_right_logical3A_373 = arith.constant 23 : i32
    %shift_right_logical3A_374 = vector.broadcast %shift_right_logical3A_373 : i32 to vector<16xi32>
    %shift_right_logical3A_375 = arith.shrui %bitcast3A_372, %shift_right_logical3A_374 : vector<16xi32>
    %sub3A_376 = arith.constant 127 : i32
    %sub3A_377 = vector.broadcast %sub3A_376 : i32 to vector<16xi32>
    %sub3A_378 = arith.subi %shift_right_logical3A_375, %sub3A_377 : vector<16xi32>
    %and3A_379 = arith.constant 8388607 : i32
    %and3A_380 = vector.broadcast %and3A_379 : i32 to vector<16xi32>
    %and3A_381 = arith.andi %bitcast3A_372, %and3A_380 : vector<16xi32>
    %or3A_382 = arith.constant 1065353216 : i32
    %or3A_383 = vector.broadcast %or3A_382 : i32 to vector<16xi32>
    %or3A_384 = arith.ori %and3A_381, %or3A_383 : vector<16xi32>
    %bitcast3A_385 = vector.bitcast %or3A_384 : vector<16xi32> to vector<16xf32>
    %broadcast_in_dim3A_386 = arith.constant -0.02482583 : f32
    %broadcast_in_dim3A_387 = vector.broadcast %broadcast_in_dim3A_386 : f32 to vector<16xf32>
    %mul3A_388 = arith.mulf %broadcast_in_dim3A_387, %bitcast3A_385 : vector<16xf32>
    %add3A_389 = arith.constant 0.266860753 : f32
    %add3A_390 = vector.broadcast %add3A_389 : f32 to vector<16xf32>
    %add3A_391 = arith.addf %mul3A_388, %add3A_390 : vector<16xf32>
    %mul3A_392 = arith.mulf %add3A_391, %bitcast3A_385 : vector<16xf32>
    %add3A_393 = arith.constant -1.23427022 : f32
    %add3A_394 = vector.broadcast %add3A_393 : f32 to vector<16xf32>
    %add3A_395 = arith.addf %mul3A_392, %add3A_394 : vector<16xf32>
    %mul3A_396 = arith.mulf %add3A_395, %bitcast3A_385 : vector<16xf32>
    %add3A_397 = arith.constant 3.21884608 : f32
    %add3A_398 = vector.broadcast %add3A_397 : f32 to vector<16xf32>
    %add3A_399 = arith.addf %mul3A_396, %add3A_398 : vector<16xf32>
    %mul3A_400 = arith.mulf %add3A_399, %bitcast3A_385 : vector<16xf32>
    %add3A_401 = arith.constant -5.26412487 : f32
    %add3A_402 = vector.broadcast %add3A_401 : f32 to vector<16xf32>
    %add3A_403 = arith.addf %mul3A_400, %add3A_402 : vector<16xf32>
    %mul3A_404 = arith.mulf %add3A_403, %bitcast3A_385 : vector<16xf32>
    %add3A_405 = arith.constant 6.06583834 : f32
    %add3A_406 = vector.broadcast %add3A_405 : f32 to vector<16xf32>
    %add3A_407 = arith.addf %mul3A_404, %add3A_406 : vector<16xf32>
    %mul3A_408 = arith.mulf %add3A_407, %bitcast3A_385 : vector<16xf32>
    %add3A_409 = arith.constant -3.02831936 : f32
    %add3A_410 = vector.broadcast %add3A_409 : f32 to vector<16xf32>
    %add3A_411 = arith.addf %mul3A_408, %add3A_410 : vector<16xf32>
    %convert_element_type3A_412 = arith.sitofp %sub3A_378 : vector<16xi32> to vector<16xf32>
    %add3A_413 = arith.addf %convert_element_type3A_412, %add3A_411 : vector<16xf32>
    %mul3A_414 = arith.constant 0.693147182 : f32
    %mul3A_415 = vector.broadcast %mul3A_414 : f32 to vector<16xf32>
    %mul3A_416 = arith.mulf %add3A_413, %mul3A_415 : vector<16xf32>
    %add3A_417 = arith.addf %get3A_353, %mul3A_416 : vector<16xf32>
    %sub3A_418 = arith.subf %get3A_371, %add3A_417 : vector<16xf32>
    %exp3A_419 = math.exp %sub3A_418 : vector<16xf32>
    %max3A_420 = arith.constant 9.99999993E-9 : f32
    %max3A_421 = vector.broadcast %max3A_420 : f32 to vector<16xf32>
    %max3A_422 = arith.maximumf %exp3A_419, %max3A_421 : vector<16xf32>
    %min3A_423 = arith.constant 1.000000e+00 : f32
    %min3A_424 = vector.broadcast %min3A_423 : f32 to vector<16xf32>
    %min3A_425 = arith.minimumf %max3A_422, %min3A_424 : vector<16xf32>
    %get3A_426 = arith.constant 48 : index
    %get3A_427 = tpu.vector_load %arg6[%get3A_426] {strides = array<i32>} : memref<512xi32, #tpu.memory_space<vmem>>, vector<16xi32>,
    %gather3A_428 = tpu.vector_load_idx %arg8[%get3A_427] : memref<1024xf32, #tpu.memory_space<vmem>>[vector<16xi32>], vector<16xf32>,
    %mul3A_429 = arith.constant 1.638400e+04 : f32
    %mul3A_430 = vector.broadcast %mul3A_429 : f32 to vector<16xf32>
    %mul3A_431 = arith.mulf %min3A_425, %mul3A_430 : vector<16xf32>
    %ge3A_432 = arith.cmpf oge, %mul3A_431, %gather3A_428 : vector<16xf32>
    %jit3A_433 = arith.constant 1.000000e+00 : f32
    %jit3A_434 = arith.constant 0.000000e+00 : f32
    %broadcast_in_dim3A_435 = vector.broadcast %jit3A_433 : f32 to vector<16xf32>
    %broadcast_in_dim3A_436 = vector.broadcast %jit3A_434 : f32 to vector<16xf32>
    %select_n3A_437 = arith.select %ge3A_432, %broadcast_in_dim3A_435, %broadcast_in_dim3A_436 : vector<16xi1>, vector<16xf32>
    %mul3A_438 = arith.constant 1.000000e+03 : f32
    %mul3A_439 = vector.broadcast %mul3A_438 : f32 to vector<16xf32>
    %mul3A_440 = arith.mulf %mul3A_439, %add3A_417 : vector<16xf32>
    %sub3A_441 = arith.subf %mul3A_440, %get3A_365 : vector<16xf32>
    %mul3A_442 = arith.constant 3.50350339E-4 : f32
    %mul3A_443 = vector.broadcast %mul3A_442 : f32 to vector<16xf32>
    %mul3A_444 = arith.mulf %mul3A_443, %sub3A_441 : vector<16xf32>
    %sub3A_445 = arith.subf %add3A_417, %get3A_371 : vector<16xf32>
    %mul3A_446 = arith.constant 0.64964962 : f32
    %mul3A_447 = vector.broadcast %mul3A_446 : f32 to vector<16xf32>
    %mul3A_448 = arith.mulf %mul3A_447, %sub3A_445 : vector<16xf32>
    %add3A_449 = arith.addf %mul3A_444, %mul3A_448 : vector<16xf32>
    %mul3A_450 = arith.mulf %add3A_449, %select_n3A_437 : vector<16xf32>
    %add3A_451 = arith.addf %add3A_345, %mul3A_450 : vector<16xf32>
    %add3A_452 = arith.addf %add3A_346, %select_n3A_437 : vector<16xf32>
    %add3A_453 = arith.addf %add3A_347, %add3A_449 : vector<16xf32>
    %get3A_454 = arith.constant 1 : i32
    %get3A_455 = arith.constant 0 : i32
    %get3A_456 = arith.index_cast %get3A_454 : i32 to index
    %get3A_457 = arith.index_cast %get3A_455 : i32 to index
    %get3A_458 = arith.constant 0 : index
    %get3A_459 = tpu.vector_load %arg7[%get3A_456, %get3A_457, %get3A_458] {strides = array<i32>} : memref<8x4x64xf32, #tpu.memory_space<vmem>>, vector<16xf32>,
    %get3A_460 = arith.constant 1 : i32
    %get3A_461 = arith.constant 1 : i32
    %get3A_462 = arith.index_cast %get3A_460 : i32 to index
    %get3A_463 = arith.index_cast %get3A_461 : i32 to index
    %get3A_464 = arith.constant 0 : index
    %get3A_465 = tpu.vector_load %arg7[%get3A_462, %get3A_463, %get3A_464] {strides = array<i32>} : memref<8x4x64xf32, #tpu.memory_space<vmem>>, vector<16xf32>,
    %get3A_466 = arith.constant 1 : i32
    %get3A_467 = arith.constant 2 : i32
    %get3A_468 = arith.index_cast %get3A_466 : i32 to index
    %get3A_469 = arith.index_cast %get3A_467 : i32 to index
    %get3A_470 = arith.constant 0 : index
    %get3A_471 = tpu.vector_load %arg7[%get3A_468, %get3A_469, %get3A_470] {strides = array<i32>} : memref<8x4x64xf32, #tpu.memory_space<vmem>>, vector<16xf32>,
    %get3A_472 = arith.constant 1 : i32
    %get3A_473 = arith.constant 3 : i32
    %get3A_474 = arith.index_cast %get3A_472 : i32 to index
    %get3A_475 = arith.index_cast %get3A_473 : i32 to index
    %get3A_476 = arith.constant 0 : index
    %get3A_477 = tpu.vector_load %arg7[%get3A_474, %get3A_475, %get3A_476] {strides = array<i32>} : memref<8x4x64xf32, #tpu.memory_space<vmem>>, vector<16xf32>,
    %bitcast3A_478 = vector.bitcast %get3A_465 : vector<16xf32> to vector<16xi32>
    %shift_right_logical3A_479 = arith.constant 23 : i32
    %shift_right_logical3A_480 = vector.broadcast %shift_right_logical3A_479 : i32 to vector<16xi32>
    %shift_right_logical3A_481 = arith.shrui %bitcast3A_478, %shift_right_logical3A_480 : vector<16xi32>
    %sub3A_482 = arith.constant 127 : i32
    %sub3A_483 = vector.broadcast %sub3A_482 : i32 to vector<16xi32>
    %sub3A_484 = arith.subi %shift_right_logical3A_481, %sub3A_483 : vector<16xi32>
    %and3A_485 = arith.constant 8388607 : i32
    %and3A_486 = vector.broadcast %and3A_485 : i32 to vector<16xi32>
    %and3A_487 = arith.andi %bitcast3A_478, %and3A_486 : vector<16xi32>
    %or3A_488 = arith.constant 1065353216 : i32
    %or3A_489 = vector.broadcast %or3A_488 : i32 to vector<16xi32>
    %or3A_490 = arith.ori %and3A_487, %or3A_489 : vector<16xi32>
    %bitcast3A_491 = vector.bitcast %or3A_490 : vector<16xi32> to vector<16xf32>
    %broadcast_in_dim3A_492 = arith.constant -0.02482583 : f32
    %broadcast_in_dim3A_493 = vector.broadcast %broadcast_in_dim3A_492 : f32 to vector<16xf32>
    %mul3A_494 = arith.mulf %broadcast_in_dim3A_493, %bitcast3A_491 : vector<16xf32>
    %add3A_495 = arith.constant 0.266860753 : f32
    %add3A_496 = vector.broadcast %add3A_495 : f32 to vector<16xf32>
    %add3A_497 = arith.addf %mul3A_494, %add3A_496 : vector<16xf32>
    %mul3A_498 = arith.mulf %add3A_497, %bitcast3A_491 : vector<16xf32>
    %add3A_499 = arith.constant -1.23427022 : f32
    %add3A_500 = vector.broadcast %add3A_499 : f32 to vector<16xf32>
    %add3A_501 = arith.addf %mul3A_498, %add3A_500 : vector<16xf32>
    %mul3A_502 = arith.mulf %add3A_501, %bitcast3A_491 : vector<16xf32>
    %add3A_503 = arith.constant 3.21884608 : f32
    %add3A_504 = vector.broadcast %add3A_503 : f32 to vector<16xf32>
    %add3A_505 = arith.addf %mul3A_502, %add3A_504 : vector<16xf32>
    %mul3A_506 = arith.mulf %add3A_505, %bitcast3A_491 : vector<16xf32>
    %add3A_507 = arith.constant -5.26412487 : f32
    %add3A_508 = vector.broadcast %add3A_507 : f32 to vector<16xf32>
    %add3A_509 = arith.addf %mul3A_506, %add3A_508 : vector<16xf32>
    %mul3A_510 = arith.mulf %add3A_509, %bitcast3A_491 : vector<16xf32>
    %add3A_511 = arith.constant 6.06583834 : f32
    %add3A_512 = vector.broadcast %add3A_511 : f32 to vector<16xf32>
    %add3A_513 = arith.addf %mul3A_510, %add3A_512 : vector<16xf32>
    %mul3A_514 = arith.mulf %add3A_513, %bitcast3A_491 : vector<16xf32>
    %add3A_515 = arith.constant -3.02831936 : f32
    %add3A_516 = vector.broadcast %add3A_515 : f32 to vector<16xf32>
    %add3A_517 = arith.addf %mul3A_514, %add3A_516 : vector<16xf32>
    %convert_element_type3A_518 = arith.sitofp %sub3A_484 : vector<16xi32> to vector<16xf32>
    %add3A_519 = arith.addf %convert_element_type3A_518, %add3A_517 : vector<16xf32>
    %mul3A_520 = arith.constant 0.693147182 : f32
    %mul3A_521 = vector.broadcast %mul3A_520 : f32 to vector<16xf32>
    %mul3A_522 = arith.mulf %add3A_519, %mul3A_521 : vector<16xf32>
    %add3A_523 = arith.addf %get3A_459, %mul3A_522 : vector<16xf32>
    %sub3A_524 = arith.subf %get3A_477, %add3A_523 : vector<16xf32>
    %exp3A_525 = math.exp %sub3A_524 : vector<16xf32>
    %max3A_526 = arith.constant 9.99999993E-9 : f32
    %max3A_527 = vector.broadcast %max3A_526 : f32 to vector<16xf32>
    %max3A_528 = arith.maximumf %exp3A_525, %max3A_527 : vector<16xf32>
    %min3A_529 = arith.constant 1.000000e+00 : f32
    %min3A_530 = vector.broadcast %min3A_529 : f32 to vector<16xf32>
    %min3A_531 = arith.minimumf %max3A_528, %min3A_530 : vector<16xf32>
    %get3A_532 = arith.constant 64 : index
    %get3A_533 = tpu.vector_load %arg6[%get3A_532] {strides = array<i32>} : memref<512xi32, #tpu.memory_space<vmem>>, vector<16xi32>,
    %gather3A_534 = tpu.vector_load_idx %arg8[%get3A_533] : memref<1024xf32, #tpu.memory_space<vmem>>[vector<16xi32>], vector<16xf32>,
    %mul3A_535 = arith.constant 1.638400e+04 : f32
    %mul3A_536 = vector.broadcast %mul3A_535 : f32 to vector<16xf32>
    %mul3A_537 = arith.mulf %min3A_531, %mul3A_536 : vector<16xf32>
    %ge3A_538 = arith.cmpf oge, %mul3A_537, %gather3A_534 : vector<16xf32>
    %jit3A_539 = arith.constant 1.000000e+00 : f32
    %jit3A_540 = arith.constant 0.000000e+00 : f32
    %broadcast_in_dim3A_541 = vector.broadcast %jit3A_539 : f32 to vector<16xf32>
    %broadcast_in_dim3A_542 = vector.broadcast %jit3A_540 : f32 to vector<16xf32>
    %select_n3A_543 = arith.select %ge3A_538, %broadcast_in_dim3A_541, %broadcast_in_dim3A_542 : vector<16xi1>, vector<16xf32>
    %mul3A_544 = arith.constant 1.000000e+03 : f32
    %mul3A_545 = vector.broadcast %mul3A_544 : f32 to vector<16xf32>
    %mul3A_546 = arith.mulf %mul3A_545, %add3A_523 : vector<16xf32>
    %sub3A_547 = arith.subf %mul3A_546, %get3A_471 : vector<16xf32>
    %mul3A_548 = arith.constant 3.50350339E-4 : f32
    %mul3A_549 = vector.broadcast %mul3A_548 : f32 to vector<16xf32>
    %mul3A_550 = arith.mulf %mul3A_549, %sub3A_547 : vector<16xf32>
    %sub3A_551 = arith.subf %add3A_523, %get3A_477 : vector<16xf32>
    %mul3A_552 = arith.constant 0.64964962 : f32
    %mul3A_553 = vector.broadcast %mul3A_552 : f32 to vector<16xf32>
    %mul3A_554 = arith.mulf %mul3A_553, %sub3A_551 : vector<16xf32>
    %add3A_555 = arith.addf %mul3A_550, %mul3A_554 : vector<16xf32>
    %mul3A_556 = arith.mulf %add3A_555, %select_n3A_543 : vector<16xf32>
    %add3A_557 = arith.addf %add3A_451, %mul3A_556 : vector<16xf32>
    %add3A_558 = arith.addf %add3A_452, %select_n3A_543 : vector<16xf32>
    %add3A_559 = arith.addf %add3A_453, %add3A_555 : vector<16xf32>
    %get3A_560 = arith.constant 1 : i32
    %get3A_561 = arith.constant 0 : i32
    %get3A_562 = arith.index_cast %get3A_560 : i32 to index
    %get3A_563 = arith.index_cast %get3A_561 : i32 to index
    %get3A_564 = arith.constant 16 : index
    %get3A_565 = tpu.vector_load %arg7[%get3A_562, %get3A_563, %get3A_564] {strides = array<i32>} : memref<8x4x64xf32, #tpu.memory_space<vmem>>, vector<16xf32>,
    %get3A_566 = arith.constant 1 : i32
    %get3A_567 = arith.constant 1 : i32
    %get3A_568 = arith.index_cast %get3A_566 : i32 to index
    %get3A_569 = arith.index_cast %get3A_567 : i32 to index
    %get3A_570 = arith.constant 16 : index
    %get3A_571 = tpu.vector_load %arg7[%get3A_568, %get3A_569, %get3A_570] {strides = array<i32>} : memref<8x4x64xf32, #tpu.memory_space<vmem>>, vector<16xf32>,
    %get3A_572 = arith.constant 1 : i32
    %get3A_573 = arith.constant 2 : i32
    %get3A_574 = arith.index_cast %get3A_572 : i32 to index
    %get3A_575 = arith.index_cast %get3A_573 : i32 to index
    %get3A_576 = arith.constant 16 : index
    %get3A_577 = tpu.vector_load %arg7[%get3A_574, %get3A_575, %get3A_576] {strides = array<i32>} : memref<8x4x64xf32, #tpu.memory_space<vmem>>, vector<16xf32>,
    %get3A_578 = arith.constant 1 : i32
    %get3A_579 = arith.constant 3 : i32
    %get3A_580 = arith.index_cast %get3A_578 : i32 to index
    %get3A_581 = arith.index_cast %get3A_579 : i32 to index
    %get3A_582 = arith.constant 16 : index
    %get3A_583 = tpu.vector_load %arg7[%get3A_580, %get3A_581, %get3A_582] {strides = array<i32>} : memref<8x4x64xf32, #tpu.memory_space<vmem>>, vector<16xf32>,
    %bitcast3A_584 = vector.bitcast %get3A_571 : vector<16xf32> to vector<16xi32>
    %shift_right_logical3A_585 = arith.constant 23 : i32
    %shift_right_logical3A_586 = vector.broadcast %shift_right_logical3A_585 : i32 to vector<16xi32>
    %shift_right_logical3A_587 = arith.shrui %bitcast3A_584, %shift_right_logical3A_586 : vector<16xi32>
    %sub3A_588 = arith.constant 127 : i32
    %sub3A_589 = vector.broadcast %sub3A_588 : i32 to vector<16xi32>
    %sub3A_590 = arith.subi %shift_right_logical3A_587, %sub3A_589 : vector<16xi32>
    %and3A_591 = arith.constant 8388607 : i32
    %and3A_592 = vector.broadcast %and3A_591 : i32 to vector<16xi32>
    %and3A_593 = arith.andi %bitcast3A_584, %and3A_592 : vector<16xi32>
    %or3A_594 = arith.constant 1065353216 : i32
    %or3A_595 = vector.broadcast %or3A_594 : i32 to vector<16xi32>
    %or3A_596 = arith.ori %and3A_593, %or3A_595 : vector<16xi32>
    %bitcast3A_597 = vector.bitcast %or3A_596 : vector<16xi32> to vector<16xf32>
    %broadcast_in_dim3A_598 = arith.constant -0.02482583 : f32
    %broadcast_in_dim3A_599 = vector.broadcast %broadcast_in_dim3A_598 : f32 to vector<16xf32>
    %mul3A_600 = arith.mulf %broadcast_in_dim3A_599, %bitcast3A_597 : vector<16xf32>
    %add3A_601 = arith.constant 0.266860753 : f32
    %add3A_602 = vector.broadcast %add3A_601 : f32 to vector<16xf32>
    %add3A_603 = arith.addf %mul3A_600, %add3A_602 : vector<16xf32>
    %mul3A_604 = arith.mulf %add3A_603, %bitcast3A_597 : vector<16xf32>
    %add3A_605 = arith.constant -1.23427022 : f32
    %add3A_606 = vector.broadcast %add3A_605 : f32 to vector<16xf32>
    %add3A_607 = arith.addf %mul3A_604, %add3A_606 : vector<16xf32>
    %mul3A_608 = arith.mulf %add3A_607, %bitcast3A_597 : vector<16xf32>
    %add3A_609 = arith.constant 3.21884608 : f32
    %add3A_610 = vector.broadcast %add3A_609 : f32 to vector<16xf32>
    %add3A_611 = arith.addf %mul3A_608, %add3A_610 : vector<16xf32>
    %mul3A_612 = arith.mulf %add3A_611, %bitcast3A_597 : vector<16xf32>
    %add3A_613 = arith.constant -5.26412487 : f32
    %add3A_614 = vector.broadcast %add3A_613 : f32 to vector<16xf32>
    %add3A_615 = arith.addf %mul3A_612, %add3A_614 : vector<16xf32>
    %mul3A_616 = arith.mulf %add3A_615, %bitcast3A_597 : vector<16xf32>
    %add3A_617 = arith.constant 6.06583834 : f32
    %add3A_618 = vector.broadcast %add3A_617 : f32 to vector<16xf32>
    %add3A_619 = arith.addf %mul3A_616, %add3A_618 : vector<16xf32>
    %mul3A_620 = arith.mulf %add3A_619, %bitcast3A_597 : vector<16xf32>
    %add3A_621 = arith.constant -3.02831936 : f32
    %add3A_622 = vector.broadcast %add3A_621 : f32 to vector<16xf32>
    %add3A_623 = arith.addf %mul3A_620, %add3A_622 : vector<16xf32>
    %convert_element_type3A_624 = arith.sitofp %sub3A_590 : vector<16xi32> to vector<16xf32>
    %add3A_625 = arith.addf %convert_element_type3A_624, %add3A_623 : vector<16xf32>
    %mul3A_626 = arith.constant 0.693147182 : f32
    %mul3A_627 = vector.broadcast %mul3A_626 : f32 to vector<16xf32>
    %mul3A_628 = arith.mulf %add3A_625, %mul3A_627 : vector<16xf32>
    %add3A_629 = arith.addf %get3A_565, %mul3A_628 : vector<16xf32>
    %sub3A_630 = arith.subf %get3A_583, %add3A_629 : vector<16xf32>
    %exp3A_631 = math.exp %sub3A_630 : vector<16xf32>
    %max3A_632 = arith.constant 9.99999993E-9 : f32
    %max3A_633 = vector.broadcast %max3A_632 : f32 to vector<16xf32>
    %max3A_634 = arith.maximumf %exp3A_631, %max3A_633 : vector<16xf32>
    %min3A_635 = arith.constant 1.000000e+00 : f32
    %min3A_636 = vector.broadcast %min3A_635 : f32 to vector<16xf32>
    %min3A_637 = arith.minimumf %max3A_634, %min3A_636 : vector<16xf32>
    %get3A_638 = arith.constant 80 : index
    %get3A_639 = tpu.vector_load %arg6[%get3A_638] {strides = array<i32>} : memref<512xi32, #tpu.memory_space<vmem>>, vector<16xi32>,
    %gather3A_640 = tpu.vector_load_idx %arg8[%get3A_639] : memref<1024xf32, #tpu.memory_space<vmem>>[vector<16xi32>], vector<16xf32>,
    %mul3A_641 = arith.constant 1.638400e+04 : f32
    %mul3A_642 = vector.broadcast %mul3A_641 : f32 to vector<16xf32>
    %mul3A_643 = arith.mulf %min3A_637, %mul3A_642 : vector<16xf32>
    %ge3A_644 = arith.cmpf oge, %mul3A_643, %gather3A_640 : vector<16xf32>
    %jit3A_645 = arith.constant 1.000000e+00 : f32
    %jit3A_646 = arith.constant 0.000000e+00 : f32
    %broadcast_in_dim3A_647 = vector.broadcast %jit3A_645 : f32 to vector<16xf32>
    %broadcast_in_dim3A_648 = vector.broadcast %jit3A_646 : f32 to vector<16xf32>
    %select_n3A_649 = arith.select %ge3A_644, %broadcast_in_dim3A_647, %broadcast_in_dim3A_648 : vector<16xi1>, vector<16xf32>
    %mul3A_650 = arith.constant 1.000000e+03 : f32
    %mul3A_651 = vector.broadcast %mul3A_650 : f32 to vector<16xf32>
    %mul3A_652 = arith.mulf %mul3A_651, %add3A_629 : vector<16xf32>
    %sub3A_653 = arith.subf %mul3A_652, %get3A_577 : vector<16xf32>
    %mul3A_654 = arith.constant 3.50350339E-4 : f32
    %mul3A_655 = vector.broadcast %mul3A_654 : f32 to vector<16xf32>
    %mul3A_656 = arith.mulf %mul3A_655, %sub3A_653 : vector<16xf32>
    %sub3A_657 = arith.subf %add3A_629, %get3A_583 : vector<16xf32>
    %mul3A_658 = arith.constant 0.64964962 : f32
    %mul3A_659 = vector.broadcast %mul3A_658 : f32 to vector<16xf32>
    %mul3A_660 = arith.mulf %mul3A_659, %sub3A_657 : vector<16xf32>
    %add3A_661 = arith.addf %mul3A_656, %mul3A_660 : vector<16xf32>
    %mul3A_662 = arith.mulf %add3A_661, %select_n3A_649 : vector<16xf32>
    %add3A_663 = arith.addf %add3A_557, %mul3A_662 : vector<16xf32>
    %add3A_664 = arith.addf %add3A_558, %select_n3A_649 : vector<16xf32>
    %add3A_665 = arith.addf %add3A_559, %add3A_661 : vector<16xf32>
    %get3A_666 = arith.constant 1 : i32
    %get3A_667 = arith.constant 0 : i32
    %get3A_668 = arith.index_cast %get3A_666 : i32 to index
    %get3A_669 = arith.index_cast %get3A_667 : i32 to index
    %get3A_670 = arith.constant 32 : index
    %get3A_671 = tpu.vector_load %arg7[%get3A_668, %get3A_669, %get3A_670] {strides = array<i32>} : memref<8x4x64xf32, #tpu.memory_space<vmem>>, vector<16xf32>,
    %get3A_672 = arith.constant 1 : i32
    %get3A_673 = arith.constant 1 : i32
    %get3A_674 = arith.index_cast %get3A_672 : i32 to index
    %get3A_675 = arith.index_cast %get3A_673 : i32 to index
    %get3A_676 = arith.constant 32 : index
    %get3A_677 = tpu.vector_load %arg7[%get3A_674, %get3A_675, %get3A_676] {strides = array<i32>} : memref<8x4x64xf32, #tpu.memory_space<vmem>>, vector<16xf32>,
    %get3A_678 = arith.constant 1 : i32
    %get3A_679 = arith.constant 2 : i32
    %get3A_680 = arith.index_cast %get3A_678 : i32 to index
    %get3A_681 = arith.index_cast %get3A_679 : i32 to index
    %get3A_682 = arith.constant 32 : index
    %get3A_683 = tpu.vector_load %arg7[%get3A_680, %get3A_681, %get3A_682] {strides = array<i32>} : memref<8x4x64xf32, #tpu.memory_space<vmem>>, vector<16xf32>,
    %get3A_684 = arith.constant 1 : i32
    %get3A_685 = arith.constant 3 : i32
    %get3A_686 = arith.index_cast %get3A_684 : i32 to index
    %get3A_687 = arith.index_cast %get3A_685 : i32 to index
    %get3A_688 = arith.constant 32 : index
    %get3A_689 = tpu.vector_load %arg7[%get3A_686, %get3A_687, %get3A_688] {strides = array<i32>} : memref<8x4x64xf32, #tpu.memory_space<vmem>>, vector<16xf32>,
    %bitcast3A_690 = vector.bitcast %get3A_677 : vector<16xf32> to vector<16xi32>
    %shift_right_logical3A_691 = arith.constant 23 : i32
    %shift_right_logical3A_692 = vector.broadcast %shift_right_logical3A_691 : i32 to vector<16xi32>
    %shift_right_logical3A_693 = arith.shrui %bitcast3A_690, %shift_right_logical3A_692 : vector<16xi32>
    %sub3A_694 = arith.constant 127 : i32
    %sub3A_695 = vector.broadcast %sub3A_694 : i32 to vector<16xi32>
    %sub3A_696 = arith.subi %shift_right_logical3A_693, %sub3A_695 : vector<16xi32>
    %and3A_697 = arith.constant 8388607 : i32
    %and3A_698 = vector.broadcast %and3A_697 : i32 to vector<16xi32>
    %and3A_699 = arith.andi %bitcast3A_690, %and3A_698 : vector<16xi32>
    %or3A_700 = arith.constant 1065353216 : i32
    %or3A_701 = vector.broadcast %or3A_700 : i32 to vector<16xi32>
    %or3A_702 = arith.ori %and3A_699, %or3A_701 : vector<16xi32>
    %bitcast3A_703 = vector.bitcast %or3A_702 : vector<16xi32> to vector<16xf32>
    %broadcast_in_dim3A_704 = arith.constant -0.02482583 : f32
    %broadcast_in_dim3A_705 = vector.broadcast %broadcast_in_dim3A_704 : f32 to vector<16xf32>
    %mul3A_706 = arith.mulf %broadcast_in_dim3A_705, %bitcast3A_703 : vector<16xf32>
    %add3A_707 = arith.constant 0.266860753 : f32
    %add3A_708 = vector.broadcast %add3A_707 : f32 to vector<16xf32>
    %add3A_709 = arith.addf %mul3A_706, %add3A_708 : vector<16xf32>
    %mul3A_710 = arith.mulf %add3A_709, %bitcast3A_703 : vector<16xf32>
    %add3A_711 = arith.constant -1.23427022 : f32
    %add3A_712 = vector.broadcast %add3A_711 : f32 to vector<16xf32>
    %add3A_713 = arith.addf %mul3A_710, %add3A_712 : vector<16xf32>
    %mul3A_714 = arith.mulf %add3A_713, %bitcast3A_703 : vector<16xf32>
    %add3A_715 = arith.constant 3.21884608 : f32
    %add3A_716 = vector.broadcast %add3A_715 : f32 to vector<16xf32>
    %add3A_717 = arith.addf %mul3A_714, %add3A_716 : vector<16xf32>
    %mul3A_718 = arith.mulf %add3A_717, %bitcast3A_703 : vector<16xf32>
    %add3A_719 = arith.constant -5.26412487 : f32
    %add3A_720 = vector.broadcast %add3A_719 : f32 to vector<16xf32>
    %add3A_721 = arith.addf %mul3A_718, %add3A_720 : vector<16xf32>
    %mul3A_722 = arith.mulf %add3A_721, %bitcast3A_703 : vector<16xf32>
    %add3A_723 = arith.constant 6.06583834 : f32
    %add3A_724 = vector.broadcast %add3A_723 : f32 to vector<16xf32>
    %add3A_725 = arith.addf %mul3A_722, %add3A_724 : vector<16xf32>
    %mul3A_726 = arith.mulf %add3A_725, %bitcast3A_703 : vector<16xf32>
    %add3A_727 = arith.constant -3.02831936 : f32
    %add3A_728 = vector.broadcast %add3A_727 : f32 to vector<16xf32>
    %add3A_729 = arith.addf %mul3A_726, %add3A_728 : vector<16xf32>
    %convert_element_type3A_730 = arith.sitofp %sub3A_696 : vector<16xi32> to vector<16xf32>
    %add3A_731 = arith.addf %convert_element_type3A_730, %add3A_729 : vector<16xf32>
    %mul3A_732 = arith.constant 0.693147182 : f32
    %mul3A_733 = vector.broadcast %mul3A_732 : f32 to vector<16xf32>
    %mul3A_734 = arith.mulf %add3A_731, %mul3A_733 : vector<16xf32>
    %add3A_735 = arith.addf %get3A_671, %mul3A_734 : vector<16xf32>
    %sub3A_736 = arith.subf %get3A_689, %add3A_735 : vector<16xf32>
    %exp3A_737 = math.exp %sub3A_736 : vector<16xf32>
    %max3A_738 = arith.constant 9.99999993E-9 : f32
    %max3A_739 = vector.broadcast %max3A_738 : f32 to vector<16xf32>
    %max3A_740 = arith.maximumf %exp3A_737, %max3A_739 : vector<16xf32>
    %min3A_741 = arith.constant 1.000000e+00 : f32
    %min3A_742 = vector.broadcast %min3A_741 : f32 to vector<16xf32>
    %min3A_743 = arith.minimumf %max3A_740, %min3A_742 : vector<16xf32>
    %get3A_744 = arith.constant 96 : index
    %get3A_745 = tpu.vector_load %arg6[%get3A_744] {strides = array<i32>} : memref<512xi32, #tpu.memory_space<vmem>>, vector<16xi32>,
    %gather3A_746 = tpu.vector_load_idx %arg8[%get3A_745] : memref<1024xf32, #tpu.memory_space<vmem>>[vector<16xi32>], vector<16xf32>,
    %mul3A_747 = arith.constant 1.638400e+04 : f32
    %mul3A_748 = vector.broadcast %mul3A_747 : f32 to vector<16xf32>
    %mul3A_749 = arith.mulf %min3A_743, %mul3A_748 : vector<16xf32>
    %ge3A_750 = arith.cmpf oge, %mul3A_749, %gather3A_746 : vector<16xf32>
    %jit3A_751 = arith.constant 1.000000e+00 : f32
    %jit3A_752 = arith.constant 0.000000e+00 : f32
    %broadcast_in_dim3A_753 = vector.broadcast %jit3A_751 : f32 to vector<16xf32>
    %broadcast_in_dim3A_754 = vector.broadcast %jit3A_752 : f32 to vector<16xf32>
    %select_n3A_755 = arith.select %ge3A_750, %broadcast_in_dim3A_753, %broadcast_in_dim3A_754 : vector<16xi1>, vector<16xf32>
    %mul3A_756 = arith.constant 1.000000e+03 : f32
    %mul3A_757 = vector.broadcast %mul3A_756 : f32 to vector<16xf32>
    %mul3A_758 = arith.mulf %mul3A_757, %add3A_735 : vector<16xf32>
    %sub3A_759 = arith.subf %mul3A_758, %get3A_683 : vector<16xf32>
    %mul3A_760 = arith.constant 3.50350339E-4 : f32
    %mul3A_761 = vector.broadcast %mul3A_760 : f32 to vector<16xf32>
    %mul3A_762 = arith.mulf %mul3A_761, %sub3A_759 : vector<16xf32>
    %sub3A_763 = arith.subf %add3A_735, %get3A_689 : vector<16xf32>
    %mul3A_764 = arith.constant 0.64964962 : f32
    %mul3A_765 = vector.broadcast %mul3A_764 : f32 to vector<16xf32>
    %mul3A_766 = arith.mulf %mul3A_765, %sub3A_763 : vector<16xf32>
    %add3A_767 = arith.addf %mul3A_762, %mul3A_766 : vector<16xf32>
    %mul3A_768 = arith.mulf %add3A_767, %select_n3A_755 : vector<16xf32>
    %add3A_769 = arith.addf %add3A_663, %mul3A_768 : vector<16xf32>
    %add3A_770 = arith.addf %add3A_664, %select_n3A_755 : vector<16xf32>
    %add3A_771 = arith.addf %add3A_665, %add3A_767 : vector<16xf32>
    %get3A_772 = arith.constant 1 : i32
    %get3A_773 = arith.constant 0 : i32
    %get3A_774 = arith.index_cast %get3A_772 : i32 to index
    %get3A_775 = arith.index_cast %get3A_773 : i32 to index
    %get3A_776 = arith.constant 48 : index
    %get3A_777 = tpu.vector_load %arg7[%get3A_774, %get3A_775, %get3A_776] {strides = array<i32>} : memref<8x4x64xf32, #tpu.memory_space<vmem>>, vector<16xf32>,
    %get3A_778 = arith.constant 1 : i32
    %get3A_779 = arith.constant 1 : i32
    %get3A_780 = arith.index_cast %get3A_778 : i32 to index
    %get3A_781 = arith.index_cast %get3A_779 : i32 to index
    %get3A_782 = arith.constant 48 : index
    %get3A_783 = tpu.vector_load %arg7[%get3A_780, %get3A_781, %get3A_782] {strides = array<i32>} : memref<8x4x64xf32, #tpu.memory_space<vmem>>, vector<16xf32>,
    %get3A_784 = arith.constant 1 : i32
    %get3A_785 = arith.constant 2 : i32
    %get3A_786 = arith.index_cast %get3A_784 : i32 to index
    %get3A_787 = arith.index_cast %get3A_785 : i32 to index
    %get3A_788 = arith.constant 48 : index
    %get3A_789 = tpu.vector_load %arg7[%get3A_786, %get3A_787, %get3A_788] {strides = array<i32>} : memref<8x4x64xf32, #tpu.memory_space<vmem>>, vector<16xf32>,
    %get3A_790 = arith.constant 1 : i32
    %get3A_791 = arith.constant 3 : i32
    %get3A_792 = arith.index_cast %get3A_790 : i32 to index
    %get3A_793 = arith.index_cast %get3A_791 : i32 to index
    %get3A_794 = arith.constant 48 : index
    %get3A_795 = tpu.vector_load %arg7[%get3A_792, %get3A_793, %get3A_794] {strides = array<i32>} : memref<8x4x64xf32, #tpu.memory_space<vmem>>, vector<16xf32>,
    %bitcast3A_796 = vector.bitcast %get3A_783 : vector<16xf32> to vector<16xi32>
    %shift_right_logical3A_797 = arith.constant 23 : i32
    %shift_right_logical3A_798 = vector.broadcast %shift_right_logical3A_797 : i32 to vector<16xi32>
    %shift_right_logical3A_799 = arith.shrui %bitcast3A_796, %shift_right_logical3A_798 : vector<16xi32>
    %sub3A_800 = arith.constant 127 : i32
    %sub3A_801 = vector.broadcast %sub3A_800 : i32 to vector<16xi32>
    %sub3A_802 = arith.subi %shift_right_logical3A_799, %sub3A_801 : vector<16xi32>
    %and3A_803 = arith.constant 8388607 : i32
    %and3A_804 = vector.broadcast %and3A_803 : i32 to vector<16xi32>
    %and3A_805 = arith.andi %bitcast3A_796, %and3A_804 : vector<16xi32>
    %or3A_806 = arith.constant 1065353216 : i32
    %or3A_807 = vector.broadcast %or3A_806 : i32 to vector<16xi32>
    %or3A_808 = arith.ori %and3A_805, %or3A_807 : vector<16xi32>
    %bitcast3A_809 = vector.bitcast %or3A_808 : vector<16xi32> to vector<16xf32>
    %broadcast_in_dim3A_810 = arith.constant -0.02482583 : f32
    %broadcast_in_dim3A_811 = vector.broadcast %broadcast_in_dim3A_810 : f32 to vector<16xf32>
    %mul3A_812 = arith.mulf %broadcast_in_dim3A_811, %bitcast3A_809 : vector<16xf32>
    %add3A_813 = arith.constant 0.266860753 : f32
    %add3A_814 = vector.broadcast %add3A_813 : f32 to vector<16xf32>
    %add3A_815 = arith.addf %mul3A_812, %add3A_814 : vector<16xf32>
    %mul3A_816 = arith.mulf %add3A_815, %bitcast3A_809 : vector<16xf32>
    %add3A_817 = arith.constant -1.23427022 : f32
    %add3A_818 = vector.broadcast %add3A_817 : f32 to vector<16xf32>
    %add3A_819 = arith.addf %mul3A_816, %add3A_818 : vector<16xf32>
    %mul3A_820 = arith.mulf %add3A_819, %bitcast3A_809 : vector<16xf32>
    %add3A_821 = arith.constant 3.21884608 : f32
    %add3A_822 = vector.broadcast %add3A_821 : f32 to vector<16xf32>
    %add3A_823 = arith.addf %mul3A_820, %add3A_822 : vector<16xf32>
    %mul3A_824 = arith.mulf %add3A_823, %bitcast3A_809 : vector<16xf32>
    %add3A_825 = arith.constant -5.26412487 : f32
    %add3A_826 = vector.broadcast %add3A_825 : f32 to vector<16xf32>
    %add3A_827 = arith.addf %mul3A_824, %add3A_826 : vector<16xf32>
    %mul3A_828 = arith.mulf %add3A_827, %bitcast3A_809 : vector<16xf32>
    %add3A_829 = arith.constant 6.06583834 : f32
    %add3A_830 = vector.broadcast %add3A_829 : f32 to vector<16xf32>
    %add3A_831 = arith.addf %mul3A_828, %add3A_830 : vector<16xf32>
    %mul3A_832 = arith.mulf %add3A_831, %bitcast3A_809 : vector<16xf32>
    %add3A_833 = arith.constant -3.02831936 : f32
    %add3A_834 = vector.broadcast %add3A_833 : f32 to vector<16xf32>
    %add3A_835 = arith.addf %mul3A_832, %add3A_834 : vector<16xf32>
    %convert_element_type3A_836 = arith.sitofp %sub3A_802 : vector<16xi32> to vector<16xf32>
    %add3A_837 = arith.addf %convert_element_type3A_836, %add3A_835 : vector<16xf32>
    %mul3A_838 = arith.constant 0.693147182 : f32
    %mul3A_839 = vector.broadcast %mul3A_838 : f32 to vector<16xf32>
    %mul3A_840 = arith.mulf %add3A_837, %mul3A_839 : vector<16xf32>
    %add3A_841 = arith.addf %get3A_777, %mul3A_840 : vector<16xf32>
    %sub3A_842 = arith.subf %get3A_795, %add3A_841 : vector<16xf32>
    %exp3A_843 = math.exp %sub3A_842 : vector<16xf32>
    %max3A_844 = arith.constant 9.99999993E-9 : f32
    %max3A_845 = vector.broadcast %max3A_844 : f32 to vector<16xf32>
    %max3A_846 = arith.maximumf %exp3A_843, %max3A_845 : vector<16xf32>
    %min3A_847 = arith.constant 1.000000e+00 : f32
    %min3A_848 = vector.broadcast %min3A_847 : f32 to vector<16xf32>
    %min3A_849 = arith.minimumf %max3A_846, %min3A_848 : vector<16xf32>
    %get3A_850 = arith.constant 112 : index
    %get3A_851 = tpu.vector_load %arg6[%get3A_850] {strides = array<i32>} : memref<512xi32, #tpu.memory_space<vmem>>, vector<16xi32>,
    %gather3A_852 = tpu.vector_load_idx %arg8[%get3A_851] : memref<1024xf32, #tpu.memory_space<vmem>>[vector<16xi32>], vector<16xf32>,
    %mul3A_853 = arith.constant 1.638400e+04 : f32
    %mul3A_854 = vector.broadcast %mul3A_853 : f32 to vector<16xf32>
    %mul3A_855 = arith.mulf %min3A_849, %mul3A_854 : vector<16xf32>
    %ge3A_856 = arith.cmpf oge, %mul3A_855, %gather3A_852 : vector<16xf32>
    %jit3A_857 = arith.constant 1.000000e+00 : f32
    %jit3A_858 = arith.constant 0.000000e+00 : f32
    %broadcast_in_dim3A_859 = vector.broadcast %jit3A_857 : f32 to vector<16xf32>
    %broadcast_in_dim3A_860 = vector.broadcast %jit3A_858 : f32 to vector<16xf32>
    %select_n3A_861 = arith.select %ge3A_856, %broadcast_in_dim3A_859, %broadcast_in_dim3A_860 : vector<16xi1>, vector<16xf32>
    %mul3A_862 = arith.constant 1.000000e+03 : f32
    %mul3A_863 = vector.broadcast %mul3A_862 : f32 to vector<16xf32>
    %mul3A_864 = arith.mulf %mul3A_863, %add3A_841 : vector<16xf32>
    %sub3A_865 = arith.subf %mul3A_864, %get3A_789 : vector<16xf32>
    %mul3A_866 = arith.constant 3.50350339E-4 : f32
    %mul3A_867 = vector.broadcast %mul3A_866 : f32 to vector<16xf32>
    %mul3A_868 = arith.mulf %mul3A_867, %sub3A_865 : vector<16xf32>
    %sub3A_869 = arith.subf %add3A_841, %get3A_795 : vector<16xf32>
    %mul3A_870 = arith.constant 0.64964962 : f32
    %mul3A_871 = vector.broadcast %mul3A_870 : f32 to vector<16xf32>
    %mul3A_872 = arith.mulf %mul3A_871, %sub3A_869 : vector<16xf32>
    %add3A_873 = arith.addf %mul3A_868, %mul3A_872 : vector<16xf32>
    %mul3A_874 = arith.mulf %add3A_873, %select_n3A_861 : vector<16xf32>
    %add3A_875 = arith.addf %add3A_769, %mul3A_874 : vector<16xf32>
    %add3A_876 = arith.addf %add3A_770, %select_n3A_861 : vector<16xf32>
    %add3A_877 = arith.addf %add3A_771, %add3A_873 : vector<16xf32>
    %get3A_878 = arith.constant 2 : i32
    %get3A_879 = arith.constant 0 : i32
    %get3A_880 = arith.index_cast %get3A_878 : i32 to index
    %get3A_881 = arith.index_cast %get3A_879 : i32 to index
    %get3A_882 = arith.constant 0 : index
    %get3A_883 = tpu.vector_load %arg7[%get3A_880, %get3A_881, %get3A_882] {strides = array<i32>} : memref<8x4x64xf32, #tpu.memory_space<vmem>>, vector<16xf32>,
    %get3A_884 = arith.constant 2 : i32
    %get3A_885 = arith.constant 1 : i32
    %get3A_886 = arith.index_cast %get3A_884 : i32 to index
    %get3A_887 = arith.index_cast %get3A_885 : i32 to index
    %get3A_888 = arith.constant 0 : index
    %get3A_889 = tpu.vector_load %arg7[%get3A_886, %get3A_887, %get3A_888] {strides = array<i32>} : memref<8x4x64xf32, #tpu.memory_space<vmem>>, vector<16xf32>,
    %get3A_890 = arith.constant 2 : i32
    %get3A_891 = arith.constant 2 : i32
    %get3A_892 = arith.index_cast %get3A_890 : i32 to index
    %get3A_893 = arith.index_cast %get3A_891 : i32 to index
    %get3A_894 = arith.constant 0 : index
    %get3A_895 = tpu.vector_load %arg7[%get3A_892, %get3A_893, %get3A_894] {strides = array<i32>} : memref<8x4x64xf32, #tpu.memory_space<vmem>>, vector<16xf32>,
    %get3A_896 = arith.constant 2 : i32
    %get3A_897 = arith.constant 3 : i32
    %get3A_898 = arith.index_cast %get3A_896 : i32 to index
    %get3A_899 = arith.index_cast %get3A_897 : i32 to index
    %get3A_900 = arith.constant 0 : index
    %get3A_901 = tpu.vector_load %arg7[%get3A_898, %get3A_899, %get3A_900] {strides = array<i32>} : memref<8x4x64xf32, #tpu.memory_space<vmem>>, vector<16xf32>,
    %bitcast3A_902 = vector.bitcast %get3A_889 : vector<16xf32> to vector<16xi32>
    %shift_right_logical3A_903 = arith.constant 23 : i32
    %shift_right_logical3A_904 = vector.broadcast %shift_right_logical3A_903 : i32 to vector<16xi32>
    %shift_right_logical3A_905 = arith.shrui %bitcast3A_902, %shift_right_logical3A_904 : vector<16xi32>
    %sub3A_906 = arith.constant 127 : i32
    %sub3A_907 = vector.broadcast %sub3A_906 : i32 to vector<16xi32>
    %sub3A_908 = arith.subi %shift_right_logical3A_905, %sub3A_907 : vector<16xi32>
    %and3A_909 = arith.constant 8388607 : i32
    %and3A_910 = vector.broadcast %and3A_909 : i32 to vector<16xi32>
    %and3A_911 = arith.andi %bitcast3A_902, %and3A_910 : vector<16xi32>
    %or3A_912 = arith.constant 1065353216 : i32
    %or3A_913 = vector.broadcast %or3A_912 : i32 to vector<16xi32>
    %or3A_914 = arith.ori %and3A_911, %or3A_913 : vector<16xi32>
    %bitcast3A_915 = vector.bitcast %or3A_914 : vector<16xi32> to vector<16xf32>
    %broadcast_in_dim3A_916 = arith.constant -0.02482583 : f32
    %broadcast_in_dim3A_917 = vector.broadcast %broadcast_in_dim3A_916 : f32 to vector<16xf32>
    %mul3A_918 = arith.mulf %broadcast_in_dim3A_917, %bitcast3A_915 : vector<16xf32>
    %add3A_919 = arith.constant 0.266860753 : f32
    %add3A_920 = vector.broadcast %add3A_919 : f32 to vector<16xf32>
    %add3A_921 = arith.addf %mul3A_918, %add3A_920 : vector<16xf32>
    %mul3A_922 = arith.mulf %add3A_921, %bitcast3A_915 : vector<16xf32>
    %add3A_923 = arith.constant -1.23427022 : f32
    %add3A_924 = vector.broadcast %add3A_923 : f32 to vector<16xf32>
    %add3A_925 = arith.addf %mul3A_922, %add3A_924 : vector<16xf32>
    %mul3A_926 = arith.mulf %add3A_925, %bitcast3A_915 : vector<16xf32>
    %add3A_927 = arith.constant 3.21884608 : f32
    %add3A_928 = vector.broadcast %add3A_927 : f32 to vector<16xf32>
    %add3A_929 = arith.addf %mul3A_926, %add3A_928 : vector<16xf32>
    %mul3A_930 = arith.mulf %add3A_929, %bitcast3A_915 : vector<16xf32>
    %add3A_931 = arith.constant -5.26412487 : f32
    %add3A_932 = vector.broadcast %add3A_931 : f32 to vector<16xf32>
    %add3A_933 = arith.addf %mul3A_930, %add3A_932 : vector<16xf32>
    %mul3A_934 = arith.mulf %add3A_933, %bitcast3A_915 : vector<16xf32>
    %add3A_935 = arith.constant 6.06583834 : f32
    %add3A_936 = vector.broadcast %add3A_935 : f32 to vector<16xf32>
    %add3A_937 = arith.addf %mul3A_934, %add3A_936 : vector<16xf32>
    %mul3A_938 = arith.mulf %add3A_937, %bitcast3A_915 : vector<16xf32>
    %add3A_939 = arith.constant -3.02831936 : f32
    %add3A_940 = vector.broadcast %add3A_939 : f32 to vector<16xf32>
    %add3A_941 = arith.addf %mul3A_938, %add3A_940 : vector<16xf32>
    %convert_element_type3A_942 = arith.sitofp %sub3A_908 : vector<16xi32> to vector<16xf32>
    %add3A_943 = arith.addf %convert_element_type3A_942, %add3A_941 : vector<16xf32>
    %mul3A_944 = arith.constant 0.693147182 : f32
    %mul3A_945 = vector.broadcast %mul3A_944 : f32 to vector<16xf32>
    %mul3A_946 = arith.mulf %add3A_943, %mul3A_945 : vector<16xf32>
    %add3A_947 = arith.addf %get3A_883, %mul3A_946 : vector<16xf32>
    %sub3A_948 = arith.subf %get3A_901, %add3A_947 : vector<16xf32>
    %exp3A_949 = math.exp %sub3A_948 : vector<16xf32>
    %max3A_950 = arith.constant 9.99999993E-9 : f32
    %max3A_951 = vector.broadcast %max3A_950 : f32 to vector<16xf32>
    %max3A_952 = arith.maximumf %exp3A_949, %max3A_951 : vector<16xf32>
    %min3A_953 = arith.constant 1.000000e+00 : f32
    %min3A_954 = vector.broadcast %min3A_953 : f32 to vector<16xf32>
    %min3A_955 = arith.minimumf %max3A_952, %min3A_954 : vector<16xf32>
    %get3A_956 = arith.constant 128 : index
    %get3A_957 = tpu.vector_load %arg6[%get3A_956] {strides = array<i32>} : memref<512xi32, #tpu.memory_space<vmem>>, vector<16xi32>,
    %gather3A_958 = tpu.vector_load_idx %arg8[%get3A_957] : memref<1024xf32, #tpu.memory_space<vmem>>[vector<16xi32>], vector<16xf32>,
    %mul3A_959 = arith.constant 1.638400e+04 : f32
    %mul3A_960 = vector.broadcast %mul3A_959 : f32 to vector<16xf32>
    %mul3A_961 = arith.mulf %min3A_955, %mul3A_960 : vector<16xf32>
    %ge3A_962 = arith.cmpf oge, %mul3A_961, %gather3A_958 : vector<16xf32>
    %jit3A_963 = arith.constant 1.000000e+00 : f32
    %jit3A_964 = arith.constant 0.000000e+00 : f32
    %broadcast_in_dim3A_965 = vector.broadcast %jit3A_963 : f32 to vector<16xf32>
    %broadcast_in_dim3A_966 = vector.broadcast %jit3A_964 : f32 to vector<16xf32>
    %select_n3A_967 = arith.select %ge3A_962, %broadcast_in_dim3A_965, %broadcast_in_dim3A_966 : vector<16xi1>, vector<16xf32>
    %mul3A_968 = arith.constant 1.000000e+03 : f32
    %mul3A_969 = vector.broadcast %mul3A_968 : f32 to vector<16xf32>
    %mul3A_970 = arith.mulf %mul3A_969, %add3A_947 : vector<16xf32>
    %sub3A_971 = arith.subf %mul3A_970, %get3A_895 : vector<16xf32>
    %mul3A_972 = arith.constant 3.50350339E-4 : f32
    %mul3A_973 = vector.broadcast %mul3A_972 : f32 to vector<16xf32>
    %mul3A_974 = arith.mulf %mul3A_973, %sub3A_971 : vector<16xf32>
    %sub3A_975 = arith.subf %add3A_947, %get3A_901 : vector<16xf32>
    %mul3A_976 = arith.constant 0.64964962 : f32
    %mul3A_977 = vector.broadcast %mul3A_976 : f32 to vector<16xf32>
    %mul3A_978 = arith.mulf %mul3A_977, %sub3A_975 : vector<16xf32>
    %add3A_979 = arith.addf %mul3A_974, %mul3A_978 : vector<16xf32>
    %mul3A_980 = arith.mulf %add3A_979, %select_n3A_967 : vector<16xf32>
    %add3A_981 = arith.addf %add3A_875, %mul3A_980 : vector<16xf32>
    %add3A_982 = arith.addf %add3A_876, %select_n3A_967 : vector<16xf32>
    %add3A_983 = arith.addf %add3A_877, %add3A_979 : vector<16xf32>
    %get3A_984 = arith.constant 2 : i32
    %get3A_985 = arith.constant 0 : i32
    %get3A_986 = arith.index_cast %get3A_984 : i32 to index
    %get3A_987 = arith.index_cast %get3A_985 : i32 to index
    %get3A_988 = arith.constant 16 : index
    %get3A_989 = tpu.vector_load %arg7[%get3A_986, %get3A_987, %get3A_988] {strides = array<i32>} : memref<8x4x64xf32, #tpu.memory_space<vmem>>, vector<16xf32>,
    %get3A_990 = arith.constant 2 : i32
    %get3A_991 = arith.constant 1 : i32
    %get3A_992 = arith.index_cast %get3A_990 : i32 to index
    %get3A_993 = arith.index_cast %get3A_991 : i32 to index
    %get3A_994 = arith.constant 16 : index
    %get3A_995 = tpu.vector_load %arg7[%get3A_992, %get3A_993, %get3A_994] {strides = array<i32>} : memref<8x4x64xf32, #tpu.memory_space<vmem>>, vector<16xf32>,
    %get3A_996 = arith.constant 2 : i32
    %get3A_997 = arith.constant 2 : i32
    %get3A_998 = arith.index_cast %get3A_996 : i32 to index
    %get3A_999 = arith.index_cast %get3A_997 : i32 to index
    %get3A_1000 = arith.constant 16 : index
    %get3A_1001 = tpu.vector_load %arg7[%get3A_998, %get3A_999, %get3A_1000] {strides = array<i32>} : memref<8x4x64xf32, #tpu.memory_space<vmem>>, vector<16xf32>,
    %get3A_1002 = arith.constant 2 : i32
    %get3A_1003 = arith.constant 3 : i32
    %get3A_1004 = arith.index_cast %get3A_1002 : i32 to index
    %get3A_1005 = arith.index_cast %get3A_1003 : i32 to index
    %get3A_1006 = arith.constant 16 : index
    %get3A_1007 = tpu.vector_load %arg7[%get3A_1004, %get3A_1005, %get3A_1006] {strides = array<i32>} : memref<8x4x64xf32, #tpu.memory_space<vmem>>, vector<16xf32>,
    %bitcast3A_1008 = vector.bitcast %get3A_995 : vector<16xf32> to vector<16xi32>
    %shift_right_logical3A_1009 = arith.constant 23 : i32
    %shift_right_logical3A_1010 = vector.broadcast %shift_right_logical3A_1009 : i32 to vector<16xi32>
    %shift_right_logical3A_1011 = arith.shrui %bitcast3A_1008, %shift_right_logical3A_1010 : vector<16xi32>
    %sub3A_1012 = arith.constant 127 : i32
    %sub3A_1013 = vector.broadcast %sub3A_1012 : i32 to vector<16xi32>
    %sub3A_1014 = arith.subi %shift_right_logical3A_1011, %sub3A_1013 : vector<16xi32>
    %and3A_1015 = arith.constant 8388607 : i32
    %and3A_1016 = vector.broadcast %and3A_1015 : i32 to vector<16xi32>
    %and3A_1017 = arith.andi %bitcast3A_1008, %and3A_1016 : vector<16xi32>
    %or3A_1018 = arith.constant 1065353216 : i32
    %or3A_1019 = vector.broadcast %or3A_1018 : i32 to vector<16xi32>
    %or3A_1020 = arith.ori %and3A_1017, %or3A_1019 : vector<16xi32>
    %bitcast3A_1021 = vector.bitcast %or3A_1020 : vector<16xi32> to vector<16xf32>
    %broadcast_in_dim3A_1022 = arith.constant -0.02482583 : f32
    %broadcast_in_dim3A_1023 = vector.broadcast %broadcast_in_dim3A_1022 : f32 to vector<16xf32>
    %mul3A_1024 = arith.mulf %broadcast_in_dim3A_1023, %bitcast3A_1021 : vector<16xf32>
    %add3A_1025 = arith.constant 0.266860753 : f32
    %add3A_1026 = vector.broadcast %add3A_1025 : f32 to vector<16xf32>
    %add3A_1027 = arith.addf %mul3A_1024, %add3A_1026 : vector<16xf32>
    %mul3A_1028 = arith.mulf %add3A_1027, %bitcast3A_1021 : vector<16xf32>
    %add3A_1029 = arith.constant -1.23427022 : f32
    %add3A_1030 = vector.broadcast %add3A_1029 : f32 to vector<16xf32>
    %add3A_1031 = arith.addf %mul3A_1028, %add3A_1030 : vector<16xf32>
    %mul3A_1032 = arith.mulf %add3A_1031, %bitcast3A_1021 : vector<16xf32>
    %add3A_1033 = arith.constant 3.21884608 : f32
    %add3A_1034 = vector.broadcast %add3A_1033 : f32 to vector<16xf32>
    %add3A_1035 = arith.addf %mul3A_1032, %add3A_1034 : vector<16xf32>
    %mul3A_1036 = arith.mulf %add3A_1035, %bitcast3A_1021 : vector<16xf32>
    %add3A_1037 = arith.constant -5.26412487 : f32
    %add3A_1038 = vector.broadcast %add3A_1037 : f32 to vector<16xf32>
    %add3A_1039 = arith.addf %mul3A_1036, %add3A_1038 : vector<16xf32>
    %mul3A_1040 = arith.mulf %add3A_1039, %bitcast3A_1021 : vector<16xf32>
    %add3A_1041 = arith.constant 6.06583834 : f32
    %add3A_1042 = vector.broadcast %add3A_1041 : f32 to vector<16xf32>
    %add3A_1043 = arith.addf %mul3A_1040, %add3A_1042 : vector<16xf32>
    %mul3A_1044 = arith.mulf %add3A_1043, %bitcast3A_1021 : vector<16xf32>
    %add3A_1045 = arith.constant -3.02831936 : f32
    %add3A_1046 = vector.broadcast %add3A_1045 : f32 to vector<16xf32>
    %add3A_1047 = arith.addf %mul3A_1044, %add3A_1046 : vector<16xf32>
    %convert_element_type3A_1048 = arith.sitofp %sub3A_1014 : vector<16xi32> to vector<16xf32>
    %add3A_1049 = arith.addf %convert_element_type3A_1048, %add3A_1047 : vector<16xf32>
    %mul3A_1050 = arith.constant 0.693147182 : f32
    %mul3A_1051 = vector.broadcast %mul3A_1050 : f32 to vector<16xf32>
    %mul3A_1052 = arith.mulf %add3A_1049, %mul3A_1051 : vector<16xf32>
    %add3A_1053 = arith.addf %get3A_989, %mul3A_1052 : vector<16xf32>
    %sub3A_1054 = arith.subf %get3A_1007, %add3A_1053 : vector<16xf32>
    %exp3A_1055 = math.exp %sub3A_1054 : vector<16xf32>
    %max3A_1056 = arith.constant 9.99999993E-9 : f32
    %max3A_1057 = vector.broadcast %max3A_1056 : f32 to vector<16xf32>
    %max3A_1058 = arith.maximumf %exp3A_1055, %max3A_1057 : vector<16xf32>
    %min3A_1059 = arith.constant 1.000000e+00 : f32
    %min3A_1060 = vector.broadcast %min3A_1059 : f32 to vector<16xf32>
    %min3A_1061 = arith.minimumf %max3A_1058, %min3A_1060 : vector<16xf32>
    %get3A_1062 = arith.constant 144 : index
    %get3A_1063 = tpu.vector_load %arg6[%get3A_1062] {strides = array<i32>} : memref<512xi32, #tpu.memory_space<vmem>>, vector<16xi32>,
    %gather3A_1064 = tpu.vector_load_idx %arg8[%get3A_1063] : memref<1024xf32, #tpu.memory_space<vmem>>[vector<16xi32>], vector<16xf32>,
    %mul3A_1065 = arith.constant 1.638400e+04 : f32
    %mul3A_1066 = vector.broadcast %mul3A_1065 : f32 to vector<16xf32>
    %mul3A_1067 = arith.mulf %min3A_1061, %mul3A_1066 : vector<16xf32>
    %ge3A_1068 = arith.cmpf oge, %mul3A_1067, %gather3A_1064 : vector<16xf32>
    %jit3A_1069 = arith.constant 1.000000e+00 : f32
    %jit3A_1070 = arith.constant 0.000000e+00 : f32
    %broadcast_in_dim3A_1071 = vector.broadcast %jit3A_1069 : f32 to vector<16xf32>
    %broadcast_in_dim3A_1072 = vector.broadcast %jit3A_1070 : f32 to vector<16xf32>
    %select_n3A_1073 = arith.select %ge3A_1068, %broadcast_in_dim3A_1071, %broadcast_in_dim3A_1072 : vector<16xi1>, vector<16xf32>
    %mul3A_1074 = arith.constant 1.000000e+03 : f32
    %mul3A_1075 = vector.broadcast %mul3A_1074 : f32 to vector<16xf32>
    %mul3A_1076 = arith.mulf %mul3A_1075, %add3A_1053 : vector<16xf32>
    %sub3A_1077 = arith.subf %mul3A_1076, %get3A_1001 : vector<16xf32>
    %mul3A_1078 = arith.constant 3.50350339E-4 : f32
    %mul3A_1079 = vector.broadcast %mul3A_1078 : f32 to vector<16xf32>
    %mul3A_1080 = arith.mulf %mul3A_1079, %sub3A_1077 : vector<16xf32>
    %sub3A_1081 = arith.subf %add3A_1053, %get3A_1007 : vector<16xf32>
    %mul3A_1082 = arith.constant 0.64964962 : f32
    %mul3A_1083 = vector.broadcast %mul3A_1082 : f32 to vector<16xf32>
    %mul3A_1084 = arith.mulf %mul3A_1083, %sub3A_1081 : vector<16xf32>
    %add3A_1085 = arith.addf %mul3A_1080, %mul3A_1084 : vector<16xf32>
    %mul3A_1086 = arith.mulf %add3A_1085, %select_n3A_1073 : vector<16xf32>
    %add3A_1087 = arith.addf %add3A_981, %mul3A_1086 : vector<16xf32>
    %add3A_1088 = arith.addf %add3A_982, %select_n3A_1073 : vector<16xf32>
    %add3A_1089 = arith.addf %add3A_983, %add3A_1085 : vector<16xf32>
    %get3A_1090 = arith.constant 2 : i32
    %get3A_1091 = arith.constant 0 : i32
    %get3A_1092 = arith.index_cast %get3A_1090 : i32 to index
    %get3A_1093 = arith.index_cast %get3A_1091 : i32 to index
    %get3A_1094 = arith.constant 32 : index
    %get3A_1095 = tpu.vector_load %arg7[%get3A_1092, %get3A_1093, %get3A_1094] {strides = array<i32>} : memref<8x4x64xf32, #tpu.memory_space<vmem>>, vector<16xf32>,
    %get3A_1096 = arith.constant 2 : i32
    %get3A_1097 = arith.constant 1 : i32
    %get3A_1098 = arith.index_cast %get3A_1096 : i32 to index
    %get3A_1099 = arith.index_cast %get3A_1097 : i32 to index
    %get3A_1100 = arith.constant 32 : index
    %get3A_1101 = tpu.vector_load %arg7[%get3A_1098, %get3A_1099, %get3A_1100] {strides = array<i32>} : memref<8x4x64xf32, #tpu.memory_space<vmem>>, vector<16xf32>,
    %get3A_1102 = arith.constant 2 : i32
    %get3A_1103 = arith.constant 2 : i32
    %get3A_1104 = arith.index_cast %get3A_1102 : i32 to index
    %get3A_1105 = arith.index_cast %get3A_1103 : i32 to index
    %get3A_1106 = arith.constant 32 : index
    %get3A_1107 = tpu.vector_load %arg7[%get3A_1104, %get3A_1105, %get3A_1106] {strides = array<i32>} : memref<8x4x64xf32, #tpu.memory_space<vmem>>, vector<16xf32>,
    %get3A_1108 = arith.constant 2 : i32
    %get3A_1109 = arith.constant 3 : i32
    %get3A_1110 = arith.index_cast %get3A_1108 : i32 to index
    %get3A_1111 = arith.index_cast %get3A_1109 : i32 to index
    %get3A_1112 = arith.constant 32 : index
    %get3A_1113 = tpu.vector_load %arg7[%get3A_1110, %get3A_1111, %get3A_1112] {strides = array<i32>} : memref<8x4x64xf32, #tpu.memory_space<vmem>>, vector<16xf32>,
    %bitcast3A_1114 = vector.bitcast %get3A_1101 : vector<16xf32> to vector<16xi32>
    %shift_right_logical3A_1115 = arith.constant 23 : i32
    %shift_right_logical3A_1116 = vector.broadcast %shift_right_logical3A_1115 : i32 to vector<16xi32>
    %shift_right_logical3A_1117 = arith.shrui %bitcast3A_1114, %shift_right_logical3A_1116 : vector<16xi32>
    %sub3A_1118 = arith.constant 127 : i32
    %sub3A_1119 = vector.broadcast %sub3A_1118 : i32 to vector<16xi32>
    %sub3A_1120 = arith.subi %shift_right_logical3A_1117, %sub3A_1119 : vector<16xi32>
    %and3A_1121 = arith.constant 8388607 : i32
    %and3A_1122 = vector.broadcast %and3A_1121 : i32 to vector<16xi32>
    %and3A_1123 = arith.andi %bitcast3A_1114, %and3A_1122 : vector<16xi32>
    %or3A_1124 = arith.constant 1065353216 : i32
    %or3A_1125 = vector.broadcast %or3A_1124 : i32 to vector<16xi32>
    %or3A_1126 = arith.ori %and3A_1123, %or3A_1125 : vector<16xi32>
    %bitcast3A_1127 = vector.bitcast %or3A_1126 : vector<16xi32> to vector<16xf32>
    %broadcast_in_dim3A_1128 = arith.constant -0.02482583 : f32
    %broadcast_in_dim3A_1129 = vector.broadcast %broadcast_in_dim3A_1128 : f32 to vector<16xf32>
    %mul3A_1130 = arith.mulf %broadcast_in_dim3A_1129, %bitcast3A_1127 : vector<16xf32>
    %add3A_1131 = arith.constant 0.266860753 : f32
    %add3A_1132 = vector.broadcast %add3A_1131 : f32 to vector<16xf32>
    %add3A_1133 = arith.addf %mul3A_1130, %add3A_1132 : vector<16xf32>
    %mul3A_1134 = arith.mulf %add3A_1133, %bitcast3A_1127 : vector<16xf32>
    %add3A_1135 = arith.constant -1.23427022 : f32
    %add3A_1136 = vector.broadcast %add3A_1135 : f32 to vector<16xf32>
    %add3A_1137 = arith.addf %mul3A_1134, %add3A_1136 : vector<16xf32>
    %mul3A_1138 = arith.mulf %add3A_1137, %bitcast3A_1127 : vector<16xf32>
    %add3A_1139 = arith.constant 3.21884608 : f32
    %add3A_1140 = vector.broadcast %add3A_1139 : f32 to vector<16xf32>
    %add3A_1141 = arith.addf %mul3A_1138, %add3A_1140 : vector<16xf32>
    %mul3A_1142 = arith.mulf %add3A_1141, %bitcast3A_1127 : vector<16xf32>
    %add3A_1143 = arith.constant -5.26412487 : f32
    %add3A_1144 = vector.broadcast %add3A_1143 : f32 to vector<16xf32>
    %add3A_1145 = arith.addf %mul3A_1142, %add3A_1144 : vector<16xf32>
    %mul3A_1146 = arith.mulf %add3A_1145, %bitcast3A_1127 : vector<16xf32>
    %add3A_1147 = arith.constant 6.06583834 : f32
    %add3A_1148 = vector.broadcast %add3A_1147 : f32 to vector<16xf32>
    %add3A_1149 = arith.addf %mul3A_1146, %add3A_1148 : vector<16xf32>
    %mul3A_1150 = arith.mulf %add3A_1149, %bitcast3A_1127 : vector<16xf32>
    %add3A_1151 = arith.constant -3.02831936 : f32
    %add3A_1152 = vector.broadcast %add3A_1151 : f32 to vector<16xf32>
    %add3A_1153 = arith.addf %mul3A_1150, %add3A_1152 : vector<16xf32>
    %convert_element_type3A_1154 = arith.sitofp %sub3A_1120 : vector<16xi32> to vector<16xf32>
    %add3A_1155 = arith.addf %convert_element_type3A_1154, %add3A_1153 : vector<16xf32>
    %mul3A_1156 = arith.constant 0.693147182 : f32
    %mul3A_1157 = vector.broadcast %mul3A_1156 : f32 to vector<16xf32>
    %mul3A_1158 = arith.mulf %add3A_1155, %mul3A_1157 : vector<16xf32>
    %add3A_1159 = arith.addf %get3A_1095, %mul3A_1158 : vector<16xf32>
    %sub3A_1160 = arith.subf %get3A_1113, %add3A_1159 : vector<16xf32>
    %exp3A_1161 = math.exp %sub3A_1160 : vector<16xf32>
    %max3A_1162 = arith.constant 9.99999993E-9 : f32
    %max3A_1163 = vector.broadcast %max3A_1162 : f32 to vector<16xf32>
    %max3A_1164 = arith.maximumf %exp3A_1161, %max3A_1163 : vector<16xf32>
    %min3A_1165 = arith.constant 1.000000e+00 : f32
    %min3A_1166 = vector.broadcast %min3A_1165 : f32 to vector<16xf32>
    %min3A_1167 = arith.minimumf %max3A_1164, %min3A_1166 : vector<16xf32>
    %get3A_1168 = arith.constant 160 : index
    %get3A_1169 = tpu.vector_load %arg6[%get3A_1168] {strides = array<i32>} : memref<512xi32, #tpu.memory_space<vmem>>, vector<16xi32>,
    %gather3A_1170 = tpu.vector_load_idx %arg8[%get3A_1169] : memref<1024xf32, #tpu.memory_space<vmem>>[vector<16xi32>], vector<16xf32>,
    %mul3A_1171 = arith.constant 1.638400e+04 : f32
    %mul3A_1172 = vector.broadcast %mul3A_1171 : f32 to vector<16xf32>
    %mul3A_1173 = arith.mulf %min3A_1167, %mul3A_1172 : vector<16xf32>
    %ge3A_1174 = arith.cmpf oge, %mul3A_1173, %gather3A_1170 : vector<16xf32>
    %jit3A_1175 = arith.constant 1.000000e+00 : f32
    %jit3A_1176 = arith.constant 0.000000e+00 : f32
    %broadcast_in_dim3A_1177 = vector.broadcast %jit3A_1175 : f32 to vector<16xf32>
    %broadcast_in_dim3A_1178 = vector.broadcast %jit3A_1176 : f32 to vector<16xf32>
    %select_n3A_1179 = arith.select %ge3A_1174, %broadcast_in_dim3A_1177, %broadcast_in_dim3A_1178 : vector<16xi1>, vector<16xf32>
    %mul3A_1180 = arith.constant 1.000000e+03 : f32
    %mul3A_1181 = vector.broadcast %mul3A_1180 : f32 to vector<16xf32>
    %mul3A_1182 = arith.mulf %mul3A_1181, %add3A_1159 : vector<16xf32>
    %sub3A_1183 = arith.subf %mul3A_1182, %get3A_1107 : vector<16xf32>
    %mul3A_1184 = arith.constant 3.50350339E-4 : f32
    %mul3A_1185 = vector.broadcast %mul3A_1184 : f32 to vector<16xf32>
    %mul3A_1186 = arith.mulf %mul3A_1185, %sub3A_1183 : vector<16xf32>
    %sub3A_1187 = arith.subf %add3A_1159, %get3A_1113 : vector<16xf32>
    %mul3A_1188 = arith.constant 0.64964962 : f32
    %mul3A_1189 = vector.broadcast %mul3A_1188 : f32 to vector<16xf32>
    %mul3A_1190 = arith.mulf %mul3A_1189, %sub3A_1187 : vector<16xf32>
    %add3A_1191 = arith.addf %mul3A_1186, %mul3A_1190 : vector<16xf32>
    %mul3A_1192 = arith.mulf %add3A_1191, %select_n3A_1179 : vector<16xf32>
    %add3A_1193 = arith.addf %add3A_1087, %mul3A_1192 : vector<16xf32>
    %add3A_1194 = arith.addf %add3A_1088, %select_n3A_1179 : vector<16xf32>
    %add3A_1195 = arith.addf %add3A_1089, %add3A_1191 : vector<16xf32>
    %get3A_1196 = arith.constant 2 : i32
    %get3A_1197 = arith.constant 0 : i32
    %get3A_1198 = arith.index_cast %get3A_1196 : i32 to index
    %get3A_1199 = arith.index_cast %get3A_1197 : i32 to index
    %get3A_1200 = arith.constant 48 : index
    %get3A_1201 = tpu.vector_load %arg7[%get3A_1198, %get3A_1199, %get3A_1200] {strides = array<i32>} : memref<8x4x64xf32, #tpu.memory_space<vmem>>, vector<16xf32>,
    %get3A_1202 = arith.constant 2 : i32
    %get3A_1203 = arith.constant 1 : i32
    %get3A_1204 = arith.index_cast %get3A_1202 : i32 to index
    %get3A_1205 = arith.index_cast %get3A_1203 : i32 to index
    %get3A_1206 = arith.constant 48 : index
    %get3A_1207 = tpu.vector_load %arg7[%get3A_1204, %get3A_1205, %get3A_1206] {strides = array<i32>} : memref<8x4x64xf32, #tpu.memory_space<vmem>>, vector<16xf32>,
    %get3A_1208 = arith.constant 2 : i32
    %get3A_1209 = arith.constant 2 : i32
    %get3A_1210 = arith.index_cast %get3A_1208 : i32 to index
    %get3A_1211 = arith.index_cast %get3A_1209 : i32 to index
    %get3A_1212 = arith.constant 48 : index
    %get3A_1213 = tpu.vector_load %arg7[%get3A_1210, %get3A_1211, %get3A_1212] {strides = array<i32>} : memref<8x4x64xf32, #tpu.memory_space<vmem>>, vector<16xf32>,
    %get3A_1214 = arith.constant 2 : i32
    %get3A_1215 = arith.constant 3 : i32
    %get3A_1216 = arith.index_cast %get3A_1214 : i32 to index
    %get3A_1217 = arith.index_cast %get3A_1215 : i32 to index
    %get3A_1218 = arith.constant 48 : index
    %get3A_1219 = tpu.vector_load %arg7[%get3A_1216, %get3A_1217, %get3A_1218] {strides = array<i32>} : memref<8x4x64xf32, #tpu.memory_space<vmem>>, vector<16xf32>,
    %bitcast3A_1220 = vector.bitcast %get3A_1207 : vector<16xf32> to vector<16xi32>
    %shift_right_logical3A_1221 = arith.constant 23 : i32
    %shift_right_logical3A_1222 = vector.broadcast %shift_right_logical3A_1221 : i32 to vector<16xi32>
    %shift_right_logical3A_1223 = arith.shrui %bitcast3A_1220, %shift_right_logical3A_1222 : vector<16xi32>
    %sub3A_1224 = arith.constant 127 : i32
    %sub3A_1225 = vector.broadcast %sub3A_1224 : i32 to vector<16xi32>
    %sub3A_1226 = arith.subi %shift_right_logical3A_1223, %sub3A_1225 : vector<16xi32>
    %and3A_1227 = arith.constant 8388607 : i32
    %and3A_1228 = vector.broadcast %and3A_1227 : i32 to vector<16xi32>
    %and3A_1229 = arith.andi %bitcast3A_1220, %and3A_1228 : vector<16xi32>
    %or3A_1230 = arith.constant 1065353216 : i32
    %or3A_1231 = vector.broadcast %or3A_1230 : i32 to vector<16xi32>
    %or3A_1232 = arith.ori %and3A_1229, %or3A_1231 : vector<16xi32>
    %bitcast3A_1233 = vector.bitcast %or3A_1232 : vector<16xi32> to vector<16xf32>
    %broadcast_in_dim3A_1234 = arith.constant -0.02482583 : f32
    %broadcast_in_dim3A_1235 = vector.broadcast %broadcast_in_dim3A_1234 : f32 to vector<16xf32>
    %mul3A_1236 = arith.mulf %broadcast_in_dim3A_1235, %bitcast3A_1233 : vector<16xf32>
    %add3A_1237 = arith.constant 0.266860753 : f32
    %add3A_1238 = vector.broadcast %add3A_1237 : f32 to vector<16xf32>
    %add3A_1239 = arith.addf %mul3A_1236, %add3A_1238 : vector<16xf32>
    %mul3A_1240 = arith.mulf %add3A_1239, %bitcast3A_1233 : vector<16xf32>
    %add3A_1241 = arith.constant -1.23427022 : f32
    %add3A_1242 = vector.broadcast %add3A_1241 : f32 to vector<16xf32>
    %add3A_1243 = arith.addf %mul3A_1240, %add3A_1242 : vector<16xf32>
    %mul3A_1244 = arith.mulf %add3A_1243, %bitcast3A_1233 : vector<16xf32>
    %add3A_1245 = arith.constant 3.21884608 : f32
    %add3A_1246 = vector.broadcast %add3A_1245 : f32 to vector<16xf32>
    %add3A_1247 = arith.addf %mul3A_1244, %add3A_1246 : vector<16xf32>
    %mul3A_1248 = arith.mulf %add3A_1247, %bitcast3A_1233 : vector<16xf32>
    %add3A_1249 = arith.constant -5.26412487 : f32
    %add3A_1250 = vector.broadcast %add3A_1249 : f32 to vector<16xf32>
    %add3A_1251 = arith.addf %mul3A_1248, %add3A_1250 : vector<16xf32>
    %mul3A_1252 = arith.mulf %add3A_1251, %bitcast3A_1233 : vector<16xf32>
    %add3A_1253 = arith.constant 6.06583834 : f32
    %add3A_1254 = vector.broadcast %add3A_1253 : f32 to vector<16xf32>
    %add3A_1255 = arith.addf %mul3A_1252, %add3A_1254 : vector<16xf32>
    %mul3A_1256 = arith.mulf %add3A_1255, %bitcast3A_1233 : vector<16xf32>
    %add3A_1257 = arith.constant -3.02831936 : f32
    %add3A_1258 = vector.broadcast %add3A_1257 : f32 to vector<16xf32>
    %add3A_1259 = arith.addf %mul3A_1256, %add3A_1258 : vector<16xf32>
    %convert_element_type3A_1260 = arith.sitofp %sub3A_1226 : vector<16xi32> to vector<16xf32>
    %add3A_1261 = arith.addf %convert_element_type3A_1260, %add3A_1259 : vector<16xf32>
    %mul3A_1262 = arith.constant 0.693147182 : f32
    %mul3A_1263 = vector.broadcast %mul3A_1262 : f32 to vector<16xf32>
    %mul3A_1264 = arith.mulf %add3A_1261, %mul3A_1263 : vector<16xf32>
    %add3A_1265 = arith.addf %get3A_1201, %mul3A_1264 : vector<16xf32>
    %sub3A_1266 = arith.subf %get3A_1219, %add3A_1265 : vector<16xf32>
    %exp3A_1267 = math.exp %sub3A_1266 : vector<16xf32>
    %max3A_1268 = arith.constant 9.99999993E-9 : f32
    %max3A_1269 = vector.broadcast %max3A_1268 : f32 to vector<16xf32>
    %max3A_1270 = arith.maximumf %exp3A_1267, %max3A_1269 : vector<16xf32>
    %min3A_1271 = arith.constant 1.000000e+00 : f32
    %min3A_1272 = vector.broadcast %min3A_1271 : f32 to vector<16xf32>
    %min3A_1273 = arith.minimumf %max3A_1270, %min3A_1272 : vector<16xf32>
    %get3A_1274 = arith.constant 176 : index
    %get3A_1275 = tpu.vector_load %arg6[%get3A_1274] {strides = array<i32>} : memref<512xi32, #tpu.memory_space<vmem>>, vector<16xi32>,
    %gather3A_1276 = tpu.vector_load_idx %arg8[%get3A_1275] : memref<1024xf32, #tpu.memory_space<vmem>>[vector<16xi32>], vector<16xf32>,
    %mul3A_1277 = arith.constant 1.638400e+04 : f32
    %mul3A_1278 = vector.broadcast %mul3A_1277 : f32 to vector<16xf32>
    %mul3A_1279 = arith.mulf %min3A_1273, %mul3A_1278 : vector<16xf32>
    %ge3A_1280 = arith.cmpf oge, %mul3A_1279, %gather3A_1276 : vector<16xf32>
    %jit3A_1281 = arith.constant 1.000000e+00 : f32
    %jit3A_1282 = arith.constant 0.000000e+00 : f32
    %broadcast_in_dim3A_1283 = vector.broadcast %jit3A_1281 : f32 to vector<16xf32>
    %broadcast_in_dim3A_1284 = vector.broadcast %jit3A_1282 : f32 to vector<16xf32>
    %select_n3A_1285 = arith.select %ge3A_1280, %broadcast_in_dim3A_1283, %broadcast_in_dim3A_1284 : vector<16xi1>, vector<16xf32>
    %mul3A_1286 = arith.constant 1.000000e+03 : f32
    %mul3A_1287 = vector.broadcast %mul3A_1286 : f32 to vector<16xf32>
    %mul3A_1288 = arith.mulf %mul3A_1287, %add3A_1265 : vector<16xf32>
    %sub3A_1289 = arith.subf %mul3A_1288, %get3A_1213 : vector<16xf32>
    %mul3A_1290 = arith.constant 3.50350339E-4 : f32
    %mul3A_1291 = vector.broadcast %mul3A_1290 : f32 to vector<16xf32>
    %mul3A_1292 = arith.mulf %mul3A_1291, %sub3A_1289 : vector<16xf32>
    %sub3A_1293 = arith.subf %add3A_1265, %get3A_1219 : vector<16xf32>
    %mul3A_1294 = arith.constant 0.64964962 : f32
    %mul3A_1295 = vector.broadcast %mul3A_1294 : f32 to vector<16xf32>
    %mul3A_1296 = arith.mulf %mul3A_1295, %sub3A_1293 : vector<16xf32>
    %add3A_1297 = arith.addf %mul3A_1292, %mul3A_1296 : vector<16xf32>
    %mul3A_1298 = arith.mulf %add3A_1297, %select_n3A_1285 : vector<16xf32>
    %add3A_1299 = arith.addf %add3A_1193, %mul3A_1298 : vector<16xf32>
    %add3A_1300 = arith.addf %add3A_1194, %select_n3A_1285 : vector<16xf32>
    %add3A_1301 = arith.addf %add3A_1195, %add3A_1297 : vector<16xf32>
    %get3A_1302 = arith.constant 3 : i32
    %get3A_1303 = arith.constant 0 : i32
    %get3A_1304 = arith.index_cast %get3A_1302 : i32 to index
    %get3A_1305 = arith.index_cast %get3A_1303 : i32 to index
    %get3A_1306 = arith.constant 0 : index
    %get3A_1307 = tpu.vector_load %arg7[%get3A_1304, %get3A_1305, %get3A_1306] {strides = array<i32>} : memref<8x4x64xf32, #tpu.memory_space<vmem>>, vector<16xf32>,
    %get3A_1308 = arith.constant 3 : i32
    %get3A_1309 = arith.constant 1 : i32
    %get3A_1310 = arith.index_cast %get3A_1308 : i32 to index
    %get3A_1311 = arith.index_cast %get3A_1309 : i32 to index
    %get3A_1312 = arith.constant 0 : index
    %get3A_1313 = tpu.vector_load %arg7[%get3A_1310, %get3A_1311, %get3A_1312] {strides = array<i32>} : memref<8x4x64xf32, #tpu.memory_space<vmem>>, vector<16xf32>,
    %get3A_1314 = arith.constant 3 : i32
    %get3A_1315 = arith.constant 2 : i32
    %get3A_1316 = arith.index_cast %get3A_1314 : i32 to index
    %get3A_1317 = arith.index_cast %get3A_1315 : i32 to index
    %get3A_1318 = arith.constant 0 : index
    %get3A_1319 = tpu.vector_load %arg7[%get3A_1316, %get3A_1317, %get3A_1318] {strides = array<i32>} : memref<8x4x64xf32, #tpu.memory_space<vmem>>, vector<16xf32>,
    %get3A_1320 = arith.constant 3 : i32
    %get3A_1321 = arith.constant 3 : i32
    %get3A_1322 = arith.index_cast %get3A_1320 : i32 to index
    %get3A_1323 = arith.index_cast %get3A_1321 : i32 to index
    %get3A_1324 = arith.constant 0 : index
    %get3A_1325 = tpu.vector_load %arg7[%get3A_1322, %get3A_1323, %get3A_1324] {strides = array<i32>} : memref<8x4x64xf32, #tpu.memory_space<vmem>>, vector<16xf32>,
    %bitcast3A_1326 = vector.bitcast %get3A_1313 : vector<16xf32> to vector<16xi32>
    %shift_right_logical3A_1327 = arith.constant 23 : i32
    %shift_right_logical3A_1328 = vector.broadcast %shift_right_logical3A_1327 : i32 to vector<16xi32>
    %shift_right_logical3A_1329 = arith.shrui %bitcast3A_1326, %shift_right_logical3A_1328 : vector<16xi32>
    %sub3A_1330 = arith.constant 127 : i32
    %sub3A_1331 = vector.broadcast %sub3A_1330 : i32 to vector<16xi32>
    %sub3A_1332 = arith.subi %shift_right_logical3A_1329, %sub3A_1331 : vector<16xi32>
    %and3A_1333 = arith.constant 8388607 : i32
    %and3A_1334 = vector.broadcast %and3A_1333 : i32 to vector<16xi32>
    %and3A_1335 = arith.andi %bitcast3A_1326, %and3A_1334 : vector<16xi32>
    %or3A_1336 = arith.constant 1065353216 : i32
    %or3A_1337 = vector.broadcast %or3A_1336 : i32 to vector<16xi32>
    %or3A_1338 = arith.ori %and3A_1335, %or3A_1337 : vector<16xi32>
    %bitcast3A_1339 = vector.bitcast %or3A_1338 : vector<16xi32> to vector<16xf32>
    %broadcast_in_dim3A_1340 = arith.constant -0.02482583 : f32
    %broadcast_in_dim3A_1341 = vector.broadcast %broadcast_in_dim3A_1340 : f32 to vector<16xf32>
    %mul3A_1342 = arith.mulf %broadcast_in_dim3A_1341, %bitcast3A_1339 : vector<16xf32>
    %add3A_1343 = arith.constant 0.266860753 : f32
    %add3A_1344 = vector.broadcast %add3A_1343 : f32 to vector<16xf32>
    %add3A_1345 = arith.addf %mul3A_1342, %add3A_1344 : vector<16xf32>
    %mul3A_1346 = arith.mulf %add3A_1345, %bitcast3A_1339 : vector<16xf32>
    %add3A_1347 = arith.constant -1.23427022 : f32
    %add3A_1348 = vector.broadcast %add3A_1347 : f32 to vector<16xf32>
    %add3A_1349 = arith.addf %mul3A_1346, %add3A_1348 : vector<16xf32>
    %mul3A_1350 = arith.mulf %add3A_1349, %bitcast3A_1339 : vector<16xf32>
    %add3A_1351 = arith.constant 3.21884608 : f32
    %add3A_1352 = vector.broadcast %add3A_1351 : f32 to vector<16xf32>
    %add3A_1353 = arith.addf %mul3A_1350, %add3A_1352 : vector<16xf32>
    %mul3A_1354 = arith.mulf %add3A_1353, %bitcast3A_1339 : vector<16xf32>
    %add3A_1355 = arith.constant -5.26412487 : f32
    %add3A_1356 = vector.broadcast %add3A_1355 : f32 to vector<16xf32>
    %add3A_1357 = arith.addf %mul3A_1354, %add3A_1356 : vector<16xf32>
    %mul3A_1358 = arith.mulf %add3A_1357, %bitcast3A_1339 : vector<16xf32>
    %add3A_1359 = arith.constant 6.06583834 : f32
    %add3A_1360 = vector.broadcast %add3A_1359 : f32 to vector<16xf32>
    %add3A_1361 = arith.addf %mul3A_1358, %add3A_1360 : vector<16xf32>
    %mul3A_1362 = arith.mulf %add3A_1361, %bitcast3A_1339 : vector<16xf32>
    %add3A_1363 = arith.constant -3.02831936 : f32
    %add3A_1364 = vector.broadcast %add3A_1363 : f32 to vector<16xf32>
    %add3A_1365 = arith.addf %mul3A_1362, %add3A_1364 : vector<16xf32>
    %convert_element_type3A_1366 = arith.sitofp %sub3A_1332 : vector<16xi32> to vector<16xf32>
    %add3A_1367 = arith.addf %convert_element_type3A_1366, %add3A_1365 : vector<16xf32>
    %mul3A_1368 = arith.constant 0.693147182 : f32
    %mul3A_1369 = vector.broadcast %mul3A_1368 : f32 to vector<16xf32>
    %mul3A_1370 = arith.mulf %add3A_1367, %mul3A_1369 : vector<16xf32>
    %add3A_1371 = arith.addf %get3A_1307, %mul3A_1370 : vector<16xf32>
    %sub3A_1372 = arith.subf %get3A_1325, %add3A_1371 : vector<16xf32>
    %exp3A_1373 = math.exp %sub3A_1372 : vector<16xf32>
    %max3A_1374 = arith.constant 9.99999993E-9 : f32
    %max3A_1375 = vector.broadcast %max3A_1374 : f32 to vector<16xf32>
    %max3A_1376 = arith.maximumf %exp3A_1373, %max3A_1375 : vector<16xf32>
    %min3A_1377 = arith.constant 1.000000e+00 : f32
    %min3A_1378 = vector.broadcast %min3A_1377 : f32 to vector<16xf32>
    %min3A_1379 = arith.minimumf %max3A_1376, %min3A_1378 : vector<16xf32>
    %get3A_1380 = arith.constant 192 : index
    %get3A_1381 = tpu.vector_load %arg6[%get3A_1380] {strides = array<i32>} : memref<512xi32, #tpu.memory_space<vmem>>, vector<16xi32>,
    %gather3A_1382 = tpu.vector_load_idx %arg8[%get3A_1381] : memref<1024xf32, #tpu.memory_space<vmem>>[vector<16xi32>], vector<16xf32>,
    %mul3A_1383 = arith.constant 1.638400e+04 : f32
    %mul3A_1384 = vector.broadcast %mul3A_1383 : f32 to vector<16xf32>
    %mul3A_1385 = arith.mulf %min3A_1379, %mul3A_1384 : vector<16xf32>
    %ge3A_1386 = arith.cmpf oge, %mul3A_1385, %gather3A_1382 : vector<16xf32>
    %jit3A_1387 = arith.constant 1.000000e+00 : f32
    %jit3A_1388 = arith.constant 0.000000e+00 : f32
    %broadcast_in_dim3A_1389 = vector.broadcast %jit3A_1387 : f32 to vector<16xf32>
    %broadcast_in_dim3A_1390 = vector.broadcast %jit3A_1388 : f32 to vector<16xf32>
    %select_n3A_1391 = arith.select %ge3A_1386, %broadcast_in_dim3A_1389, %broadcast_in_dim3A_1390 : vector<16xi1>, vector<16xf32>
    %mul3A_1392 = arith.constant 1.000000e+03 : f32
    %mul3A_1393 = vector.broadcast %mul3A_1392 : f32 to vector<16xf32>
    %mul3A_1394 = arith.mulf %mul3A_1393, %add3A_1371 : vector<16xf32>
    %sub3A_1395 = arith.subf %mul3A_1394, %get3A_1319 : vector<16xf32>
    %mul3A_1396 = arith.constant 3.50350339E-4 : f32
    %mul3A_1397 = vector.broadcast %mul3A_1396 : f32 to vector<16xf32>
    %mul3A_1398 = arith.mulf %mul3A_1397, %sub3A_1395 : vector<16xf32>
    %sub3A_1399 = arith.subf %add3A_1371, %get3A_1325 : vector<16xf32>
    %mul3A_1400 = arith.constant 0.64964962 : f32
    %mul3A_1401 = vector.broadcast %mul3A_1400 : f32 to vector<16xf32>
    %mul3A_1402 = arith.mulf %mul3A_1401, %sub3A_1399 : vector<16xf32>
    %add3A_1403 = arith.addf %mul3A_1398, %mul3A_1402 : vector<16xf32>
    %mul3A_1404 = arith.mulf %add3A_1403, %select_n3A_1391 : vector<16xf32>
    %add3A_1405 = arith.addf %add3A_1299, %mul3A_1404 : vector<16xf32>
    %add3A_1406 = arith.addf %add3A_1300, %select_n3A_1391 : vector<16xf32>
    %add3A_1407 = arith.addf %add3A_1301, %add3A_1403 : vector<16xf32>
    %get3A_1408 = arith.constant 3 : i32
    %get3A_1409 = arith.constant 0 : i32
    %get3A_1410 = arith.index_cast %get3A_1408 : i32 to index
    %get3A_1411 = arith.index_cast %get3A_1409 : i32 to index
    %get3A_1412 = arith.constant 16 : index
    %get3A_1413 = tpu.vector_load %arg7[%get3A_1410, %get3A_1411, %get3A_1412] {strides = array<i32>} : memref<8x4x64xf32, #tpu.memory_space<vmem>>, vector<16xf32>,
    %get3A_1414 = arith.constant 3 : i32
    %get3A_1415 = arith.constant 1 : i32
    %get3A_1416 = arith.index_cast %get3A_1414 : i32 to index
    %get3A_1417 = arith.index_cast %get3A_1415 : i32 to index
    %get3A_1418 = arith.constant 16 : index
    %get3A_1419 = tpu.vector_load %arg7[%get3A_1416, %get3A_1417, %get3A_1418] {strides = array<i32>} : memref<8x4x64xf32, #tpu.memory_space<vmem>>, vector<16xf32>,
    %get3A_1420 = arith.constant 3 : i32
    %get3A_1421 = arith.constant 2 : i32
    %get3A_1422 = arith.index_cast %get3A_1420 : i32 to index
    %get3A_1423 = arith.index_cast %get3A_1421 : i32 to index
    %get3A_1424 = arith.constant 16 : index
    %get3A_1425 = tpu.vector_load %arg7[%get3A_1422, %get3A_1423, %get3A_1424] {strides = array<i32>} : memref<8x4x64xf32, #tpu.memory_space<vmem>>, vector<16xf32>,
    %get3A_1426 = arith.constant 3 : i32
    %get3A_1427 = arith.constant 3 : i32
    %get3A_1428 = arith.index_cast %get3A_1426 : i32 to index
    %get3A_1429 = arith.index_cast %get3A_1427 : i32 to index
    %get3A_1430 = arith.constant 16 : index
    %get3A_1431 = tpu.vector_load %arg7[%get3A_1428, %get3A_1429, %get3A_1430] {strides = array<i32>} : memref<8x4x64xf32, #tpu.memory_space<vmem>>, vector<16xf32>,
    %bitcast3A_1432 = vector.bitcast %get3A_1419 : vector<16xf32> to vector<16xi32>
    %shift_right_logical3A_1433 = arith.constant 23 : i32
    %shift_right_logical3A_1434 = vector.broadcast %shift_right_logical3A_1433 : i32 to vector<16xi32>
    %shift_right_logical3A_1435 = arith.shrui %bitcast3A_1432, %shift_right_logical3A_1434 : vector<16xi32>
    %sub3A_1436 = arith.constant 127 : i32
    %sub3A_1437 = vector.broadcast %sub3A_1436 : i32 to vector<16xi32>
    %sub3A_1438 = arith.subi %shift_right_logical3A_1435, %sub3A_1437 : vector<16xi32>
    %and3A_1439 = arith.constant 8388607 : i32
    %and3A_1440 = vector.broadcast %and3A_1439 : i32 to vector<16xi32>
    %and3A_1441 = arith.andi %bitcast3A_1432, %and3A_1440 : vector<16xi32>
    %or3A_1442 = arith.constant 1065353216 : i32
    %or3A_1443 = vector.broadcast %or3A_1442 : i32 to vector<16xi32>
    %or3A_1444 = arith.ori %and3A_1441, %or3A_1443 : vector<16xi32>
    %bitcast3A_1445 = vector.bitcast %or3A_1444 : vector<16xi32> to vector<16xf32>
    %broadcast_in_dim3A_1446 = arith.constant -0.02482583 : f32
    %broadcast_in_dim3A_1447 = vector.broadcast %broadcast_in_dim3A_1446 : f32 to vector<16xf32>
    %mul3A_1448 = arith.mulf %broadcast_in_dim3A_1447, %bitcast3A_1445 : vector<16xf32>
    %add3A_1449 = arith.constant 0.266860753 : f32
    %add3A_1450 = vector.broadcast %add3A_1449 : f32 to vector<16xf32>
    %add3A_1451 = arith.addf %mul3A_1448, %add3A_1450 : vector<16xf32>
    %mul3A_1452 = arith.mulf %add3A_1451, %bitcast3A_1445 : vector<16xf32>
    %add3A_1453 = arith.constant -1.23427022 : f32
    %add3A_1454 = vector.broadcast %add3A_1453 : f32 to vector<16xf32>
    %add3A_1455 = arith.addf %mul3A_1452, %add3A_1454 : vector<16xf32>
    %mul3A_1456 = arith.mulf %add3A_1455, %bitcast3A_1445 : vector<16xf32>
    %add3A_1457 = arith.constant 3.21884608 : f32
    %add3A_1458 = vector.broadcast %add3A_1457 : f32 to vector<16xf32>
    %add3A_1459 = arith.addf %mul3A_1456, %add3A_1458 : vector<16xf32>
    %mul3A_1460 = arith.mulf %add3A_1459, %bitcast3A_1445 : vector<16xf32>
    %add3A_1461 = arith.constant -5.26412487 : f32
    %add3A_1462 = vector.broadcast %add3A_1461 : f32 to vector<16xf32>
    %add3A_1463 = arith.addf %mul3A_1460, %add3A_1462 : vector<16xf32>
    %mul3A_1464 = arith.mulf %add3A_1463, %bitcast3A_1445 : vector<16xf32>
    %add3A_1465 = arith.constant 6.06583834 : f32
    %add3A_1466 = vector.broadcast %add3A_1465 : f32 to vector<16xf32>
    %add3A_1467 = arith.addf %mul3A_1464, %add3A_1466 : vector<16xf32>
    %mul3A_1468 = arith.mulf %add3A_1467, %bitcast3A_1445 : vector<16xf32>
    %add3A_1469 = arith.constant -3.02831936 : f32
    %add3A_1470 = vector.broadcast %add3A_1469 : f32 to vector<16xf32>
    %add3A_1471 = arith.addf %mul3A_1468, %add3A_1470 : vector<16xf32>
    %convert_element_type3A_1472 = arith.sitofp %sub3A_1438 : vector<16xi32> to vector<16xf32>
    %add3A_1473 = arith.addf %convert_element_type3A_1472, %add3A_1471 : vector<16xf32>
    %mul3A_1474 = arith.constant 0.693147182 : f32
    %mul3A_1475 = vector.broadcast %mul3A_1474 : f32 to vector<16xf32>
    %mul3A_1476 = arith.mulf %add3A_1473, %mul3A_1475 : vector<16xf32>
    %add3A_1477 = arith.addf %get3A_1413, %mul3A_1476 : vector<16xf32>
    %sub3A_1478 = arith.subf %get3A_1431, %add3A_1477 : vector<16xf32>
    %exp3A_1479 = math.exp %sub3A_1478 : vector<16xf32>
    %max3A_1480 = arith.constant 9.99999993E-9 : f32
    %max3A_1481 = vector.broadcast %max3A_1480 : f32 to vector<16xf32>
    %max3A_1482 = arith.maximumf %exp3A_1479, %max3A_1481 : vector<16xf32>
    %min3A_1483 = arith.constant 1.000000e+00 : f32
    %min3A_1484 = vector.broadcast %min3A_1483 : f32 to vector<16xf32>
    %min3A_1485 = arith.minimumf %max3A_1482, %min3A_1484 : vector<16xf32>
    %get3A_1486 = arith.constant 208 : index
    %get3A_1487 = tpu.vector_load %arg6[%get3A_1486] {strides = array<i32>} : memref<512xi32, #tpu.memory_space<vmem>>, vector<16xi32>,
    %gather3A_1488 = tpu.vector_load_idx %arg8[%get3A_1487] : memref<1024xf32, #tpu.memory_space<vmem>>[vector<16xi32>], vector<16xf32>,
    %mul3A_1489 = arith.constant 1.638400e+04 : f32
    %mul3A_1490 = vector.broadcast %mul3A_1489 : f32 to vector<16xf32>
    %mul3A_1491 = arith.mulf %min3A_1485, %mul3A_1490 : vector<16xf32>
    %ge3A_1492 = arith.cmpf oge, %mul3A_1491, %gather3A_1488 : vector<16xf32>
    %jit3A_1493 = arith.constant 1.000000e+00 : f32
    %jit3A_1494 = arith.constant 0.000000e+00 : f32
    %broadcast_in_dim3A_1495 = vector.broadcast %jit3A_1493 : f32 to vector<16xf32>
    %broadcast_in_dim3A_1496 = vector.broadcast %jit3A_1494 : f32 to vector<16xf32>
    %select_n3A_1497 = arith.select %ge3A_1492, %broadcast_in_dim3A_1495, %broadcast_in_dim3A_1496 : vector<16xi1>, vector<16xf32>
    %mul3A_1498 = arith.constant 1.000000e+03 : f32
    %mul3A_1499 = vector.broadcast %mul3A_1498 : f32 to vector<16xf32>
    %mul3A_1500 = arith.mulf %mul3A_1499, %add3A_1477 : vector<16xf32>
    %sub3A_1501 = arith.subf %mul3A_1500, %get3A_1425 : vector<16xf32>
    %mul3A_1502 = arith.constant 3.50350339E-4 : f32
    %mul3A_1503 = vector.broadcast %mul3A_1502 : f32 to vector<16xf32>
    %mul3A_1504 = arith.mulf %mul3A_1503, %sub3A_1501 : vector<16xf32>
    %sub3A_1505 = arith.subf %add3A_1477, %get3A_1431 : vector<16xf32>
    %mul3A_1506 = arith.constant 0.64964962 : f32
    %mul3A_1507 = vector.broadcast %mul3A_1506 : f32 to vector<16xf32>
    %mul3A_1508 = arith.mulf %mul3A_1507, %sub3A_1505 : vector<16xf32>
    %add3A_1509 = arith.addf %mul3A_1504, %mul3A_1508 : vector<16xf32>
    %mul3A_1510 = arith.mulf %add3A_1509, %select_n3A_1497 : vector<16xf32>
    %add3A_1511 = arith.addf %add3A_1405, %mul3A_1510 : vector<16xf32>
    %add3A_1512 = arith.addf %add3A_1406, %select_n3A_1497 : vector<16xf32>
    %add3A_1513 = arith.addf %add3A_1407, %add3A_1509 : vector<16xf32>
    %get3A_1514 = arith.constant 3 : i32
    %get3A_1515 = arith.constant 0 : i32
    %get3A_1516 = arith.index_cast %get3A_1514 : i32 to index
    %get3A_1517 = arith.index_cast %get3A_1515 : i32 to index
    %get3A_1518 = arith.constant 32 : index
    %get3A_1519 = tpu.vector_load %arg7[%get3A_1516, %get3A_1517, %get3A_1518] {strides = array<i32>} : memref<8x4x64xf32, #tpu.memory_space<vmem>>, vector<16xf32>,
    %get3A_1520 = arith.constant 3 : i32
    %get3A_1521 = arith.constant 1 : i32
    %get3A_1522 = arith.index_cast %get3A_1520 : i32 to index
    %get3A_1523 = arith.index_cast %get3A_1521 : i32 to index
    %get3A_1524 = arith.constant 32 : index
    %get3A_1525 = tpu.vector_load %arg7[%get3A_1522, %get3A_1523, %get3A_1524] {strides = array<i32>} : memref<8x4x64xf32, #tpu.memory_space<vmem>>, vector<16xf32>,
    %get3A_1526 = arith.constant 3 : i32
    %get3A_1527 = arith.constant 2 : i32
    %get3A_1528 = arith.index_cast %get3A_1526 : i32 to index
    %get3A_1529 = arith.index_cast %get3A_1527 : i32 to index
    %get3A_1530 = arith.constant 32 : index
    %get3A_1531 = tpu.vector_load %arg7[%get3A_1528, %get3A_1529, %get3A_1530] {strides = array<i32>} : memref<8x4x64xf32, #tpu.memory_space<vmem>>, vector<16xf32>,
    %get3A_1532 = arith.constant 3 : i32
    %get3A_1533 = arith.constant 3 : i32
    %get3A_1534 = arith.index_cast %get3A_1532 : i32 to index
    %get3A_1535 = arith.index_cast %get3A_1533 : i32 to index
    %get3A_1536 = arith.constant 32 : index
    %get3A_1537 = tpu.vector_load %arg7[%get3A_1534, %get3A_1535, %get3A_1536] {strides = array<i32>} : memref<8x4x64xf32, #tpu.memory_space<vmem>>, vector<16xf32>,
    %bitcast3A_1538 = vector.bitcast %get3A_1525 : vector<16xf32> to vector<16xi32>
    %shift_right_logical3A_1539 = arith.constant 23 : i32
    %shift_right_logical3A_1540 = vector.broadcast %shift_right_logical3A_1539 : i32 to vector<16xi32>
    %shift_right_logical3A_1541 = arith.shrui %bitcast3A_1538, %shift_right_logical3A_1540 : vector<16xi32>
    %sub3A_1542 = arith.constant 127 : i32
    %sub3A_1543 = vector.broadcast %sub3A_1542 : i32 to vector<16xi32>
    %sub3A_1544 = arith.subi %shift_right_logical3A_1541, %sub3A_1543 : vector<16xi32>
    %and3A_1545 = arith.constant 8388607 : i32
    %and3A_1546 = vector.broadcast %and3A_1545 : i32 to vector<16xi32>
    %and3A_1547 = arith.andi %bitcast3A_1538, %and3A_1546 : vector<16xi32>
    %or3A_1548 = arith.constant 1065353216 : i32
    %or3A_1549 = vector.broadcast %or3A_1548 : i32 to vector<16xi32>
    %or3A_1550 = arith.ori %and3A_1547, %or3A_1549 : vector<16xi32>
    %bitcast3A_1551 = vector.bitcast %or3A_1550 : vector<16xi32> to vector<16xf32>
    %broadcast_in_dim3A_1552 = arith.constant -0.02482583 : f32
    %broadcast_in_dim3A_1553 = vector.broadcast %broadcast_in_dim3A_1552 : f32 to vector<16xf32>
    %mul3A_1554 = arith.mulf %broadcast_in_dim3A_1553, %bitcast3A_1551 : vector<16xf32>
    %add3A_1555 = arith.constant 0.266860753 : f32
    %add3A_1556 = vector.broadcast %add3A_1555 : f32 to vector<16xf32>
    %add3A_1557 = arith.addf %mul3A_1554, %add3A_1556 : vector<16xf32>
    %mul3A_1558 = arith.mulf %add3A_1557, %bitcast3A_1551 : vector<16xf32>
    %add3A_1559 = arith.constant -1.23427022 : f32
    %add3A_1560 = vector.broadcast %add3A_1559 : f32 to vector<16xf32>
    %add3A_1561 = arith.addf %mul3A_1558, %add3A_1560 : vector<16xf32>
    %mul3A_1562 = arith.mulf %add3A_1561, %bitcast3A_1551 : vector<16xf32>
    %add3A_1563 = arith.constant 3.21884608 : f32
    %add3A_1564 = vector.broadcast %add3A_1563 : f32 to vector<16xf32>
    %add3A_1565 = arith.addf %mul3A_1562, %add3A_1564 : vector<16xf32>
    %mul3A_1566 = arith.mulf %add3A_1565, %bitcast3A_1551 : vector<16xf32>
    %add3A_1567 = arith.constant -5.26412487 : f32
    %add3A_1568 = vector.broadcast %add3A_1567 : f32 to vector<16xf32>
    %add3A_1569 = arith.addf %mul3A_1566, %add3A_1568 : vector<16xf32>
    %mul3A_1570 = arith.mulf %add3A_1569, %bitcast3A_1551 : vector<16xf32>
    %add3A_1571 = arith.constant 6.06583834 : f32
    %add3A_1572 = vector.broadcast %add3A_1571 : f32 to vector<16xf32>
    %add3A_1573 = arith.addf %mul3A_1570, %add3A_1572 : vector<16xf32>
    %mul3A_1574 = arith.mulf %add3A_1573, %bitcast3A_1551 : vector<16xf32>
    %add3A_1575 = arith.constant -3.02831936 : f32
    %add3A_1576 = vector.broadcast %add3A_1575 : f32 to vector<16xf32>
    %add3A_1577 = arith.addf %mul3A_1574, %add3A_1576 : vector<16xf32>
    %convert_element_type3A_1578 = arith.sitofp %sub3A_1544 : vector<16xi32> to vector<16xf32>
    %add3A_1579 = arith.addf %convert_element_type3A_1578, %add3A_1577 : vector<16xf32>
    %mul3A_1580 = arith.constant 0.693147182 : f32
    %mul3A_1581 = vector.broadcast %mul3A_1580 : f32 to vector<16xf32>
    %mul3A_1582 = arith.mulf %add3A_1579, %mul3A_1581 : vector<16xf32>
    %add3A_1583 = arith.addf %get3A_1519, %mul3A_1582 : vector<16xf32>
    %sub3A_1584 = arith.subf %get3A_1537, %add3A_1583 : vector<16xf32>
    %exp3A_1585 = math.exp %sub3A_1584 : vector<16xf32>
    %max3A_1586 = arith.constant 9.99999993E-9 : f32
    %max3A_1587 = vector.broadcast %max3A_1586 : f32 to vector<16xf32>
    %max3A_1588 = arith.maximumf %exp3A_1585, %max3A_1587 : vector<16xf32>
    %min3A_1589 = arith.constant 1.000000e+00 : f32
    %min3A_1590 = vector.broadcast %min3A_1589 : f32 to vector<16xf32>
    %min3A_1591 = arith.minimumf %max3A_1588, %min3A_1590 : vector<16xf32>
    %get3A_1592 = arith.constant 224 : index
    %get3A_1593 = tpu.vector_load %arg6[%get3A_1592] {strides = array<i32>} : memref<512xi32, #tpu.memory_space<vmem>>, vector<16xi32>,
    %gather3A_1594 = tpu.vector_load_idx %arg8[%get3A_1593] : memref<1024xf32, #tpu.memory_space<vmem>>[vector<16xi32>], vector<16xf32>,
    %mul3A_1595 = arith.constant 1.638400e+04 : f32
    %mul3A_1596 = vector.broadcast %mul3A_1595 : f32 to vector<16xf32>
    %mul3A_1597 = arith.mulf %min3A_1591, %mul3A_1596 : vector<16xf32>
    %ge3A_1598 = arith.cmpf oge, %mul3A_1597, %gather3A_1594 : vector<16xf32>
    %jit3A_1599 = arith.constant 1.000000e+00 : f32
    %jit3A_1600 = arith.constant 0.000000e+00 : f32
    %broadcast_in_dim3A_1601 = vector.broadcast %jit3A_1599 : f32 to vector<16xf32>
    %broadcast_in_dim3A_1602 = vector.broadcast %jit3A_1600 : f32 to vector<16xf32>
    %select_n3A_1603 = arith.select %ge3A_1598, %broadcast_in_dim3A_1601, %broadcast_in_dim3A_1602 : vector<16xi1>, vector<16xf32>
    %mul3A_1604 = arith.constant 1.000000e+03 : f32
    %mul3A_1605 = vector.broadcast %mul3A_1604 : f32 to vector<16xf32>
    %mul3A_1606 = arith.mulf %mul3A_1605, %add3A_1583 : vector<16xf32>
    %sub3A_1607 = arith.subf %mul3A_1606, %get3A_1531 : vector<16xf32>
    %mul3A_1608 = arith.constant 3.50350339E-4 : f32
    %mul3A_1609 = vector.broadcast %mul3A_1608 : f32 to vector<16xf32>
    %mul3A_1610 = arith.mulf %mul3A_1609, %sub3A_1607 : vector<16xf32>
    %sub3A_1611 = arith.subf %add3A_1583, %get3A_1537 : vector<16xf32>
    %mul3A_1612 = arith.constant 0.64964962 : f32
    %mul3A_1613 = vector.broadcast %mul3A_1612 : f32 to vector<16xf32>
    %mul3A_1614 = arith.mulf %mul3A_1613, %sub3A_1611 : vector<16xf32>
    %add3A_1615 = arith.addf %mul3A_1610, %mul3A_1614 : vector<16xf32>
    %mul3A_1616 = arith.mulf %add3A_1615, %select_n3A_1603 : vector<16xf32>
    %add3A_1617 = arith.addf %add3A_1511, %mul3A_1616 : vector<16xf32>
    %add3A_1618 = arith.addf %add3A_1512, %select_n3A_1603 : vector<16xf32>
    %add3A_1619 = arith.addf %add3A_1513, %add3A_1615 : vector<16xf32>
    %get3A_1620 = arith.constant 3 : i32
    %get3A_1621 = arith.constant 0 : i32
    %get3A_1622 = arith.index_cast %get3A_1620 : i32 to index
    %get3A_1623 = arith.index_cast %get3A_1621 : i32 to index
    %get3A_1624 = arith.constant 48 : index
    %get3A_1625 = tpu.vector_load %arg7[%get3A_1622, %get3A_1623, %get3A_1624] {strides = array<i32>} : memref<8x4x64xf32, #tpu.memory_space<vmem>>, vector<16xf32>,
    %get3A_1626 = arith.constant 3 : i32
    %get3A_1627 = arith.constant 1 : i32
    %get3A_1628 = arith.index_cast %get3A_1626 : i32 to index
    %get3A_1629 = arith.index_cast %get3A_1627 : i32 to index
    %get3A_1630 = arith.constant 48 : index
    %get3A_1631 = tpu.vector_load %arg7[%get3A_1628, %get3A_1629, %get3A_1630] {strides = array<i32>} : memref<8x4x64xf32, #tpu.memory_space<vmem>>, vector<16xf32>,
    %get3A_1632 = arith.constant 3 : i32
    %get3A_1633 = arith.constant 2 : i32
    %get3A_1634 = arith.index_cast %get3A_1632 : i32 to index
    %get3A_1635 = arith.index_cast %get3A_1633 : i32 to index
    %get3A_1636 = arith.constant 48 : index
    %get3A_1637 = tpu.vector_load %arg7[%get3A_1634, %get3A_1635, %get3A_1636] {strides = array<i32>} : memref<8x4x64xf32, #tpu.memory_space<vmem>>, vector<16xf32>,
    %get3A_1638 = arith.constant 3 : i32
    %get3A_1639 = arith.constant 3 : i32
    %get3A_1640 = arith.index_cast %get3A_1638 : i32 to index
    %get3A_1641 = arith.index_cast %get3A_1639 : i32 to index
    %get3A_1642 = arith.constant 48 : index
    %get3A_1643 = tpu.vector_load %arg7[%get3A_1640, %get3A_1641, %get3A_1642] {strides = array<i32>} : memref<8x4x64xf32, #tpu.memory_space<vmem>>, vector<16xf32>,
    %bitcast3A_1644 = vector.bitcast %get3A_1631 : vector<16xf32> to vector<16xi32>
    %shift_right_logical3A_1645 = arith.constant 23 : i32
    %shift_right_logical3A_1646 = vector.broadcast %shift_right_logical3A_1645 : i32 to vector<16xi32>
    %shift_right_logical3A_1647 = arith.shrui %bitcast3A_1644, %shift_right_logical3A_1646 : vector<16xi32>
    %sub3A_1648 = arith.constant 127 : i32
    %sub3A_1649 = vector.broadcast %sub3A_1648 : i32 to vector<16xi32>
    %sub3A_1650 = arith.subi %shift_right_logical3A_1647, %sub3A_1649 : vector<16xi32>
    %and3A_1651 = arith.constant 8388607 : i32
    %and3A_1652 = vector.broadcast %and3A_1651 : i32 to vector<16xi32>
    %and3A_1653 = arith.andi %bitcast3A_1644, %and3A_1652 : vector<16xi32>
    %or3A_1654 = arith.constant 1065353216 : i32
    %or3A_1655 = vector.broadcast %or3A_1654 : i32 to vector<16xi32>
    %or3A_1656 = arith.ori %and3A_1653, %or3A_1655 : vector<16xi32>
    %bitcast3A_1657 = vector.bitcast %or3A_1656 : vector<16xi32> to vector<16xf32>
    %broadcast_in_dim3A_1658 = arith.constant -0.02482583 : f32
    %broadcast_in_dim3A_1659 = vector.broadcast %broadcast_in_dim3A_1658 : f32 to vector<16xf32>
    %mul3A_1660 = arith.mulf %broadcast_in_dim3A_1659, %bitcast3A_1657 : vector<16xf32>
    %add3A_1661 = arith.constant 0.266860753 : f32
    %add3A_1662 = vector.broadcast %add3A_1661 : f32 to vector<16xf32>
    %add3A_1663 = arith.addf %mul3A_1660, %add3A_1662 : vector<16xf32>
    %mul3A_1664 = arith.mulf %add3A_1663, %bitcast3A_1657 : vector<16xf32>
    %add3A_1665 = arith.constant -1.23427022 : f32
    %add3A_1666 = vector.broadcast %add3A_1665 : f32 to vector<16xf32>
    %add3A_1667 = arith.addf %mul3A_1664, %add3A_1666 : vector<16xf32>
    %mul3A_1668 = arith.mulf %add3A_1667, %bitcast3A_1657 : vector<16xf32>
    %add3A_1669 = arith.constant 3.21884608 : f32
    %add3A_1670 = vector.broadcast %add3A_1669 : f32 to vector<16xf32>
    %add3A_1671 = arith.addf %mul3A_1668, %add3A_1670 : vector<16xf32>
    %mul3A_1672 = arith.mulf %add3A_1671, %bitcast3A_1657 : vector<16xf32>
    %add3A_1673 = arith.constant -5.26412487 : f32
    %add3A_1674 = vector.broadcast %add3A_1673 : f32 to vector<16xf32>
    %add3A_1675 = arith.addf %mul3A_1672, %add3A_1674 : vector<16xf32>
    %mul3A_1676 = arith.mulf %add3A_1675, %bitcast3A_1657 : vector<16xf32>
    %add3A_1677 = arith.constant 6.06583834 : f32
    %add3A_1678 = vector.broadcast %add3A_1677 : f32 to vector<16xf32>
    %add3A_1679 = arith.addf %mul3A_1676, %add3A_1678 : vector<16xf32>
    %mul3A_1680 = arith.mulf %add3A_1679, %bitcast3A_1657 : vector<16xf32>
    %add3A_1681 = arith.constant -3.02831936 : f32
    %add3A_1682 = vector.broadcast %add3A_1681 : f32 to vector<16xf32>
    %add3A_1683 = arith.addf %mul3A_1680, %add3A_1682 : vector<16xf32>
    %convert_element_type3A_1684 = arith.sitofp %sub3A_1650 : vector<16xi32> to vector<16xf32>
    %add3A_1685 = arith.addf %convert_element_type3A_1684, %add3A_1683 : vector<16xf32>
    %mul3A_1686 = arith.constant 0.693147182 : f32
    %mul3A_1687 = vector.broadcast %mul3A_1686 : f32 to vector<16xf32>
    %mul3A_1688 = arith.mulf %add3A_1685, %mul3A_1687 : vector<16xf32>
    %add3A_1689 = arith.addf %get3A_1625, %mul3A_1688 : vector<16xf32>
    %sub3A_1690 = arith.subf %get3A_1643, %add3A_1689 : vector<16xf32>
    %exp3A_1691 = math.exp %sub3A_1690 : vector<16xf32>
    %max3A_1692 = arith.constant 9.99999993E-9 : f32
    %max3A_1693 = vector.broadcast %max3A_1692 : f32 to vector<16xf32>
    %max3A_1694 = arith.maximumf %exp3A_1691, %max3A_1693 : vector<16xf32>
    %min3A_1695 = arith.constant 1.000000e+00 : f32
    %min3A_1696 = vector.broadcast %min3A_1695 : f32 to vector<16xf32>
    %min3A_1697 = arith.minimumf %max3A_1694, %min3A_1696 : vector<16xf32>
    %get3A_1698 = arith.constant 240 : index
    %get3A_1699 = tpu.vector_load %arg6[%get3A_1698] {strides = array<i32>} : memref<512xi32, #tpu.memory_space<vmem>>, vector<16xi32>,
    %gather3A_1700 = tpu.vector_load_idx %arg8[%get3A_1699] : memref<1024xf32, #tpu.memory_space<vmem>>[vector<16xi32>], vector<16xf32>,
    %mul3A_1701 = arith.constant 1.638400e+04 : f32
    %mul3A_1702 = vector.broadcast %mul3A_1701 : f32 to vector<16xf32>
    %mul3A_1703 = arith.mulf %min3A_1697, %mul3A_1702 : vector<16xf32>
    %ge3A_1704 = arith.cmpf oge, %mul3A_1703, %gather3A_1700 : vector<16xf32>
    %jit3A_1705 = arith.constant 1.000000e+00 : f32
    %jit3A_1706 = arith.constant 0.000000e+00 : f32
    %broadcast_in_dim3A_1707 = vector.broadcast %jit3A_1705 : f32 to vector<16xf32>
    %broadcast_in_dim3A_1708 = vector.broadcast %jit3A_1706 : f32 to vector<16xf32>
    %select_n3A_1709 = arith.select %ge3A_1704, %broadcast_in_dim3A_1707, %broadcast_in_dim3A_1708 : vector<16xi1>, vector<16xf32>
    %mul3A_1710 = arith.constant 1.000000e+03 : f32
    %mul3A_1711 = vector.broadcast %mul3A_1710 : f32 to vector<16xf32>
    %mul3A_1712 = arith.mulf %mul3A_1711, %add3A_1689 : vector<16xf32>
    %sub3A_1713 = arith.subf %mul3A_1712, %get3A_1637 : vector<16xf32>
    %mul3A_1714 = arith.constant 3.50350339E-4 : f32
    %mul3A_1715 = vector.broadcast %mul3A_1714 : f32 to vector<16xf32>
    %mul3A_1716 = arith.mulf %mul3A_1715, %sub3A_1713 : vector<16xf32>
    %sub3A_1717 = arith.subf %add3A_1689, %get3A_1643 : vector<16xf32>
    %mul3A_1718 = arith.constant 0.64964962 : f32
    %mul3A_1719 = vector.broadcast %mul3A_1718 : f32 to vector<16xf32>
    %mul3A_1720 = arith.mulf %mul3A_1719, %sub3A_1717 : vector<16xf32>
    %add3A_1721 = arith.addf %mul3A_1716, %mul3A_1720 : vector<16xf32>
    %mul3A_1722 = arith.mulf %add3A_1721, %select_n3A_1709 : vector<16xf32>
    %add3A_1723 = arith.addf %add3A_1617, %mul3A_1722 : vector<16xf32>
    %add3A_1724 = arith.addf %add3A_1618, %select_n3A_1709 : vector<16xf32>
    %add3A_1725 = arith.addf %add3A_1619, %add3A_1721 : vector<16xf32>
    %get3A_1726 = arith.constant 4 : i32
    %get3A_1727 = arith.constant 0 : i32
    %get3A_1728 = arith.index_cast %get3A_1726 : i32 to index
    %get3A_1729 = arith.index_cast %get3A_1727 : i32 to index
    %get3A_1730 = arith.constant 0 : index
    %get3A_1731 = tpu.vector_load %arg7[%get3A_1728, %get3A_1729, %get3A_1730] {strides = array<i32>} : memref<8x4x64xf32, #tpu.memory_space<vmem>>, vector<16xf32>,
    %get3A_1732 = arith.constant 4 : i32
    %get3A_1733 = arith.constant 1 : i32
    %get3A_1734 = arith.index_cast %get3A_1732 : i32 to index
    %get3A_1735 = arith.index_cast %get3A_1733 : i32 to index
    %get3A_1736 = arith.constant 0 : index
    %get3A_1737 = tpu.vector_load %arg7[%get3A_1734, %get3A_1735, %get3A_1736] {strides = array<i32>} : memref<8x4x64xf32, #tpu.memory_space<vmem>>, vector<16xf32>,
    %get3A_1738 = arith.constant 4 : i32
    %get3A_1739 = arith.constant 2 : i32
    %get3A_1740 = arith.index_cast %get3A_1738 : i32 to index
    %get3A_1741 = arith.index_cast %get3A_1739 : i32 to index
    %get3A_1742 = arith.constant 0 : index
    %get3A_1743 = tpu.vector_load %arg7[%get3A_1740, %get3A_1741, %get3A_1742] {strides = array<i32>} : memref<8x4x64xf32, #tpu.memory_space<vmem>>, vector<16xf32>,
    %get3A_1744 = arith.constant 4 : i32
    %get3A_1745 = arith.constant 3 : i32
    %get3A_1746 = arith.index_cast %get3A_1744 : i32 to index
    %get3A_1747 = arith.index_cast %get3A_1745 : i32 to index
    %get3A_1748 = arith.constant 0 : index
    %get3A_1749 = tpu.vector_load %arg7[%get3A_1746, %get3A_1747, %get3A_1748] {strides = array<i32>} : memref<8x4x64xf32, #tpu.memory_space<vmem>>, vector<16xf32>,
    %bitcast3A_1750 = vector.bitcast %get3A_1737 : vector<16xf32> to vector<16xi32>
    %shift_right_logical3A_1751 = arith.constant 23 : i32
    %shift_right_logical3A_1752 = vector.broadcast %shift_right_logical3A_1751 : i32 to vector<16xi32>
    %shift_right_logical3A_1753 = arith.shrui %bitcast3A_1750, %shift_right_logical3A_1752 : vector<16xi32>
    %sub3A_1754 = arith.constant 127 : i32
    %sub3A_1755 = vector.broadcast %sub3A_1754 : i32 to vector<16xi32>
    %sub3A_1756 = arith.subi %shift_right_logical3A_1753, %sub3A_1755 : vector<16xi32>
    %and3A_1757 = arith.constant 8388607 : i32
    %and3A_1758 = vector.broadcast %and3A_1757 : i32 to vector<16xi32>
    %and3A_1759 = arith.andi %bitcast3A_1750, %and3A_1758 : vector<16xi32>
    %or3A_1760 = arith.constant 1065353216 : i32
    %or3A_1761 = vector.broadcast %or3A_1760 : i32 to vector<16xi32>
    %or3A_1762 = arith.ori %and3A_1759, %or3A_1761 : vector<16xi32>
    %bitcast3A_1763 = vector.bitcast %or3A_1762 : vector<16xi32> to vector<16xf32>
    %broadcast_in_dim3A_1764 = arith.constant -0.02482583 : f32
    %broadcast_in_dim3A_1765 = vector.broadcast %broadcast_in_dim3A_1764 : f32 to vector<16xf32>
    %mul3A_1766 = arith.mulf %broadcast_in_dim3A_1765, %bitcast3A_1763 : vector<16xf32>
    %add3A_1767 = arith.constant 0.266860753 : f32
    %add3A_1768 = vector.broadcast %add3A_1767 : f32 to vector<16xf32>
    %add3A_1769 = arith.addf %mul3A_1766, %add3A_1768 : vector<16xf32>
    %mul3A_1770 = arith.mulf %add3A_1769, %bitcast3A_1763 : vector<16xf32>
    %add3A_1771 = arith.constant -1.23427022 : f32
    %add3A_1772 = vector.broadcast %add3A_1771 : f32 to vector<16xf32>
    %add3A_1773 = arith.addf %mul3A_1770, %add3A_1772 : vector<16xf32>
    %mul3A_1774 = arith.mulf %add3A_1773, %bitcast3A_1763 : vector<16xf32>
    %add3A_1775 = arith.constant 3.21884608 : f32
    %add3A_1776 = vector.broadcast %add3A_1775 : f32 to vector<16xf32>
    %add3A_1777 = arith.addf %mul3A_1774, %add3A_1776 : vector<16xf32>
    %mul3A_1778 = arith.mulf %add3A_1777, %bitcast3A_1763 : vector<16xf32>
    %add3A_1779 = arith.constant -5.26412487 : f32
    %add3A_1780 = vector.broadcast %add3A_1779 : f32 to vector<16xf32>
    %add3A_1781 = arith.addf %mul3A_1778, %add3A_1780 : vector<16xf32>
    %mul3A_1782 = arith.mulf %add3A_1781, %bitcast3A_1763 : vector<16xf32>
    %add3A_1783 = arith.constant 6.06583834 : f32
    %add3A_1784 = vector.broadcast %add3A_1783 : f32 to vector<16xf32>
    %add3A_1785 = arith.addf %mul3A_1782, %add3A_1784 : vector<16xf32>
    %mul3A_1786 = arith.mulf %add3A_1785, %bitcast3A_1763 : vector<16xf32>
    %add3A_1787 = arith.constant -3.02831936 : f32
    %add3A_1788 = vector.broadcast %add3A_1787 : f32 to vector<16xf32>
    %add3A_1789 = arith.addf %mul3A_1786, %add3A_1788 : vector<16xf32>
    %convert_element_type3A_1790 = arith.sitofp %sub3A_1756 : vector<16xi32> to vector<16xf32>
    %add3A_1791 = arith.addf %convert_element_type3A_1790, %add3A_1789 : vector<16xf32>
    %mul3A_1792 = arith.constant 0.693147182 : f32
    %mul3A_1793 = vector.broadcast %mul3A_1792 : f32 to vector<16xf32>
    %mul3A_1794 = arith.mulf %add3A_1791, %mul3A_1793 : vector<16xf32>
    %add3A_1795 = arith.addf %get3A_1731, %mul3A_1794 : vector<16xf32>
    %sub3A_1796 = arith.subf %get3A_1749, %add3A_1795 : vector<16xf32>
    %exp3A_1797 = math.exp %sub3A_1796 : vector<16xf32>
    %max3A_1798 = arith.constant 9.99999993E-9 : f32
    %max3A_1799 = vector.broadcast %max3A_1798 : f32 to vector<16xf32>
    %max3A_1800 = arith.maximumf %exp3A_1797, %max3A_1799 : vector<16xf32>
    %min3A_1801 = arith.constant 1.000000e+00 : f32
    %min3A_1802 = vector.broadcast %min3A_1801 : f32 to vector<16xf32>
    %min3A_1803 = arith.minimumf %max3A_1800, %min3A_1802 : vector<16xf32>
    %get3A_1804 = arith.constant 256 : index
    %get3A_1805 = tpu.vector_load %arg6[%get3A_1804] {strides = array<i32>} : memref<512xi32, #tpu.memory_space<vmem>>, vector<16xi32>,
    %gather3A_1806 = tpu.vector_load_idx %arg8[%get3A_1805] : memref<1024xf32, #tpu.memory_space<vmem>>[vector<16xi32>], vector<16xf32>,
    %mul3A_1807 = arith.constant 1.638400e+04 : f32
    %mul3A_1808 = vector.broadcast %mul3A_1807 : f32 to vector<16xf32>
    %mul3A_1809 = arith.mulf %min3A_1803, %mul3A_1808 : vector<16xf32>
    %ge3A_1810 = arith.cmpf oge, %mul3A_1809, %gather3A_1806 : vector<16xf32>
    %jit3A_1811 = arith.constant 1.000000e+00 : f32
    %jit3A_1812 = arith.constant 0.000000e+00 : f32
    %broadcast_in_dim3A_1813 = vector.broadcast %jit3A_1811 : f32 to vector<16xf32>
    %broadcast_in_dim3A_1814 = vector.broadcast %jit3A_1812 : f32 to vector<16xf32>
    %select_n3A_1815 = arith.select %ge3A_1810, %broadcast_in_dim3A_1813, %broadcast_in_dim3A_1814 : vector<16xi1>, vector<16xf32>
    %mul3A_1816 = arith.constant 1.000000e+03 : f32
    %mul3A_1817 = vector.broadcast %mul3A_1816 : f32 to vector<16xf32>
    %mul3A_1818 = arith.mulf %mul3A_1817, %add3A_1795 : vector<16xf32>
    %sub3A_1819 = arith.subf %mul3A_1818, %get3A_1743 : vector<16xf32>
    %mul3A_1820 = arith.constant 3.50350339E-4 : f32
    %mul3A_1821 = vector.broadcast %mul3A_1820 : f32 to vector<16xf32>
    %mul3A_1822 = arith.mulf %mul3A_1821, %sub3A_1819 : vector<16xf32>
    %sub3A_1823 = arith.subf %add3A_1795, %get3A_1749 : vector<16xf32>
    %mul3A_1824 = arith.constant 0.64964962 : f32
    %mul3A_1825 = vector.broadcast %mul3A_1824 : f32 to vector<16xf32>
    %mul3A_1826 = arith.mulf %mul3A_1825, %sub3A_1823 : vector<16xf32>
    %add3A_1827 = arith.addf %mul3A_1822, %mul3A_1826 : vector<16xf32>
    %mul3A_1828 = arith.mulf %add3A_1827, %select_n3A_1815 : vector<16xf32>
    %add3A_1829 = arith.addf %add3A_1723, %mul3A_1828 : vector<16xf32>
    %add3A_1830 = arith.addf %add3A_1724, %select_n3A_1815 : vector<16xf32>
    %add3A_1831 = arith.addf %add3A_1725, %add3A_1827 : vector<16xf32>
    %get3A_1832 = arith.constant 4 : i32
    %get3A_1833 = arith.constant 0 : i32
    %get3A_1834 = arith.index_cast %get3A_1832 : i32 to index
    %get3A_1835 = arith.index_cast %get3A_1833 : i32 to index
    %get3A_1836 = arith.constant 16 : index
    %get3A_1837 = tpu.vector_load %arg7[%get3A_1834, %get3A_1835, %get3A_1836] {strides = array<i32>} : memref<8x4x64xf32, #tpu.memory_space<vmem>>, vector<16xf32>,
    %get3A_1838 = arith.constant 4 : i32
    %get3A_1839 = arith.constant 1 : i32
    %get3A_1840 = arith.index_cast %get3A_1838 : i32 to index
    %get3A_1841 = arith.index_cast %get3A_1839 : i32 to index
    %get3A_1842 = arith.constant 16 : index
    %get3A_1843 = tpu.vector_load %arg7[%get3A_1840, %get3A_1841, %get3A_1842] {strides = array<i32>} : memref<8x4x64xf32, #tpu.memory_space<vmem>>, vector<16xf32>,
    %get3A_1844 = arith.constant 4 : i32
    %get3A_1845 = arith.constant 2 : i32
    %get3A_1846 = arith.index_cast %get3A_1844 : i32 to index
    %get3A_1847 = arith.index_cast %get3A_1845 : i32 to index
    %get3A_1848 = arith.constant 16 : index
    %get3A_1849 = tpu.vector_load %arg7[%get3A_1846, %get3A_1847, %get3A_1848] {strides = array<i32>} : memref<8x4x64xf32, #tpu.memory_space<vmem>>, vector<16xf32>,
    %get3A_1850 = arith.constant 4 : i32
    %get3A_1851 = arith.constant 3 : i32
    %get3A_1852 = arith.index_cast %get3A_1850 : i32 to index
    %get3A_1853 = arith.index_cast %get3A_1851 : i32 to index
    %get3A_1854 = arith.constant 16 : index
    %get3A_1855 = tpu.vector_load %arg7[%get3A_1852, %get3A_1853, %get3A_1854] {strides = array<i32>} : memref<8x4x64xf32, #tpu.memory_space<vmem>>, vector<16xf32>,
    %bitcast3A_1856 = vector.bitcast %get3A_1843 : vector<16xf32> to vector<16xi32>
    %shift_right_logical3A_1857 = arith.constant 23 : i32
    %shift_right_logical3A_1858 = vector.broadcast %shift_right_logical3A_1857 : i32 to vector<16xi32>
    %shift_right_logical3A_1859 = arith.shrui %bitcast3A_1856, %shift_right_logical3A_1858 : vector<16xi32>
    %sub3A_1860 = arith.constant 127 : i32
    %sub3A_1861 = vector.broadcast %sub3A_1860 : i32 to vector<16xi32>
    %sub3A_1862 = arith.subi %shift_right_logical3A_1859, %sub3A_1861 : vector<16xi32>
    %and3A_1863 = arith.constant 8388607 : i32
    %and3A_1864 = vector.broadcast %and3A_1863 : i32 to vector<16xi32>
    %and3A_1865 = arith.andi %bitcast3A_1856, %and3A_1864 : vector<16xi32>
    %or3A_1866 = arith.constant 1065353216 : i32
    %or3A_1867 = vector.broadcast %or3A_1866 : i32 to vector<16xi32>
    %or3A_1868 = arith.ori %and3A_1865, %or3A_1867 : vector<16xi32>
    %bitcast3A_1869 = vector.bitcast %or3A_1868 : vector<16xi32> to vector<16xf32>
    %broadcast_in_dim3A_1870 = arith.constant -0.02482583 : f32
    %broadcast_in_dim3A_1871 = vector.broadcast %broadcast_in_dim3A_1870 : f32 to vector<16xf32>
    %mul3A_1872 = arith.mulf %broadcast_in_dim3A_1871, %bitcast3A_1869 : vector<16xf32>
    %add3A_1873 = arith.constant 0.266860753 : f32
    %add3A_1874 = vector.broadcast %add3A_1873 : f32 to vector<16xf32>
    %add3A_1875 = arith.addf %mul3A_1872, %add3A_1874 : vector<16xf32>
    %mul3A_1876 = arith.mulf %add3A_1875, %bitcast3A_1869 : vector<16xf32>
    %add3A_1877 = arith.constant -1.23427022 : f32
    %add3A_1878 = vector.broadcast %add3A_1877 : f32 to vector<16xf32>
    %add3A_1879 = arith.addf %mul3A_1876, %add3A_1878 : vector<16xf32>
    %mul3A_1880 = arith.mulf %add3A_1879, %bitcast3A_1869 : vector<16xf32>
    %add3A_1881 = arith.constant 3.21884608 : f32
    %add3A_1882 = vector.broadcast %add3A_1881 : f32 to vector<16xf32>
    %add3A_1883 = arith.addf %mul3A_1880, %add3A_1882 : vector<16xf32>
    %mul3A_1884 = arith.mulf %add3A_1883, %bitcast3A_1869 : vector<16xf32>
    %add3A_1885 = arith.constant -5.26412487 : f32
    %add3A_1886 = vector.broadcast %add3A_1885 : f32 to vector<16xf32>
    %add3A_1887 = arith.addf %mul3A_1884, %add3A_1886 : vector<16xf32>
    %mul3A_1888 = arith.mulf %add3A_1887, %bitcast3A_1869 : vector<16xf32>
    %add3A_1889 = arith.constant 6.06583834 : f32
    %add3A_1890 = vector.broadcast %add3A_1889 : f32 to vector<16xf32>
    %add3A_1891 = arith.addf %mul3A_1888, %add3A_1890 : vector<16xf32>
    %mul3A_1892 = arith.mulf %add3A_1891, %bitcast3A_1869 : vector<16xf32>
    %add3A_1893 = arith.constant -3.02831936 : f32
    %add3A_1894 = vector.broadcast %add3A_1893 : f32 to vector<16xf32>
    %add3A_1895 = arith.addf %mul3A_1892, %add3A_1894 : vector<16xf32>
    %convert_element_type3A_1896 = arith.sitofp %sub3A_1862 : vector<16xi32> to vector<16xf32>
    %add3A_1897 = arith.addf %convert_element_type3A_1896, %add3A_1895 : vector<16xf32>
    %mul3A_1898 = arith.constant 0.693147182 : f32
    %mul3A_1899 = vector.broadcast %mul3A_1898 : f32 to vector<16xf32>
    %mul3A_1900 = arith.mulf %add3A_1897, %mul3A_1899 : vector<16xf32>
    %add3A_1901 = arith.addf %get3A_1837, %mul3A_1900 : vector<16xf32>
    %sub3A_1902 = arith.subf %get3A_1855, %add3A_1901 : vector<16xf32>
    %exp3A_1903 = math.exp %sub3A_1902 : vector<16xf32>
    %max3A_1904 = arith.constant 9.99999993E-9 : f32
    %max3A_1905 = vector.broadcast %max3A_1904 : f32 to vector<16xf32>
    %max3A_1906 = arith.maximumf %exp3A_1903, %max3A_1905 : vector<16xf32>
    %min3A_1907 = arith.constant 1.000000e+00 : f32
    %min3A_1908 = vector.broadcast %min3A_1907 : f32 to vector<16xf32>
    %min3A_1909 = arith.minimumf %max3A_1906, %min3A_1908 : vector<16xf32>
    %get3A_1910 = arith.constant 272 : index
    %get3A_1911 = tpu.vector_load %arg6[%get3A_1910] {strides = array<i32>} : memref<512xi32, #tpu.memory_space<vmem>>, vector<16xi32>,
    %gather3A_1912 = tpu.vector_load_idx %arg8[%get3A_1911] : memref<1024xf32, #tpu.memory_space<vmem>>[vector<16xi32>], vector<16xf32>,
    %mul3A_1913 = arith.constant 1.638400e+04 : f32
    %mul3A_1914 = vector.broadcast %mul3A_1913 : f32 to vector<16xf32>
    %mul3A_1915 = arith.mulf %min3A_1909, %mul3A_1914 : vector<16xf32>
    %ge3A_1916 = arith.cmpf oge, %mul3A_1915, %gather3A_1912 : vector<16xf32>
    %jit3A_1917 = arith.constant 1.000000e+00 : f32
    %jit3A_1918 = arith.constant 0.000000e+00 : f32
    %broadcast_in_dim3A_1919 = vector.broadcast %jit3A_1917 : f32 to vector<16xf32>
    %broadcast_in_dim3A_1920 = vector.broadcast %jit3A_1918 : f32 to vector<16xf32>
    %select_n3A_1921 = arith.select %ge3A_1916, %broadcast_in_dim3A_1919, %broadcast_in_dim3A_1920 : vector<16xi1>, vector<16xf32>
    %mul3A_1922 = arith.constant 1.000000e+03 : f32
    %mul3A_1923 = vector.broadcast %mul3A_1922 : f32 to vector<16xf32>
    %mul3A_1924 = arith.mulf %mul3A_1923, %add3A_1901 : vector<16xf32>
    %sub3A_1925 = arith.subf %mul3A_1924, %get3A_1849 : vector<16xf32>
    %mul3A_1926 = arith.constant 3.50350339E-4 : f32
    %mul3A_1927 = vector.broadcast %mul3A_1926 : f32 to vector<16xf32>
    %mul3A_1928 = arith.mulf %mul3A_1927, %sub3A_1925 : vector<16xf32>
    %sub3A_1929 = arith.subf %add3A_1901, %get3A_1855 : vector<16xf32>
    %mul3A_1930 = arith.constant 0.64964962 : f32
    %mul3A_1931 = vector.broadcast %mul3A_1930 : f32 to vector<16xf32>
    %mul3A_1932 = arith.mulf %mul3A_1931, %sub3A_1929 : vector<16xf32>
    %add3A_1933 = arith.addf %mul3A_1928, %mul3A_1932 : vector<16xf32>
    %mul3A_1934 = arith.mulf %add3A_1933, %select_n3A_1921 : vector<16xf32>
    %add3A_1935 = arith.addf %add3A_1829, %mul3A_1934 : vector<16xf32>
    %add3A_1936 = arith.addf %add3A_1830, %select_n3A_1921 : vector<16xf32>
    %add3A_1937 = arith.addf %add3A_1831, %add3A_1933 : vector<16xf32>
    %get3A_1938 = arith.constant 4 : i32
    %get3A_1939 = arith.constant 0 : i32
    %get3A_1940 = arith.index_cast %get3A_1938 : i32 to index
    %get3A_1941 = arith.index_cast %get3A_1939 : i32 to index
    %get3A_1942 = arith.constant 32 : index
    %get3A_1943 = tpu.vector_load %arg7[%get3A_1940, %get3A_1941, %get3A_1942] {strides = array<i32>} : memref<8x4x64xf32, #tpu.memory_space<vmem>>, vector<16xf32>,
    %get3A_1944 = arith.constant 4 : i32
    %get3A_1945 = arith.constant 1 : i32
    %get3A_1946 = arith.index_cast %get3A_1944 : i32 to index
    %get3A_1947 = arith.index_cast %get3A_1945 : i32 to index
    %get3A_1948 = arith.constant 32 : index
    %get3A_1949 = tpu.vector_load %arg7[%get3A_1946, %get3A_1947, %get3A_1948] {strides = array<i32>} : memref<8x4x64xf32, #tpu.memory_space<vmem>>, vector<16xf32>,
    %get3A_1950 = arith.constant 4 : i32
    %get3A_1951 = arith.constant 2 : i32
    %get3A_1952 = arith.index_cast %get3A_1950 : i32 to index
    %get3A_1953 = arith.index_cast %get3A_1951 : i32 to index
    %get3A_1954 = arith.constant 32 : index
    %get3A_1955 = tpu.vector_load %arg7[%get3A_1952, %get3A_1953, %get3A_1954] {strides = array<i32>} : memref<8x4x64xf32, #tpu.memory_space<vmem>>, vector<16xf32>,
    %get3A_1956 = arith.constant 4 : i32
    %get3A_1957 = arith.constant 3 : i32
    %get3A_1958 = arith.index_cast %get3A_1956 : i32 to index
    %get3A_1959 = arith.index_cast %get3A_1957 : i32 to index
    %get3A_1960 = arith.constant 32 : index
    %get3A_1961 = tpu.vector_load %arg7[%get3A_1958, %get3A_1959, %get3A_1960] {strides = array<i32>} : memref<8x4x64xf32, #tpu.memory_space<vmem>>, vector<16xf32>,
    %bitcast3A_1962 = vector.bitcast %get3A_1949 : vector<16xf32> to vector<16xi32>
    %shift_right_logical3A_1963 = arith.constant 23 : i32
    %shift_right_logical3A_1964 = vector.broadcast %shift_right_logical3A_1963 : i32 to vector<16xi32>
    %shift_right_logical3A_1965 = arith.shrui %bitcast3A_1962, %shift_right_logical3A_1964 : vector<16xi32>
    %sub3A_1966 = arith.constant 127 : i32
    %sub3A_1967 = vector.broadcast %sub3A_1966 : i32 to vector<16xi32>
    %sub3A_1968 = arith.subi %shift_right_logical3A_1965, %sub3A_1967 : vector<16xi32>
    %and3A_1969 = arith.constant 8388607 : i32
    %and3A_1970 = vector.broadcast %and3A_1969 : i32 to vector<16xi32>
    %and3A_1971 = arith.andi %bitcast3A_1962, %and3A_1970 : vector<16xi32>
    %or3A_1972 = arith.constant 1065353216 : i32
    %or3A_1973 = vector.broadcast %or3A_1972 : i32 to vector<16xi32>
    %or3A_1974 = arith.ori %and3A_1971, %or3A_1973 : vector<16xi32>
    %bitcast3A_1975 = vector.bitcast %or3A_1974 : vector<16xi32> to vector<16xf32>
    %broadcast_in_dim3A_1976 = arith.constant -0.02482583 : f32
    %broadcast_in_dim3A_1977 = vector.broadcast %broadcast_in_dim3A_1976 : f32 to vector<16xf32>
    %mul3A_1978 = arith.mulf %broadcast_in_dim3A_1977, %bitcast3A_1975 : vector<16xf32>
    %add3A_1979 = arith.constant 0.266860753 : f32
    %add3A_1980 = vector.broadcast %add3A_1979 : f32 to vector<16xf32>
    %add3A_1981 = arith.addf %mul3A_1978, %add3A_1980 : vector<16xf32>
    %mul3A_1982 = arith.mulf %add3A_1981, %bitcast3A_1975 : vector<16xf32>
    %add3A_1983 = arith.constant -1.23427022 : f32
    %add3A_1984 = vector.broadcast %add3A_1983 : f32 to vector<16xf32>
    %add3A_1985 = arith.addf %mul3A_1982, %add3A_1984 : vector<16xf32>
    %mul3A_1986 = arith.mulf %add3A_1985, %bitcast3A_1975 : vector<16xf32>
    %add3A_1987 = arith.constant 3.21884608 : f32
    %add3A_1988 = vector.broadcast %add3A_1987 : f32 to vector<16xf32>
    %add3A_1989 = arith.addf %mul3A_1986, %add3A_1988 : vector<16xf32>
    %mul3A_1990 = arith.mulf %add3A_1989, %bitcast3A_1975 : vector<16xf32>
    %add3A_1991 = arith.constant -5.26412487 : f32
    %add3A_1992 = vector.broadcast %add3A_1991 : f32 to vector<16xf32>
    %add3A_1993 = arith.addf %mul3A_1990, %add3A_1992 : vector<16xf32>
    %mul3A_1994 = arith.mulf %add3A_1993, %bitcast3A_1975 : vector<16xf32>
    %add3A_1995 = arith.constant 6.06583834 : f32
    %add3A_1996 = vector.broadcast %add3A_1995 : f32 to vector<16xf32>
    %add3A_1997 = arith.addf %mul3A_1994, %add3A_1996 : vector<16xf32>
    %mul3A_1998 = arith.mulf %add3A_1997, %bitcast3A_1975 : vector<16xf32>
    %add3A_1999 = arith.constant -3.02831936 : f32
    %add3A_2000 = vector.broadcast %add3A_1999 : f32 to vector<16xf32>
    %add3A_2001 = arith.addf %mul3A_1998, %add3A_2000 : vector<16xf32>
    %convert_element_type3A_2002 = arith.sitofp %sub3A_1968 : vector<16xi32> to vector<16xf32>
    %add3A_2003 = arith.addf %convert_element_type3A_2002, %add3A_2001 : vector<16xf32>
    %mul3A_2004 = arith.constant 0.693147182 : f32
    %mul3A_2005 = vector.broadcast %mul3A_2004 : f32 to vector<16xf32>
    %mul3A_2006 = arith.mulf %add3A_2003, %mul3A_2005 : vector<16xf32>
    %add3A_2007 = arith.addf %get3A_1943, %mul3A_2006 : vector<16xf32>
    %sub3A_2008 = arith.subf %get3A_1961, %add3A_2007 : vector<16xf32>
    %exp3A_2009 = math.exp %sub3A_2008 : vector<16xf32>
    %max3A_2010 = arith.constant 9.99999993E-9 : f32
    %max3A_2011 = vector.broadcast %max3A_2010 : f32 to vector<16xf32>
    %max3A_2012 = arith.maximumf %exp3A_2009, %max3A_2011 : vector<16xf32>
    %min3A_2013 = arith.constant 1.000000e+00 : f32
    %min3A_2014 = vector.broadcast %min3A_2013 : f32 to vector<16xf32>
    %min3A_2015 = arith.minimumf %max3A_2012, %min3A_2014 : vector<16xf32>
    %get3A_2016 = arith.constant 288 : index
    %get3A_2017 = tpu.vector_load %arg6[%get3A_2016] {strides = array<i32>} : memref<512xi32, #tpu.memory_space<vmem>>, vector<16xi32>,
    %gather3A_2018 = tpu.vector_load_idx %arg8[%get3A_2017] : memref<1024xf32, #tpu.memory_space<vmem>>[vector<16xi32>], vector<16xf32>,
    %mul3A_2019 = arith.constant 1.638400e+04 : f32
    %mul3A_2020 = vector.broadcast %mul3A_2019 : f32 to vector<16xf32>
    %mul3A_2021 = arith.mulf %min3A_2015, %mul3A_2020 : vector<16xf32>
    %ge3A_2022 = arith.cmpf oge, %mul3A_2021, %gather3A_2018 : vector<16xf32>
    %jit3A_2023 = arith.constant 1.000000e+00 : f32
    %jit3A_2024 = arith.constant 0.000000e+00 : f32
    %broadcast_in_dim3A_2025 = vector.broadcast %jit3A_2023 : f32 to vector<16xf32>
    %broadcast_in_dim3A_2026 = vector.broadcast %jit3A_2024 : f32 to vector<16xf32>
    %select_n3A_2027 = arith.select %ge3A_2022, %broadcast_in_dim3A_2025, %broadcast_in_dim3A_2026 : vector<16xi1>, vector<16xf32>
    %mul3A_2028 = arith.constant 1.000000e+03 : f32
    %mul3A_2029 = vector.broadcast %mul3A_2028 : f32 to vector<16xf32>
    %mul3A_2030 = arith.mulf %mul3A_2029, %add3A_2007 : vector<16xf32>
    %sub3A_2031 = arith.subf %mul3A_2030, %get3A_1955 : vector<16xf32>
    %mul3A_2032 = arith.constant 3.50350339E-4 : f32
    %mul3A_2033 = vector.broadcast %mul3A_2032 : f32 to vector<16xf32>
    %mul3A_2034 = arith.mulf %mul3A_2033, %sub3A_2031 : vector<16xf32>
    %sub3A_2035 = arith.subf %add3A_2007, %get3A_1961 : vector<16xf32>
    %mul3A_2036 = arith.constant 0.64964962 : f32
    %mul3A_2037 = vector.broadcast %mul3A_2036 : f32 to vector<16xf32>
    %mul3A_2038 = arith.mulf %mul3A_2037, %sub3A_2035 : vector<16xf32>
    %add3A_2039 = arith.addf %mul3A_2034, %mul3A_2038 : vector<16xf32>
    %mul3A_2040 = arith.mulf %add3A_2039, %select_n3A_2027 : vector<16xf32>
    %add3A_2041 = arith.addf %add3A_1935, %mul3A_2040 : vector<16xf32>
    %add3A_2042 = arith.addf %add3A_1936, %select_n3A_2027 : vector<16xf32>
    %add3A_2043 = arith.addf %add3A_1937, %add3A_2039 : vector<16xf32>
    %get3A_2044 = arith.constant 4 : i32
    %get3A_2045 = arith.constant 0 : i32
    %get3A_2046 = arith.index_cast %get3A_2044 : i32 to index
    %get3A_2047 = arith.index_cast %get3A_2045 : i32 to index
    %get3A_2048 = arith.constant 48 : index
    %get3A_2049 = tpu.vector_load %arg7[%get3A_2046, %get3A_2047, %get3A_2048] {strides = array<i32>} : memref<8x4x64xf32, #tpu.memory_space<vmem>>, vector<16xf32>,
    %get3A_2050 = arith.constant 4 : i32
    %get3A_2051 = arith.constant 1 : i32
    %get3A_2052 = arith.index_cast %get3A_2050 : i32 to index
    %get3A_2053 = arith.index_cast %get3A_2051 : i32 to index
    %get3A_2054 = arith.constant 48 : index
    %get3A_2055 = tpu.vector_load %arg7[%get3A_2052, %get3A_2053, %get3A_2054] {strides = array<i32>} : memref<8x4x64xf32, #tpu.memory_space<vmem>>, vector<16xf32>,
    %get3A_2056 = arith.constant 4 : i32
    %get3A_2057 = arith.constant 2 : i32
    %get3A_2058 = arith.index_cast %get3A_2056 : i32 to index
    %get3A_2059 = arith.index_cast %get3A_2057 : i32 to index
    %get3A_2060 = arith.constant 48 : index
    %get3A_2061 = tpu.vector_load %arg7[%get3A_2058, %get3A_2059, %get3A_2060] {strides = array<i32>} : memref<8x4x64xf32, #tpu.memory_space<vmem>>, vector<16xf32>,
    %get3A_2062 = arith.constant 4 : i32
    %get3A_2063 = arith.constant 3 : i32
    %get3A_2064 = arith.index_cast %get3A_2062 : i32 to index
    %get3A_2065 = arith.index_cast %get3A_2063 : i32 to index
    %get3A_2066 = arith.constant 48 : index
    %get3A_2067 = tpu.vector_load %arg7[%get3A_2064, %get3A_2065, %get3A_2066] {strides = array<i32>} : memref<8x4x64xf32, #tpu.memory_space<vmem>>, vector<16xf32>,
    %bitcast3A_2068 = vector.bitcast %get3A_2055 : vector<16xf32> to vector<16xi32>
    %shift_right_logical3A_2069 = arith.constant 23 : i32
    %shift_right_logical3A_2070 = vector.broadcast %shift_right_logical3A_2069 : i32 to vector<16xi32>
    %shift_right_logical3A_2071 = arith.shrui %bitcast3A_2068, %shift_right_logical3A_2070 : vector<16xi32>
    %sub3A_2072 = arith.constant 127 : i32
    %sub3A_2073 = vector.broadcast %sub3A_2072 : i32 to vector<16xi32>
    %sub3A_2074 = arith.subi %shift_right_logical3A_2071, %sub3A_2073 : vector<16xi32>
    %and3A_2075 = arith.constant 8388607 : i32
    %and3A_2076 = vector.broadcast %and3A_2075 : i32 to vector<16xi32>
    %and3A_2077 = arith.andi %bitcast3A_2068, %and3A_2076 : vector<16xi32>
    %or3A_2078 = arith.constant 1065353216 : i32
    %or3A_2079 = vector.broadcast %or3A_2078 : i32 to vector<16xi32>
    %or3A_2080 = arith.ori %and3A_2077, %or3A_2079 : vector<16xi32>
    %bitcast3A_2081 = vector.bitcast %or3A_2080 : vector<16xi32> to vector<16xf32>
    %broadcast_in_dim3A_2082 = arith.constant -0.02482583 : f32
    %broadcast_in_dim3A_2083 = vector.broadcast %broadcast_in_dim3A_2082 : f32 to vector<16xf32>
    %mul3A_2084 = arith.mulf %broadcast_in_dim3A_2083, %bitcast3A_2081 : vector<16xf32>
    %add3A_2085 = arith.constant 0.266860753 : f32
    %add3A_2086 = vector.broadcast %add3A_2085 : f32 to vector<16xf32>
    %add3A_2087 = arith.addf %mul3A_2084, %add3A_2086 : vector<16xf32>
    %mul3A_2088 = arith.mulf %add3A_2087, %bitcast3A_2081 : vector<16xf32>
    %add3A_2089 = arith.constant -1.23427022 : f32
    %add3A_2090 = vector.broadcast %add3A_2089 : f32 to vector<16xf32>
    %add3A_2091 = arith.addf %mul3A_2088, %add3A_2090 : vector<16xf32>
    %mul3A_2092 = arith.mulf %add3A_2091, %bitcast3A_2081 : vector<16xf32>
    %add3A_2093 = arith.constant 3.21884608 : f32
    %add3A_2094 = vector.broadcast %add3A_2093 : f32 to vector<16xf32>
    %add3A_2095 = arith.addf %mul3A_2092, %add3A_2094 : vector<16xf32>
    %mul3A_2096 = arith.mulf %add3A_2095, %bitcast3A_2081 : vector<16xf32>
    %add3A_2097 = arith.constant -5.26412487 : f32
    %add3A_2098 = vector.broadcast %add3A_2097 : f32 to vector<16xf32>
    %add3A_2099 = arith.addf %mul3A_2096, %add3A_2098 : vector<16xf32>
    %mul3A_2100 = arith.mulf %add3A_2099, %bitcast3A_2081 : vector<16xf32>
    %add3A_2101 = arith.constant 6.06583834 : f32
    %add3A_2102 = vector.broadcast %add3A_2101 : f32 to vector<16xf32>
    %add3A_2103 = arith.addf %mul3A_2100, %add3A_2102 : vector<16xf32>
    %mul3A_2104 = arith.mulf %add3A_2103, %bitcast3A_2081 : vector<16xf32>
    %add3A_2105 = arith.constant -3.02831936 : f32
    %add3A_2106 = vector.broadcast %add3A_2105 : f32 to vector<16xf32>
    %add3A_2107 = arith.addf %mul3A_2104, %add3A_2106 : vector<16xf32>
    %convert_element_type3A_2108 = arith.sitofp %sub3A_2074 : vector<16xi32> to vector<16xf32>
    %add3A_2109 = arith.addf %convert_element_type3A_2108, %add3A_2107 : vector<16xf32>
    %mul3A_2110 = arith.constant 0.693147182 : f32
    %mul3A_2111 = vector.broadcast %mul3A_2110 : f32 to vector<16xf32>
    %mul3A_2112 = arith.mulf %add3A_2109, %mul3A_2111 : vector<16xf32>
    %add3A_2113 = arith.addf %get3A_2049, %mul3A_2112 : vector<16xf32>
    %sub3A_2114 = arith.subf %get3A_2067, %add3A_2113 : vector<16xf32>
    %exp3A_2115 = math.exp %sub3A_2114 : vector<16xf32>
    %max3A_2116 = arith.constant 9.99999993E-9 : f32
    %max3A_2117 = vector.broadcast %max3A_2116 : f32 to vector<16xf32>
    %max3A_2118 = arith.maximumf %exp3A_2115, %max3A_2117 : vector<16xf32>
    %min3A_2119 = arith.constant 1.000000e+00 : f32
    %min3A_2120 = vector.broadcast %min3A_2119 : f32 to vector<16xf32>
    %min3A_2121 = arith.minimumf %max3A_2118, %min3A_2120 : vector<16xf32>
    %get3A_2122 = arith.constant 304 : index
    %get3A_2123 = tpu.vector_load %arg6[%get3A_2122] {strides = array<i32>} : memref<512xi32, #tpu.memory_space<vmem>>, vector<16xi32>,
    %gather3A_2124 = tpu.vector_load_idx %arg8[%get3A_2123] : memref<1024xf32, #tpu.memory_space<vmem>>[vector<16xi32>], vector<16xf32>,
    %mul3A_2125 = arith.constant 1.638400e+04 : f32
    %mul3A_2126 = vector.broadcast %mul3A_2125 : f32 to vector<16xf32>
    %mul3A_2127 = arith.mulf %min3A_2121, %mul3A_2126 : vector<16xf32>
    %ge3A_2128 = arith.cmpf oge, %mul3A_2127, %gather3A_2124 : vector<16xf32>
    %jit3A_2129 = arith.constant 1.000000e+00 : f32
    %jit3A_2130 = arith.constant 0.000000e+00 : f32
    %broadcast_in_dim3A_2131 = vector.broadcast %jit3A_2129 : f32 to vector<16xf32>
    %broadcast_in_dim3A_2132 = vector.broadcast %jit3A_2130 : f32 to vector<16xf32>
    %select_n3A_2133 = arith.select %ge3A_2128, %broadcast_in_dim3A_2131, %broadcast_in_dim3A_2132 : vector<16xi1>, vector<16xf32>
    %mul3A_2134 = arith.constant 1.000000e+03 : f32
    %mul3A_2135 = vector.broadcast %mul3A_2134 : f32 to vector<16xf32>
    %mul3A_2136 = arith.mulf %mul3A_2135, %add3A_2113 : vector<16xf32>
    %sub3A_2137 = arith.subf %mul3A_2136, %get3A_2061 : vector<16xf32>
    %mul3A_2138 = arith.constant 3.50350339E-4 : f32
    %mul3A_2139 = vector.broadcast %mul3A_2138 : f32 to vector<16xf32>
    %mul3A_2140 = arith.mulf %mul3A_2139, %sub3A_2137 : vector<16xf32>
    %sub3A_2141 = arith.subf %add3A_2113, %get3A_2067 : vector<16xf32>
    %mul3A_2142 = arith.constant 0.64964962 : f32
    %mul3A_2143 = vector.broadcast %mul3A_2142 : f32 to vector<16xf32>
    %mul3A_2144 = arith.mulf %mul3A_2143, %sub3A_2141 : vector<16xf32>
    %add3A_2145 = arith.addf %mul3A_2140, %mul3A_2144 : vector<16xf32>
    %mul3A_2146 = arith.mulf %add3A_2145, %select_n3A_2133 : vector<16xf32>
    %add3A_2147 = arith.addf %add3A_2041, %mul3A_2146 : vector<16xf32>
    %add3A_2148 = arith.addf %add3A_2042, %select_n3A_2133 : vector<16xf32>
    %add3A_2149 = arith.addf %add3A_2043, %add3A_2145 : vector<16xf32>
    %get3A_2150 = arith.constant 5 : i32
    %get3A_2151 = arith.constant 0 : i32
    %get3A_2152 = arith.index_cast %get3A_2150 : i32 to index
    %get3A_2153 = arith.index_cast %get3A_2151 : i32 to index
    %get3A_2154 = arith.constant 0 : index
    %get3A_2155 = tpu.vector_load %arg7[%get3A_2152, %get3A_2153, %get3A_2154] {strides = array<i32>} : memref<8x4x64xf32, #tpu.memory_space<vmem>>, vector<16xf32>,
    %get3A_2156 = arith.constant 5 : i32
    %get3A_2157 = arith.constant 1 : i32
    %get3A_2158 = arith.index_cast %get3A_2156 : i32 to index
    %get3A_2159 = arith.index_cast %get3A_2157 : i32 to index
    %get3A_2160 = arith.constant 0 : index
    %get3A_2161 = tpu.vector_load %arg7[%get3A_2158, %get3A_2159, %get3A_2160] {strides = array<i32>} : memref<8x4x64xf32, #tpu.memory_space<vmem>>, vector<16xf32>,
    %get3A_2162 = arith.constant 5 : i32
    %get3A_2163 = arith.constant 2 : i32
    %get3A_2164 = arith.index_cast %get3A_2162 : i32 to index
    %get3A_2165 = arith.index_cast %get3A_2163 : i32 to index
    %get3A_2166 = arith.constant 0 : index
    %get3A_2167 = tpu.vector_load %arg7[%get3A_2164, %get3A_2165, %get3A_2166] {strides = array<i32>} : memref<8x4x64xf32, #tpu.memory_space<vmem>>, vector<16xf32>,
    %get3A_2168 = arith.constant 5 : i32
    %get3A_2169 = arith.constant 3 : i32
    %get3A_2170 = arith.index_cast %get3A_2168 : i32 to index
    %get3A_2171 = arith.index_cast %get3A_2169 : i32 to index
    %get3A_2172 = arith.constant 0 : index
    %get3A_2173 = tpu.vector_load %arg7[%get3A_2170, %get3A_2171, %get3A_2172] {strides = array<i32>} : memref<8x4x64xf32, #tpu.memory_space<vmem>>, vector<16xf32>,
    %bitcast3A_2174 = vector.bitcast %get3A_2161 : vector<16xf32> to vector<16xi32>
    %shift_right_logical3A_2175 = arith.constant 23 : i32
    %shift_right_logical3A_2176 = vector.broadcast %shift_right_logical3A_2175 : i32 to vector<16xi32>
    %shift_right_logical3A_2177 = arith.shrui %bitcast3A_2174, %shift_right_logical3A_2176 : vector<16xi32>
    %sub3A_2178 = arith.constant 127 : i32
    %sub3A_2179 = vector.broadcast %sub3A_2178 : i32 to vector<16xi32>
    %sub3A_2180 = arith.subi %shift_right_logical3A_2177, %sub3A_2179 : vector<16xi32>
    %and3A_2181 = arith.constant 8388607 : i32
    %and3A_2182 = vector.broadcast %and3A_2181 : i32 to vector<16xi32>
    %and3A_2183 = arith.andi %bitcast3A_2174, %and3A_2182 : vector<16xi32>
    %or3A_2184 = arith.constant 1065353216 : i32
    %or3A_2185 = vector.broadcast %or3A_2184 : i32 to vector<16xi32>
    %or3A_2186 = arith.ori %and3A_2183, %or3A_2185 : vector<16xi32>
    %bitcast3A_2187 = vector.bitcast %or3A_2186 : vector<16xi32> to vector<16xf32>
    %broadcast_in_dim3A_2188 = arith.constant -0.02482583 : f32
    %broadcast_in_dim3A_2189 = vector.broadcast %broadcast_in_dim3A_2188 : f32 to vector<16xf32>
    %mul3A_2190 = arith.mulf %broadcast_in_dim3A_2189, %bitcast3A_2187 : vector<16xf32>
    %add3A_2191 = arith.constant 0.266860753 : f32
    %add3A_2192 = vector.broadcast %add3A_2191 : f32 to vector<16xf32>
    %add3A_2193 = arith.addf %mul3A_2190, %add3A_2192 : vector<16xf32>
    %mul3A_2194 = arith.mulf %add3A_2193, %bitcast3A_2187 : vector<16xf32>
    %add3A_2195 = arith.constant -1.23427022 : f32
    %add3A_2196 = vector.broadcast %add3A_2195 : f32 to vector<16xf32>
    %add3A_2197 = arith.addf %mul3A_2194, %add3A_2196 : vector<16xf32>
    %mul3A_2198 = arith.mulf %add3A_2197, %bitcast3A_2187 : vector<16xf32>
    %add3A_2199 = arith.constant 3.21884608 : f32
    %add3A_2200 = vector.broadcast %add3A_2199 : f32 to vector<16xf32>
    %add3A_2201 = arith.addf %mul3A_2198, %add3A_2200 : vector<16xf32>
    %mul3A_2202 = arith.mulf %add3A_2201, %bitcast3A_2187 : vector<16xf32>
    %add3A_2203 = arith.constant -5.26412487 : f32
    %add3A_2204 = vector.broadcast %add3A_2203 : f32 to vector<16xf32>
    %add3A_2205 = arith.addf %mul3A_2202, %add3A_2204 : vector<16xf32>
    %mul3A_2206 = arith.mulf %add3A_2205, %bitcast3A_2187 : vector<16xf32>
    %add3A_2207 = arith.constant 6.06583834 : f32
    %add3A_2208 = vector.broadcast %add3A_2207 : f32 to vector<16xf32>
    %add3A_2209 = arith.addf %mul3A_2206, %add3A_2208 : vector<16xf32>
    %mul3A_2210 = arith.mulf %add3A_2209, %bitcast3A_2187 : vector<16xf32>
    %add3A_2211 = arith.constant -3.02831936 : f32
    %add3A_2212 = vector.broadcast %add3A_2211 : f32 to vector<16xf32>
    %add3A_2213 = arith.addf %mul3A_2210, %add3A_2212 : vector<16xf32>
    %convert_element_type3A_2214 = arith.sitofp %sub3A_2180 : vector<16xi32> to vector<16xf32>
    %add3A_2215 = arith.addf %convert_element_type3A_2214, %add3A_2213 : vector<16xf32>
    %mul3A_2216 = arith.constant 0.693147182 : f32
    %mul3A_2217 = vector.broadcast %mul3A_2216 : f32 to vector<16xf32>
    %mul3A_2218 = arith.mulf %add3A_2215, %mul3A_2217 : vector<16xf32>
    %add3A_2219 = arith.addf %get3A_2155, %mul3A_2218 : vector<16xf32>
    %sub3A_2220 = arith.subf %get3A_2173, %add3A_2219 : vector<16xf32>
    %exp3A_2221 = math.exp %sub3A_2220 : vector<16xf32>
    %max3A_2222 = arith.constant 9.99999993E-9 : f32
    %max3A_2223 = vector.broadcast %max3A_2222 : f32 to vector<16xf32>
    %max3A_2224 = arith.maximumf %exp3A_2221, %max3A_2223 : vector<16xf32>
    %min3A_2225 = arith.constant 1.000000e+00 : f32
    %min3A_2226 = vector.broadcast %min3A_2225 : f32 to vector<16xf32>
    %min3A_2227 = arith.minimumf %max3A_2224, %min3A_2226 : vector<16xf32>
    %get3A_2228 = arith.constant 320 : index
    %get3A_2229 = tpu.vector_load %arg6[%get3A_2228] {strides = array<i32>} : memref<512xi32, #tpu.memory_space<vmem>>, vector<16xi32>,
    %gather3A_2230 = tpu.vector_load_idx %arg8[%get3A_2229] : memref<1024xf32, #tpu.memory_space<vmem>>[vector<16xi32>], vector<16xf32>,
    %mul3A_2231 = arith.constant 1.638400e+04 : f32
    %mul3A_2232 = vector.broadcast %mul3A_2231 : f32 to vector<16xf32>
    %mul3A_2233 = arith.mulf %min3A_2227, %mul3A_2232 : vector<16xf32>
    %ge3A_2234 = arith.cmpf oge, %mul3A_2233, %gather3A_2230 : vector<16xf32>
    %jit3A_2235 = arith.constant 1.000000e+00 : f32
    %jit3A_2236 = arith.constant 0.000000e+00 : f32
    %broadcast_in_dim3A_2237 = vector.broadcast %jit3A_2235 : f32 to vector<16xf32>
    %broadcast_in_dim3A_2238 = vector.broadcast %jit3A_2236 : f32 to vector<16xf32>
    %select_n3A_2239 = arith.select %ge3A_2234, %broadcast_in_dim3A_2237, %broadcast_in_dim3A_2238 : vector<16xi1>, vector<16xf32>
    %mul3A_2240 = arith.constant 1.000000e+03 : f32
    %mul3A_2241 = vector.broadcast %mul3A_2240 : f32 to vector<16xf32>
    %mul3A_2242 = arith.mulf %mul3A_2241, %add3A_2219 : vector<16xf32>
    %sub3A_2243 = arith.subf %mul3A_2242, %get3A_2167 : vector<16xf32>
    %mul3A_2244 = arith.constant 3.50350339E-4 : f32
    %mul3A_2245 = vector.broadcast %mul3A_2244 : f32 to vector<16xf32>
    %mul3A_2246 = arith.mulf %mul3A_2245, %sub3A_2243 : vector<16xf32>
    %sub3A_2247 = arith.subf %add3A_2219, %get3A_2173 : vector<16xf32>
    %mul3A_2248 = arith.constant 0.64964962 : f32
    %mul3A_2249 = vector.broadcast %mul3A_2248 : f32 to vector<16xf32>
    %mul3A_2250 = arith.mulf %mul3A_2249, %sub3A_2247 : vector<16xf32>
    %add3A_2251 = arith.addf %mul3A_2246, %mul3A_2250 : vector<16xf32>
    %mul3A_2252 = arith.mulf %add3A_2251, %select_n3A_2239 : vector<16xf32>
    %add3A_2253 = arith.addf %add3A_2147, %mul3A_2252 : vector<16xf32>
    %add3A_2254 = arith.addf %add3A_2148, %select_n3A_2239 : vector<16xf32>
    %add3A_2255 = arith.addf %add3A_2149, %add3A_2251 : vector<16xf32>
    %get3A_2256 = arith.constant 5 : i32
    %get3A_2257 = arith.constant 0 : i32
    %get3A_2258 = arith.index_cast %get3A_2256 : i32 to index
    %get3A_2259 = arith.index_cast %get3A_2257 : i32 to index
    %get3A_2260 = arith.constant 16 : index
    %get3A_2261 = tpu.vector_load %arg7[%get3A_2258, %get3A_2259, %get3A_2260] {strides = array<i32>} : memref<8x4x64xf32, #tpu.memory_space<vmem>>, vector<16xf32>,
    %get3A_2262 = arith.constant 5 : i32
    %get3A_2263 = arith.constant 1 : i32
    %get3A_2264 = arith.index_cast %get3A_2262 : i32 to index
    %get3A_2265 = arith.index_cast %get3A_2263 : i32 to index
    %get3A_2266 = arith.constant 16 : index
    %get3A_2267 = tpu.vector_load %arg7[%get3A_2264, %get3A_2265, %get3A_2266] {strides = array<i32>} : memref<8x4x64xf32, #tpu.memory_space<vmem>>, vector<16xf32>,
    %get3A_2268 = arith.constant 5 : i32
    %get3A_2269 = arith.constant 2 : i32
    %get3A_2270 = arith.index_cast %get3A_2268 : i32 to index
    %get3A_2271 = arith.index_cast %get3A_2269 : i32 to index
    %get3A_2272 = arith.constant 16 : index
    %get3A_2273 = tpu.vector_load %arg7[%get3A_2270, %get3A_2271, %get3A_2272] {strides = array<i32>} : memref<8x4x64xf32, #tpu.memory_space<vmem>>, vector<16xf32>,
    %get3A_2274 = arith.constant 5 : i32
    %get3A_2275 = arith.constant 3 : i32
    %get3A_2276 = arith.index_cast %get3A_2274 : i32 to index
    %get3A_2277 = arith.index_cast %get3A_2275 : i32 to index
    %get3A_2278 = arith.constant 16 : index
    %get3A_2279 = tpu.vector_load %arg7[%get3A_2276, %get3A_2277, %get3A_2278] {strides = array<i32>} : memref<8x4x64xf32, #tpu.memory_space<vmem>>, vector<16xf32>,
    %bitcast3A_2280 = vector.bitcast %get3A_2267 : vector<16xf32> to vector<16xi32>
    %shift_right_logical3A_2281 = arith.constant 23 : i32
    %shift_right_logical3A_2282 = vector.broadcast %shift_right_logical3A_2281 : i32 to vector<16xi32>
    %shift_right_logical3A_2283 = arith.shrui %bitcast3A_2280, %shift_right_logical3A_2282 : vector<16xi32>
    %sub3A_2284 = arith.constant 127 : i32
    %sub3A_2285 = vector.broadcast %sub3A_2284 : i32 to vector<16xi32>
    %sub3A_2286 = arith.subi %shift_right_logical3A_2283, %sub3A_2285 : vector<16xi32>
    %and3A_2287 = arith.constant 8388607 : i32
    %and3A_2288 = vector.broadcast %and3A_2287 : i32 to vector<16xi32>
    %and3A_2289 = arith.andi %bitcast3A_2280, %and3A_2288 : vector<16xi32>
    %or3A_2290 = arith.constant 1065353216 : i32
    %or3A_2291 = vector.broadcast %or3A_2290 : i32 to vector<16xi32>
    %or3A_2292 = arith.ori %and3A_2289, %or3A_2291 : vector<16xi32>
    %bitcast3A_2293 = vector.bitcast %or3A_2292 : vector<16xi32> to vector<16xf32>
    %broadcast_in_dim3A_2294 = arith.constant -0.02482583 : f32
    %broadcast_in_dim3A_2295 = vector.broadcast %broadcast_in_dim3A_2294 : f32 to vector<16xf32>
    %mul3A_2296 = arith.mulf %broadcast_in_dim3A_2295, %bitcast3A_2293 : vector<16xf32>
    %add3A_2297 = arith.constant 0.266860753 : f32
    %add3A_2298 = vector.broadcast %add3A_2297 : f32 to vector<16xf32>
    %add3A_2299 = arith.addf %mul3A_2296, %add3A_2298 : vector<16xf32>
    %mul3A_2300 = arith.mulf %add3A_2299, %bitcast3A_2293 : vector<16xf32>
    %add3A_2301 = arith.constant -1.23427022 : f32
    %add3A_2302 = vector.broadcast %add3A_2301 : f32 to vector<16xf32>
    %add3A_2303 = arith.addf %mul3A_2300, %add3A_2302 : vector<16xf32>
    %mul3A_2304 = arith.mulf %add3A_2303, %bitcast3A_2293 : vector<16xf32>
    %add3A_2305 = arith.constant 3.21884608 : f32
    %add3A_2306 = vector.broadcast %add3A_2305 : f32 to vector<16xf32>
    %add3A_2307 = arith.addf %mul3A_2304, %add3A_2306 : vector<16xf32>
    %mul3A_2308 = arith.mulf %add3A_2307, %bitcast3A_2293 : vector<16xf32>
    %add3A_2309 = arith.constant -5.26412487 : f32
    %add3A_2310 = vector.broadcast %add3A_2309 : f32 to vector<16xf32>
    %add3A_2311 = arith.addf %mul3A_2308, %add3A_2310 : vector<16xf32>
    %mul3A_2312 = arith.mulf %add3A_2311, %bitcast3A_2293 : vector<16xf32>
    %add3A_2313 = arith.constant 6.06583834 : f32
    %add3A_2314 = vector.broadcast %add3A_2313 : f32 to vector<16xf32>
    %add3A_2315 = arith.addf %mul3A_2312, %add3A_2314 : vector<16xf32>
    %mul3A_2316 = arith.mulf %add3A_2315, %bitcast3A_2293 : vector<16xf32>
    %add3A_2317 = arith.constant -3.02831936 : f32
    %add3A_2318 = vector.broadcast %add3A_2317 : f32 to vector<16xf32>
    %add3A_2319 = arith.addf %mul3A_2316, %add3A_2318 : vector<16xf32>
    %convert_element_type3A_2320 = arith.sitofp %sub3A_2286 : vector<16xi32> to vector<16xf32>
    %add3A_2321 = arith.addf %convert_element_type3A_2320, %add3A_2319 : vector<16xf32>
    %mul3A_2322 = arith.constant 0.693147182 : f32
    %mul3A_2323 = vector.broadcast %mul3A_2322 : f32 to vector<16xf32>
    %mul3A_2324 = arith.mulf %add3A_2321, %mul3A_2323 : vector<16xf32>
    %add3A_2325 = arith.addf %get3A_2261, %mul3A_2324 : vector<16xf32>
    %sub3A_2326 = arith.subf %get3A_2279, %add3A_2325 : vector<16xf32>
    %exp3A_2327 = math.exp %sub3A_2326 : vector<16xf32>
    %max3A_2328 = arith.constant 9.99999993E-9 : f32
    %max3A_2329 = vector.broadcast %max3A_2328 : f32 to vector<16xf32>
    %max3A_2330 = arith.maximumf %exp3A_2327, %max3A_2329 : vector<16xf32>
    %min3A_2331 = arith.constant 1.000000e+00 : f32
    %min3A_2332 = vector.broadcast %min3A_2331 : f32 to vector<16xf32>
    %min3A_2333 = arith.minimumf %max3A_2330, %min3A_2332 : vector<16xf32>
    %get3A_2334 = arith.constant 336 : index
    %get3A_2335 = tpu.vector_load %arg6[%get3A_2334] {strides = array<i32>} : memref<512xi32, #tpu.memory_space<vmem>>, vector<16xi32>,
    %gather3A_2336 = tpu.vector_load_idx %arg8[%get3A_2335] : memref<1024xf32, #tpu.memory_space<vmem>>[vector<16xi32>], vector<16xf32>,
    %mul3A_2337 = arith.constant 1.638400e+04 : f32
    %mul3A_2338 = vector.broadcast %mul3A_2337 : f32 to vector<16xf32>
    %mul3A_2339 = arith.mulf %min3A_2333, %mul3A_2338 : vector<16xf32>
    %ge3A_2340 = arith.cmpf oge, %mul3A_2339, %gather3A_2336 : vector<16xf32>
    %jit3A_2341 = arith.constant 1.000000e+00 : f32
    %jit3A_2342 = arith.constant 0.000000e+00 : f32
    %broadcast_in_dim3A_2343 = vector.broadcast %jit3A_2341 : f32 to vector<16xf32>
    %broadcast_in_dim3A_2344 = vector.broadcast %jit3A_2342 : f32 to vector<16xf32>
    %select_n3A_2345 = arith.select %ge3A_2340, %broadcast_in_dim3A_2343, %broadcast_in_dim3A_2344 : vector<16xi1>, vector<16xf32>
    %mul3A_2346 = arith.constant 1.000000e+03 : f32
    %mul3A_2347 = vector.broadcast %mul3A_2346 : f32 to vector<16xf32>
    %mul3A_2348 = arith.mulf %mul3A_2347, %add3A_2325 : vector<16xf32>
    %sub3A_2349 = arith.subf %mul3A_2348, %get3A_2273 : vector<16xf32>
    %mul3A_2350 = arith.constant 3.50350339E-4 : f32
    %mul3A_2351 = vector.broadcast %mul3A_2350 : f32 to vector<16xf32>
    %mul3A_2352 = arith.mulf %mul3A_2351, %sub3A_2349 : vector<16xf32>
    %sub3A_2353 = arith.subf %add3A_2325, %get3A_2279 : vector<16xf32>
    %mul3A_2354 = arith.constant 0.64964962 : f32
    %mul3A_2355 = vector.broadcast %mul3A_2354 : f32 to vector<16xf32>
    %mul3A_2356 = arith.mulf %mul3A_2355, %sub3A_2353 : vector<16xf32>
    %add3A_2357 = arith.addf %mul3A_2352, %mul3A_2356 : vector<16xf32>
    %mul3A_2358 = arith.mulf %add3A_2357, %select_n3A_2345 : vector<16xf32>
    %add3A_2359 = arith.addf %add3A_2253, %mul3A_2358 : vector<16xf32>
    %add3A_2360 = arith.addf %add3A_2254, %select_n3A_2345 : vector<16xf32>
    %add3A_2361 = arith.addf %add3A_2255, %add3A_2357 : vector<16xf32>
    %get3A_2362 = arith.constant 5 : i32
    %get3A_2363 = arith.constant 0 : i32
    %get3A_2364 = arith.index_cast %get3A_2362 : i32 to index
    %get3A_2365 = arith.index_cast %get3A_2363 : i32 to index
    %get3A_2366 = arith.constant 32 : index
    %get3A_2367 = tpu.vector_load %arg7[%get3A_2364, %get3A_2365, %get3A_2366] {strides = array<i32>} : memref<8x4x64xf32, #tpu.memory_space<vmem>>, vector<16xf32>,
    %get3A_2368 = arith.constant 5 : i32
    %get3A_2369 = arith.constant 1 : i32
    %get3A_2370 = arith.index_cast %get3A_2368 : i32 to index
    %get3A_2371 = arith.index_cast %get3A_2369 : i32 to index
    %get3A_2372 = arith.constant 32 : index
    %get3A_2373 = tpu.vector_load %arg7[%get3A_2370, %get3A_2371, %get3A_2372] {strides = array<i32>} : memref<8x4x64xf32, #tpu.memory_space<vmem>>, vector<16xf32>,
    %get3A_2374 = arith.constant 5 : i32
    %get3A_2375 = arith.constant 2 : i32
    %get3A_2376 = arith.index_cast %get3A_2374 : i32 to index
    %get3A_2377 = arith.index_cast %get3A_2375 : i32 to index
    %get3A_2378 = arith.constant 32 : index
    %get3A_2379 = tpu.vector_load %arg7[%get3A_2376, %get3A_2377, %get3A_2378] {strides = array<i32>} : memref<8x4x64xf32, #tpu.memory_space<vmem>>, vector<16xf32>,
    %get3A_2380 = arith.constant 5 : i32
    %get3A_2381 = arith.constant 3 : i32
    %get3A_2382 = arith.index_cast %get3A_2380 : i32 to index
    %get3A_2383 = arith.index_cast %get3A_2381 : i32 to index
    %get3A_2384 = arith.constant 32 : index
    %get3A_2385 = tpu.vector_load %arg7[%get3A_2382, %get3A_2383, %get3A_2384] {strides = array<i32>} : memref<8x4x64xf32, #tpu.memory_space<vmem>>, vector<16xf32>,
    %bitcast3A_2386 = vector.bitcast %get3A_2373 : vector<16xf32> to vector<16xi32>
    %shift_right_logical3A_2387 = arith.constant 23 : i32
    %shift_right_logical3A_2388 = vector.broadcast %shift_right_logical3A_2387 : i32 to vector<16xi32>
    %shift_right_logical3A_2389 = arith.shrui %bitcast3A_2386, %shift_right_logical3A_2388 : vector<16xi32>
    %sub3A_2390 = arith.constant 127 : i32
    %sub3A_2391 = vector.broadcast %sub3A_2390 : i32 to vector<16xi32>
    %sub3A_2392 = arith.subi %shift_right_logical3A_2389, %sub3A_2391 : vector<16xi32>
    %and3A_2393 = arith.constant 8388607 : i32
    %and3A_2394 = vector.broadcast %and3A_2393 : i32 to vector<16xi32>
    %and3A_2395 = arith.andi %bitcast3A_2386, %and3A_2394 : vector<16xi32>
    %or3A_2396 = arith.constant 1065353216 : i32
    %or3A_2397 = vector.broadcast %or3A_2396 : i32 to vector<16xi32>
    %or3A_2398 = arith.ori %and3A_2395, %or3A_2397 : vector<16xi32>
    %bitcast3A_2399 = vector.bitcast %or3A_2398 : vector<16xi32> to vector<16xf32>
    %broadcast_in_dim3A_2400 = arith.constant -0.02482583 : f32
    %broadcast_in_dim3A_2401 = vector.broadcast %broadcast_in_dim3A_2400 : f32 to vector<16xf32>
    %mul3A_2402 = arith.mulf %broadcast_in_dim3A_2401, %bitcast3A_2399 : vector<16xf32>
    %add3A_2403 = arith.constant 0.266860753 : f32
    %add3A_2404 = vector.broadcast %add3A_2403 : f32 to vector<16xf32>
    %add3A_2405 = arith.addf %mul3A_2402, %add3A_2404 : vector<16xf32>
    %mul3A_2406 = arith.mulf %add3A_2405, %bitcast3A_2399 : vector<16xf32>
    %add3A_2407 = arith.constant -1.23427022 : f32
    %add3A_2408 = vector.broadcast %add3A_2407 : f32 to vector<16xf32>
    %add3A_2409 = arith.addf %mul3A_2406, %add3A_2408 : vector<16xf32>
    %mul3A_2410 = arith.mulf %add3A_2409, %bitcast3A_2399 : vector<16xf32>
    %add3A_2411 = arith.constant 3.21884608 : f32
    %add3A_2412 = vector.broadcast %add3A_2411 : f32 to vector<16xf32>
    %add3A_2413 = arith.addf %mul3A_2410, %add3A_2412 : vector<16xf32>
    %mul3A_2414 = arith.mulf %add3A_2413, %bitcast3A_2399 : vector<16xf32>
    %add3A_2415 = arith.constant -5.26412487 : f32
    %add3A_2416 = vector.broadcast %add3A_2415 : f32 to vector<16xf32>
    %add3A_2417 = arith.addf %mul3A_2414, %add3A_2416 : vector<16xf32>
    %mul3A_2418 = arith.mulf %add3A_2417, %bitcast3A_2399 : vector<16xf32>
    %add3A_2419 = arith.constant 6.06583834 : f32
    %add3A_2420 = vector.broadcast %add3A_2419 : f32 to vector<16xf32>
    %add3A_2421 = arith.addf %mul3A_2418, %add3A_2420 : vector<16xf32>
    %mul3A_2422 = arith.mulf %add3A_2421, %bitcast3A_2399 : vector<16xf32>
    %add3A_2423 = arith.constant -3.02831936 : f32
    %add3A_2424 = vector.broadcast %add3A_2423 : f32 to vector<16xf32>
    %add3A_2425 = arith.addf %mul3A_2422, %add3A_2424 : vector<16xf32>
    %convert_element_type3A_2426 = arith.sitofp %sub3A_2392 : vector<16xi32> to vector<16xf32>
    %add3A_2427 = arith.addf %convert_element_type3A_2426, %add3A_2425 : vector<16xf32>
    %mul3A_2428 = arith.constant 0.693147182 : f32
    %mul3A_2429 = vector.broadcast %mul3A_2428 : f32 to vector<16xf32>
    %mul3A_2430 = arith.mulf %add3A_2427, %mul3A_2429 : vector<16xf32>
    %add3A_2431 = arith.addf %get3A_2367, %mul3A_2430 : vector<16xf32>
    %sub3A_2432 = arith.subf %get3A_2385, %add3A_2431 : vector<16xf32>
    %exp3A_2433 = math.exp %sub3A_2432 : vector<16xf32>
    %max3A_2434 = arith.constant 9.99999993E-9 : f32
    %max3A_2435 = vector.broadcast %max3A_2434 : f32 to vector<16xf32>
    %max3A_2436 = arith.maximumf %exp3A_2433, %max3A_2435 : vector<16xf32>
    %min3A_2437 = arith.constant 1.000000e+00 : f32
    %min3A_2438 = vector.broadcast %min3A_2437 : f32 to vector<16xf32>
    %min3A_2439 = arith.minimumf %max3A_2436, %min3A_2438 : vector<16xf32>
    %get3A_2440 = arith.constant 352 : index
    %get3A_2441 = tpu.vector_load %arg6[%get3A_2440] {strides = array<i32>} : memref<512xi32, #tpu.memory_space<vmem>>, vector<16xi32>,
    %gather3A_2442 = tpu.vector_load_idx %arg8[%get3A_2441] : memref<1024xf32, #tpu.memory_space<vmem>>[vector<16xi32>], vector<16xf32>,
    %mul3A_2443 = arith.constant 1.638400e+04 : f32
    %mul3A_2444 = vector.broadcast %mul3A_2443 : f32 to vector<16xf32>
    %mul3A_2445 = arith.mulf %min3A_2439, %mul3A_2444 : vector<16xf32>
    %ge3A_2446 = arith.cmpf oge, %mul3A_2445, %gather3A_2442 : vector<16xf32>
    %jit3A_2447 = arith.constant 1.000000e+00 : f32
    %jit3A_2448 = arith.constant 0.000000e+00 : f32
    %broadcast_in_dim3A_2449 = vector.broadcast %jit3A_2447 : f32 to vector<16xf32>
    %broadcast_in_dim3A_2450 = vector.broadcast %jit3A_2448 : f32 to vector<16xf32>
    %select_n3A_2451 = arith.select %ge3A_2446, %broadcast_in_dim3A_2449, %broadcast_in_dim3A_2450 : vector<16xi1>, vector<16xf32>
    %mul3A_2452 = arith.constant 1.000000e+03 : f32
    %mul3A_2453 = vector.broadcast %mul3A_2452 : f32 to vector<16xf32>
    %mul3A_2454 = arith.mulf %mul3A_2453, %add3A_2431 : vector<16xf32>
    %sub3A_2455 = arith.subf %mul3A_2454, %get3A_2379 : vector<16xf32>
    %mul3A_2456 = arith.constant 3.50350339E-4 : f32
    %mul3A_2457 = vector.broadcast %mul3A_2456 : f32 to vector<16xf32>
    %mul3A_2458 = arith.mulf %mul3A_2457, %sub3A_2455 : vector<16xf32>
    %sub3A_2459 = arith.subf %add3A_2431, %get3A_2385 : vector<16xf32>
    %mul3A_2460 = arith.constant 0.64964962 : f32
    %mul3A_2461 = vector.broadcast %mul3A_2460 : f32 to vector<16xf32>
    %mul3A_2462 = arith.mulf %mul3A_2461, %sub3A_2459 : vector<16xf32>
    %add3A_2463 = arith.addf %mul3A_2458, %mul3A_2462 : vector<16xf32>
    %mul3A_2464 = arith.mulf %add3A_2463, %select_n3A_2451 : vector<16xf32>
    %add3A_2465 = arith.addf %add3A_2359, %mul3A_2464 : vector<16xf32>
    %add3A_2466 = arith.addf %add3A_2360, %select_n3A_2451 : vector<16xf32>
    %add3A_2467 = arith.addf %add3A_2361, %add3A_2463 : vector<16xf32>
    %get3A_2468 = arith.constant 5 : i32
    %get3A_2469 = arith.constant 0 : i32
    %get3A_2470 = arith.index_cast %get3A_2468 : i32 to index
    %get3A_2471 = arith.index_cast %get3A_2469 : i32 to index
    %get3A_2472 = arith.constant 48 : index
    %get3A_2473 = tpu.vector_load %arg7[%get3A_2470, %get3A_2471, %get3A_2472] {strides = array<i32>} : memref<8x4x64xf32, #tpu.memory_space<vmem>>, vector<16xf32>,
    %get3A_2474 = arith.constant 5 : i32
    %get3A_2475 = arith.constant 1 : i32
    %get3A_2476 = arith.index_cast %get3A_2474 : i32 to index
    %get3A_2477 = arith.index_cast %get3A_2475 : i32 to index
    %get3A_2478 = arith.constant 48 : index
    %get3A_2479 = tpu.vector_load %arg7[%get3A_2476, %get3A_2477, %get3A_2478] {strides = array<i32>} : memref<8x4x64xf32, #tpu.memory_space<vmem>>, vector<16xf32>,
    %get3A_2480 = arith.constant 5 : i32
    %get3A_2481 = arith.constant 2 : i32
    %get3A_2482 = arith.index_cast %get3A_2480 : i32 to index
    %get3A_2483 = arith.index_cast %get3A_2481 : i32 to index
    %get3A_2484 = arith.constant 48 : index
    %get3A_2485 = tpu.vector_load %arg7[%get3A_2482, %get3A_2483, %get3A_2484] {strides = array<i32>} : memref<8x4x64xf32, #tpu.memory_space<vmem>>, vector<16xf32>,
    %get3A_2486 = arith.constant 5 : i32
    %get3A_2487 = arith.constant 3 : i32
    %get3A_2488 = arith.index_cast %get3A_2486 : i32 to index
    %get3A_2489 = arith.index_cast %get3A_2487 : i32 to index
    %get3A_2490 = arith.constant 48 : index
    %get3A_2491 = tpu.vector_load %arg7[%get3A_2488, %get3A_2489, %get3A_2490] {strides = array<i32>} : memref<8x4x64xf32, #tpu.memory_space<vmem>>, vector<16xf32>,
    %bitcast3A_2492 = vector.bitcast %get3A_2479 : vector<16xf32> to vector<16xi32>
    %shift_right_logical3A_2493 = arith.constant 23 : i32
    %shift_right_logical3A_2494 = vector.broadcast %shift_right_logical3A_2493 : i32 to vector<16xi32>
    %shift_right_logical3A_2495 = arith.shrui %bitcast3A_2492, %shift_right_logical3A_2494 : vector<16xi32>
    %sub3A_2496 = arith.constant 127 : i32
    %sub3A_2497 = vector.broadcast %sub3A_2496 : i32 to vector<16xi32>
    %sub3A_2498 = arith.subi %shift_right_logical3A_2495, %sub3A_2497 : vector<16xi32>
    %and3A_2499 = arith.constant 8388607 : i32
    %and3A_2500 = vector.broadcast %and3A_2499 : i32 to vector<16xi32>
    %and3A_2501 = arith.andi %bitcast3A_2492, %and3A_2500 : vector<16xi32>
    %or3A_2502 = arith.constant 1065353216 : i32
    %or3A_2503 = vector.broadcast %or3A_2502 : i32 to vector<16xi32>
    %or3A_2504 = arith.ori %and3A_2501, %or3A_2503 : vector<16xi32>
    %bitcast3A_2505 = vector.bitcast %or3A_2504 : vector<16xi32> to vector<16xf32>
    %broadcast_in_dim3A_2506 = arith.constant -0.02482583 : f32
    %broadcast_in_dim3A_2507 = vector.broadcast %broadcast_in_dim3A_2506 : f32 to vector<16xf32>
    %mul3A_2508 = arith.mulf %broadcast_in_dim3A_2507, %bitcast3A_2505 : vector<16xf32>
    %add3A_2509 = arith.constant 0.266860753 : f32
    %add3A_2510 = vector.broadcast %add3A_2509 : f32 to vector<16xf32>
    %add3A_2511 = arith.addf %mul3A_2508, %add3A_2510 : vector<16xf32>
    %mul3A_2512 = arith.mulf %add3A_2511, %bitcast3A_2505 : vector<16xf32>
    %add3A_2513 = arith.constant -1.23427022 : f32
    %add3A_2514 = vector.broadcast %add3A_2513 : f32 to vector<16xf32>
    %add3A_2515 = arith.addf %mul3A_2512, %add3A_2514 : vector<16xf32>
    %mul3A_2516 = arith.mulf %add3A_2515, %bitcast3A_2505 : vector<16xf32>
    %add3A_2517 = arith.constant 3.21884608 : f32
    %add3A_2518 = vector.broadcast %add3A_2517 : f32 to vector<16xf32>
    %add3A_2519 = arith.addf %mul3A_2516, %add3A_2518 : vector<16xf32>
    %mul3A_2520 = arith.mulf %add3A_2519, %bitcast3A_2505 : vector<16xf32>
    %add3A_2521 = arith.constant -5.26412487 : f32
    %add3A_2522 = vector.broadcast %add3A_2521 : f32 to vector<16xf32>
    %add3A_2523 = arith.addf %mul3A_2520, %add3A_2522 : vector<16xf32>
    %mul3A_2524 = arith.mulf %add3A_2523, %bitcast3A_2505 : vector<16xf32>
    %add3A_2525 = arith.constant 6.06583834 : f32
    %add3A_2526 = vector.broadcast %add3A_2525 : f32 to vector<16xf32>
    %add3A_2527 = arith.addf %mul3A_2524, %add3A_2526 : vector<16xf32>
    %mul3A_2528 = arith.mulf %add3A_2527, %bitcast3A_2505 : vector<16xf32>
    %add3A_2529 = arith.constant -3.02831936 : f32
    %add3A_2530 = vector.broadcast %add3A_2529 : f32 to vector<16xf32>
    %add3A_2531 = arith.addf %mul3A_2528, %add3A_2530 : vector<16xf32>
    %convert_element_type3A_2532 = arith.sitofp %sub3A_2498 : vector<16xi32> to vector<16xf32>
    %add3A_2533 = arith.addf %convert_element_type3A_2532, %add3A_2531 : vector<16xf32>
    %mul3A_2534 = arith.constant 0.693147182 : f32
    %mul3A_2535 = vector.broadcast %mul3A_2534 : f32 to vector<16xf32>
    %mul3A_2536 = arith.mulf %add3A_2533, %mul3A_2535 : vector<16xf32>
    %add3A_2537 = arith.addf %get3A_2473, %mul3A_2536 : vector<16xf32>
    %sub3A_2538 = arith.subf %get3A_2491, %add3A_2537 : vector<16xf32>
    %exp3A_2539 = math.exp %sub3A_2538 : vector<16xf32>
    %max3A_2540 = arith.constant 9.99999993E-9 : f32
    %max3A_2541 = vector.broadcast %max3A_2540 : f32 to vector<16xf32>
    %max3A_2542 = arith.maximumf %exp3A_2539, %max3A_2541 : vector<16xf32>
    %min3A_2543 = arith.constant 1.000000e+00 : f32
    %min3A_2544 = vector.broadcast %min3A_2543 : f32 to vector<16xf32>
    %min3A_2545 = arith.minimumf %max3A_2542, %min3A_2544 : vector<16xf32>
    %get3A_2546 = arith.constant 368 : index
    %get3A_2547 = tpu.vector_load %arg6[%get3A_2546] {strides = array<i32>} : memref<512xi32, #tpu.memory_space<vmem>>, vector<16xi32>,
    %gather3A_2548 = tpu.vector_load_idx %arg8[%get3A_2547] : memref<1024xf32, #tpu.memory_space<vmem>>[vector<16xi32>], vector<16xf32>,
    %mul3A_2549 = arith.constant 1.638400e+04 : f32
    %mul3A_2550 = vector.broadcast %mul3A_2549 : f32 to vector<16xf32>
    %mul3A_2551 = arith.mulf %min3A_2545, %mul3A_2550 : vector<16xf32>
    %ge3A_2552 = arith.cmpf oge, %mul3A_2551, %gather3A_2548 : vector<16xf32>
    %jit3A_2553 = arith.constant 1.000000e+00 : f32
    %jit3A_2554 = arith.constant 0.000000e+00 : f32
    %broadcast_in_dim3A_2555 = vector.broadcast %jit3A_2553 : f32 to vector<16xf32>
    %broadcast_in_dim3A_2556 = vector.broadcast %jit3A_2554 : f32 to vector<16xf32>
    %select_n3A_2557 = arith.select %ge3A_2552, %broadcast_in_dim3A_2555, %broadcast_in_dim3A_2556 : vector<16xi1>, vector<16xf32>
    %mul3A_2558 = arith.constant 1.000000e+03 : f32
    %mul3A_2559 = vector.broadcast %mul3A_2558 : f32 to vector<16xf32>
    %mul3A_2560 = arith.mulf %mul3A_2559, %add3A_2537 : vector<16xf32>
    %sub3A_2561 = arith.subf %mul3A_2560, %get3A_2485 : vector<16xf32>
    %mul3A_2562 = arith.constant 3.50350339E-4 : f32
    %mul3A_2563 = vector.broadcast %mul3A_2562 : f32 to vector<16xf32>
    %mul3A_2564 = arith.mulf %mul3A_2563, %sub3A_2561 : vector<16xf32>
    %sub3A_2565 = arith.subf %add3A_2537, %get3A_2491 : vector<16xf32>
    %mul3A_2566 = arith.constant 0.64964962 : f32
    %mul3A_2567 = vector.broadcast %mul3A_2566 : f32 to vector<16xf32>
    %mul3A_2568 = arith.mulf %mul3A_2567, %sub3A_2565 : vector<16xf32>
    %add3A_2569 = arith.addf %mul3A_2564, %mul3A_2568 : vector<16xf32>
    %mul3A_2570 = arith.mulf %add3A_2569, %select_n3A_2557 : vector<16xf32>
    %add3A_2571 = arith.addf %add3A_2465, %mul3A_2570 : vector<16xf32>
    %add3A_2572 = arith.addf %add3A_2466, %select_n3A_2557 : vector<16xf32>
    %add3A_2573 = arith.addf %add3A_2467, %add3A_2569 : vector<16xf32>
    %get3A_2574 = arith.constant 6 : i32
    %get3A_2575 = arith.constant 0 : i32
    %get3A_2576 = arith.index_cast %get3A_2574 : i32 to index
    %get3A_2577 = arith.index_cast %get3A_2575 : i32 to index
    %get3A_2578 = arith.constant 0 : index
    %get3A_2579 = tpu.vector_load %arg7[%get3A_2576, %get3A_2577, %get3A_2578] {strides = array<i32>} : memref<8x4x64xf32, #tpu.memory_space<vmem>>, vector<16xf32>,
    %get3A_2580 = arith.constant 6 : i32
    %get3A_2581 = arith.constant 1 : i32
    %get3A_2582 = arith.index_cast %get3A_2580 : i32 to index
    %get3A_2583 = arith.index_cast %get3A_2581 : i32 to index
    %get3A_2584 = arith.constant 0 : index
    %get3A_2585 = tpu.vector_load %arg7[%get3A_2582, %get3A_2583, %get3A_2584] {strides = array<i32>} : memref<8x4x64xf32, #tpu.memory_space<vmem>>, vector<16xf32>,
    %get3A_2586 = arith.constant 6 : i32
    %get3A_2587 = arith.constant 2 : i32
    %get3A_2588 = arith.index_cast %get3A_2586 : i32 to index
    %get3A_2589 = arith.index_cast %get3A_2587 : i32 to index
    %get3A_2590 = arith.constant 0 : index
    %get3A_2591 = tpu.vector_load %arg7[%get3A_2588, %get3A_2589, %get3A_2590] {strides = array<i32>} : memref<8x4x64xf32, #tpu.memory_space<vmem>>, vector<16xf32>,
    %get3A_2592 = arith.constant 6 : i32
    %get3A_2593 = arith.constant 3 : i32
    %get3A_2594 = arith.index_cast %get3A_2592 : i32 to index
    %get3A_2595 = arith.index_cast %get3A_2593 : i32 to index
    %get3A_2596 = arith.constant 0 : index
    %get3A_2597 = tpu.vector_load %arg7[%get3A_2594, %get3A_2595, %get3A_2596] {strides = array<i32>} : memref<8x4x64xf32, #tpu.memory_space<vmem>>, vector<16xf32>,
    %bitcast3A_2598 = vector.bitcast %get3A_2585 : vector<16xf32> to vector<16xi32>
    %shift_right_logical3A_2599 = arith.constant 23 : i32
    %shift_right_logical3A_2600 = vector.broadcast %shift_right_logical3A_2599 : i32 to vector<16xi32>
    %shift_right_logical3A_2601 = arith.shrui %bitcast3A_2598, %shift_right_logical3A_2600 : vector<16xi32>
    %sub3A_2602 = arith.constant 127 : i32
    %sub3A_2603 = vector.broadcast %sub3A_2602 : i32 to vector<16xi32>
    %sub3A_2604 = arith.subi %shift_right_logical3A_2601, %sub3A_2603 : vector<16xi32>
    %and3A_2605 = arith.constant 8388607 : i32
    %and3A_2606 = vector.broadcast %and3A_2605 : i32 to vector<16xi32>
    %and3A_2607 = arith.andi %bitcast3A_2598, %and3A_2606 : vector<16xi32>
    %or3A_2608 = arith.constant 1065353216 : i32
    %or3A_2609 = vector.broadcast %or3A_2608 : i32 to vector<16xi32>
    %or3A_2610 = arith.ori %and3A_2607, %or3A_2609 : vector<16xi32>
    %bitcast3A_2611 = vector.bitcast %or3A_2610 : vector<16xi32> to vector<16xf32>
    %broadcast_in_dim3A_2612 = arith.constant -0.02482583 : f32
    %broadcast_in_dim3A_2613 = vector.broadcast %broadcast_in_dim3A_2612 : f32 to vector<16xf32>
    %mul3A_2614 = arith.mulf %broadcast_in_dim3A_2613, %bitcast3A_2611 : vector<16xf32>
    %add3A_2615 = arith.constant 0.266860753 : f32
    %add3A_2616 = vector.broadcast %add3A_2615 : f32 to vector<16xf32>
    %add3A_2617 = arith.addf %mul3A_2614, %add3A_2616 : vector<16xf32>
    %mul3A_2618 = arith.mulf %add3A_2617, %bitcast3A_2611 : vector<16xf32>
    %add3A_2619 = arith.constant -1.23427022 : f32
    %add3A_2620 = vector.broadcast %add3A_2619 : f32 to vector<16xf32>
    %add3A_2621 = arith.addf %mul3A_2618, %add3A_2620 : vector<16xf32>
    %mul3A_2622 = arith.mulf %add3A_2621, %bitcast3A_2611 : vector<16xf32>
    %add3A_2623 = arith.constant 3.21884608 : f32
    %add3A_2624 = vector.broadcast %add3A_2623 : f32 to vector<16xf32>
    %add3A_2625 = arith.addf %mul3A_2622, %add3A_2624 : vector<16xf32>
    %mul3A_2626 = arith.mulf %add3A_2625, %bitcast3A_2611 : vector<16xf32>
    %add3A_2627 = arith.constant -5.26412487 : f32
    %add3A_2628 = vector.broadcast %add3A_2627 : f32 to vector<16xf32>
    %add3A_2629 = arith.addf %mul3A_2626, %add3A_2628 : vector<16xf32>
    %mul3A_2630 = arith.mulf %add3A_2629, %bitcast3A_2611 : vector<16xf32>
    %add3A_2631 = arith.constant 6.06583834 : f32
    %add3A_2632 = vector.broadcast %add3A_2631 : f32 to vector<16xf32>
    %add3A_2633 = arith.addf %mul3A_2630, %add3A_2632 : vector<16xf32>
    %mul3A_2634 = arith.mulf %add3A_2633, %bitcast3A_2611 : vector<16xf32>
    %add3A_2635 = arith.constant -3.02831936 : f32
    %add3A_2636 = vector.broadcast %add3A_2635 : f32 to vector<16xf32>
    %add3A_2637 = arith.addf %mul3A_2634, %add3A_2636 : vector<16xf32>
    %convert_element_type3A_2638 = arith.sitofp %sub3A_2604 : vector<16xi32> to vector<16xf32>
    %add3A_2639 = arith.addf %convert_element_type3A_2638, %add3A_2637 : vector<16xf32>
    %mul3A_2640 = arith.constant 0.693147182 : f32
    %mul3A_2641 = vector.broadcast %mul3A_2640 : f32 to vector<16xf32>
    %mul3A_2642 = arith.mulf %add3A_2639, %mul3A_2641 : vector<16xf32>
    %add3A_2643 = arith.addf %get3A_2579, %mul3A_2642 : vector<16xf32>
    %sub3A_2644 = arith.subf %get3A_2597, %add3A_2643 : vector<16xf32>
    %exp3A_2645 = math.exp %sub3A_2644 : vector<16xf32>
    %max3A_2646 = arith.constant 9.99999993E-9 : f32
    %max3A_2647 = vector.broadcast %max3A_2646 : f32 to vector<16xf32>
    %max3A_2648 = arith.maximumf %exp3A_2645, %max3A_2647 : vector<16xf32>
    %min3A_2649 = arith.constant 1.000000e+00 : f32
    %min3A_2650 = vector.broadcast %min3A_2649 : f32 to vector<16xf32>
    %min3A_2651 = arith.minimumf %max3A_2648, %min3A_2650 : vector<16xf32>
    %get3A_2652 = arith.constant 384 : index
    %get3A_2653 = tpu.vector_load %arg6[%get3A_2652] {strides = array<i32>} : memref<512xi32, #tpu.memory_space<vmem>>, vector<16xi32>,
    %gather3A_2654 = tpu.vector_load_idx %arg8[%get3A_2653] : memref<1024xf32, #tpu.memory_space<vmem>>[vector<16xi32>], vector<16xf32>,
    %mul3A_2655 = arith.constant 1.638400e+04 : f32
    %mul3A_2656 = vector.broadcast %mul3A_2655 : f32 to vector<16xf32>
    %mul3A_2657 = arith.mulf %min3A_2651, %mul3A_2656 : vector<16xf32>
    %ge3A_2658 = arith.cmpf oge, %mul3A_2657, %gather3A_2654 : vector<16xf32>
    %jit3A_2659 = arith.constant 1.000000e+00 : f32
    %jit3A_2660 = arith.constant 0.000000e+00 : f32
    %broadcast_in_dim3A_2661 = vector.broadcast %jit3A_2659 : f32 to vector<16xf32>
    %broadcast_in_dim3A_2662 = vector.broadcast %jit3A_2660 : f32 to vector<16xf32>
    %select_n3A_2663 = arith.select %ge3A_2658, %broadcast_in_dim3A_2661, %broadcast_in_dim3A_2662 : vector<16xi1>, vector<16xf32>
    %mul3A_2664 = arith.constant 1.000000e+03 : f32
    %mul3A_2665 = vector.broadcast %mul3A_2664 : f32 to vector<16xf32>
    %mul3A_2666 = arith.mulf %mul3A_2665, %add3A_2643 : vector<16xf32>
    %sub3A_2667 = arith.subf %mul3A_2666, %get3A_2591 : vector<16xf32>
    %mul3A_2668 = arith.constant 3.50350339E-4 : f32
    %mul3A_2669 = vector.broadcast %mul3A_2668 : f32 to vector<16xf32>
    %mul3A_2670 = arith.mulf %mul3A_2669, %sub3A_2667 : vector<16xf32>
    %sub3A_2671 = arith.subf %add3A_2643, %get3A_2597 : vector<16xf32>
    %mul3A_2672 = arith.constant 0.64964962 : f32
    %mul3A_2673 = vector.broadcast %mul3A_2672 : f32 to vector<16xf32>
    %mul3A_2674 = arith.mulf %mul3A_2673, %sub3A_2671 : vector<16xf32>
    %add3A_2675 = arith.addf %mul3A_2670, %mul3A_2674 : vector<16xf32>
    %mul3A_2676 = arith.mulf %add3A_2675, %select_n3A_2663 : vector<16xf32>
    %add3A_2677 = arith.addf %add3A_2571, %mul3A_2676 : vector<16xf32>
    %add3A_2678 = arith.addf %add3A_2572, %select_n3A_2663 : vector<16xf32>
    %add3A_2679 = arith.addf %add3A_2573, %add3A_2675 : vector<16xf32>
    %get3A_2680 = arith.constant 6 : i32
    %get3A_2681 = arith.constant 0 : i32
    %get3A_2682 = arith.index_cast %get3A_2680 : i32 to index
    %get3A_2683 = arith.index_cast %get3A_2681 : i32 to index
    %get3A_2684 = arith.constant 16 : index
    %get3A_2685 = tpu.vector_load %arg7[%get3A_2682, %get3A_2683, %get3A_2684] {strides = array<i32>} : memref<8x4x64xf32, #tpu.memory_space<vmem>>, vector<16xf32>,
    %get3A_2686 = arith.constant 6 : i32
    %get3A_2687 = arith.constant 1 : i32
    %get3A_2688 = arith.index_cast %get3A_2686 : i32 to index
    %get3A_2689 = arith.index_cast %get3A_2687 : i32 to index
    %get3A_2690 = arith.constant 16 : index
    %get3A_2691 = tpu.vector_load %arg7[%get3A_2688, %get3A_2689, %get3A_2690] {strides = array<i32>} : memref<8x4x64xf32, #tpu.memory_space<vmem>>, vector<16xf32>,
    %get3A_2692 = arith.constant 6 : i32
    %get3A_2693 = arith.constant 2 : i32
    %get3A_2694 = arith.index_cast %get3A_2692 : i32 to index
    %get3A_2695 = arith.index_cast %get3A_2693 : i32 to index
    %get3A_2696 = arith.constant 16 : index
    %get3A_2697 = tpu.vector_load %arg7[%get3A_2694, %get3A_2695, %get3A_2696] {strides = array<i32>} : memref<8x4x64xf32, #tpu.memory_space<vmem>>, vector<16xf32>,
    %get3A_2698 = arith.constant 6 : i32
    %get3A_2699 = arith.constant 3 : i32
    %get3A_2700 = arith.index_cast %get3A_2698 : i32 to index
    %get3A_2701 = arith.index_cast %get3A_2699 : i32 to index
    %get3A_2702 = arith.constant 16 : index
    %get3A_2703 = tpu.vector_load %arg7[%get3A_2700, %get3A_2701, %get3A_2702] {strides = array<i32>} : memref<8x4x64xf32, #tpu.memory_space<vmem>>, vector<16xf32>,
    %bitcast3A_2704 = vector.bitcast %get3A_2691 : vector<16xf32> to vector<16xi32>
    %shift_right_logical3A_2705 = arith.constant 23 : i32
    %shift_right_logical3A_2706 = vector.broadcast %shift_right_logical3A_2705 : i32 to vector<16xi32>
    %shift_right_logical3A_2707 = arith.shrui %bitcast3A_2704, %shift_right_logical3A_2706 : vector<16xi32>
    %sub3A_2708 = arith.constant 127 : i32
    %sub3A_2709 = vector.broadcast %sub3A_2708 : i32 to vector<16xi32>
    %sub3A_2710 = arith.subi %shift_right_logical3A_2707, %sub3A_2709 : vector<16xi32>
    %and3A_2711 = arith.constant 8388607 : i32
    %and3A_2712 = vector.broadcast %and3A_2711 : i32 to vector<16xi32>
    %and3A_2713 = arith.andi %bitcast3A_2704, %and3A_2712 : vector<16xi32>
    %or3A_2714 = arith.constant 1065353216 : i32
    %or3A_2715 = vector.broadcast %or3A_2714 : i32 to vector<16xi32>
    %or3A_2716 = arith.ori %and3A_2713, %or3A_2715 : vector<16xi32>
    %bitcast3A_2717 = vector.bitcast %or3A_2716 : vector<16xi32> to vector<16xf32>
    %broadcast_in_dim3A_2718 = arith.constant -0.02482583 : f32
    %broadcast_in_dim3A_2719 = vector.broadcast %broadcast_in_dim3A_2718 : f32 to vector<16xf32>
    %mul3A_2720 = arith.mulf %broadcast_in_dim3A_2719, %bitcast3A_2717 : vector<16xf32>
    %add3A_2721 = arith.constant 0.266860753 : f32
    %add3A_2722 = vector.broadcast %add3A_2721 : f32 to vector<16xf32>
    %add3A_2723 = arith.addf %mul3A_2720, %add3A_2722 : vector<16xf32>
    %mul3A_2724 = arith.mulf %add3A_2723, %bitcast3A_2717 : vector<16xf32>
    %add3A_2725 = arith.constant -1.23427022 : f32
    %add3A_2726 = vector.broadcast %add3A_2725 : f32 to vector<16xf32>
    %add3A_2727 = arith.addf %mul3A_2724, %add3A_2726 : vector<16xf32>
    %mul3A_2728 = arith.mulf %add3A_2727, %bitcast3A_2717 : vector<16xf32>
    %add3A_2729 = arith.constant 3.21884608 : f32
    %add3A_2730 = vector.broadcast %add3A_2729 : f32 to vector<16xf32>
    %add3A_2731 = arith.addf %mul3A_2728, %add3A_2730 : vector<16xf32>
    %mul3A_2732 = arith.mulf %add3A_2731, %bitcast3A_2717 : vector<16xf32>
    %add3A_2733 = arith.constant -5.26412487 : f32
    %add3A_2734 = vector.broadcast %add3A_2733 : f32 to vector<16xf32>
    %add3A_2735 = arith.addf %mul3A_2732, %add3A_2734 : vector<16xf32>
    %mul3A_2736 = arith.mulf %add3A_2735, %bitcast3A_2717 : vector<16xf32>
    %add3A_2737 = arith.constant 6.06583834 : f32
    %add3A_2738 = vector.broadcast %add3A_2737 : f32 to vector<16xf32>
    %add3A_2739 = arith.addf %mul3A_2736, %add3A_2738 : vector<16xf32>
    %mul3A_2740 = arith.mulf %add3A_2739, %bitcast3A_2717 : vector<16xf32>
    %add3A_2741 = arith.constant -3.02831936 : f32
    %add3A_2742 = vector.broadcast %add3A_2741 : f32 to vector<16xf32>
    %add3A_2743 = arith.addf %mul3A_2740, %add3A_2742 : vector<16xf32>
    %convert_element_type3A_2744 = arith.sitofp %sub3A_2710 : vector<16xi32> to vector<16xf32>
    %add3A_2745 = arith.addf %convert_element_type3A_2744, %add3A_2743 : vector<16xf32>
    %mul3A_2746 = arith.constant 0.693147182 : f32
    %mul3A_2747 = vector.broadcast %mul3A_2746 : f32 to vector<16xf32>
    %mul3A_2748 = arith.mulf %add3A_2745, %mul3A_2747 : vector<16xf32>
    %add3A_2749 = arith.addf %get3A_2685, %mul3A_2748 : vector<16xf32>
    %sub3A_2750 = arith.subf %get3A_2703, %add3A_2749 : vector<16xf32>
    %exp3A_2751 = math.exp %sub3A_2750 : vector<16xf32>
    %max3A_2752 = arith.constant 9.99999993E-9 : f32
    %max3A_2753 = vector.broadcast %max3A_2752 : f32 to vector<16xf32>
    %max3A_2754 = arith.maximumf %exp3A_2751, %max3A_2753 : vector<16xf32>
    %min3A_2755 = arith.constant 1.000000e+00 : f32
    %min3A_2756 = vector.broadcast %min3A_2755 : f32 to vector<16xf32>
    %min3A_2757 = arith.minimumf %max3A_2754, %min3A_2756 : vector<16xf32>
    %get3A_2758 = arith.constant 400 : index
    %get3A_2759 = tpu.vector_load %arg6[%get3A_2758] {strides = array<i32>} : memref<512xi32, #tpu.memory_space<vmem>>, vector<16xi32>,
    %gather3A_2760 = tpu.vector_load_idx %arg8[%get3A_2759] : memref<1024xf32, #tpu.memory_space<vmem>>[vector<16xi32>], vector<16xf32>,
    %mul3A_2761 = arith.constant 1.638400e+04 : f32
    %mul3A_2762 = vector.broadcast %mul3A_2761 : f32 to vector<16xf32>
    %mul3A_2763 = arith.mulf %min3A_2757, %mul3A_2762 : vector<16xf32>
    %ge3A_2764 = arith.cmpf oge, %mul3A_2763, %gather3A_2760 : vector<16xf32>
    %jit3A_2765 = arith.constant 1.000000e+00 : f32
    %jit3A_2766 = arith.constant 0.000000e+00 : f32
    %broadcast_in_dim3A_2767 = vector.broadcast %jit3A_2765 : f32 to vector<16xf32>
    %broadcast_in_dim3A_2768 = vector.broadcast %jit3A_2766 : f32 to vector<16xf32>
    %select_n3A_2769 = arith.select %ge3A_2764, %broadcast_in_dim3A_2767, %broadcast_in_dim3A_2768 : vector<16xi1>, vector<16xf32>
    %mul3A_2770 = arith.constant 1.000000e+03 : f32
    %mul3A_2771 = vector.broadcast %mul3A_2770 : f32 to vector<16xf32>
    %mul3A_2772 = arith.mulf %mul3A_2771, %add3A_2749 : vector<16xf32>
    %sub3A_2773 = arith.subf %mul3A_2772, %get3A_2697 : vector<16xf32>
    %mul3A_2774 = arith.constant 3.50350339E-4 : f32
    %mul3A_2775 = vector.broadcast %mul3A_2774 : f32 to vector<16xf32>
    %mul3A_2776 = arith.mulf %mul3A_2775, %sub3A_2773 : vector<16xf32>
    %sub3A_2777 = arith.subf %add3A_2749, %get3A_2703 : vector<16xf32>
    %mul3A_2778 = arith.constant 0.64964962 : f32
    %mul3A_2779 = vector.broadcast %mul3A_2778 : f32 to vector<16xf32>
    %mul3A_2780 = arith.mulf %mul3A_2779, %sub3A_2777 : vector<16xf32>
    %add3A_2781 = arith.addf %mul3A_2776, %mul3A_2780 : vector<16xf32>
    %mul3A_2782 = arith.mulf %add3A_2781, %select_n3A_2769 : vector<16xf32>
    %add3A_2783 = arith.addf %add3A_2677, %mul3A_2782 : vector<16xf32>
    %add3A_2784 = arith.addf %add3A_2678, %select_n3A_2769 : vector<16xf32>
    %add3A_2785 = arith.addf %add3A_2679, %add3A_2781 : vector<16xf32>
    %get3A_2786 = arith.constant 6 : i32
    %get3A_2787 = arith.constant 0 : i32
    %get3A_2788 = arith.index_cast %get3A_2786 : i32 to index
    %get3A_2789 = arith.index_cast %get3A_2787 : i32 to index
    %get3A_2790 = arith.constant 32 : index
    %get3A_2791 = tpu.vector_load %arg7[%get3A_2788, %get3A_2789, %get3A_2790] {strides = array<i32>} : memref<8x4x64xf32, #tpu.memory_space<vmem>>, vector<16xf32>,
    %get3A_2792 = arith.constant 6 : i32
    %get3A_2793 = arith.constant 1 : i32
    %get3A_2794 = arith.index_cast %get3A_2792 : i32 to index
    %get3A_2795 = arith.index_cast %get3A_2793 : i32 to index
    %get3A_2796 = arith.constant 32 : index
    %get3A_2797 = tpu.vector_load %arg7[%get3A_2794, %get3A_2795, %get3A_2796] {strides = array<i32>} : memref<8x4x64xf32, #tpu.memory_space<vmem>>, vector<16xf32>,
    %get3A_2798 = arith.constant 6 : i32
    %get3A_2799 = arith.constant 2 : i32
    %get3A_2800 = arith.index_cast %get3A_2798 : i32 to index
    %get3A_2801 = arith.index_cast %get3A_2799 : i32 to index
    %get3A_2802 = arith.constant 32 : index
    %get3A_2803 = tpu.vector_load %arg7[%get3A_2800, %get3A_2801, %get3A_2802] {strides = array<i32>} : memref<8x4x64xf32, #tpu.memory_space<vmem>>, vector<16xf32>,
    %get3A_2804 = arith.constant 6 : i32
    %get3A_2805 = arith.constant 3 : i32
    %get3A_2806 = arith.index_cast %get3A_2804 : i32 to index
    %get3A_2807 = arith.index_cast %get3A_2805 : i32 to index
    %get3A_2808 = arith.constant 32 : index
    %get3A_2809 = tpu.vector_load %arg7[%get3A_2806, %get3A_2807, %get3A_2808] {strides = array<i32>} : memref<8x4x64xf32, #tpu.memory_space<vmem>>, vector<16xf32>,
    %bitcast3A_2810 = vector.bitcast %get3A_2797 : vector<16xf32> to vector<16xi32>
    %shift_right_logical3A_2811 = arith.constant 23 : i32
    %shift_right_logical3A_2812 = vector.broadcast %shift_right_logical3A_2811 : i32 to vector<16xi32>
    %shift_right_logical3A_2813 = arith.shrui %bitcast3A_2810, %shift_right_logical3A_2812 : vector<16xi32>
    %sub3A_2814 = arith.constant 127 : i32
    %sub3A_2815 = vector.broadcast %sub3A_2814 : i32 to vector<16xi32>
    %sub3A_2816 = arith.subi %shift_right_logical3A_2813, %sub3A_2815 : vector<16xi32>
    %and3A_2817 = arith.constant 8388607 : i32
    %and3A_2818 = vector.broadcast %and3A_2817 : i32 to vector<16xi32>
    %and3A_2819 = arith.andi %bitcast3A_2810, %and3A_2818 : vector<16xi32>
    %or3A_2820 = arith.constant 1065353216 : i32
    %or3A_2821 = vector.broadcast %or3A_2820 : i32 to vector<16xi32>
    %or3A_2822 = arith.ori %and3A_2819, %or3A_2821 : vector<16xi32>
    %bitcast3A_2823 = vector.bitcast %or3A_2822 : vector<16xi32> to vector<16xf32>
    %broadcast_in_dim3A_2824 = arith.constant -0.02482583 : f32
    %broadcast_in_dim3A_2825 = vector.broadcast %broadcast_in_dim3A_2824 : f32 to vector<16xf32>
    %mul3A_2826 = arith.mulf %broadcast_in_dim3A_2825, %bitcast3A_2823 : vector<16xf32>
    %add3A_2827 = arith.constant 0.266860753 : f32
    %add3A_2828 = vector.broadcast %add3A_2827 : f32 to vector<16xf32>
    %add3A_2829 = arith.addf %mul3A_2826, %add3A_2828 : vector<16xf32>
    %mul3A_2830 = arith.mulf %add3A_2829, %bitcast3A_2823 : vector<16xf32>
    %add3A_2831 = arith.constant -1.23427022 : f32
    %add3A_2832 = vector.broadcast %add3A_2831 : f32 to vector<16xf32>
    %add3A_2833 = arith.addf %mul3A_2830, %add3A_2832 : vector<16xf32>
    %mul3A_2834 = arith.mulf %add3A_2833, %bitcast3A_2823 : vector<16xf32>
    %add3A_2835 = arith.constant 3.21884608 : f32
    %add3A_2836 = vector.broadcast %add3A_2835 : f32 to vector<16xf32>
    %add3A_2837 = arith.addf %mul3A_2834, %add3A_2836 : vector<16xf32>
    %mul3A_2838 = arith.mulf %add3A_2837, %bitcast3A_2823 : vector<16xf32>
    %add3A_2839 = arith.constant -5.26412487 : f32
    %add3A_2840 = vector.broadcast %add3A_2839 : f32 to vector<16xf32>
    %add3A_2841 = arith.addf %mul3A_2838, %add3A_2840 : vector<16xf32>
    %mul3A_2842 = arith.mulf %add3A_2841, %bitcast3A_2823 : vector<16xf32>
    %add3A_2843 = arith.constant 6.06583834 : f32
    %add3A_2844 = vector.broadcast %add3A_2843 : f32 to vector<16xf32>
    %add3A_2845 = arith.addf %mul3A_2842, %add3A_2844 : vector<16xf32>
    %mul3A_2846 = arith.mulf %add3A_2845, %bitcast3A_2823 : vector<16xf32>
    %add3A_2847 = arith.constant -3.02831936 : f32
    %add3A_2848 = vector.broadcast %add3A_2847 : f32 to vector<16xf32>
    %add3A_2849 = arith.addf %mul3A_2846, %add3A_2848 : vector<16xf32>
    %convert_element_type3A_2850 = arith.sitofp %sub3A_2816 : vector<16xi32> to vector<16xf32>
    %add3A_2851 = arith.addf %convert_element_type3A_2850, %add3A_2849 : vector<16xf32>
    %mul3A_2852 = arith.constant 0.693147182 : f32
    %mul3A_2853 = vector.broadcast %mul3A_2852 : f32 to vector<16xf32>
    %mul3A_2854 = arith.mulf %add3A_2851, %mul3A_2853 : vector<16xf32>
    %add3A_2855 = arith.addf %get3A_2791, %mul3A_2854 : vector<16xf32>
    %sub3A_2856 = arith.subf %get3A_2809, %add3A_2855 : vector<16xf32>
    %exp3A_2857 = math.exp %sub3A_2856 : vector<16xf32>
    %max3A_2858 = arith.constant 9.99999993E-9 : f32
    %max3A_2859 = vector.broadcast %max3A_2858 : f32 to vector<16xf32>
    %max3A_2860 = arith.maximumf %exp3A_2857, %max3A_2859 : vector<16xf32>
    %min3A_2861 = arith.constant 1.000000e+00 : f32
    %min3A_2862 = vector.broadcast %min3A_2861 : f32 to vector<16xf32>
    %min3A_2863 = arith.minimumf %max3A_2860, %min3A_2862 : vector<16xf32>
    %get3A_2864 = arith.constant 416 : index
    %get3A_2865 = tpu.vector_load %arg6[%get3A_2864] {strides = array<i32>} : memref<512xi32, #tpu.memory_space<vmem>>, vector<16xi32>,
    %gather3A_2866 = tpu.vector_load_idx %arg8[%get3A_2865] : memref<1024xf32, #tpu.memory_space<vmem>>[vector<16xi32>], vector<16xf32>,
    %mul3A_2867 = arith.constant 1.638400e+04 : f32
    %mul3A_2868 = vector.broadcast %mul3A_2867 : f32 to vector<16xf32>
    %mul3A_2869 = arith.mulf %min3A_2863, %mul3A_2868 : vector<16xf32>
    %ge3A_2870 = arith.cmpf oge, %mul3A_2869, %gather3A_2866 : vector<16xf32>
    %jit3A_2871 = arith.constant 1.000000e+00 : f32
    %jit3A_2872 = arith.constant 0.000000e+00 : f32
    %broadcast_in_dim3A_2873 = vector.broadcast %jit3A_2871 : f32 to vector<16xf32>
    %broadcast_in_dim3A_2874 = vector.broadcast %jit3A_2872 : f32 to vector<16xf32>
    %select_n3A_2875 = arith.select %ge3A_2870, %broadcast_in_dim3A_2873, %broadcast_in_dim3A_2874 : vector<16xi1>, vector<16xf32>
    %mul3A_2876 = arith.constant 1.000000e+03 : f32
    %mul3A_2877 = vector.broadcast %mul3A_2876 : f32 to vector<16xf32>
    %mul3A_2878 = arith.mulf %mul3A_2877, %add3A_2855 : vector<16xf32>
    %sub3A_2879 = arith.subf %mul3A_2878, %get3A_2803 : vector<16xf32>
    %mul3A_2880 = arith.constant 3.50350339E-4 : f32
    %mul3A_2881 = vector.broadcast %mul3A_2880 : f32 to vector<16xf32>
    %mul3A_2882 = arith.mulf %mul3A_2881, %sub3A_2879 : vector<16xf32>
    %sub3A_2883 = arith.subf %add3A_2855, %get3A_2809 : vector<16xf32>
    %mul3A_2884 = arith.constant 0.64964962 : f32
    %mul3A_2885 = vector.broadcast %mul3A_2884 : f32 to vector<16xf32>
    %mul3A_2886 = arith.mulf %mul3A_2885, %sub3A_2883 : vector<16xf32>
    %add3A_2887 = arith.addf %mul3A_2882, %mul3A_2886 : vector<16xf32>
    %mul3A_2888 = arith.mulf %add3A_2887, %select_n3A_2875 : vector<16xf32>
    %add3A_2889 = arith.addf %add3A_2783, %mul3A_2888 : vector<16xf32>
    %add3A_2890 = arith.addf %add3A_2784, %select_n3A_2875 : vector<16xf32>
    %add3A_2891 = arith.addf %add3A_2785, %add3A_2887 : vector<16xf32>
    %get3A_2892 = arith.constant 6 : i32
    %get3A_2893 = arith.constant 0 : i32
    %get3A_2894 = arith.index_cast %get3A_2892 : i32 to index
    %get3A_2895 = arith.index_cast %get3A_2893 : i32 to index
    %get3A_2896 = arith.constant 48 : index
    %get3A_2897 = tpu.vector_load %arg7[%get3A_2894, %get3A_2895, %get3A_2896] {strides = array<i32>} : memref<8x4x64xf32, #tpu.memory_space<vmem>>, vector<16xf32>,
    %get3A_2898 = arith.constant 6 : i32
    %get3A_2899 = arith.constant 1 : i32
    %get3A_2900 = arith.index_cast %get3A_2898 : i32 to index
    %get3A_2901 = arith.index_cast %get3A_2899 : i32 to index
    %get3A_2902 = arith.constant 48 : index
    %get3A_2903 = tpu.vector_load %arg7[%get3A_2900, %get3A_2901, %get3A_2902] {strides = array<i32>} : memref<8x4x64xf32, #tpu.memory_space<vmem>>, vector<16xf32>,
    %get3A_2904 = arith.constant 6 : i32
    %get3A_2905 = arith.constant 2 : i32
    %get3A_2906 = arith.index_cast %get3A_2904 : i32 to index
    %get3A_2907 = arith.index_cast %get3A_2905 : i32 to index
    %get3A_2908 = arith.constant 48 : index
    %get3A_2909 = tpu.vector_load %arg7[%get3A_2906, %get3A_2907, %get3A_2908] {strides = array<i32>} : memref<8x4x64xf32, #tpu.memory_space<vmem>>, vector<16xf32>,
    %get3A_2910 = arith.constant 6 : i32
    %get3A_2911 = arith.constant 3 : i32
    %get3A_2912 = arith.index_cast %get3A_2910 : i32 to index
    %get3A_2913 = arith.index_cast %get3A_2911 : i32 to index
    %get3A_2914 = arith.constant 48 : index
    %get3A_2915 = tpu.vector_load %arg7[%get3A_2912, %get3A_2913, %get3A_2914] {strides = array<i32>} : memref<8x4x64xf32, #tpu.memory_space<vmem>>, vector<16xf32>,
    %bitcast3A_2916 = vector.bitcast %get3A_2903 : vector<16xf32> to vector<16xi32>
    %shift_right_logical3A_2917 = arith.constant 23 : i32
    %shift_right_logical3A_2918 = vector.broadcast %shift_right_logical3A_2917 : i32 to vector<16xi32>
    %shift_right_logical3A_2919 = arith.shrui %bitcast3A_2916, %shift_right_logical3A_2918 : vector<16xi32>
    %sub3A_2920 = arith.constant 127 : i32
    %sub3A_2921 = vector.broadcast %sub3A_2920 : i32 to vector<16xi32>
    %sub3A_2922 = arith.subi %shift_right_logical3A_2919, %sub3A_2921 : vector<16xi32>
    %and3A_2923 = arith.constant 8388607 : i32
    %and3A_2924 = vector.broadcast %and3A_2923 : i32 to vector<16xi32>
    %and3A_2925 = arith.andi %bitcast3A_2916, %and3A_2924 : vector<16xi32>
    %or3A_2926 = arith.constant 1065353216 : i32
    %or3A_2927 = vector.broadcast %or3A_2926 : i32 to vector<16xi32>
    %or3A_2928 = arith.ori %and3A_2925, %or3A_2927 : vector<16xi32>
    %bitcast3A_2929 = vector.bitcast %or3A_2928 : vector<16xi32> to vector<16xf32>
    %broadcast_in_dim3A_2930 = arith.constant -0.02482583 : f32
    %broadcast_in_dim3A_2931 = vector.broadcast %broadcast_in_dim3A_2930 : f32 to vector<16xf32>
    %mul3A_2932 = arith.mulf %broadcast_in_dim3A_2931, %bitcast3A_2929 : vector<16xf32>
    %add3A_2933 = arith.constant 0.266860753 : f32
    %add3A_2934 = vector.broadcast %add3A_2933 : f32 to vector<16xf32>
    %add3A_2935 = arith.addf %mul3A_2932, %add3A_2934 : vector<16xf32>
    %mul3A_2936 = arith.mulf %add3A_2935, %bitcast3A_2929 : vector<16xf32>
    %add3A_2937 = arith.constant -1.23427022 : f32
    %add3A_2938 = vector.broadcast %add3A_2937 : f32 to vector<16xf32>
    %add3A_2939 = arith.addf %mul3A_2936, %add3A_2938 : vector<16xf32>
    %mul3A_2940 = arith.mulf %add3A_2939, %bitcast3A_2929 : vector<16xf32>
    %add3A_2941 = arith.constant 3.21884608 : f32
    %add3A_2942 = vector.broadcast %add3A_2941 : f32 to vector<16xf32>
    %add3A_2943 = arith.addf %mul3A_2940, %add3A_2942 : vector<16xf32>
    %mul3A_2944 = arith.mulf %add3A_2943, %bitcast3A_2929 : vector<16xf32>
    %add3A_2945 = arith.constant -5.26412487 : f32
    %add3A_2946 = vector.broadcast %add3A_2945 : f32 to vector<16xf32>
    %add3A_2947 = arith.addf %mul3A_2944, %add3A_2946 : vector<16xf32>
    %mul3A_2948 = arith.mulf %add3A_2947, %bitcast3A_2929 : vector<16xf32>
    %add3A_2949 = arith.constant 6.06583834 : f32
    %add3A_2950 = vector.broadcast %add3A_2949 : f32 to vector<16xf32>
    %add3A_2951 = arith.addf %mul3A_2948, %add3A_2950 : vector<16xf32>
    %mul3A_2952 = arith.mulf %add3A_2951, %bitcast3A_2929 : vector<16xf32>
    %add3A_2953 = arith.constant -3.02831936 : f32
    %add3A_2954 = vector.broadcast %add3A_2953 : f32 to vector<16xf32>
    %add3A_2955 = arith.addf %mul3A_2952, %add3A_2954 : vector<16xf32>
    %convert_element_type3A_2956 = arith.sitofp %sub3A_2922 : vector<16xi32> to vector<16xf32>
    %add3A_2957 = arith.addf %convert_element_type3A_2956, %add3A_2955 : vector<16xf32>
    %mul3A_2958 = arith.constant 0.693147182 : f32
    %mul3A_2959 = vector.broadcast %mul3A_2958 : f32 to vector<16xf32>
    %mul3A_2960 = arith.mulf %add3A_2957, %mul3A_2959 : vector<16xf32>
    %add3A_2961 = arith.addf %get3A_2897, %mul3A_2960 : vector<16xf32>
    %sub3A_2962 = arith.subf %get3A_2915, %add3A_2961 : vector<16xf32>
    %exp3A_2963 = math.exp %sub3A_2962 : vector<16xf32>
    %max3A_2964 = arith.constant 9.99999993E-9 : f32
    %max3A_2965 = vector.broadcast %max3A_2964 : f32 to vector<16xf32>
    %max3A_2966 = arith.maximumf %exp3A_2963, %max3A_2965 : vector<16xf32>
    %min3A_2967 = arith.constant 1.000000e+00 : f32
    %min3A_2968 = vector.broadcast %min3A_2967 : f32 to vector<16xf32>
    %min3A_2969 = arith.minimumf %max3A_2966, %min3A_2968 : vector<16xf32>
    %get3A_2970 = arith.constant 432 : index
    %get3A_2971 = tpu.vector_load %arg6[%get3A_2970] {strides = array<i32>} : memref<512xi32, #tpu.memory_space<vmem>>, vector<16xi32>,
    %gather3A_2972 = tpu.vector_load_idx %arg8[%get3A_2971] : memref<1024xf32, #tpu.memory_space<vmem>>[vector<16xi32>], vector<16xf32>,
    %mul3A_2973 = arith.constant 1.638400e+04 : f32
    %mul3A_2974 = vector.broadcast %mul3A_2973 : f32 to vector<16xf32>
    %mul3A_2975 = arith.mulf %min3A_2969, %mul3A_2974 : vector<16xf32>
    %ge3A_2976 = arith.cmpf oge, %mul3A_2975, %gather3A_2972 : vector<16xf32>
    %jit3A_2977 = arith.constant 1.000000e+00 : f32
    %jit3A_2978 = arith.constant 0.000000e+00 : f32
    %broadcast_in_dim3A_2979 = vector.broadcast %jit3A_2977 : f32 to vector<16xf32>
    %broadcast_in_dim3A_2980 = vector.broadcast %jit3A_2978 : f32 to vector<16xf32>
    %select_n3A_2981 = arith.select %ge3A_2976, %broadcast_in_dim3A_2979, %broadcast_in_dim3A_2980 : vector<16xi1>, vector<16xf32>
    %mul3A_2982 = arith.constant 1.000000e+03 : f32
    %mul3A_2983 = vector.broadcast %mul3A_2982 : f32 to vector<16xf32>
    %mul3A_2984 = arith.mulf %mul3A_2983, %add3A_2961 : vector<16xf32>
    %sub3A_2985 = arith.subf %mul3A_2984, %get3A_2909 : vector<16xf32>
    %mul3A_2986 = arith.constant 3.50350339E-4 : f32
    %mul3A_2987 = vector.broadcast %mul3A_2986 : f32 to vector<16xf32>
    %mul3A_2988 = arith.mulf %mul3A_2987, %sub3A_2985 : vector<16xf32>
    %sub3A_2989 = arith.subf %add3A_2961, %get3A_2915 : vector<16xf32>
    %mul3A_2990 = arith.constant 0.64964962 : f32
    %mul3A_2991 = vector.broadcast %mul3A_2990 : f32 to vector<16xf32>
    %mul3A_2992 = arith.mulf %mul3A_2991, %sub3A_2989 : vector<16xf32>
    %add3A_2993 = arith.addf %mul3A_2988, %mul3A_2992 : vector<16xf32>
    %mul3A_2994 = arith.mulf %add3A_2993, %select_n3A_2981 : vector<16xf32>
    %add3A_2995 = arith.addf %add3A_2889, %mul3A_2994 : vector<16xf32>
    %add3A_2996 = arith.addf %add3A_2890, %select_n3A_2981 : vector<16xf32>
    %add3A_2997 = arith.addf %add3A_2891, %add3A_2993 : vector<16xf32>
    %get3A_2998 = arith.constant 7 : i32
    %get3A_2999 = arith.constant 0 : i32
    %get3A_3000 = arith.index_cast %get3A_2998 : i32 to index
    %get3A_3001 = arith.index_cast %get3A_2999 : i32 to index
    %get3A_3002 = arith.constant 0 : index
    %get3A_3003 = tpu.vector_load %arg7[%get3A_3000, %get3A_3001, %get3A_3002] {strides = array<i32>} : memref<8x4x64xf32, #tpu.memory_space<vmem>>, vector<16xf32>,
    %get3A_3004 = arith.constant 7 : i32
    %get3A_3005 = arith.constant 1 : i32
    %get3A_3006 = arith.index_cast %get3A_3004 : i32 to index
    %get3A_3007 = arith.index_cast %get3A_3005 : i32 to index
    %get3A_3008 = arith.constant 0 : index
    %get3A_3009 = tpu.vector_load %arg7[%get3A_3006, %get3A_3007, %get3A_3008] {strides = array<i32>} : memref<8x4x64xf32, #tpu.memory_space<vmem>>, vector<16xf32>,
    %get3A_3010 = arith.constant 7 : i32
    %get3A_3011 = arith.constant 2 : i32
    %get3A_3012 = arith.index_cast %get3A_3010 : i32 to index
    %get3A_3013 = arith.index_cast %get3A_3011 : i32 to index
    %get3A_3014 = arith.constant 0 : index
    %get3A_3015 = tpu.vector_load %arg7[%get3A_3012, %get3A_3013, %get3A_3014] {strides = array<i32>} : memref<8x4x64xf32, #tpu.memory_space<vmem>>, vector<16xf32>,
    %get3A_3016 = arith.constant 7 : i32
    %get3A_3017 = arith.constant 3 : i32
    %get3A_3018 = arith.index_cast %get3A_3016 : i32 to index
    %get3A_3019 = arith.index_cast %get3A_3017 : i32 to index
    %get3A_3020 = arith.constant 0 : index
    %get3A_3021 = tpu.vector_load %arg7[%get3A_3018, %get3A_3019, %get3A_3020] {strides = array<i32>} : memref<8x4x64xf32, #tpu.memory_space<vmem>>, vector<16xf32>,
    %bitcast3A_3022 = vector.bitcast %get3A_3009 : vector<16xf32> to vector<16xi32>
    %shift_right_logical3A_3023 = arith.constant 23 : i32
    %shift_right_logical3A_3024 = vector.broadcast %shift_right_logical3A_3023 : i32 to vector<16xi32>
    %shift_right_logical3A_3025 = arith.shrui %bitcast3A_3022, %shift_right_logical3A_3024 : vector<16xi32>
    %sub3A_3026 = arith.constant 127 : i32
    %sub3A_3027 = vector.broadcast %sub3A_3026 : i32 to vector<16xi32>
    %sub3A_3028 = arith.subi %shift_right_logical3A_3025, %sub3A_3027 : vector<16xi32>
    %and3A_3029 = arith.constant 8388607 : i32
    %and3A_3030 = vector.broadcast %and3A_3029 : i32 to vector<16xi32>
    %and3A_3031 = arith.andi %bitcast3A_3022, %and3A_3030 : vector<16xi32>
    %or3A_3032 = arith.constant 1065353216 : i32
    %or3A_3033 = vector.broadcast %or3A_3032 : i32 to vector<16xi32>
    %or3A_3034 = arith.ori %and3A_3031, %or3A_3033 : vector<16xi32>
    %bitcast3A_3035 = vector.bitcast %or3A_3034 : vector<16xi32> to vector<16xf32>
    %broadcast_in_dim3A_3036 = arith.constant -0.02482583 : f32
    %broadcast_in_dim3A_3037 = vector.broadcast %broadcast_in_dim3A_3036 : f32 to vector<16xf32>
    %mul3A_3038 = arith.mulf %broadcast_in_dim3A_3037, %bitcast3A_3035 : vector<16xf32>
    %add3A_3039 = arith.constant 0.266860753 : f32
    %add3A_3040 = vector.broadcast %add3A_3039 : f32 to vector<16xf32>
    %add3A_3041 = arith.addf %mul3A_3038, %add3A_3040 : vector<16xf32>
    %mul3A_3042 = arith.mulf %add3A_3041, %bitcast3A_3035 : vector<16xf32>
    %add3A_3043 = arith.constant -1.23427022 : f32
    %add3A_3044 = vector.broadcast %add3A_3043 : f32 to vector<16xf32>
    %add3A_3045 = arith.addf %mul3A_3042, %add3A_3044 : vector<16xf32>
    %mul3A_3046 = arith.mulf %add3A_3045, %bitcast3A_3035 : vector<16xf32>
    %add3A_3047 = arith.constant 3.21884608 : f32
    %add3A_3048 = vector.broadcast %add3A_3047 : f32 to vector<16xf32>
    %add3A_3049 = arith.addf %mul3A_3046, %add3A_3048 : vector<16xf32>
    %mul3A_3050 = arith.mulf %add3A_3049, %bitcast3A_3035 : vector<16xf32>
    %add3A_3051 = arith.constant -5.26412487 : f32
    %add3A_3052 = vector.broadcast %add3A_3051 : f32 to vector<16xf32>
    %add3A_3053 = arith.addf %mul3A_3050, %add3A_3052 : vector<16xf32>
    %mul3A_3054 = arith.mulf %add3A_3053, %bitcast3A_3035 : vector<16xf32>
    %add3A_3055 = arith.constant 6.06583834 : f32
    %add3A_3056 = vector.broadcast %add3A_3055 : f32 to vector<16xf32>
    %add3A_3057 = arith.addf %mul3A_3054, %add3A_3056 : vector<16xf32>
    %mul3A_3058 = arith.mulf %add3A_3057, %bitcast3A_3035 : vector<16xf32>
    %add3A_3059 = arith.constant -3.02831936 : f32
    %add3A_3060 = vector.broadcast %add3A_3059 : f32 to vector<16xf32>
    %add3A_3061 = arith.addf %mul3A_3058, %add3A_3060 : vector<16xf32>
    %convert_element_type3A_3062 = arith.sitofp %sub3A_3028 : vector<16xi32> to vector<16xf32>
    %add3A_3063 = arith.addf %convert_element_type3A_3062, %add3A_3061 : vector<16xf32>
    %mul3A_3064 = arith.constant 0.693147182 : f32
    %mul3A_3065 = vector.broadcast %mul3A_3064 : f32 to vector<16xf32>
    %mul3A_3066 = arith.mulf %add3A_3063, %mul3A_3065 : vector<16xf32>
    %add3A_3067 = arith.addf %get3A_3003, %mul3A_3066 : vector<16xf32>
    %sub3A_3068 = arith.subf %get3A_3021, %add3A_3067 : vector<16xf32>
    %exp3A_3069 = math.exp %sub3A_3068 : vector<16xf32>
    %max3A_3070 = arith.constant 9.99999993E-9 : f32
    %max3A_3071 = vector.broadcast %max3A_3070 : f32 to vector<16xf32>
    %max3A_3072 = arith.maximumf %exp3A_3069, %max3A_3071 : vector<16xf32>
    %min3A_3073 = arith.constant 1.000000e+00 : f32
    %min3A_3074 = vector.broadcast %min3A_3073 : f32 to vector<16xf32>
    %min3A_3075 = arith.minimumf %max3A_3072, %min3A_3074 : vector<16xf32>
    %get3A_3076 = arith.constant 448 : index
    %get3A_3077 = tpu.vector_load %arg6[%get3A_3076] {strides = array<i32>} : memref<512xi32, #tpu.memory_space<vmem>>, vector<16xi32>,
    %gather3A_3078 = tpu.vector_load_idx %arg8[%get3A_3077] : memref<1024xf32, #tpu.memory_space<vmem>>[vector<16xi32>], vector<16xf32>,
    %mul3A_3079 = arith.constant 1.638400e+04 : f32
    %mul3A_3080 = vector.broadcast %mul3A_3079 : f32 to vector<16xf32>
    %mul3A_3081 = arith.mulf %min3A_3075, %mul3A_3080 : vector<16xf32>
    %ge3A_3082 = arith.cmpf oge, %mul3A_3081, %gather3A_3078 : vector<16xf32>
    %jit3A_3083 = arith.constant 1.000000e+00 : f32
    %jit3A_3084 = arith.constant 0.000000e+00 : f32
    %broadcast_in_dim3A_3085 = vector.broadcast %jit3A_3083 : f32 to vector<16xf32>
    %broadcast_in_dim3A_3086 = vector.broadcast %jit3A_3084 : f32 to vector<16xf32>
    %select_n3A_3087 = arith.select %ge3A_3082, %broadcast_in_dim3A_3085, %broadcast_in_dim3A_3086 : vector<16xi1>, vector<16xf32>
    %mul3A_3088 = arith.constant 1.000000e+03 : f32
    %mul3A_3089 = vector.broadcast %mul3A_3088 : f32 to vector<16xf32>
    %mul3A_3090 = arith.mulf %mul3A_3089, %add3A_3067 : vector<16xf32>
    %sub3A_3091 = arith.subf %mul3A_3090, %get3A_3015 : vector<16xf32>
    %mul3A_3092 = arith.constant 3.50350339E-4 : f32
    %mul3A_3093 = vector.broadcast %mul3A_3092 : f32 to vector<16xf32>
    %mul3A_3094 = arith.mulf %mul3A_3093, %sub3A_3091 : vector<16xf32>
    %sub3A_3095 = arith.subf %add3A_3067, %get3A_3021 : vector<16xf32>
    %mul3A_3096 = arith.constant 0.64964962 : f32
    %mul3A_3097 = vector.broadcast %mul3A_3096 : f32 to vector<16xf32>
    %mul3A_3098 = arith.mulf %mul3A_3097, %sub3A_3095 : vector<16xf32>
    %add3A_3099 = arith.addf %mul3A_3094, %mul3A_3098 : vector<16xf32>
    %mul3A_3100 = arith.mulf %add3A_3099, %select_n3A_3087 : vector<16xf32>
    %add3A_3101 = arith.addf %add3A_2995, %mul3A_3100 : vector<16xf32>
    %add3A_3102 = arith.addf %add3A_2996, %select_n3A_3087 : vector<16xf32>
    %add3A_3103 = arith.addf %add3A_2997, %add3A_3099 : vector<16xf32>
    %get3A_3104 = arith.constant 7 : i32
    %get3A_3105 = arith.constant 0 : i32
    %get3A_3106 = arith.index_cast %get3A_3104 : i32 to index
    %get3A_3107 = arith.index_cast %get3A_3105 : i32 to index
    %get3A_3108 = arith.constant 16 : index
    %get3A_3109 = tpu.vector_load %arg7[%get3A_3106, %get3A_3107, %get3A_3108] {strides = array<i32>} : memref<8x4x64xf32, #tpu.memory_space<vmem>>, vector<16xf32>,
    %get3A_3110 = arith.constant 7 : i32
    %get3A_3111 = arith.constant 1 : i32
    %get3A_3112 = arith.index_cast %get3A_3110 : i32 to index
    %get3A_3113 = arith.index_cast %get3A_3111 : i32 to index
    %get3A_3114 = arith.constant 16 : index
    %get3A_3115 = tpu.vector_load %arg7[%get3A_3112, %get3A_3113, %get3A_3114] {strides = array<i32>} : memref<8x4x64xf32, #tpu.memory_space<vmem>>, vector<16xf32>,
    %get3A_3116 = arith.constant 7 : i32
    %get3A_3117 = arith.constant 2 : i32
    %get3A_3118 = arith.index_cast %get3A_3116 : i32 to index
    %get3A_3119 = arith.index_cast %get3A_3117 : i32 to index
    %get3A_3120 = arith.constant 16 : index
    %get3A_3121 = tpu.vector_load %arg7[%get3A_3118, %get3A_3119, %get3A_3120] {strides = array<i32>} : memref<8x4x64xf32, #tpu.memory_space<vmem>>, vector<16xf32>,
    %get3A_3122 = arith.constant 7 : i32
    %get3A_3123 = arith.constant 3 : i32
    %get3A_3124 = arith.index_cast %get3A_3122 : i32 to index
    %get3A_3125 = arith.index_cast %get3A_3123 : i32 to index
    %get3A_3126 = arith.constant 16 : index
    %get3A_3127 = tpu.vector_load %arg7[%get3A_3124, %get3A_3125, %get3A_3126] {strides = array<i32>} : memref<8x4x64xf32, #tpu.memory_space<vmem>>, vector<16xf32>,
    %bitcast3A_3128 = vector.bitcast %get3A_3115 : vector<16xf32> to vector<16xi32>
    %shift_right_logical3A_3129 = arith.constant 23 : i32
    %shift_right_logical3A_3130 = vector.broadcast %shift_right_logical3A_3129 : i32 to vector<16xi32>
    %shift_right_logical3A_3131 = arith.shrui %bitcast3A_3128, %shift_right_logical3A_3130 : vector<16xi32>
    %sub3A_3132 = arith.constant 127 : i32
    %sub3A_3133 = vector.broadcast %sub3A_3132 : i32 to vector<16xi32>
    %sub3A_3134 = arith.subi %shift_right_logical3A_3131, %sub3A_3133 : vector<16xi32>
    %and3A_3135 = arith.constant 8388607 : i32
    %and3A_3136 = vector.broadcast %and3A_3135 : i32 to vector<16xi32>
    %and3A_3137 = arith.andi %bitcast3A_3128, %and3A_3136 : vector<16xi32>
    %or3A_3138 = arith.constant 1065353216 : i32
    %or3A_3139 = vector.broadcast %or3A_3138 : i32 to vector<16xi32>
    %or3A_3140 = arith.ori %and3A_3137, %or3A_3139 : vector<16xi32>
    %bitcast3A_3141 = vector.bitcast %or3A_3140 : vector<16xi32> to vector<16xf32>
    %broadcast_in_dim3A_3142 = arith.constant -0.02482583 : f32
    %broadcast_in_dim3A_3143 = vector.broadcast %broadcast_in_dim3A_3142 : f32 to vector<16xf32>
    %mul3A_3144 = arith.mulf %broadcast_in_dim3A_3143, %bitcast3A_3141 : vector<16xf32>
    %add3A_3145 = arith.constant 0.266860753 : f32
    %add3A_3146 = vector.broadcast %add3A_3145 : f32 to vector<16xf32>
    %add3A_3147 = arith.addf %mul3A_3144, %add3A_3146 : vector<16xf32>
    %mul3A_3148 = arith.mulf %add3A_3147, %bitcast3A_3141 : vector<16xf32>
    %add3A_3149 = arith.constant -1.23427022 : f32
    %add3A_3150 = vector.broadcast %add3A_3149 : f32 to vector<16xf32>
    %add3A_3151 = arith.addf %mul3A_3148, %add3A_3150 : vector<16xf32>
    %mul3A_3152 = arith.mulf %add3A_3151, %bitcast3A_3141 : vector<16xf32>
    %add3A_3153 = arith.constant 3.21884608 : f32
    %add3A_3154 = vector.broadcast %add3A_3153 : f32 to vector<16xf32>
    %add3A_3155 = arith.addf %mul3A_3152, %add3A_3154 : vector<16xf32>
    %mul3A_3156 = arith.mulf %add3A_3155, %bitcast3A_3141 : vector<16xf32>
    %add3A_3157 = arith.constant -5.26412487 : f32
    %add3A_3158 = vector.broadcast %add3A_3157 : f32 to vector<16xf32>
    %add3A_3159 = arith.addf %mul3A_3156, %add3A_3158 : vector<16xf32>
    %mul3A_3160 = arith.mulf %add3A_3159, %bitcast3A_3141 : vector<16xf32>
    %add3A_3161 = arith.constant 6.06583834 : f32
    %add3A_3162 = vector.broadcast %add3A_3161 : f32 to vector<16xf32>
    %add3A_3163 = arith.addf %mul3A_3160, %add3A_3162 : vector<16xf32>
    %mul3A_3164 = arith.mulf %add3A_3163, %bitcast3A_3141 : vector<16xf32>
    %add3A_3165 = arith.constant -3.02831936 : f32
    %add3A_3166 = vector.broadcast %add3A_3165 : f32 to vector<16xf32>
    %add3A_3167 = arith.addf %mul3A_3164, %add3A_3166 : vector<16xf32>
    %convert_element_type3A_3168 = arith.sitofp %sub3A_3134 : vector<16xi32> to vector<16xf32>
    %add3A_3169 = arith.addf %convert_element_type3A_3168, %add3A_3167 : vector<16xf32>
    %mul3A_3170 = arith.constant 0.693147182 : f32
    %mul3A_3171 = vector.broadcast %mul3A_3170 : f32 to vector<16xf32>
    %mul3A_3172 = arith.mulf %add3A_3169, %mul3A_3171 : vector<16xf32>
    %add3A_3173 = arith.addf %get3A_3109, %mul3A_3172 : vector<16xf32>
    %sub3A_3174 = arith.subf %get3A_3127, %add3A_3173 : vector<16xf32>
    %exp3A_3175 = math.exp %sub3A_3174 : vector<16xf32>
    %max3A_3176 = arith.constant 9.99999993E-9 : f32
    %max3A_3177 = vector.broadcast %max3A_3176 : f32 to vector<16xf32>
    %max3A_3178 = arith.maximumf %exp3A_3175, %max3A_3177 : vector<16xf32>
    %min3A_3179 = arith.constant 1.000000e+00 : f32
    %min3A_3180 = vector.broadcast %min3A_3179 : f32 to vector<16xf32>
    %min3A_3181 = arith.minimumf %max3A_3178, %min3A_3180 : vector<16xf32>
    %get3A_3182 = arith.constant 464 : index
    %get3A_3183 = tpu.vector_load %arg6[%get3A_3182] {strides = array<i32>} : memref<512xi32, #tpu.memory_space<vmem>>, vector<16xi32>,
    %gather3A_3184 = tpu.vector_load_idx %arg8[%get3A_3183] : memref<1024xf32, #tpu.memory_space<vmem>>[vector<16xi32>], vector<16xf32>,
    %mul3A_3185 = arith.constant 1.638400e+04 : f32
    %mul3A_3186 = vector.broadcast %mul3A_3185 : f32 to vector<16xf32>
    %mul3A_3187 = arith.mulf %min3A_3181, %mul3A_3186 : vector<16xf32>
    %ge3A_3188 = arith.cmpf oge, %mul3A_3187, %gather3A_3184 : vector<16xf32>
    %jit3A_3189 = arith.constant 1.000000e+00 : f32
    %jit3A_3190 = arith.constant 0.000000e+00 : f32
    %broadcast_in_dim3A_3191 = vector.broadcast %jit3A_3189 : f32 to vector<16xf32>
    %broadcast_in_dim3A_3192 = vector.broadcast %jit3A_3190 : f32 to vector<16xf32>
    %select_n3A_3193 = arith.select %ge3A_3188, %broadcast_in_dim3A_3191, %broadcast_in_dim3A_3192 : vector<16xi1>, vector<16xf32>
    %mul3A_3194 = arith.constant 1.000000e+03 : f32
    %mul3A_3195 = vector.broadcast %mul3A_3194 : f32 to vector<16xf32>
    %mul3A_3196 = arith.mulf %mul3A_3195, %add3A_3173 : vector<16xf32>
    %sub3A_3197 = arith.subf %mul3A_3196, %get3A_3121 : vector<16xf32>
    %mul3A_3198 = arith.constant 3.50350339E-4 : f32
    %mul3A_3199 = vector.broadcast %mul3A_3198 : f32 to vector<16xf32>
    %mul3A_3200 = arith.mulf %mul3A_3199, %sub3A_3197 : vector<16xf32>
    %sub3A_3201 = arith.subf %add3A_3173, %get3A_3127 : vector<16xf32>
    %mul3A_3202 = arith.constant 0.64964962 : f32
    %mul3A_3203 = vector.broadcast %mul3A_3202 : f32 to vector<16xf32>
    %mul3A_3204 = arith.mulf %mul3A_3203, %sub3A_3201 : vector<16xf32>
    %add3A_3205 = arith.addf %mul3A_3200, %mul3A_3204 : vector<16xf32>
    %mul3A_3206 = arith.mulf %add3A_3205, %select_n3A_3193 : vector<16xf32>
    %add3A_3207 = arith.addf %add3A_3101, %mul3A_3206 : vector<16xf32>
    %add3A_3208 = arith.addf %add3A_3102, %select_n3A_3193 : vector<16xf32>
    %add3A_3209 = arith.addf %add3A_3103, %add3A_3205 : vector<16xf32>
    %get3A_3210 = arith.constant 7 : i32
    %get3A_3211 = arith.constant 0 : i32
    %get3A_3212 = arith.index_cast %get3A_3210 : i32 to index
    %get3A_3213 = arith.index_cast %get3A_3211 : i32 to index
    %get3A_3214 = arith.constant 32 : index
    %get3A_3215 = tpu.vector_load %arg7[%get3A_3212, %get3A_3213, %get3A_3214] {strides = array<i32>} : memref<8x4x64xf32, #tpu.memory_space<vmem>>, vector<16xf32>,
    %get3A_3216 = arith.constant 7 : i32
    %get3A_3217 = arith.constant 1 : i32
    %get3A_3218 = arith.index_cast %get3A_3216 : i32 to index
    %get3A_3219 = arith.index_cast %get3A_3217 : i32 to index
    %get3A_3220 = arith.constant 32 : index
    %get3A_3221 = tpu.vector_load %arg7[%get3A_3218, %get3A_3219, %get3A_3220] {strides = array<i32>} : memref<8x4x64xf32, #tpu.memory_space<vmem>>, vector<16xf32>,
    %get3A_3222 = arith.constant 7 : i32
    %get3A_3223 = arith.constant 2 : i32
    %get3A_3224 = arith.index_cast %get3A_3222 : i32 to index
    %get3A_3225 = arith.index_cast %get3A_3223 : i32 to index
    %get3A_3226 = arith.constant 32 : index
    %get3A_3227 = tpu.vector_load %arg7[%get3A_3224, %get3A_3225, %get3A_3226] {strides = array<i32>} : memref<8x4x64xf32, #tpu.memory_space<vmem>>, vector<16xf32>,
    %get3A_3228 = arith.constant 7 : i32
    %get3A_3229 = arith.constant 3 : i32
    %get3A_3230 = arith.index_cast %get3A_3228 : i32 to index
    %get3A_3231 = arith.index_cast %get3A_3229 : i32 to index
    %get3A_3232 = arith.constant 32 : index
    %get3A_3233 = tpu.vector_load %arg7[%get3A_3230, %get3A_3231, %get3A_3232] {strides = array<i32>} : memref<8x4x64xf32, #tpu.memory_space<vmem>>, vector<16xf32>,
    %bitcast3A_3234 = vector.bitcast %get3A_3221 : vector<16xf32> to vector<16xi32>
    %shift_right_logical3A_3235 = arith.constant 23 : i32
    %shift_right_logical3A_3236 = vector.broadcast %shift_right_logical3A_3235 : i32 to vector<16xi32>
    %shift_right_logical3A_3237 = arith.shrui %bitcast3A_3234, %shift_right_logical3A_3236 : vector<16xi32>
    %sub3A_3238 = arith.constant 127 : i32
    %sub3A_3239 = vector.broadcast %sub3A_3238 : i32 to vector<16xi32>
    %sub3A_3240 = arith.subi %shift_right_logical3A_3237, %sub3A_3239 : vector<16xi32>
    %and3A_3241 = arith.constant 8388607 : i32
    %and3A_3242 = vector.broadcast %and3A_3241 : i32 to vector<16xi32>
    %and3A_3243 = arith.andi %bitcast3A_3234, %and3A_3242 : vector<16xi32>
    %or3A_3244 = arith.constant 1065353216 : i32
    %or3A_3245 = vector.broadcast %or3A_3244 : i32 to vector<16xi32>
    %or3A_3246 = arith.ori %and3A_3243, %or3A_3245 : vector<16xi32>
    %bitcast3A_3247 = vector.bitcast %or3A_3246 : vector<16xi32> to vector<16xf32>
    %broadcast_in_dim3A_3248 = arith.constant -0.02482583 : f32
    %broadcast_in_dim3A_3249 = vector.broadcast %broadcast_in_dim3A_3248 : f32 to vector<16xf32>
    %mul3A_3250 = arith.mulf %broadcast_in_dim3A_3249, %bitcast3A_3247 : vector<16xf32>
    %add3A_3251 = arith.constant 0.266860753 : f32
    %add3A_3252 = vector.broadcast %add3A_3251 : f32 to vector<16xf32>
    %add3A_3253 = arith.addf %mul3A_3250, %add3A_3252 : vector<16xf32>
    %mul3A_3254 = arith.mulf %add3A_3253, %bitcast3A_3247 : vector<16xf32>
    %add3A_3255 = arith.constant -1.23427022 : f32
    %add3A_3256 = vector.broadcast %add3A_3255 : f32 to vector<16xf32>
    %add3A_3257 = arith.addf %mul3A_3254, %add3A_3256 : vector<16xf32>
    %mul3A_3258 = arith.mulf %add3A_3257, %bitcast3A_3247 : vector<16xf32>
    %add3A_3259 = arith.constant 3.21884608 : f32
    %add3A_3260 = vector.broadcast %add3A_3259 : f32 to vector<16xf32>
    %add3A_3261 = arith.addf %mul3A_3258, %add3A_3260 : vector<16xf32>
    %mul3A_3262 = arith.mulf %add3A_3261, %bitcast3A_3247 : vector<16xf32>
    %add3A_3263 = arith.constant -5.26412487 : f32
    %add3A_3264 = vector.broadcast %add3A_3263 : f32 to vector<16xf32>
    %add3A_3265 = arith.addf %mul3A_3262, %add3A_3264 : vector<16xf32>
    %mul3A_3266 = arith.mulf %add3A_3265, %bitcast3A_3247 : vector<16xf32>
    %add3A_3267 = arith.constant 6.06583834 : f32
    %add3A_3268 = vector.broadcast %add3A_3267 : f32 to vector<16xf32>
    %add3A_3269 = arith.addf %mul3A_3266, %add3A_3268 : vector<16xf32>
    %mul3A_3270 = arith.mulf %add3A_3269, %bitcast3A_3247 : vector<16xf32>
    %add3A_3271 = arith.constant -3.02831936 : f32
    %add3A_3272 = vector.broadcast %add3A_3271 : f32 to vector<16xf32>
    %add3A_3273 = arith.addf %mul3A_3270, %add3A_3272 : vector<16xf32>
    %convert_element_type3A_3274 = arith.sitofp %sub3A_3240 : vector<16xi32> to vector<16xf32>
    %add3A_3275 = arith.addf %convert_element_type3A_3274, %add3A_3273 : vector<16xf32>
    %mul3A_3276 = arith.constant 0.693147182 : f32
    %mul3A_3277 = vector.broadcast %mul3A_3276 : f32 to vector<16xf32>
    %mul3A_3278 = arith.mulf %add3A_3275, %mul3A_3277 : vector<16xf32>
    %add3A_3279 = arith.addf %get3A_3215, %mul3A_3278 : vector<16xf32>
    %sub3A_3280 = arith.subf %get3A_3233, %add3A_3279 : vector<16xf32>
    %exp3A_3281 = math.exp %sub3A_3280 : vector<16xf32>
    %max3A_3282 = arith.constant 9.99999993E-9 : f32
    %max3A_3283 = vector.broadcast %max3A_3282 : f32 to vector<16xf32>
    %max3A_3284 = arith.maximumf %exp3A_3281, %max3A_3283 : vector<16xf32>
    %min3A_3285 = arith.constant 1.000000e+00 : f32
    %min3A_3286 = vector.broadcast %min3A_3285 : f32 to vector<16xf32>
    %min3A_3287 = arith.minimumf %max3A_3284, %min3A_3286 : vector<16xf32>
    %get3A_3288 = arith.constant 480 : index
    %get3A_3289 = tpu.vector_load %arg6[%get3A_3288] {strides = array<i32>} : memref<512xi32, #tpu.memory_space<vmem>>, vector<16xi32>,
    %gather3A_3290 = tpu.vector_load_idx %arg8[%get3A_3289] : memref<1024xf32, #tpu.memory_space<vmem>>[vector<16xi32>], vector<16xf32>,
    %mul3A_3291 = arith.constant 1.638400e+04 : f32
    %mul3A_3292 = vector.broadcast %mul3A_3291 : f32 to vector<16xf32>
    %mul3A_3293 = arith.mulf %min3A_3287, %mul3A_3292 : vector<16xf32>
    %ge3A_3294 = arith.cmpf oge, %mul3A_3293, %gather3A_3290 : vector<16xf32>
    %jit3A_3295 = arith.constant 1.000000e+00 : f32
    %jit3A_3296 = arith.constant 0.000000e+00 : f32
    %broadcast_in_dim3A_3297 = vector.broadcast %jit3A_3295 : f32 to vector<16xf32>
    %broadcast_in_dim3A_3298 = vector.broadcast %jit3A_3296 : f32 to vector<16xf32>
    %select_n3A_3299 = arith.select %ge3A_3294, %broadcast_in_dim3A_3297, %broadcast_in_dim3A_3298 : vector<16xi1>, vector<16xf32>
    %mul3A_3300 = arith.constant 1.000000e+03 : f32
    %mul3A_3301 = vector.broadcast %mul3A_3300 : f32 to vector<16xf32>
    %mul3A_3302 = arith.mulf %mul3A_3301, %add3A_3279 : vector<16xf32>
    %sub3A_3303 = arith.subf %mul3A_3302, %get3A_3227 : vector<16xf32>
    %mul3A_3304 = arith.constant 3.50350339E-4 : f32
    %mul3A_3305 = vector.broadcast %mul3A_3304 : f32 to vector<16xf32>
    %mul3A_3306 = arith.mulf %mul3A_3305, %sub3A_3303 : vector<16xf32>
    %sub3A_3307 = arith.subf %add3A_3279, %get3A_3233 : vector<16xf32>
    %mul3A_3308 = arith.constant 0.64964962 : f32
    %mul3A_3309 = vector.broadcast %mul3A_3308 : f32 to vector<16xf32>
    %mul3A_3310 = arith.mulf %mul3A_3309, %sub3A_3307 : vector<16xf32>
    %add3A_3311 = arith.addf %mul3A_3306, %mul3A_3310 : vector<16xf32>
    %mul3A_3312 = arith.mulf %add3A_3311, %select_n3A_3299 : vector<16xf32>
    %add3A_3313 = arith.addf %add3A_3207, %mul3A_3312 : vector<16xf32>
    %add3A_3314 = arith.addf %add3A_3208, %select_n3A_3299 : vector<16xf32>
    %add3A_3315 = arith.addf %add3A_3209, %add3A_3311 : vector<16xf32>
    %get3A_3316 = arith.constant 7 : i32
    %get3A_3317 = arith.constant 0 : i32
    %get3A_3318 = arith.index_cast %get3A_3316 : i32 to index
    %get3A_3319 = arith.index_cast %get3A_3317 : i32 to index
    %get3A_3320 = arith.constant 48 : index
    %get3A_3321 = tpu.vector_load %arg7[%get3A_3318, %get3A_3319, %get3A_3320] {strides = array<i32>} : memref<8x4x64xf32, #tpu.memory_space<vmem>>, vector<16xf32>,
    %get3A_3322 = arith.constant 7 : i32
    %get3A_3323 = arith.constant 1 : i32
    %get3A_3324 = arith.index_cast %get3A_3322 : i32 to index
    %get3A_3325 = arith.index_cast %get3A_3323 : i32 to index
    %get3A_3326 = arith.constant 48 : index
    %get3A_3327 = tpu.vector_load %arg7[%get3A_3324, %get3A_3325, %get3A_3326] {strides = array<i32>} : memref<8x4x64xf32, #tpu.memory_space<vmem>>, vector<16xf32>,
    %get3A_3328 = arith.constant 7 : i32
    %get3A_3329 = arith.constant 2 : i32
    %get3A_3330 = arith.index_cast %get3A_3328 : i32 to index
    %get3A_3331 = arith.index_cast %get3A_3329 : i32 to index
    %get3A_3332 = arith.constant 48 : index
    %get3A_3333 = tpu.vector_load %arg7[%get3A_3330, %get3A_3331, %get3A_3332] {strides = array<i32>} : memref<8x4x64xf32, #tpu.memory_space<vmem>>, vector<16xf32>,
    %get3A_3334 = arith.constant 7 : i32
    %get3A_3335 = arith.constant 3 : i32
    %get3A_3336 = arith.index_cast %get3A_3334 : i32 to index
    %get3A_3337 = arith.index_cast %get3A_3335 : i32 to index
    %get3A_3338 = arith.constant 48 : index
    %get3A_3339 = tpu.vector_load %arg7[%get3A_3336, %get3A_3337, %get3A_3338] {strides = array<i32>} : memref<8x4x64xf32, #tpu.memory_space<vmem>>, vector<16xf32>,
    %bitcast3A_3340 = vector.bitcast %get3A_3327 : vector<16xf32> to vector<16xi32>
    %shift_right_logical3A_3341 = arith.constant 23 : i32
    %shift_right_logical3A_3342 = vector.broadcast %shift_right_logical3A_3341 : i32 to vector<16xi32>
    %shift_right_logical3A_3343 = arith.shrui %bitcast3A_3340, %shift_right_logical3A_3342 : vector<16xi32>
    %sub3A_3344 = arith.constant 127 : i32
    %sub3A_3345 = vector.broadcast %sub3A_3344 : i32 to vector<16xi32>
    %sub3A_3346 = arith.subi %shift_right_logical3A_3343, %sub3A_3345 : vector<16xi32>
    %and3A_3347 = arith.constant 8388607 : i32
    %and3A_3348 = vector.broadcast %and3A_3347 : i32 to vector<16xi32>
    %and3A_3349 = arith.andi %bitcast3A_3340, %and3A_3348 : vector<16xi32>
    %or3A_3350 = arith.constant 1065353216 : i32
    %or3A_3351 = vector.broadcast %or3A_3350 : i32 to vector<16xi32>
    %or3A_3352 = arith.ori %and3A_3349, %or3A_3351 : vector<16xi32>
    %bitcast3A_3353 = vector.bitcast %or3A_3352 : vector<16xi32> to vector<16xf32>
    %broadcast_in_dim3A_3354 = arith.constant -0.02482583 : f32
    %broadcast_in_dim3A_3355 = vector.broadcast %broadcast_in_dim3A_3354 : f32 to vector<16xf32>
    %mul3A_3356 = arith.mulf %broadcast_in_dim3A_3355, %bitcast3A_3353 : vector<16xf32>
    %add3A_3357 = arith.constant 0.266860753 : f32
    %add3A_3358 = vector.broadcast %add3A_3357 : f32 to vector<16xf32>
    %add3A_3359 = arith.addf %mul3A_3356, %add3A_3358 : vector<16xf32>
    %mul3A_3360 = arith.mulf %add3A_3359, %bitcast3A_3353 : vector<16xf32>
    %add3A_3361 = arith.constant -1.23427022 : f32
    %add3A_3362 = vector.broadcast %add3A_3361 : f32 to vector<16xf32>
    %add3A_3363 = arith.addf %mul3A_3360, %add3A_3362 : vector<16xf32>
    %mul3A_3364 = arith.mulf %add3A_3363, %bitcast3A_3353 : vector<16xf32>
    %add3A_3365 = arith.constant 3.21884608 : f32
    %add3A_3366 = vector.broadcast %add3A_3365 : f32 to vector<16xf32>
    %add3A_3367 = arith.addf %mul3A_3364, %add3A_3366 : vector<16xf32>
    %mul3A_3368 = arith.mulf %add3A_3367, %bitcast3A_3353 : vector<16xf32>
    %add3A_3369 = arith.constant -5.26412487 : f32
    %add3A_3370 = vector.broadcast %add3A_3369 : f32 to vector<16xf32>
    %add3A_3371 = arith.addf %mul3A_3368, %add3A_3370 : vector<16xf32>
    %mul3A_3372 = arith.mulf %add3A_3371, %bitcast3A_3353 : vector<16xf32>
    %add3A_3373 = arith.constant 6.06583834 : f32
    %add3A_3374 = vector.broadcast %add3A_3373 : f32 to vector<16xf32>
    %add3A_3375 = arith.addf %mul3A_3372, %add3A_3374 : vector<16xf32>
    %mul3A_3376 = arith.mulf %add3A_3375, %bitcast3A_3353 : vector<16xf32>
    %add3A_3377 = arith.constant -3.02831936 : f32
    %add3A_3378 = vector.broadcast %add3A_3377 : f32 to vector<16xf32>
    %add3A_3379 = arith.addf %mul3A_3376, %add3A_3378 : vector<16xf32>
    %convert_element_type3A_3380 = arith.sitofp %sub3A_3346 : vector<16xi32> to vector<16xf32>
    %add3A_3381 = arith.addf %convert_element_type3A_3380, %add3A_3379 : vector<16xf32>
    %mul3A_3382 = arith.constant 0.693147182 : f32
    %mul3A_3383 = vector.broadcast %mul3A_3382 : f32 to vector<16xf32>
    %mul3A_3384 = arith.mulf %add3A_3381, %mul3A_3383 : vector<16xf32>
    %add3A_3385 = arith.addf %get3A_3321, %mul3A_3384 : vector<16xf32>
    %sub3A_3386 = arith.subf %get3A_3339, %add3A_3385 : vector<16xf32>
    %exp3A_3387 = math.exp %sub3A_3386 : vector<16xf32>
    %max3A_3388 = arith.constant 9.99999993E-9 : f32
    %max3A_3389 = vector.broadcast %max3A_3388 : f32 to vector<16xf32>
    %max3A_3390 = arith.maximumf %exp3A_3387, %max3A_3389 : vector<16xf32>
    %min3A_3391 = arith.constant 1.000000e+00 : f32
    %min3A_3392 = vector.broadcast %min3A_3391 : f32 to vector<16xf32>
    %min3A_3393 = arith.minimumf %max3A_3390, %min3A_3392 : vector<16xf32>
    %get3A_3394 = arith.constant 496 : index
    %get3A_3395 = tpu.vector_load %arg6[%get3A_3394] {strides = array<i32>} : memref<512xi32, #tpu.memory_space<vmem>>, vector<16xi32>,
    %gather3A_3396 = tpu.vector_load_idx %arg8[%get3A_3395] : memref<1024xf32, #tpu.memory_space<vmem>>[vector<16xi32>], vector<16xf32>,
    %mul3A_3397 = arith.constant 1.638400e+04 : f32
    %mul3A_3398 = vector.broadcast %mul3A_3397 : f32 to vector<16xf32>
    %mul3A_3399 = arith.mulf %min3A_3393, %mul3A_3398 : vector<16xf32>
    %ge3A_3400 = arith.cmpf oge, %mul3A_3399, %gather3A_3396 : vector<16xf32>
    %jit3A_3401 = arith.constant 1.000000e+00 : f32
    %jit3A_3402 = arith.constant 0.000000e+00 : f32
    %broadcast_in_dim3A_3403 = vector.broadcast %jit3A_3401 : f32 to vector<16xf32>
    %broadcast_in_dim3A_3404 = vector.broadcast %jit3A_3402 : f32 to vector<16xf32>
    %select_n3A_3405 = arith.select %ge3A_3400, %broadcast_in_dim3A_3403, %broadcast_in_dim3A_3404 : vector<16xi1>, vector<16xf32>
    %mul3A_3406 = arith.constant 1.000000e+03 : f32
    %mul3A_3407 = vector.broadcast %mul3A_3406 : f32 to vector<16xf32>
    %mul3A_3408 = arith.mulf %mul3A_3407, %add3A_3385 : vector<16xf32>
    %sub3A_3409 = arith.subf %mul3A_3408, %get3A_3333 : vector<16xf32>
    %mul3A_3410 = arith.constant 3.50350339E-4 : f32
    %mul3A_3411 = vector.broadcast %mul3A_3410 : f32 to vector<16xf32>
    %mul3A_3412 = arith.mulf %mul3A_3411, %sub3A_3409 : vector<16xf32>
    %sub3A_3413 = arith.subf %add3A_3385, %get3A_3339 : vector<16xf32>
    %mul3A_3414 = arith.constant 0.64964962 : f32
    %mul3A_3415 = vector.broadcast %mul3A_3414 : f32 to vector<16xf32>
    %mul3A_3416 = arith.mulf %mul3A_3415, %sub3A_3413 : vector<16xf32>
    %add3A_3417 = arith.addf %mul3A_3412, %mul3A_3416 : vector<16xf32>
    %mul3A_3418 = arith.mulf %add3A_3417, %select_n3A_3405 : vector<16xf32>
    %add3A_3419 = arith.addf %add3A_3313, %mul3A_3418 : vector<16xf32>
    %add3A_3420 = arith.addf %add3A_3314, %select_n3A_3405 : vector<16xf32>
    %add3A_3421 = arith.addf %add3A_3315, %add3A_3417 : vector<16xf32>
    %swap3A = arith.constant 0 : i32
    %swap3A_3422 = arith.index_cast %swap3A : i32 to index
    %swap3A_3423 = arith.constant 0 : index
    %swap3A_3424 = tpu.vector_load %arg9[%swap3A_3422, %swap3A_3423] {strides = array<i32>} : memref<4x16xf32, #tpu.memory_space<vmem>>, vector<16xf32>,
    tpu.vector_store %arg9[%swap3A_3422, %swap3A_3423], %add3A_3419 {strides = array<i32>} : memref<4x16xf32, #tpu.memory_space<vmem>>, vector<16xf32>,
    %swap3A_3425 = arith.constant 1 : i32
    %swap3A_3426 = arith.index_cast %swap3A_3425 : i32 to index
    %swap3A_3427 = arith.constant 0 : index
    %swap3A_3428 = tpu.vector_load %arg9[%swap3A_3426, %swap3A_3427] {strides = array<i32>} : memref<4x16xf32, #tpu.memory_space<vmem>>, vector<16xf32>,
    tpu.vector_store %arg9[%swap3A_3426, %swap3A_3427], %add3A_3420 {strides = array<i32>} : memref<4x16xf32, #tpu.memory_space<vmem>>, vector<16xf32>,
    %swap3A_3429 = arith.constant 2 : i32
    %swap3A_3430 = arith.index_cast %swap3A_3429 : i32 to index
    %swap3A_3431 = arith.constant 0 : index
    %swap3A_3432 = tpu.vector_load %arg9[%swap3A_3430, %swap3A_3431] {strides = array<i32>} : memref<4x16xf32, #tpu.memory_space<vmem>>, vector<16xf32>,
    tpu.vector_store %arg9[%swap3A_3430, %swap3A_3431], %add3A_3421 {strides = array<i32>} : memref<4x16xf32, #tpu.memory_space<vmem>>, vector<16xf32>,
    %swap3A_3433 = arith.constant 3 : i32
    %swap3A_3434 = arith.index_cast %swap3A_3433 : i32 to index
    %swap3A_3435 = arith.constant 0 : index
    %swap3A_3436 = tpu.vector_load %arg9[%swap3A_3434, %swap3A_3435] {strides = array<i32>} : memref<4x16xf32, #tpu.memory_space<vmem>>, vector<16xf32>,
    tpu.vector_store %arg9[%swap3A_3434, %swap3A_3435], %broadcast_in_dim3A_43 {strides = array<i32>} : memref<4x16xf32, #tpu.memory_space<vmem>>, vector<16xf32>,
    "tpu.region"() ({
      %run_scoped3A_3437 = tpu.sem_alloc : memref<!tpu.dma_semaphore, #tpu.memory_space<semaphore_mem>>
      %dma_start3A = arith.constant 0 : i32
      %dma_start3A_3438 = arith.constant 0 : i32
      %dma_start3A_3439 = tpu.memref_slice %arg5[%add3A, %dma_start3A, %dma_start3A_3438] : memref<32x4x16xf32, #tpu.memory_space<hbm>> -> memref<1x4x16xf32, #tpu.memory_space<hbm>>
      %dma_start3A_3440 = tpu.memref_squeeze %dma_start3A_3439 : memref<1x4x16xf32, #tpu.memory_space<hbm>> -> memref<4x16xf32, #tpu.memory_space<hbm>>
      %dma_start3A_3441 = arith.constant 0 : i32
      %dma_start3A_3442 = arith.constant 0 : i32
      %dma_start3A_3443 = tpu.memref_slice %arg5[%add3A, %dma_start3A_3441, %dma_start3A_3442] : memref<32x4x16xf32, #tpu.memory_space<hbm>> -> memref<1x4x16xf32, #tpu.memory_space<hbm>>
      %dma_start3A_3444 = tpu.memref_squeeze %dma_start3A_3443 : memref<1x4x16xf32, #tpu.memory_space<hbm>> -> memref<4x16xf32, #tpu.memory_space<hbm>>
      tpu.enqueue_dma source(%arg9 : memref<4x16xf32, #tpu.memory_space<vmem>>) target(%dma_start3A_3444 : memref<4x16xf32, #tpu.memory_space<hbm>>) target_semaphore(%run_scoped3A_3437 : memref<!tpu.dma_semaphore, #tpu.memory_space<semaphore_mem>>)
      %dma_wait3A = arith.constant 0 : i32
      %dma_wait3A_3445 = arith.constant 0 : i32
      %dma_wait3A_3446 = tpu.memref_slice %arg5[%add3A, %dma_wait3A, %dma_wait3A_3445] : memref<32x4x16xf32, #tpu.memory_space<hbm>> -> memref<1x4x16xf32, #tpu.memory_space<hbm>>
      %dma_wait3A_3447 = tpu.memref_squeeze %dma_wait3A_3446 : memref<1x4x16xf32, #tpu.memory_space<hbm>> -> memref<4x16xf32, #tpu.memory_space<hbm>>
      %dma_wait3A_3448 = arith.constant 0 : i32
      %dma_wait3A_3449 = arith.constant 0 : i32
      %dma_wait3A_3450 = tpu.memref_slice %arg5[%add3A, %dma_wait3A_3448, %dma_wait3A_3449] : memref<32x4x16xf32, #tpu.memory_space<hbm>> -> memref<1x4x16xf32, #tpu.memory_space<hbm>>
      %dma_wait3A_3451 = tpu.memref_squeeze %dma_wait3A_3450 : memref<1x4x16xf32, #tpu.memory_space<hbm>> -> memref<4x16xf32, #tpu.memory_space<hbm>>
      tpu.wait_dma2 semaphore(%run_scoped3A_3437 : memref<!tpu.dma_semaphore, #tpu.memory_space<semaphore_mem>>) src(%arg9 : memref<4x16xf32, #tpu.memory_space<vmem>>) dst(%dma_wait3A_3451 : memref<4x16xf32, #tpu.memory_space<hbm>>)
      tpu.yield
    }) : () -> ()
    return
  }
}

module attributes {stable_mosaic.version = 14 : i64} {
  func.func @_tc_body(%arg0: i32, %arg1: memref<16384x1000xf32, #tpu.memory_space<any>>, %arg2: memref<1x1x1024xi32, #tpu.memory_space<vmem>>, %arg3: memref<1x1000xf32, #tpu.memory_space<vmem>>, %arg4: memref<16x4x64xf32, #tpu.memory_space<vmem>>, %arg5: memref<4x1024x1000xf32, #tpu.memory_space<vmem>>, %arg6: memref<4x!tpu.dma_semaphore, #tpu.memory_space<semaphore_mem>>) attributes {dimension_semantics = [#tpu.dimension_semantics<arbitrary>], iteration_bounds = array<i64: 16>, scalar_prefetch = 0 : i64, scratch_operands = 2 : i64, tpu.core_type = #tpu.core_type<tc>, window_params = [{}, {transform_indices = @transform_1, window_bounds = array<i64: 1, 1, 1024>}, {pipeline_mode = #tpu.pipeline_mode<synchronous>, transform_indices = @transform_2, window_bounds = array<i64: 1, 1000>}, {transform_indices = @transform_3, window_bounds = array<i64: 16, 4, 64>}]} {
    %eq3A = arith.constant 0 : i32
    %eq3A_0 = arith.cmpi eq, %arg0, %eq3A : i32
    %convert_element_type3A = arith.extui %eq3A_0 : i1 to i32
    %cond3A = arith.constant 0 : i32
    %cond3A_1 = arith.cmpi ne, %convert_element_type3A, %cond3A : i32
    scf.if %cond3A_1 {
      %broadcast_in_dim3A_506 = arith.constant 0.000000e+00 : f32
      %broadcast_in_dim3A_507 = vector.broadcast %broadcast_in_dim3A_506 : f32 to vector<1x1000xf32>
      %swap3A_508 = arith.constant 0 : index
      %swap3A_509 = arith.constant 0 : index
      %swap3A_510 = vector.load %arg3[%swap3A_508, %swap3A_509] : memref<1x1000xf32, #tpu.memory_space<vmem>>, vector<1x1000xf32>
      tpu.vector_store %arg3[%swap3A_508, %swap3A_509], %broadcast_in_dim3A_507 {strides = array<i32>} : memref<1x1000xf32, #tpu.memory_space<vmem>>, vector<1x1000xf32>,
      %dma_start3A = arith.constant 0 : i32
      %dma_start3A_511 = arith.constant 0 : i32
      %dma_start3A_512 = tpu.memref_slice %arg6[%dma_start3A_511] : memref<4x!tpu.dma_semaphore, #tpu.memory_space<semaphore_mem>> -> memref<1x!tpu.dma_semaphore, #tpu.memory_space<semaphore_mem>>
      %dma_start3A_513 = tpu.memref_squeeze %dma_start3A_512 : memref<1x!tpu.dma_semaphore, #tpu.memory_space<semaphore_mem>> -> memref<!tpu.dma_semaphore, #tpu.memory_space<semaphore_mem>>
      %dma_start3A_514 = arith.constant 0 : i32
      %dma_start3A_515 = arith.constant 0 : i32
      %dma_start3A_516 = tpu.memref_slice %arg5[%dma_start3A, %dma_start3A_514, %dma_start3A_515] : memref<4x1024x1000xf32, #tpu.memory_space<vmem>> -> memref<1x1024x1000xf32, #tpu.memory_space<vmem>>
      %dma_start3A_517 = tpu.memref_squeeze %dma_start3A_516 : memref<1x1024x1000xf32, #tpu.memory_space<vmem>> -> memref<1024x1000xf32, #tpu.memory_space<vmem>>
      %dma_start3A_518 = arith.constant 0 : i32
      %dma_start3A_519 = arith.constant 0 : i32
      %dma_start3A_520 = tpu.memref_slice %arg1[%dma_start3A_518, %dma_start3A_519] : memref<16384x1000xf32, #tpu.memory_space<any>> -> memref<1024x1000xf32, #tpu.memory_space<any>>
      tpu.enqueue_dma source(%dma_start3A_520 : memref<1024x1000xf32, #tpu.memory_space<any>>) target(%dma_start3A_517 : memref<1024x1000xf32, #tpu.memory_space<vmem>>) target_semaphore(%dma_start3A_513 : memref<!tpu.dma_semaphore, #tpu.memory_space<semaphore_mem>>)
      %dma_start3A_521 = arith.constant 1 : i32
      %dma_start3A_522 = arith.constant 1 : i32
      %dma_start3A_523 = tpu.memref_slice %arg6[%dma_start3A_522] : memref<4x!tpu.dma_semaphore, #tpu.memory_space<semaphore_mem>> -> memref<1x!tpu.dma_semaphore, #tpu.memory_space<semaphore_mem>>
      %dma_start3A_524 = tpu.memref_squeeze %dma_start3A_523 : memref<1x!tpu.dma_semaphore, #tpu.memory_space<semaphore_mem>> -> memref<!tpu.dma_semaphore, #tpu.memory_space<semaphore_mem>>
      %dma_start3A_525 = arith.constant 0 : i32
      %dma_start3A_526 = arith.constant 0 : i32
      %dma_start3A_527 = tpu.memref_slice %arg5[%dma_start3A_521, %dma_start3A_525, %dma_start3A_526] : memref<4x1024x1000xf32, #tpu.memory_space<vmem>> -> memref<1x1024x1000xf32, #tpu.memory_space<vmem>>
      %dma_start3A_528 = tpu.memref_squeeze %dma_start3A_527 : memref<1x1024x1000xf32, #tpu.memory_space<vmem>> -> memref<1024x1000xf32, #tpu.memory_space<vmem>>
      %dma_start3A_529 = arith.constant 1024 : i32
      %dma_start3A_530 = arith.constant 0 : i32
      %dma_start3A_531 = tpu.memref_slice %arg1[%dma_start3A_529, %dma_start3A_530] : memref<16384x1000xf32, #tpu.memory_space<any>> -> memref<1024x1000xf32, #tpu.memory_space<any>>
      tpu.enqueue_dma source(%dma_start3A_531 : memref<1024x1000xf32, #tpu.memory_space<any>>) target(%dma_start3A_528 : memref<1024x1000xf32, #tpu.memory_space<vmem>>) target_semaphore(%dma_start3A_524 : memref<!tpu.dma_semaphore, #tpu.memory_space<semaphore_mem>>)
      %dma_start3A_532 = arith.constant 2 : i32
      %dma_start3A_533 = arith.constant 2 : i32
      %dma_start3A_534 = tpu.memref_slice %arg6[%dma_start3A_533] : memref<4x!tpu.dma_semaphore, #tpu.memory_space<semaphore_mem>> -> memref<1x!tpu.dma_semaphore, #tpu.memory_space<semaphore_mem>>
      %dma_start3A_535 = tpu.memref_squeeze %dma_start3A_534 : memref<1x!tpu.dma_semaphore, #tpu.memory_space<semaphore_mem>> -> memref<!tpu.dma_semaphore, #tpu.memory_space<semaphore_mem>>
      %dma_start3A_536 = arith.constant 0 : i32
      %dma_start3A_537 = arith.constant 0 : i32
      %dma_start3A_538 = tpu.memref_slice %arg5[%dma_start3A_532, %dma_start3A_536, %dma_start3A_537] : memref<4x1024x1000xf32, #tpu.memory_space<vmem>> -> memref<1x1024x1000xf32, #tpu.memory_space<vmem>>
      %dma_start3A_539 = tpu.memref_squeeze %dma_start3A_538 : memref<1x1024x1000xf32, #tpu.memory_space<vmem>> -> memref<1024x1000xf32, #tpu.memory_space<vmem>>
      %dma_start3A_540 = arith.constant 2048 : i32
      %dma_start3A_541 = arith.constant 0 : i32
      %dma_start3A_542 = tpu.memref_slice %arg1[%dma_start3A_540, %dma_start3A_541] : memref<16384x1000xf32, #tpu.memory_space<any>> -> memref<1024x1000xf32, #tpu.memory_space<any>>
      tpu.enqueue_dma source(%dma_start3A_542 : memref<1024x1000xf32, #tpu.memory_space<any>>) target(%dma_start3A_539 : memref<1024x1000xf32, #tpu.memory_space<vmem>>) target_semaphore(%dma_start3A_535 : memref<!tpu.dma_semaphore, #tpu.memory_space<semaphore_mem>>)
    } else {
    }
    %add3A = arith.constant 4 : i32
    %add3A_2 = arith.addi %arg0, %add3A : i32
    %sub3A = arith.constant 1 : i32
    %sub3A_3 = arith.subi %add3A_2, %sub3A : i32
    %lt3A = arith.constant 16 : i32
    %lt3A_4 = arith.cmpi slt, %sub3A_3, %lt3A : i32
    %convert_element_type3A_5 = arith.extui %lt3A_4 : i1 to i32
    %cond3A_6 = arith.constant 0 : i32
    %cond3A_7 = arith.cmpi ne, %convert_element_type3A_5, %cond3A_6 : i32
    scf.if %cond3A_7 {
      %rem3A_506 = arith.constant 4 : i32
      %rem3A_507 = arith.remsi %sub3A_3, %rem3A_506 : i32
      %mul3A_508 = arith.constant 1024 : i32
      %mul3A_509 = arith.muli %sub3A_3, %mul3A_508 : i32
      %dma_start3A = tpu.memref_slice %arg6[%rem3A_507] : memref<4x!tpu.dma_semaphore, #tpu.memory_space<semaphore_mem>> -> memref<1x!tpu.dma_semaphore, #tpu.memory_space<semaphore_mem>>
      %dma_start3A_510 = tpu.memref_squeeze %dma_start3A : memref<1x!tpu.dma_semaphore, #tpu.memory_space<semaphore_mem>> -> memref<!tpu.dma_semaphore, #tpu.memory_space<semaphore_mem>>
      %dma_start3A_511 = arith.constant 0 : i32
      %dma_start3A_512 = arith.constant 0 : i32
      %dma_start3A_513 = tpu.memref_slice %arg5[%rem3A_507, %dma_start3A_511, %dma_start3A_512] : memref<4x1024x1000xf32, #tpu.memory_space<vmem>> -> memref<1x1024x1000xf32, #tpu.memory_space<vmem>>
      %dma_start3A_514 = tpu.memref_squeeze %dma_start3A_513 : memref<1x1024x1000xf32, #tpu.memory_space<vmem>> -> memref<1024x1000xf32, #tpu.memory_space<vmem>>
      %dma_start3A_515 = arith.constant 0 : i32
      %dma_start3A_516 = tpu.memref_slice %arg1[%mul3A_509, %dma_start3A_515] : memref<16384x1000xf32, #tpu.memory_space<any>> -> memref<1024x1000xf32, #tpu.memory_space<any>>
      tpu.enqueue_dma source(%dma_start3A_516 : memref<1024x1000xf32, #tpu.memory_space<any>>) target(%dma_start3A_514 : memref<1024x1000xf32, #tpu.memory_space<vmem>>) target_semaphore(%dma_start3A_510 : memref<!tpu.dma_semaphore, #tpu.memory_space<semaphore_mem>>)
    } else {
    }
    %rem3A = arith.constant 4 : i32
    %rem3A_8 = arith.remsi %arg0, %rem3A : i32
    %mul3A = arith.constant 1024 : i32
    %mul3A_9 = arith.muli %arg0, %mul3A : i32
    %dma_wait3A = tpu.memref_slice %arg6[%rem3A_8] : memref<4x!tpu.dma_semaphore, #tpu.memory_space<semaphore_mem>> -> memref<1x!tpu.dma_semaphore, #tpu.memory_space<semaphore_mem>>
    %dma_wait3A_10 = tpu.memref_squeeze %dma_wait3A : memref<1x!tpu.dma_semaphore, #tpu.memory_space<semaphore_mem>> -> memref<!tpu.dma_semaphore, #tpu.memory_space<semaphore_mem>>
    %dma_wait3A_11 = arith.constant 0 : i32
    %dma_wait3A_12 = arith.constant 0 : i32
    %dma_wait3A_13 = tpu.memref_slice %arg5[%rem3A_8, %dma_wait3A_11, %dma_wait3A_12] : memref<4x1024x1000xf32, #tpu.memory_space<vmem>> -> memref<1x1024x1000xf32, #tpu.memory_space<vmem>>
    %dma_wait3A_14 = tpu.memref_squeeze %dma_wait3A_13 : memref<1x1024x1000xf32, #tpu.memory_space<vmem>> -> memref<1024x1000xf32, #tpu.memory_space<vmem>>
    %dma_wait3A_15 = arith.constant 0 : i32
    %dma_wait3A_16 = tpu.memref_slice %arg1[%mul3A_9, %dma_wait3A_15] : memref<16384x1000xf32, #tpu.memory_space<any>> -> memref<1024x1000xf32, #tpu.memory_space<any>>
    tpu.wait_dma2 semaphore(%dma_wait3A_10 : memref<!tpu.dma_semaphore, #tpu.memory_space<semaphore_mem>>) src(%dma_wait3A_16 : memref<1024x1000xf32, #tpu.memory_space<any>>) dst(%dma_wait3A_14 : memref<1024x1000xf32, #tpu.memory_space<vmem>>)
    %get3A = arith.index_cast %rem3A_8 : i32 to index
    %get3A_17 = arith.constant 0 : index
    %get3A_18 = arith.constant 0 : index
    %get3A_19 = vector.load %arg5[%get3A, %get3A_17, %get3A_18] : memref<4x1024x1000xf32, #tpu.memory_space<vmem>>, vector<1x1024x1000xf32>
    %get3A_20 = vector.shape_cast %get3A_19 : vector<1x1024x1000xf32> to vector<1024x1000xf32>
    %reduce_max3A = arith.constant dense<0xFF800000> : vector<1024xf32>
    %reduce_max3A_21 = vector.multi_reduction <maximumf>, %get3A_20, %reduce_max3A [1] : vector<1024x1000xf32> to vector<1024xf32>
    %broadcast_in_dim3A = vector.shape_cast %reduce_max3A_21 : vector<1024xf32> to vector<1024x1xf32>
    %sub3A_22 = vector.broadcast %broadcast_in_dim3A : vector<1024x1xf32> to vector<1024x1000xf32>
    %sub3A_23 = arith.subf %get3A_20, %sub3A_22 : vector<1024x1000xf32>
    %exp3A = math.exp %sub3A_23 : vector<1024x1000xf32>
    %broadcast_in_dim3A_24 = arith.constant 1.000000e+00 : f32
    %broadcast_in_dim3A_25 = vector.broadcast %broadcast_in_dim3A_24 : f32 to vector<1000x1xf32>
    %dot_general3A = arith.constant dense<0.000000e+00> : vector<1024x1xf32>
    %dot_general3A_26 = tpu.matmul %exp3A, %broadcast_in_dim3A_25, %dot_general3A {dimension_numbers = #tpu.dot_dimension_numbers<[1], [0], [0], [1], [0, 0, 1, 1], [], []>, transpose_lhs_hint = false} : vector<1024x1000xf32>, vector<1000x1xf32>, vector<1024x1xf32> -> vector<1024x1xf32>
    %dot_general3A_27 = arith.constant dense<0.000000e+00> : vector<1024x1xf32>
    %dot_general3A_28 = tpu.matmul %get3A_20, %broadcast_in_dim3A_25, %dot_general3A_27 {dimension_numbers = #tpu.dot_dimension_numbers<[1], [0], [0], [1], [0, 0, 1, 1], [], []>, transpose_lhs_hint = false} : vector<1024x1000xf32>, vector<1000x1xf32>, vector<1024x1xf32> -> vector<1024x1xf32>
    %div3A = arith.constant 1.000000e+00 : f32
    %div3A_29 = vector.broadcast %div3A : f32 to vector<1024x1xf32>
    %div3A_30 = arith.divf %div3A_29, %dot_general3A_26 : vector<1024x1xf32>
    %mul3A_31 = vector.broadcast %div3A_30 : vector<1024x1xf32> to vector<1024x1000xf32>
    %mul3A_32 = arith.mulf %exp3A, %mul3A_31 : vector<1024x1000xf32>
    %jit3A = arith.constant 9.99999993E-9 : f32
    %jit3A_33 = arith.constant 1.000000e+00 : f32
    %max3A = vector.broadcast %jit3A : f32 to vector<1024x1000xf32>
    %max3A_34 = arith.maximumf %max3A, %mul3A_32 : vector<1024x1000xf32>
    %min3A = vector.broadcast %jit3A_33 : f32 to vector<1024x1000xf32>
    %min3A_35 = arith.minimumf %min3A, %max3A_34 : vector<1024x1000xf32>
    %broadcast_in_dim3A_36 = arith.constant 1.000000e+00 : f32
    %broadcast_in_dim3A_37 = vector.broadcast %broadcast_in_dim3A_36 : f32 to vector<1x1024xf32>
    %dot_general3A_38 = arith.constant dense<0.000000e+00> : vector<1x1000xf32>
    %dot_general3A_39 = tpu.matmul %broadcast_in_dim3A_37, %min3A_35, %dot_general3A_38 {dimension_numbers = #tpu.dot_dimension_numbers<[1], [0], [0], [1], [0, 0, 1, 1], [], []>, transpose_lhs_hint = false} : vector<1x1024xf32>, vector<1024x1000xf32>, vector<1x1000xf32> -> vector<1x1000xf32>
    %get3A_40 = arith.constant 0 : index
    %get3A_41 = arith.constant 0 : index
    %get3A_42 = vector.load %arg3[%get3A_40, %get3A_41] : memref<1x1000xf32, #tpu.memory_space<vmem>>, vector<1x1000xf32>
    %add3A_43 = arith.addf %get3A_42, %dot_general3A_39 : vector<1x1000xf32>
    %swap3A = arith.constant 0 : index
    %swap3A_44 = arith.constant 0 : index
    %swap3A_45 = vector.load %arg3[%swap3A, %swap3A_44] : memref<1x1000xf32, #tpu.memory_space<vmem>>, vector<1x1000xf32>
    tpu.vector_store %arg3[%swap3A, %swap3A_44], %add3A_43 {strides = array<i32>} : memref<1x1000xf32, #tpu.memory_space<vmem>>, vector<1x1000xf32>,
    %get3A_46 = arith.constant 0 : index
    %get3A_47 = arith.constant 0 : index
    %get3A_48 = arith.constant 0 : index
    %get3A_49 = vector.load %arg2[%get3A_46, %get3A_47, %get3A_48] : memref<1x1x1024xi32, #tpu.memory_space<vmem>>, vector<1x1x1024xi32>
    %get3A_50 = vector.shape_cast %get3A_49 : vector<1x1x1024xi32> to vector<1024xi32>
    %iota3A = tpu.iota {dimensions = array<i32: 1>} : vector<1024x1000xi32>
    %broadcast_in_dim3A_51 = vector.shape_cast %get3A_50 : vector<1024xi32> to vector<1024x1xi32>
    %eq3A_52 = vector.broadcast %broadcast_in_dim3A_51 : vector<1024x1xi32> to vector<1024x1000xi32>
    %eq3A_53 = arith.cmpi eq, %iota3A, %eq3A_52 : vector<1024x1000xi32>
    %jit3A_54 = arith.constant 0.000000e+00 : f32
    %broadcast_in_dim3A_55 = vector.broadcast %jit3A_54 : f32 to vector<1024x1000xf32>
    %select_n3A = arith.select %eq3A_53, %get3A_20, %broadcast_in_dim3A_55 : vector<1024x1000xi1>, vector<1024x1000xf32>
    %reduce_sum3A = arith.constant dense<0.000000e+00> : vector<1024xf32>
    %reduce_sum3A_56 = vector.multi_reduction <add>, %select_n3A, %reduce_sum3A [1] : vector<1024x1000xf32> to vector<1024xf32>
    %squeeze3A = vector.shape_cast %broadcast_in_dim3A : vector<1024x1xf32> to vector<1024xf32>
    %squeeze3A_57 = vector.shape_cast %dot_general3A_26 : vector<1024x1xf32> to vector<1024xf32>
    %squeeze3A_58 = vector.shape_cast %dot_general3A_28 : vector<1024x1xf32> to vector<1024xf32>
    %slice3A = vector.extract_strided_slice %squeeze3A {offsets = [0], sizes = [64], strides = [1]} : vector<1024xf32> to vector<64xf32>
    %swap3A_59 = arith.constant 0 : index
    %swap3A_60 = arith.constant 0 : index
    %swap3A_61 = arith.constant 0 : index
    %swap3A_62 = vector.load %arg4[%swap3A_59, %swap3A_60, %swap3A_61] : memref<16x4x64xf32, #tpu.memory_space<vmem>>, vector<1x1x64xf32>
    %swap3A_63 = vector.shape_cast %swap3A_62 : vector<1x1x64xf32> to vector<64xf32>
    %swap3A_64 = vector.shape_cast %slice3A : vector<64xf32> to vector<1x1x64xf32>
    tpu.vector_store %arg4[%swap3A_59, %swap3A_60, %swap3A_61], %swap3A_64 {strides = array<i32>} : memref<16x4x64xf32, #tpu.memory_space<vmem>>, vector<1x1x64xf32>,
    %slice3A_65 = vector.extract_strided_slice %squeeze3A_57 {offsets = [0], sizes = [64], strides = [1]} : vector<1024xf32> to vector<64xf32>
    %swap3A_66 = arith.constant 0 : index
    %swap3A_67 = arith.constant 1 : index
    %swap3A_68 = arith.constant 0 : index
    %swap3A_69 = vector.load %arg4[%swap3A_66, %swap3A_67, %swap3A_68] : memref<16x4x64xf32, #tpu.memory_space<vmem>>, vector<1x1x64xf32>
    %swap3A_70 = vector.shape_cast %swap3A_69 : vector<1x1x64xf32> to vector<64xf32>
    %swap3A_71 = vector.shape_cast %slice3A_65 : vector<64xf32> to vector<1x1x64xf32>
    tpu.vector_store %arg4[%swap3A_66, %swap3A_67, %swap3A_68], %swap3A_71 {strides = array<i32>} : memref<16x4x64xf32, #tpu.memory_space<vmem>>, vector<1x1x64xf32>,
    %slice3A_72 = vector.extract_strided_slice %squeeze3A_58 {offsets = [0], sizes = [64], strides = [1]} : vector<1024xf32> to vector<64xf32>
    %swap3A_73 = arith.constant 0 : index
    %swap3A_74 = arith.constant 2 : index
    %swap3A_75 = arith.constant 0 : index
    %swap3A_76 = vector.load %arg4[%swap3A_73, %swap3A_74, %swap3A_75] : memref<16x4x64xf32, #tpu.memory_space<vmem>>, vector<1x1x64xf32>
    %swap3A_77 = vector.shape_cast %swap3A_76 : vector<1x1x64xf32> to vector<64xf32>
    %swap3A_78 = vector.shape_cast %slice3A_72 : vector<64xf32> to vector<1x1x64xf32>
    tpu.vector_store %arg4[%swap3A_73, %swap3A_74, %swap3A_75], %swap3A_78 {strides = array<i32>} : memref<16x4x64xf32, #tpu.memory_space<vmem>>, vector<1x1x64xf32>,
    %slice3A_79 = vector.extract_strided_slice %reduce_sum3A_56 {offsets = [0], sizes = [64], strides = [1]} : vector<1024xf32> to vector<64xf32>
    %swap3A_80 = arith.constant 0 : index
    %swap3A_81 = arith.constant 3 : index
    %swap3A_82 = arith.constant 0 : index
    %swap3A_83 = vector.load %arg4[%swap3A_80, %swap3A_81, %swap3A_82] : memref<16x4x64xf32, #tpu.memory_space<vmem>>, vector<1x1x64xf32>
    %swap3A_84 = vector.shape_cast %swap3A_83 : vector<1x1x64xf32> to vector<64xf32>
    %swap3A_85 = vector.shape_cast %slice3A_79 : vector<64xf32> to vector<1x1x64xf32>
    tpu.vector_store %arg4[%swap3A_80, %swap3A_81, %swap3A_82], %swap3A_85 {strides = array<i32>} : memref<16x4x64xf32, #tpu.memory_space<vmem>>, vector<1x1x64xf32>,
    %slice3A_86 = vector.extract_strided_slice %squeeze3A {offsets = [64], sizes = [64], strides = [1]} : vector<1024xf32> to vector<64xf32>
    %swap3A_87 = arith.constant 1 : index
    %swap3A_88 = arith.constant 0 : index
    %swap3A_89 = arith.constant 0 : index
    %swap3A_90 = vector.load %arg4[%swap3A_87, %swap3A_88, %swap3A_89] : memref<16x4x64xf32, #tpu.memory_space<vmem>>, vector<1x1x64xf32>
    %swap3A_91 = vector.shape_cast %swap3A_90 : vector<1x1x64xf32> to vector<64xf32>
    %swap3A_92 = vector.shape_cast %slice3A_86 : vector<64xf32> to vector<1x1x64xf32>
    tpu.vector_store %arg4[%swap3A_87, %swap3A_88, %swap3A_89], %swap3A_92 {strides = array<i32>} : memref<16x4x64xf32, #tpu.memory_space<vmem>>, vector<1x1x64xf32>,
    %slice3A_93 = vector.extract_strided_slice %squeeze3A_57 {offsets = [64], sizes = [64], strides = [1]} : vector<1024xf32> to vector<64xf32>
    %swap3A_94 = arith.constant 1 : index
    %swap3A_95 = arith.constant 1 : index
    %swap3A_96 = arith.constant 0 : index
    %swap3A_97 = vector.load %arg4[%swap3A_94, %swap3A_95, %swap3A_96] : memref<16x4x64xf32, #tpu.memory_space<vmem>>, vector<1x1x64xf32>
    %swap3A_98 = vector.shape_cast %swap3A_97 : vector<1x1x64xf32> to vector<64xf32>
    %swap3A_99 = vector.shape_cast %slice3A_93 : vector<64xf32> to vector<1x1x64xf32>
    tpu.vector_store %arg4[%swap3A_94, %swap3A_95, %swap3A_96], %swap3A_99 {strides = array<i32>} : memref<16x4x64xf32, #tpu.memory_space<vmem>>, vector<1x1x64xf32>,
    %slice3A_100 = vector.extract_strided_slice %squeeze3A_58 {offsets = [64], sizes = [64], strides = [1]} : vector<1024xf32> to vector<64xf32>
    %swap3A_101 = arith.constant 1 : index
    %swap3A_102 = arith.constant 2 : index
    %swap3A_103 = arith.constant 0 : index
    %swap3A_104 = vector.load %arg4[%swap3A_101, %swap3A_102, %swap3A_103] : memref<16x4x64xf32, #tpu.memory_space<vmem>>, vector<1x1x64xf32>
    %swap3A_105 = vector.shape_cast %swap3A_104 : vector<1x1x64xf32> to vector<64xf32>
    %swap3A_106 = vector.shape_cast %slice3A_100 : vector<64xf32> to vector<1x1x64xf32>
    tpu.vector_store %arg4[%swap3A_101, %swap3A_102, %swap3A_103], %swap3A_106 {strides = array<i32>} : memref<16x4x64xf32, #tpu.memory_space<vmem>>, vector<1x1x64xf32>,
    %slice3A_107 = vector.extract_strided_slice %reduce_sum3A_56 {offsets = [64], sizes = [64], strides = [1]} : vector<1024xf32> to vector<64xf32>
    %swap3A_108 = arith.constant 1 : index
    %swap3A_109 = arith.constant 3 : index
    %swap3A_110 = arith.constant 0 : index
    %swap3A_111 = vector.load %arg4[%swap3A_108, %swap3A_109, %swap3A_110] : memref<16x4x64xf32, #tpu.memory_space<vmem>>, vector<1x1x64xf32>
    %swap3A_112 = vector.shape_cast %swap3A_111 : vector<1x1x64xf32> to vector<64xf32>
    %swap3A_113 = vector.shape_cast %slice3A_107 : vector<64xf32> to vector<1x1x64xf32>
    tpu.vector_store %arg4[%swap3A_108, %swap3A_109, %swap3A_110], %swap3A_113 {strides = array<i32>} : memref<16x4x64xf32, #tpu.memory_space<vmem>>, vector<1x1x64xf32>,
    %slice3A_114 = vector.extract_strided_slice %squeeze3A {offsets = [128], sizes = [64], strides = [1]} : vector<1024xf32> to vector<64xf32>
    %swap3A_115 = arith.constant 2 : index
    %swap3A_116 = arith.constant 0 : index
    %swap3A_117 = arith.constant 0 : index
    %swap3A_118 = vector.load %arg4[%swap3A_115, %swap3A_116, %swap3A_117] : memref<16x4x64xf32, #tpu.memory_space<vmem>>, vector<1x1x64xf32>
    %swap3A_119 = vector.shape_cast %swap3A_118 : vector<1x1x64xf32> to vector<64xf32>
    %swap3A_120 = vector.shape_cast %slice3A_114 : vector<64xf32> to vector<1x1x64xf32>
    tpu.vector_store %arg4[%swap3A_115, %swap3A_116, %swap3A_117], %swap3A_120 {strides = array<i32>} : memref<16x4x64xf32, #tpu.memory_space<vmem>>, vector<1x1x64xf32>,
    %slice3A_121 = vector.extract_strided_slice %squeeze3A_57 {offsets = [128], sizes = [64], strides = [1]} : vector<1024xf32> to vector<64xf32>
    %swap3A_122 = arith.constant 2 : index
    %swap3A_123 = arith.constant 1 : index
    %swap3A_124 = arith.constant 0 : index
    %swap3A_125 = vector.load %arg4[%swap3A_122, %swap3A_123, %swap3A_124] : memref<16x4x64xf32, #tpu.memory_space<vmem>>, vector<1x1x64xf32>
    %swap3A_126 = vector.shape_cast %swap3A_125 : vector<1x1x64xf32> to vector<64xf32>
    %swap3A_127 = vector.shape_cast %slice3A_121 : vector<64xf32> to vector<1x1x64xf32>
    tpu.vector_store %arg4[%swap3A_122, %swap3A_123, %swap3A_124], %swap3A_127 {strides = array<i32>} : memref<16x4x64xf32, #tpu.memory_space<vmem>>, vector<1x1x64xf32>,
    %slice3A_128 = vector.extract_strided_slice %squeeze3A_58 {offsets = [128], sizes = [64], strides = [1]} : vector<1024xf32> to vector<64xf32>
    %swap3A_129 = arith.constant 2 : index
    %swap3A_130 = arith.constant 2 : index
    %swap3A_131 = arith.constant 0 : index
    %swap3A_132 = vector.load %arg4[%swap3A_129, %swap3A_130, %swap3A_131] : memref<16x4x64xf32, #tpu.memory_space<vmem>>, vector<1x1x64xf32>
    %swap3A_133 = vector.shape_cast %swap3A_132 : vector<1x1x64xf32> to vector<64xf32>
    %swap3A_134 = vector.shape_cast %slice3A_128 : vector<64xf32> to vector<1x1x64xf32>
    tpu.vector_store %arg4[%swap3A_129, %swap3A_130, %swap3A_131], %swap3A_134 {strides = array<i32>} : memref<16x4x64xf32, #tpu.memory_space<vmem>>, vector<1x1x64xf32>,
    %slice3A_135 = vector.extract_strided_slice %reduce_sum3A_56 {offsets = [128], sizes = [64], strides = [1]} : vector<1024xf32> to vector<64xf32>
    %swap3A_136 = arith.constant 2 : index
    %swap3A_137 = arith.constant 3 : index
    %swap3A_138 = arith.constant 0 : index
    %swap3A_139 = vector.load %arg4[%swap3A_136, %swap3A_137, %swap3A_138] : memref<16x4x64xf32, #tpu.memory_space<vmem>>, vector<1x1x64xf32>
    %swap3A_140 = vector.shape_cast %swap3A_139 : vector<1x1x64xf32> to vector<64xf32>
    %swap3A_141 = vector.shape_cast %slice3A_135 : vector<64xf32> to vector<1x1x64xf32>
    tpu.vector_store %arg4[%swap3A_136, %swap3A_137, %swap3A_138], %swap3A_141 {strides = array<i32>} : memref<16x4x64xf32, #tpu.memory_space<vmem>>, vector<1x1x64xf32>,
    %slice3A_142 = vector.extract_strided_slice %squeeze3A {offsets = [192], sizes = [64], strides = [1]} : vector<1024xf32> to vector<64xf32>
    %swap3A_143 = arith.constant 3 : index
    %swap3A_144 = arith.constant 0 : index
    %swap3A_145 = arith.constant 0 : index
    %swap3A_146 = vector.load %arg4[%swap3A_143, %swap3A_144, %swap3A_145] : memref<16x4x64xf32, #tpu.memory_space<vmem>>, vector<1x1x64xf32>
    %swap3A_147 = vector.shape_cast %swap3A_146 : vector<1x1x64xf32> to vector<64xf32>
    %swap3A_148 = vector.shape_cast %slice3A_142 : vector<64xf32> to vector<1x1x64xf32>
    tpu.vector_store %arg4[%swap3A_143, %swap3A_144, %swap3A_145], %swap3A_148 {strides = array<i32>} : memref<16x4x64xf32, #tpu.memory_space<vmem>>, vector<1x1x64xf32>,
    %slice3A_149 = vector.extract_strided_slice %squeeze3A_57 {offsets = [192], sizes = [64], strides = [1]} : vector<1024xf32> to vector<64xf32>
    %swap3A_150 = arith.constant 3 : index
    %swap3A_151 = arith.constant 1 : index
    %swap3A_152 = arith.constant 0 : index
    %swap3A_153 = vector.load %arg4[%swap3A_150, %swap3A_151, %swap3A_152] : memref<16x4x64xf32, #tpu.memory_space<vmem>>, vector<1x1x64xf32>
    %swap3A_154 = vector.shape_cast %swap3A_153 : vector<1x1x64xf32> to vector<64xf32>
    %swap3A_155 = vector.shape_cast %slice3A_149 : vector<64xf32> to vector<1x1x64xf32>
    tpu.vector_store %arg4[%swap3A_150, %swap3A_151, %swap3A_152], %swap3A_155 {strides = array<i32>} : memref<16x4x64xf32, #tpu.memory_space<vmem>>, vector<1x1x64xf32>,
    %slice3A_156 = vector.extract_strided_slice %squeeze3A_58 {offsets = [192], sizes = [64], strides = [1]} : vector<1024xf32> to vector<64xf32>
    %swap3A_157 = arith.constant 3 : index
    %swap3A_158 = arith.constant 2 : index
    %swap3A_159 = arith.constant 0 : index
    %swap3A_160 = vector.load %arg4[%swap3A_157, %swap3A_158, %swap3A_159] : memref<16x4x64xf32, #tpu.memory_space<vmem>>, vector<1x1x64xf32>
    %swap3A_161 = vector.shape_cast %swap3A_160 : vector<1x1x64xf32> to vector<64xf32>
    %swap3A_162 = vector.shape_cast %slice3A_156 : vector<64xf32> to vector<1x1x64xf32>
    tpu.vector_store %arg4[%swap3A_157, %swap3A_158, %swap3A_159], %swap3A_162 {strides = array<i32>} : memref<16x4x64xf32, #tpu.memory_space<vmem>>, vector<1x1x64xf32>,
    %slice3A_163 = vector.extract_strided_slice %reduce_sum3A_56 {offsets = [192], sizes = [64], strides = [1]} : vector<1024xf32> to vector<64xf32>
    %swap3A_164 = arith.constant 3 : index
    %swap3A_165 = arith.constant 3 : index
    %swap3A_166 = arith.constant 0 : index
    %swap3A_167 = vector.load %arg4[%swap3A_164, %swap3A_165, %swap3A_166] : memref<16x4x64xf32, #tpu.memory_space<vmem>>, vector<1x1x64xf32>
    %swap3A_168 = vector.shape_cast %swap3A_167 : vector<1x1x64xf32> to vector<64xf32>
    %swap3A_169 = vector.shape_cast %slice3A_163 : vector<64xf32> to vector<1x1x64xf32>
    tpu.vector_store %arg4[%swap3A_164, %swap3A_165, %swap3A_166], %swap3A_169 {strides = array<i32>} : memref<16x4x64xf32, #tpu.memory_space<vmem>>, vector<1x1x64xf32>,
    %slice3A_170 = vector.extract_strided_slice %squeeze3A {offsets = [256], sizes = [64], strides = [1]} : vector<1024xf32> to vector<64xf32>
    %swap3A_171 = arith.constant 4 : index
    %swap3A_172 = arith.constant 0 : index
    %swap3A_173 = arith.constant 0 : index
    %swap3A_174 = vector.load %arg4[%swap3A_171, %swap3A_172, %swap3A_173] : memref<16x4x64xf32, #tpu.memory_space<vmem>>, vector<1x1x64xf32>
    %swap3A_175 = vector.shape_cast %swap3A_174 : vector<1x1x64xf32> to vector<64xf32>
    %swap3A_176 = vector.shape_cast %slice3A_170 : vector<64xf32> to vector<1x1x64xf32>
    tpu.vector_store %arg4[%swap3A_171, %swap3A_172, %swap3A_173], %swap3A_176 {strides = array<i32>} : memref<16x4x64xf32, #tpu.memory_space<vmem>>, vector<1x1x64xf32>,
    %slice3A_177 = vector.extract_strided_slice %squeeze3A_57 {offsets = [256], sizes = [64], strides = [1]} : vector<1024xf32> to vector<64xf32>
    %swap3A_178 = arith.constant 4 : index
    %swap3A_179 = arith.constant 1 : index
    %swap3A_180 = arith.constant 0 : index
    %swap3A_181 = vector.load %arg4[%swap3A_178, %swap3A_179, %swap3A_180] : memref<16x4x64xf32, #tpu.memory_space<vmem>>, vector<1x1x64xf32>
    %swap3A_182 = vector.shape_cast %swap3A_181 : vector<1x1x64xf32> to vector<64xf32>
    %swap3A_183 = vector.shape_cast %slice3A_177 : vector<64xf32> to vector<1x1x64xf32>
    tpu.vector_store %arg4[%swap3A_178, %swap3A_179, %swap3A_180], %swap3A_183 {strides = array<i32>} : memref<16x4x64xf32, #tpu.memory_space<vmem>>, vector<1x1x64xf32>,
    %slice3A_184 = vector.extract_strided_slice %squeeze3A_58 {offsets = [256], sizes = [64], strides = [1]} : vector<1024xf32> to vector<64xf32>
    %swap3A_185 = arith.constant 4 : index
    %swap3A_186 = arith.constant 2 : index
    %swap3A_187 = arith.constant 0 : index
    %swap3A_188 = vector.load %arg4[%swap3A_185, %swap3A_186, %swap3A_187] : memref<16x4x64xf32, #tpu.memory_space<vmem>>, vector<1x1x64xf32>
    %swap3A_189 = vector.shape_cast %swap3A_188 : vector<1x1x64xf32> to vector<64xf32>
    %swap3A_190 = vector.shape_cast %slice3A_184 : vector<64xf32> to vector<1x1x64xf32>
    tpu.vector_store %arg4[%swap3A_185, %swap3A_186, %swap3A_187], %swap3A_190 {strides = array<i32>} : memref<16x4x64xf32, #tpu.memory_space<vmem>>, vector<1x1x64xf32>,
    %slice3A_191 = vector.extract_strided_slice %reduce_sum3A_56 {offsets = [256], sizes = [64], strides = [1]} : vector<1024xf32> to vector<64xf32>
    %swap3A_192 = arith.constant 4 : index
    %swap3A_193 = arith.constant 3 : index
    %swap3A_194 = arith.constant 0 : index
    %swap3A_195 = vector.load %arg4[%swap3A_192, %swap3A_193, %swap3A_194] : memref<16x4x64xf32, #tpu.memory_space<vmem>>, vector<1x1x64xf32>
    %swap3A_196 = vector.shape_cast %swap3A_195 : vector<1x1x64xf32> to vector<64xf32>
    %swap3A_197 = vector.shape_cast %slice3A_191 : vector<64xf32> to vector<1x1x64xf32>
    tpu.vector_store %arg4[%swap3A_192, %swap3A_193, %swap3A_194], %swap3A_197 {strides = array<i32>} : memref<16x4x64xf32, #tpu.memory_space<vmem>>, vector<1x1x64xf32>,
    %slice3A_198 = vector.extract_strided_slice %squeeze3A {offsets = [320], sizes = [64], strides = [1]} : vector<1024xf32> to vector<64xf32>
    %swap3A_199 = arith.constant 5 : index
    %swap3A_200 = arith.constant 0 : index
    %swap3A_201 = arith.constant 0 : index
    %swap3A_202 = vector.load %arg4[%swap3A_199, %swap3A_200, %swap3A_201] : memref<16x4x64xf32, #tpu.memory_space<vmem>>, vector<1x1x64xf32>
    %swap3A_203 = vector.shape_cast %swap3A_202 : vector<1x1x64xf32> to vector<64xf32>
    %swap3A_204 = vector.shape_cast %slice3A_198 : vector<64xf32> to vector<1x1x64xf32>
    tpu.vector_store %arg4[%swap3A_199, %swap3A_200, %swap3A_201], %swap3A_204 {strides = array<i32>} : memref<16x4x64xf32, #tpu.memory_space<vmem>>, vector<1x1x64xf32>,
    %slice3A_205 = vector.extract_strided_slice %squeeze3A_57 {offsets = [320], sizes = [64], strides = [1]} : vector<1024xf32> to vector<64xf32>
    %swap3A_206 = arith.constant 5 : index
    %swap3A_207 = arith.constant 1 : index
    %swap3A_208 = arith.constant 0 : index
    %swap3A_209 = vector.load %arg4[%swap3A_206, %swap3A_207, %swap3A_208] : memref<16x4x64xf32, #tpu.memory_space<vmem>>, vector<1x1x64xf32>
    %swap3A_210 = vector.shape_cast %swap3A_209 : vector<1x1x64xf32> to vector<64xf32>
    %swap3A_211 = vector.shape_cast %slice3A_205 : vector<64xf32> to vector<1x1x64xf32>
    tpu.vector_store %arg4[%swap3A_206, %swap3A_207, %swap3A_208], %swap3A_211 {strides = array<i32>} : memref<16x4x64xf32, #tpu.memory_space<vmem>>, vector<1x1x64xf32>,
    %slice3A_212 = vector.extract_strided_slice %squeeze3A_58 {offsets = [320], sizes = [64], strides = [1]} : vector<1024xf32> to vector<64xf32>
    %swap3A_213 = arith.constant 5 : index
    %swap3A_214 = arith.constant 2 : index
    %swap3A_215 = arith.constant 0 : index
    %swap3A_216 = vector.load %arg4[%swap3A_213, %swap3A_214, %swap3A_215] : memref<16x4x64xf32, #tpu.memory_space<vmem>>, vector<1x1x64xf32>
    %swap3A_217 = vector.shape_cast %swap3A_216 : vector<1x1x64xf32> to vector<64xf32>
    %swap3A_218 = vector.shape_cast %slice3A_212 : vector<64xf32> to vector<1x1x64xf32>
    tpu.vector_store %arg4[%swap3A_213, %swap3A_214, %swap3A_215], %swap3A_218 {strides = array<i32>} : memref<16x4x64xf32, #tpu.memory_space<vmem>>, vector<1x1x64xf32>,
    %slice3A_219 = vector.extract_strided_slice %reduce_sum3A_56 {offsets = [320], sizes = [64], strides = [1]} : vector<1024xf32> to vector<64xf32>
    %swap3A_220 = arith.constant 5 : index
    %swap3A_221 = arith.constant 3 : index
    %swap3A_222 = arith.constant 0 : index
    %swap3A_223 = vector.load %arg4[%swap3A_220, %swap3A_221, %swap3A_222] : memref<16x4x64xf32, #tpu.memory_space<vmem>>, vector<1x1x64xf32>
    %swap3A_224 = vector.shape_cast %swap3A_223 : vector<1x1x64xf32> to vector<64xf32>
    %swap3A_225 = vector.shape_cast %slice3A_219 : vector<64xf32> to vector<1x1x64xf32>
    tpu.vector_store %arg4[%swap3A_220, %swap3A_221, %swap3A_222], %swap3A_225 {strides = array<i32>} : memref<16x4x64xf32, #tpu.memory_space<vmem>>, vector<1x1x64xf32>,
    %slice3A_226 = vector.extract_strided_slice %squeeze3A {offsets = [384], sizes = [64], strides = [1]} : vector<1024xf32> to vector<64xf32>
    %swap3A_227 = arith.constant 6 : index
    %swap3A_228 = arith.constant 0 : index
    %swap3A_229 = arith.constant 0 : index
    %swap3A_230 = vector.load %arg4[%swap3A_227, %swap3A_228, %swap3A_229] : memref<16x4x64xf32, #tpu.memory_space<vmem>>, vector<1x1x64xf32>
    %swap3A_231 = vector.shape_cast %swap3A_230 : vector<1x1x64xf32> to vector<64xf32>
    %swap3A_232 = vector.shape_cast %slice3A_226 : vector<64xf32> to vector<1x1x64xf32>
    tpu.vector_store %arg4[%swap3A_227, %swap3A_228, %swap3A_229], %swap3A_232 {strides = array<i32>} : memref<16x4x64xf32, #tpu.memory_space<vmem>>, vector<1x1x64xf32>,
    %slice3A_233 = vector.extract_strided_slice %squeeze3A_57 {offsets = [384], sizes = [64], strides = [1]} : vector<1024xf32> to vector<64xf32>
    %swap3A_234 = arith.constant 6 : index
    %swap3A_235 = arith.constant 1 : index
    %swap3A_236 = arith.constant 0 : index
    %swap3A_237 = vector.load %arg4[%swap3A_234, %swap3A_235, %swap3A_236] : memref<16x4x64xf32, #tpu.memory_space<vmem>>, vector<1x1x64xf32>
    %swap3A_238 = vector.shape_cast %swap3A_237 : vector<1x1x64xf32> to vector<64xf32>
    %swap3A_239 = vector.shape_cast %slice3A_233 : vector<64xf32> to vector<1x1x64xf32>
    tpu.vector_store %arg4[%swap3A_234, %swap3A_235, %swap3A_236], %swap3A_239 {strides = array<i32>} : memref<16x4x64xf32, #tpu.memory_space<vmem>>, vector<1x1x64xf32>,
    %slice3A_240 = vector.extract_strided_slice %squeeze3A_58 {offsets = [384], sizes = [64], strides = [1]} : vector<1024xf32> to vector<64xf32>
    %swap3A_241 = arith.constant 6 : index
    %swap3A_242 = arith.constant 2 : index
    %swap3A_243 = arith.constant 0 : index
    %swap3A_244 = vector.load %arg4[%swap3A_241, %swap3A_242, %swap3A_243] : memref<16x4x64xf32, #tpu.memory_space<vmem>>, vector<1x1x64xf32>
    %swap3A_245 = vector.shape_cast %swap3A_244 : vector<1x1x64xf32> to vector<64xf32>
    %swap3A_246 = vector.shape_cast %slice3A_240 : vector<64xf32> to vector<1x1x64xf32>
    tpu.vector_store %arg4[%swap3A_241, %swap3A_242, %swap3A_243], %swap3A_246 {strides = array<i32>} : memref<16x4x64xf32, #tpu.memory_space<vmem>>, vector<1x1x64xf32>,
    %slice3A_247 = vector.extract_strided_slice %reduce_sum3A_56 {offsets = [384], sizes = [64], strides = [1]} : vector<1024xf32> to vector<64xf32>
    %swap3A_248 = arith.constant 6 : index
    %swap3A_249 = arith.constant 3 : index
    %swap3A_250 = arith.constant 0 : index
    %swap3A_251 = vector.load %arg4[%swap3A_248, %swap3A_249, %swap3A_250] : memref<16x4x64xf32, #tpu.memory_space<vmem>>, vector<1x1x64xf32>
    %swap3A_252 = vector.shape_cast %swap3A_251 : vector<1x1x64xf32> to vector<64xf32>
    %swap3A_253 = vector.shape_cast %slice3A_247 : vector<64xf32> to vector<1x1x64xf32>
    tpu.vector_store %arg4[%swap3A_248, %swap3A_249, %swap3A_250], %swap3A_253 {strides = array<i32>} : memref<16x4x64xf32, #tpu.memory_space<vmem>>, vector<1x1x64xf32>,
    %slice3A_254 = vector.extract_strided_slice %squeeze3A {offsets = [448], sizes = [64], strides = [1]} : vector<1024xf32> to vector<64xf32>
    %swap3A_255 = arith.constant 7 : index
    %swap3A_256 = arith.constant 0 : index
    %swap3A_257 = arith.constant 0 : index
    %swap3A_258 = vector.load %arg4[%swap3A_255, %swap3A_256, %swap3A_257] : memref<16x4x64xf32, #tpu.memory_space<vmem>>, vector<1x1x64xf32>
    %swap3A_259 = vector.shape_cast %swap3A_258 : vector<1x1x64xf32> to vector<64xf32>
    %swap3A_260 = vector.shape_cast %slice3A_254 : vector<64xf32> to vector<1x1x64xf32>
    tpu.vector_store %arg4[%swap3A_255, %swap3A_256, %swap3A_257], %swap3A_260 {strides = array<i32>} : memref<16x4x64xf32, #tpu.memory_space<vmem>>, vector<1x1x64xf32>,
    %slice3A_261 = vector.extract_strided_slice %squeeze3A_57 {offsets = [448], sizes = [64], strides = [1]} : vector<1024xf32> to vector<64xf32>
    %swap3A_262 = arith.constant 7 : index
    %swap3A_263 = arith.constant 1 : index
    %swap3A_264 = arith.constant 0 : index
    %swap3A_265 = vector.load %arg4[%swap3A_262, %swap3A_263, %swap3A_264] : memref<16x4x64xf32, #tpu.memory_space<vmem>>, vector<1x1x64xf32>
    %swap3A_266 = vector.shape_cast %swap3A_265 : vector<1x1x64xf32> to vector<64xf32>
    %swap3A_267 = vector.shape_cast %slice3A_261 : vector<64xf32> to vector<1x1x64xf32>
    tpu.vector_store %arg4[%swap3A_262, %swap3A_263, %swap3A_264], %swap3A_267 {strides = array<i32>} : memref<16x4x64xf32, #tpu.memory_space<vmem>>, vector<1x1x64xf32>,
    %slice3A_268 = vector.extract_strided_slice %squeeze3A_58 {offsets = [448], sizes = [64], strides = [1]} : vector<1024xf32> to vector<64xf32>
    %swap3A_269 = arith.constant 7 : index
    %swap3A_270 = arith.constant 2 : index
    %swap3A_271 = arith.constant 0 : index
    %swap3A_272 = vector.load %arg4[%swap3A_269, %swap3A_270, %swap3A_271] : memref<16x4x64xf32, #tpu.memory_space<vmem>>, vector<1x1x64xf32>
    %swap3A_273 = vector.shape_cast %swap3A_272 : vector<1x1x64xf32> to vector<64xf32>
    %swap3A_274 = vector.shape_cast %slice3A_268 : vector<64xf32> to vector<1x1x64xf32>
    tpu.vector_store %arg4[%swap3A_269, %swap3A_270, %swap3A_271], %swap3A_274 {strides = array<i32>} : memref<16x4x64xf32, #tpu.memory_space<vmem>>, vector<1x1x64xf32>,
    %slice3A_275 = vector.extract_strided_slice %reduce_sum3A_56 {offsets = [448], sizes = [64], strides = [1]} : vector<1024xf32> to vector<64xf32>
    %swap3A_276 = arith.constant 7 : index
    %swap3A_277 = arith.constant 3 : index
    %swap3A_278 = arith.constant 0 : index
    %swap3A_279 = vector.load %arg4[%swap3A_276, %swap3A_277, %swap3A_278] : memref<16x4x64xf32, #tpu.memory_space<vmem>>, vector<1x1x64xf32>
    %swap3A_280 = vector.shape_cast %swap3A_279 : vector<1x1x64xf32> to vector<64xf32>
    %swap3A_281 = vector.shape_cast %slice3A_275 : vector<64xf32> to vector<1x1x64xf32>
    tpu.vector_store %arg4[%swap3A_276, %swap3A_277, %swap3A_278], %swap3A_281 {strides = array<i32>} : memref<16x4x64xf32, #tpu.memory_space<vmem>>, vector<1x1x64xf32>,
    %slice3A_282 = vector.extract_strided_slice %squeeze3A {offsets = [512], sizes = [64], strides = [1]} : vector<1024xf32> to vector<64xf32>
    %swap3A_283 = arith.constant 8 : index
    %swap3A_284 = arith.constant 0 : index
    %swap3A_285 = arith.constant 0 : index
    %swap3A_286 = vector.load %arg4[%swap3A_283, %swap3A_284, %swap3A_285] : memref<16x4x64xf32, #tpu.memory_space<vmem>>, vector<1x1x64xf32>
    %swap3A_287 = vector.shape_cast %swap3A_286 : vector<1x1x64xf32> to vector<64xf32>
    %swap3A_288 = vector.shape_cast %slice3A_282 : vector<64xf32> to vector<1x1x64xf32>
    tpu.vector_store %arg4[%swap3A_283, %swap3A_284, %swap3A_285], %swap3A_288 {strides = array<i32>} : memref<16x4x64xf32, #tpu.memory_space<vmem>>, vector<1x1x64xf32>,
    %slice3A_289 = vector.extract_strided_slice %squeeze3A_57 {offsets = [512], sizes = [64], strides = [1]} : vector<1024xf32> to vector<64xf32>
    %swap3A_290 = arith.constant 8 : index
    %swap3A_291 = arith.constant 1 : index
    %swap3A_292 = arith.constant 0 : index
    %swap3A_293 = vector.load %arg4[%swap3A_290, %swap3A_291, %swap3A_292] : memref<16x4x64xf32, #tpu.memory_space<vmem>>, vector<1x1x64xf32>
    %swap3A_294 = vector.shape_cast %swap3A_293 : vector<1x1x64xf32> to vector<64xf32>
    %swap3A_295 = vector.shape_cast %slice3A_289 : vector<64xf32> to vector<1x1x64xf32>
    tpu.vector_store %arg4[%swap3A_290, %swap3A_291, %swap3A_292], %swap3A_295 {strides = array<i32>} : memref<16x4x64xf32, #tpu.memory_space<vmem>>, vector<1x1x64xf32>,
    %slice3A_296 = vector.extract_strided_slice %squeeze3A_58 {offsets = [512], sizes = [64], strides = [1]} : vector<1024xf32> to vector<64xf32>
    %swap3A_297 = arith.constant 8 : index
    %swap3A_298 = arith.constant 2 : index
    %swap3A_299 = arith.constant 0 : index
    %swap3A_300 = vector.load %arg4[%swap3A_297, %swap3A_298, %swap3A_299] : memref<16x4x64xf32, #tpu.memory_space<vmem>>, vector<1x1x64xf32>
    %swap3A_301 = vector.shape_cast %swap3A_300 : vector<1x1x64xf32> to vector<64xf32>
    %swap3A_302 = vector.shape_cast %slice3A_296 : vector<64xf32> to vector<1x1x64xf32>
    tpu.vector_store %arg4[%swap3A_297, %swap3A_298, %swap3A_299], %swap3A_302 {strides = array<i32>} : memref<16x4x64xf32, #tpu.memory_space<vmem>>, vector<1x1x64xf32>,
    %slice3A_303 = vector.extract_strided_slice %reduce_sum3A_56 {offsets = [512], sizes = [64], strides = [1]} : vector<1024xf32> to vector<64xf32>
    %swap3A_304 = arith.constant 8 : index
    %swap3A_305 = arith.constant 3 : index
    %swap3A_306 = arith.constant 0 : index
    %swap3A_307 = vector.load %arg4[%swap3A_304, %swap3A_305, %swap3A_306] : memref<16x4x64xf32, #tpu.memory_space<vmem>>, vector<1x1x64xf32>
    %swap3A_308 = vector.shape_cast %swap3A_307 : vector<1x1x64xf32> to vector<64xf32>
    %swap3A_309 = vector.shape_cast %slice3A_303 : vector<64xf32> to vector<1x1x64xf32>
    tpu.vector_store %arg4[%swap3A_304, %swap3A_305, %swap3A_306], %swap3A_309 {strides = array<i32>} : memref<16x4x64xf32, #tpu.memory_space<vmem>>, vector<1x1x64xf32>,
    %slice3A_310 = vector.extract_strided_slice %squeeze3A {offsets = [576], sizes = [64], strides = [1]} : vector<1024xf32> to vector<64xf32>
    %swap3A_311 = arith.constant 9 : index
    %swap3A_312 = arith.constant 0 : index
    %swap3A_313 = arith.constant 0 : index
    %swap3A_314 = vector.load %arg4[%swap3A_311, %swap3A_312, %swap3A_313] : memref<16x4x64xf32, #tpu.memory_space<vmem>>, vector<1x1x64xf32>
    %swap3A_315 = vector.shape_cast %swap3A_314 : vector<1x1x64xf32> to vector<64xf32>
    %swap3A_316 = vector.shape_cast %slice3A_310 : vector<64xf32> to vector<1x1x64xf32>
    tpu.vector_store %arg4[%swap3A_311, %swap3A_312, %swap3A_313], %swap3A_316 {strides = array<i32>} : memref<16x4x64xf32, #tpu.memory_space<vmem>>, vector<1x1x64xf32>,
    %slice3A_317 = vector.extract_strided_slice %squeeze3A_57 {offsets = [576], sizes = [64], strides = [1]} : vector<1024xf32> to vector<64xf32>
    %swap3A_318 = arith.constant 9 : index
    %swap3A_319 = arith.constant 1 : index
    %swap3A_320 = arith.constant 0 : index
    %swap3A_321 = vector.load %arg4[%swap3A_318, %swap3A_319, %swap3A_320] : memref<16x4x64xf32, #tpu.memory_space<vmem>>, vector<1x1x64xf32>
    %swap3A_322 = vector.shape_cast %swap3A_321 : vector<1x1x64xf32> to vector<64xf32>
    %swap3A_323 = vector.shape_cast %slice3A_317 : vector<64xf32> to vector<1x1x64xf32>
    tpu.vector_store %arg4[%swap3A_318, %swap3A_319, %swap3A_320], %swap3A_323 {strides = array<i32>} : memref<16x4x64xf32, #tpu.memory_space<vmem>>, vector<1x1x64xf32>,
    %slice3A_324 = vector.extract_strided_slice %squeeze3A_58 {offsets = [576], sizes = [64], strides = [1]} : vector<1024xf32> to vector<64xf32>
    %swap3A_325 = arith.constant 9 : index
    %swap3A_326 = arith.constant 2 : index
    %swap3A_327 = arith.constant 0 : index
    %swap3A_328 = vector.load %arg4[%swap3A_325, %swap3A_326, %swap3A_327] : memref<16x4x64xf32, #tpu.memory_space<vmem>>, vector<1x1x64xf32>
    %swap3A_329 = vector.shape_cast %swap3A_328 : vector<1x1x64xf32> to vector<64xf32>
    %swap3A_330 = vector.shape_cast %slice3A_324 : vector<64xf32> to vector<1x1x64xf32>
    tpu.vector_store %arg4[%swap3A_325, %swap3A_326, %swap3A_327], %swap3A_330 {strides = array<i32>} : memref<16x4x64xf32, #tpu.memory_space<vmem>>, vector<1x1x64xf32>,
    %slice3A_331 = vector.extract_strided_slice %reduce_sum3A_56 {offsets = [576], sizes = [64], strides = [1]} : vector<1024xf32> to vector<64xf32>
    %swap3A_332 = arith.constant 9 : index
    %swap3A_333 = arith.constant 3 : index
    %swap3A_334 = arith.constant 0 : index
    %swap3A_335 = vector.load %arg4[%swap3A_332, %swap3A_333, %swap3A_334] : memref<16x4x64xf32, #tpu.memory_space<vmem>>, vector<1x1x64xf32>
    %swap3A_336 = vector.shape_cast %swap3A_335 : vector<1x1x64xf32> to vector<64xf32>
    %swap3A_337 = vector.shape_cast %slice3A_331 : vector<64xf32> to vector<1x1x64xf32>
    tpu.vector_store %arg4[%swap3A_332, %swap3A_333, %swap3A_334], %swap3A_337 {strides = array<i32>} : memref<16x4x64xf32, #tpu.memory_space<vmem>>, vector<1x1x64xf32>,
    %slice3A_338 = vector.extract_strided_slice %squeeze3A {offsets = [640], sizes = [64], strides = [1]} : vector<1024xf32> to vector<64xf32>
    %swap3A_339 = arith.constant 10 : index
    %swap3A_340 = arith.constant 0 : index
    %swap3A_341 = arith.constant 0 : index
    %swap3A_342 = vector.load %arg4[%swap3A_339, %swap3A_340, %swap3A_341] : memref<16x4x64xf32, #tpu.memory_space<vmem>>, vector<1x1x64xf32>
    %swap3A_343 = vector.shape_cast %swap3A_342 : vector<1x1x64xf32> to vector<64xf32>
    %swap3A_344 = vector.shape_cast %slice3A_338 : vector<64xf32> to vector<1x1x64xf32>
    tpu.vector_store %arg4[%swap3A_339, %swap3A_340, %swap3A_341], %swap3A_344 {strides = array<i32>} : memref<16x4x64xf32, #tpu.memory_space<vmem>>, vector<1x1x64xf32>,
    %slice3A_345 = vector.extract_strided_slice %squeeze3A_57 {offsets = [640], sizes = [64], strides = [1]} : vector<1024xf32> to vector<64xf32>
    %swap3A_346 = arith.constant 10 : index
    %swap3A_347 = arith.constant 1 : index
    %swap3A_348 = arith.constant 0 : index
    %swap3A_349 = vector.load %arg4[%swap3A_346, %swap3A_347, %swap3A_348] : memref<16x4x64xf32, #tpu.memory_space<vmem>>, vector<1x1x64xf32>
    %swap3A_350 = vector.shape_cast %swap3A_349 : vector<1x1x64xf32> to vector<64xf32>
    %swap3A_351 = vector.shape_cast %slice3A_345 : vector<64xf32> to vector<1x1x64xf32>
    tpu.vector_store %arg4[%swap3A_346, %swap3A_347, %swap3A_348], %swap3A_351 {strides = array<i32>} : memref<16x4x64xf32, #tpu.memory_space<vmem>>, vector<1x1x64xf32>,
    %slice3A_352 = vector.extract_strided_slice %squeeze3A_58 {offsets = [640], sizes = [64], strides = [1]} : vector<1024xf32> to vector<64xf32>
    %swap3A_353 = arith.constant 10 : index
    %swap3A_354 = arith.constant 2 : index
    %swap3A_355 = arith.constant 0 : index
    %swap3A_356 = vector.load %arg4[%swap3A_353, %swap3A_354, %swap3A_355] : memref<16x4x64xf32, #tpu.memory_space<vmem>>, vector<1x1x64xf32>
    %swap3A_357 = vector.shape_cast %swap3A_356 : vector<1x1x64xf32> to vector<64xf32>
    %swap3A_358 = vector.shape_cast %slice3A_352 : vector<64xf32> to vector<1x1x64xf32>
    tpu.vector_store %arg4[%swap3A_353, %swap3A_354, %swap3A_355], %swap3A_358 {strides = array<i32>} : memref<16x4x64xf32, #tpu.memory_space<vmem>>, vector<1x1x64xf32>,
    %slice3A_359 = vector.extract_strided_slice %reduce_sum3A_56 {offsets = [640], sizes = [64], strides = [1]} : vector<1024xf32> to vector<64xf32>
    %swap3A_360 = arith.constant 10 : index
    %swap3A_361 = arith.constant 3 : index
    %swap3A_362 = arith.constant 0 : index
    %swap3A_363 = vector.load %arg4[%swap3A_360, %swap3A_361, %swap3A_362] : memref<16x4x64xf32, #tpu.memory_space<vmem>>, vector<1x1x64xf32>
    %swap3A_364 = vector.shape_cast %swap3A_363 : vector<1x1x64xf32> to vector<64xf32>
    %swap3A_365 = vector.shape_cast %slice3A_359 : vector<64xf32> to vector<1x1x64xf32>
    tpu.vector_store %arg4[%swap3A_360, %swap3A_361, %swap3A_362], %swap3A_365 {strides = array<i32>} : memref<16x4x64xf32, #tpu.memory_space<vmem>>, vector<1x1x64xf32>,
    %slice3A_366 = vector.extract_strided_slice %squeeze3A {offsets = [704], sizes = [64], strides = [1]} : vector<1024xf32> to vector<64xf32>
    %swap3A_367 = arith.constant 11 : index
    %swap3A_368 = arith.constant 0 : index
    %swap3A_369 = arith.constant 0 : index
    %swap3A_370 = vector.load %arg4[%swap3A_367, %swap3A_368, %swap3A_369] : memref<16x4x64xf32, #tpu.memory_space<vmem>>, vector<1x1x64xf32>
    %swap3A_371 = vector.shape_cast %swap3A_370 : vector<1x1x64xf32> to vector<64xf32>
    %swap3A_372 = vector.shape_cast %slice3A_366 : vector<64xf32> to vector<1x1x64xf32>
    tpu.vector_store %arg4[%swap3A_367, %swap3A_368, %swap3A_369], %swap3A_372 {strides = array<i32>} : memref<16x4x64xf32, #tpu.memory_space<vmem>>, vector<1x1x64xf32>,
    %slice3A_373 = vector.extract_strided_slice %squeeze3A_57 {offsets = [704], sizes = [64], strides = [1]} : vector<1024xf32> to vector<64xf32>
    %swap3A_374 = arith.constant 11 : index
    %swap3A_375 = arith.constant 1 : index
    %swap3A_376 = arith.constant 0 : index
    %swap3A_377 = vector.load %arg4[%swap3A_374, %swap3A_375, %swap3A_376] : memref<16x4x64xf32, #tpu.memory_space<vmem>>, vector<1x1x64xf32>
    %swap3A_378 = vector.shape_cast %swap3A_377 : vector<1x1x64xf32> to vector<64xf32>
    %swap3A_379 = vector.shape_cast %slice3A_373 : vector<64xf32> to vector<1x1x64xf32>
    tpu.vector_store %arg4[%swap3A_374, %swap3A_375, %swap3A_376], %swap3A_379 {strides = array<i32>} : memref<16x4x64xf32, #tpu.memory_space<vmem>>, vector<1x1x64xf32>,
    %slice3A_380 = vector.extract_strided_slice %squeeze3A_58 {offsets = [704], sizes = [64], strides = [1]} : vector<1024xf32> to vector<64xf32>
    %swap3A_381 = arith.constant 11 : index
    %swap3A_382 = arith.constant 2 : index
    %swap3A_383 = arith.constant 0 : index
    %swap3A_384 = vector.load %arg4[%swap3A_381, %swap3A_382, %swap3A_383] : memref<16x4x64xf32, #tpu.memory_space<vmem>>, vector<1x1x64xf32>
    %swap3A_385 = vector.shape_cast %swap3A_384 : vector<1x1x64xf32> to vector<64xf32>
    %swap3A_386 = vector.shape_cast %slice3A_380 : vector<64xf32> to vector<1x1x64xf32>
    tpu.vector_store %arg4[%swap3A_381, %swap3A_382, %swap3A_383], %swap3A_386 {strides = array<i32>} : memref<16x4x64xf32, #tpu.memory_space<vmem>>, vector<1x1x64xf32>,
    %slice3A_387 = vector.extract_strided_slice %reduce_sum3A_56 {offsets = [704], sizes = [64], strides = [1]} : vector<1024xf32> to vector<64xf32>
    %swap3A_388 = arith.constant 11 : index
    %swap3A_389 = arith.constant 3 : index
    %swap3A_390 = arith.constant 0 : index
    %swap3A_391 = vector.load %arg4[%swap3A_388, %swap3A_389, %swap3A_390] : memref<16x4x64xf32, #tpu.memory_space<vmem>>, vector<1x1x64xf32>
    %swap3A_392 = vector.shape_cast %swap3A_391 : vector<1x1x64xf32> to vector<64xf32>
    %swap3A_393 = vector.shape_cast %slice3A_387 : vector<64xf32> to vector<1x1x64xf32>
    tpu.vector_store %arg4[%swap3A_388, %swap3A_389, %swap3A_390], %swap3A_393 {strides = array<i32>} : memref<16x4x64xf32, #tpu.memory_space<vmem>>, vector<1x1x64xf32>,
    %slice3A_394 = vector.extract_strided_slice %squeeze3A {offsets = [768], sizes = [64], strides = [1]} : vector<1024xf32> to vector<64xf32>
    %swap3A_395 = arith.constant 12 : index
    %swap3A_396 = arith.constant 0 : index
    %swap3A_397 = arith.constant 0 : index
    %swap3A_398 = vector.load %arg4[%swap3A_395, %swap3A_396, %swap3A_397] : memref<16x4x64xf32, #tpu.memory_space<vmem>>, vector<1x1x64xf32>
    %swap3A_399 = vector.shape_cast %swap3A_398 : vector<1x1x64xf32> to vector<64xf32>
    %swap3A_400 = vector.shape_cast %slice3A_394 : vector<64xf32> to vector<1x1x64xf32>
    tpu.vector_store %arg4[%swap3A_395, %swap3A_396, %swap3A_397], %swap3A_400 {strides = array<i32>} : memref<16x4x64xf32, #tpu.memory_space<vmem>>, vector<1x1x64xf32>,
    %slice3A_401 = vector.extract_strided_slice %squeeze3A_57 {offsets = [768], sizes = [64], strides = [1]} : vector<1024xf32> to vector<64xf32>
    %swap3A_402 = arith.constant 12 : index
    %swap3A_403 = arith.constant 1 : index
    %swap3A_404 = arith.constant 0 : index
    %swap3A_405 = vector.load %arg4[%swap3A_402, %swap3A_403, %swap3A_404] : memref<16x4x64xf32, #tpu.memory_space<vmem>>, vector<1x1x64xf32>
    %swap3A_406 = vector.shape_cast %swap3A_405 : vector<1x1x64xf32> to vector<64xf32>
    %swap3A_407 = vector.shape_cast %slice3A_401 : vector<64xf32> to vector<1x1x64xf32>
    tpu.vector_store %arg4[%swap3A_402, %swap3A_403, %swap3A_404], %swap3A_407 {strides = array<i32>} : memref<16x4x64xf32, #tpu.memory_space<vmem>>, vector<1x1x64xf32>,
    %slice3A_408 = vector.extract_strided_slice %squeeze3A_58 {offsets = [768], sizes = [64], strides = [1]} : vector<1024xf32> to vector<64xf32>
    %swap3A_409 = arith.constant 12 : index
    %swap3A_410 = arith.constant 2 : index
    %swap3A_411 = arith.constant 0 : index
    %swap3A_412 = vector.load %arg4[%swap3A_409, %swap3A_410, %swap3A_411] : memref<16x4x64xf32, #tpu.memory_space<vmem>>, vector<1x1x64xf32>
    %swap3A_413 = vector.shape_cast %swap3A_412 : vector<1x1x64xf32> to vector<64xf32>
    %swap3A_414 = vector.shape_cast %slice3A_408 : vector<64xf32> to vector<1x1x64xf32>
    tpu.vector_store %arg4[%swap3A_409, %swap3A_410, %swap3A_411], %swap3A_414 {strides = array<i32>} : memref<16x4x64xf32, #tpu.memory_space<vmem>>, vector<1x1x64xf32>,
    %slice3A_415 = vector.extract_strided_slice %reduce_sum3A_56 {offsets = [768], sizes = [64], strides = [1]} : vector<1024xf32> to vector<64xf32>
    %swap3A_416 = arith.constant 12 : index
    %swap3A_417 = arith.constant 3 : index
    %swap3A_418 = arith.constant 0 : index
    %swap3A_419 = vector.load %arg4[%swap3A_416, %swap3A_417, %swap3A_418] : memref<16x4x64xf32, #tpu.memory_space<vmem>>, vector<1x1x64xf32>
    %swap3A_420 = vector.shape_cast %swap3A_419 : vector<1x1x64xf32> to vector<64xf32>
    %swap3A_421 = vector.shape_cast %slice3A_415 : vector<64xf32> to vector<1x1x64xf32>
    tpu.vector_store %arg4[%swap3A_416, %swap3A_417, %swap3A_418], %swap3A_421 {strides = array<i32>} : memref<16x4x64xf32, #tpu.memory_space<vmem>>, vector<1x1x64xf32>,
    %slice3A_422 = vector.extract_strided_slice %squeeze3A {offsets = [832], sizes = [64], strides = [1]} : vector<1024xf32> to vector<64xf32>
    %swap3A_423 = arith.constant 13 : index
    %swap3A_424 = arith.constant 0 : index
    %swap3A_425 = arith.constant 0 : index
    %swap3A_426 = vector.load %arg4[%swap3A_423, %swap3A_424, %swap3A_425] : memref<16x4x64xf32, #tpu.memory_space<vmem>>, vector<1x1x64xf32>
    %swap3A_427 = vector.shape_cast %swap3A_426 : vector<1x1x64xf32> to vector<64xf32>
    %swap3A_428 = vector.shape_cast %slice3A_422 : vector<64xf32> to vector<1x1x64xf32>
    tpu.vector_store %arg4[%swap3A_423, %swap3A_424, %swap3A_425], %swap3A_428 {strides = array<i32>} : memref<16x4x64xf32, #tpu.memory_space<vmem>>, vector<1x1x64xf32>,
    %slice3A_429 = vector.extract_strided_slice %squeeze3A_57 {offsets = [832], sizes = [64], strides = [1]} : vector<1024xf32> to vector<64xf32>
    %swap3A_430 = arith.constant 13 : index
    %swap3A_431 = arith.constant 1 : index
    %swap3A_432 = arith.constant 0 : index
    %swap3A_433 = vector.load %arg4[%swap3A_430, %swap3A_431, %swap3A_432] : memref<16x4x64xf32, #tpu.memory_space<vmem>>, vector<1x1x64xf32>
    %swap3A_434 = vector.shape_cast %swap3A_433 : vector<1x1x64xf32> to vector<64xf32>
    %swap3A_435 = vector.shape_cast %slice3A_429 : vector<64xf32> to vector<1x1x64xf32>
    tpu.vector_store %arg4[%swap3A_430, %swap3A_431, %swap3A_432], %swap3A_435 {strides = array<i32>} : memref<16x4x64xf32, #tpu.memory_space<vmem>>, vector<1x1x64xf32>,
    %slice3A_436 = vector.extract_strided_slice %squeeze3A_58 {offsets = [832], sizes = [64], strides = [1]} : vector<1024xf32> to vector<64xf32>
    %swap3A_437 = arith.constant 13 : index
    %swap3A_438 = arith.constant 2 : index
    %swap3A_439 = arith.constant 0 : index
    %swap3A_440 = vector.load %arg4[%swap3A_437, %swap3A_438, %swap3A_439] : memref<16x4x64xf32, #tpu.memory_space<vmem>>, vector<1x1x64xf32>
    %swap3A_441 = vector.shape_cast %swap3A_440 : vector<1x1x64xf32> to vector<64xf32>
    %swap3A_442 = vector.shape_cast %slice3A_436 : vector<64xf32> to vector<1x1x64xf32>
    tpu.vector_store %arg4[%swap3A_437, %swap3A_438, %swap3A_439], %swap3A_442 {strides = array<i32>} : memref<16x4x64xf32, #tpu.memory_space<vmem>>, vector<1x1x64xf32>,
    %slice3A_443 = vector.extract_strided_slice %reduce_sum3A_56 {offsets = [832], sizes = [64], strides = [1]} : vector<1024xf32> to vector<64xf32>
    %swap3A_444 = arith.constant 13 : index
    %swap3A_445 = arith.constant 3 : index
    %swap3A_446 = arith.constant 0 : index
    %swap3A_447 = vector.load %arg4[%swap3A_444, %swap3A_445, %swap3A_446] : memref<16x4x64xf32, #tpu.memory_space<vmem>>, vector<1x1x64xf32>
    %swap3A_448 = vector.shape_cast %swap3A_447 : vector<1x1x64xf32> to vector<64xf32>
    %swap3A_449 = vector.shape_cast %slice3A_443 : vector<64xf32> to vector<1x1x64xf32>
    tpu.vector_store %arg4[%swap3A_444, %swap3A_445, %swap3A_446], %swap3A_449 {strides = array<i32>} : memref<16x4x64xf32, #tpu.memory_space<vmem>>, vector<1x1x64xf32>,
    %slice3A_450 = vector.extract_strided_slice %squeeze3A {offsets = [896], sizes = [64], strides = [1]} : vector<1024xf32> to vector<64xf32>
    %swap3A_451 = arith.constant 14 : index
    %swap3A_452 = arith.constant 0 : index
    %swap3A_453 = arith.constant 0 : index
    %swap3A_454 = vector.load %arg4[%swap3A_451, %swap3A_452, %swap3A_453] : memref<16x4x64xf32, #tpu.memory_space<vmem>>, vector<1x1x64xf32>
    %swap3A_455 = vector.shape_cast %swap3A_454 : vector<1x1x64xf32> to vector<64xf32>
    %swap3A_456 = vector.shape_cast %slice3A_450 : vector<64xf32> to vector<1x1x64xf32>
    tpu.vector_store %arg4[%swap3A_451, %swap3A_452, %swap3A_453], %swap3A_456 {strides = array<i32>} : memref<16x4x64xf32, #tpu.memory_space<vmem>>, vector<1x1x64xf32>,
    %slice3A_457 = vector.extract_strided_slice %squeeze3A_57 {offsets = [896], sizes = [64], strides = [1]} : vector<1024xf32> to vector<64xf32>
    %swap3A_458 = arith.constant 14 : index
    %swap3A_459 = arith.constant 1 : index
    %swap3A_460 = arith.constant 0 : index
    %swap3A_461 = vector.load %arg4[%swap3A_458, %swap3A_459, %swap3A_460] : memref<16x4x64xf32, #tpu.memory_space<vmem>>, vector<1x1x64xf32>
    %swap3A_462 = vector.shape_cast %swap3A_461 : vector<1x1x64xf32> to vector<64xf32>
    %swap3A_463 = vector.shape_cast %slice3A_457 : vector<64xf32> to vector<1x1x64xf32>
    tpu.vector_store %arg4[%swap3A_458, %swap3A_459, %swap3A_460], %swap3A_463 {strides = array<i32>} : memref<16x4x64xf32, #tpu.memory_space<vmem>>, vector<1x1x64xf32>,
    %slice3A_464 = vector.extract_strided_slice %squeeze3A_58 {offsets = [896], sizes = [64], strides = [1]} : vector<1024xf32> to vector<64xf32>
    %swap3A_465 = arith.constant 14 : index
    %swap3A_466 = arith.constant 2 : index
    %swap3A_467 = arith.constant 0 : index
    %swap3A_468 = vector.load %arg4[%swap3A_465, %swap3A_466, %swap3A_467] : memref<16x4x64xf32, #tpu.memory_space<vmem>>, vector<1x1x64xf32>
    %swap3A_469 = vector.shape_cast %swap3A_468 : vector<1x1x64xf32> to vector<64xf32>
    %swap3A_470 = vector.shape_cast %slice3A_464 : vector<64xf32> to vector<1x1x64xf32>
    tpu.vector_store %arg4[%swap3A_465, %swap3A_466, %swap3A_467], %swap3A_470 {strides = array<i32>} : memref<16x4x64xf32, #tpu.memory_space<vmem>>, vector<1x1x64xf32>,
    %slice3A_471 = vector.extract_strided_slice %reduce_sum3A_56 {offsets = [896], sizes = [64], strides = [1]} : vector<1024xf32> to vector<64xf32>
    %swap3A_472 = arith.constant 14 : index
    %swap3A_473 = arith.constant 3 : index
    %swap3A_474 = arith.constant 0 : index
    %swap3A_475 = vector.load %arg4[%swap3A_472, %swap3A_473, %swap3A_474] : memref<16x4x64xf32, #tpu.memory_space<vmem>>, vector<1x1x64xf32>
    %swap3A_476 = vector.shape_cast %swap3A_475 : vector<1x1x64xf32> to vector<64xf32>
    %swap3A_477 = vector.shape_cast %slice3A_471 : vector<64xf32> to vector<1x1x64xf32>
    tpu.vector_store %arg4[%swap3A_472, %swap3A_473, %swap3A_474], %swap3A_477 {strides = array<i32>} : memref<16x4x64xf32, #tpu.memory_space<vmem>>, vector<1x1x64xf32>,
    %slice3A_478 = vector.extract_strided_slice %squeeze3A {offsets = [960], sizes = [64], strides = [1]} : vector<1024xf32> to vector<64xf32>
    %swap3A_479 = arith.constant 15 : index
    %swap3A_480 = arith.constant 0 : index
    %swap3A_481 = arith.constant 0 : index
    %swap3A_482 = vector.load %arg4[%swap3A_479, %swap3A_480, %swap3A_481] : memref<16x4x64xf32, #tpu.memory_space<vmem>>, vector<1x1x64xf32>
    %swap3A_483 = vector.shape_cast %swap3A_482 : vector<1x1x64xf32> to vector<64xf32>
    %swap3A_484 = vector.shape_cast %slice3A_478 : vector<64xf32> to vector<1x1x64xf32>
    tpu.vector_store %arg4[%swap3A_479, %swap3A_480, %swap3A_481], %swap3A_484 {strides = array<i32>} : memref<16x4x64xf32, #tpu.memory_space<vmem>>, vector<1x1x64xf32>,
    %slice3A_485 = vector.extract_strided_slice %squeeze3A_57 {offsets = [960], sizes = [64], strides = [1]} : vector<1024xf32> to vector<64xf32>
    %swap3A_486 = arith.constant 15 : index
    %swap3A_487 = arith.constant 1 : index
    %swap3A_488 = arith.constant 0 : index
    %swap3A_489 = vector.load %arg4[%swap3A_486, %swap3A_487, %swap3A_488] : memref<16x4x64xf32, #tpu.memory_space<vmem>>, vector<1x1x64xf32>
    %swap3A_490 = vector.shape_cast %swap3A_489 : vector<1x1x64xf32> to vector<64xf32>
    %swap3A_491 = vector.shape_cast %slice3A_485 : vector<64xf32> to vector<1x1x64xf32>
    tpu.vector_store %arg4[%swap3A_486, %swap3A_487, %swap3A_488], %swap3A_491 {strides = array<i32>} : memref<16x4x64xf32, #tpu.memory_space<vmem>>, vector<1x1x64xf32>,
    %slice3A_492 = vector.extract_strided_slice %squeeze3A_58 {offsets = [960], sizes = [64], strides = [1]} : vector<1024xf32> to vector<64xf32>
    %swap3A_493 = arith.constant 15 : index
    %swap3A_494 = arith.constant 2 : index
    %swap3A_495 = arith.constant 0 : index
    %swap3A_496 = vector.load %arg4[%swap3A_493, %swap3A_494, %swap3A_495] : memref<16x4x64xf32, #tpu.memory_space<vmem>>, vector<1x1x64xf32>
    %swap3A_497 = vector.shape_cast %swap3A_496 : vector<1x1x64xf32> to vector<64xf32>
    %swap3A_498 = vector.shape_cast %slice3A_492 : vector<64xf32> to vector<1x1x64xf32>
    tpu.vector_store %arg4[%swap3A_493, %swap3A_494, %swap3A_495], %swap3A_498 {strides = array<i32>} : memref<16x4x64xf32, #tpu.memory_space<vmem>>, vector<1x1x64xf32>,
    %slice3A_499 = vector.extract_strided_slice %reduce_sum3A_56 {offsets = [960], sizes = [64], strides = [1]} : vector<1024xf32> to vector<64xf32>
    %swap3A_500 = arith.constant 15 : index
    %swap3A_501 = arith.constant 3 : index
    %swap3A_502 = arith.constant 0 : index
    %swap3A_503 = vector.load %arg4[%swap3A_500, %swap3A_501, %swap3A_502] : memref<16x4x64xf32, #tpu.memory_space<vmem>>, vector<1x1x64xf32>
    %swap3A_504 = vector.shape_cast %swap3A_503 : vector<1x1x64xf32> to vector<64xf32>
    %swap3A_505 = vector.shape_cast %slice3A_499 : vector<64xf32> to vector<1x1x64xf32>
    tpu.vector_store %arg4[%swap3A_500, %swap3A_501, %swap3A_502], %swap3A_505 {strides = array<i32>} : memref<16x4x64xf32, #tpu.memory_space<vmem>>, vector<1x1x64xf32>,
    return
  }
  func.func @transform_1(%arg0: i32) -> (i32, i32, i32) {
    %c0_i32 = arith.constant 0 : i32
    %c0_i32_0 = arith.constant 0 : i32
    %c0_i32_1 = arith.constant 0 : i32
    return %arg0, %c0_i32, %c0_i32_0 : i32, i32, i32
  }
  func.func @transform_2(%arg0: i32) -> (i32, i32) {
    %c0_i32 = arith.constant 0 : i32
    %c0_i32_0 = arith.constant 0 : i32
    %c0_i32_1 = arith.constant 0 : i32
    return %c0_i32, %c0_i32_0 : i32, i32
  }
  func.func @transform_3(%arg0: i32) -> (i32, i32, i32) {
    %c0_i32 = arith.constant 0 : i32
    %c0_i32_0 = arith.constant 0 : i32
    %c0_i32_1 = arith.constant 0 : i32
    return %arg0, %c0_i32, %c0_i32_0 : i32, i32, i32
  }
}

</mosaic_0001>

<sc_bundles>
// kernel: kernel.4.cloned.1.call-start
scs
__scs_entry_jumppad:
0x0: {  	(pc) =	sbr.rel $0x88, $3  }
0x1: {  	(tag) =	ssettag $0x0;
	lr =	simm.s32 $0x1  }
0x2: {  	[smem:$0x3F9F] =	sst lr;
	_ =	strace $0xD0000000  }
0x3: {  	_ = 	snop  }
0x4: {  	_ = 	snop  }
0x5: {  	_ = 	snop  }
0x6: {  	_ = 	snop  }
0x7: {  	_ = 	snop  }
__scs_overlays_trampoline_lowered:
0x8: {  	[smem:$0x3FAE] =	sst s0  }
0x9: {  	[smem:$0x3FAF] =	sst s1  }
0xa: {  	[smem:$0x3FB0] =	sst s2  }
0xb: {  	[smem:$0x3FB1] =	sst s3  }
0xc: {  	[smem:$0x3FB2] =	sst s4  }
0xd: {  	[smem:$0x3FB3] =	sst s5  }
0xe: {  	[smem:$0x3FB4] =	sst s6  }
0xf: {  	[smem:$0x3FB5] =	sst s7  }
0x10: {  	[smem:$0x3FB6] =	sst s8  }
0x11: {  	[smem:$0x3FB7] =	sst s9;
	s0 =	simm.s32 @!p0 $0x0  }
0x12: {  	s1 =	sld [smem:$0x3F9D];
	s0 =	simm.s32 @p0 $0x1  }
0x13: {  	[smem:$0x3FB8] =	sst s0;
	s0 =	simm.s32 @!p1 $0x0  }
0x14: {  	s2 =	sld [smem:$0x3F9C];
	s0 =	simm.s32 @p1 $0x1  }
0x15: {  	[smem:$0x3FB9] =	sst s0;
	s0 =	simm.s32 @!p2 $0x0  }
0x16: {  	s3 =	sld [smem:$0x3FDB];
	s0 =	simm.s32 @p2 $0x1  }
0x17: {  	s4 =	simm.s32 $0x1BF5;
	[smem:$0x3FBB] =	sst s0  }
0x18: {  	s0 =	sld [smem:$0x3F9E];
	_ =	swait.ge [sflag:s4], $0x0  }
0x19: {  	s7 =	sld [smem:$0x3F9F]  }
0x1a: {  	s8 =	sadd.s32 $0xFFFFE003, lr  }
0x1b: {  	s9 =	sadd.s32 $0xFFFFFEF7, lr;
	s5 =	simm.s32 $0xFFFFFFFF;
	p2 =	slt.u32 s8, $0xFFFFF086  }
0x1c: {  	p1 =	slt.u32 s9, $0xF7A;
	s5 =	simm.s32 @!p2 $0x0  }
0x1d: {  	s5 =	simm.s32 @p1 $0x1;
	p0 =	seq.s32 s7, s2  }
0x1e: {  	s7 =	smul.u32 @!p0 $0xF7A, s2;
	p2 =	seq.s32 @!p0 s5, $0x0  }
0x1f: {  	s9 =	smul.u32 $0xF7A, s1;
	s8 =	simm.s32 @!p0 $0x1BF5;
	p2 =	por !p2, p0  }
0x20: {  	[sflag:s8] =	ssyncset.s32 @!p0 $0xFFFFF086;
	s6 =	sadd.s32 @!p0 s3, s7;
	s7 =	simm.s32 @!p0 $0x108  }
0x21: {  	s3 =	sadd.s32 s3, s9;
	s6 =	sadd.s32 @!p0 $0x88, s6;
	s7 =	simm.s32 @p2 $0x1082  }
0x22: {  	[simem:s7], [sflag:s8] =	dma.local @!p0 [hbm:s6], $0xF7A  }
0x23: {  	s9 =	sor.u32 $0xD0000000, s2;
	s6 =	simm.s32 $0x108;
	_ =	swait.ge @!p0 [sflag:s8], $0x0  }
0x24: {  	s3 =	sadd.s32 $0x88, s3;
	s6 =	simm.s32 @!p1 $0x1082;
	[sflag:s4] =	ssyncset.s32 $0xFFFFF086  }
0x25: {  	[simem:s6], [sflag:s4] =	dma.local [hbm:s3], $0xF7A  }
0x26: {  	[smem:$0x3F9F] =	sst s1;
	(tag) =	ssettag s2;
	_ =	strace s9  }
0x27: {  	s1 =	sld [smem:$0x3FAF]  }
0x28: {  	s2 =	sld [smem:$0x3FB0]  }
0x29: {  	s4 =	sld [smem:$0x3FB2]  }
0x2a: {  	p0 =	seq.s32 s5, $0x0;
	s5 =	sld [smem:$0x3FB3]  }
0x2b: {  	s6 =	sld [smem:$0x3FB4]  }
0x2c: {  	s7 =	sld [smem:$0x3FB5]  }
0x2d: {  	s3 =	simm.s32 $0x108;
	s8 =	sld [smem:$0x3FB6]  }
0x2e: {  	s3 =	simm.s32 @!p0 $0x1082;
	s9 =	sld [smem:$0x3FB7]  }
0x2f: {  	lr =	sadd.s32 s0, s3;
	s0 =	sld [smem:$0x3FAE]  }
0x30: {  	s3 =	sld [smem:$0x3FB1]  }
0x31: {  	[smem:$0x3FBA] =	sst s10  }
0x32: {  	s10 =	sld [smem:$0x3FB8];
	_ =	sdelay $0x3  }
0x33: {  	p0 =	seq.s32 s10, $0x1;
	s10 =	sld [smem:$0x3FBA];
	_ =	sdelay $0x3  }
0x34: {  	[smem:$0x3FBA] =	sst s10  }
0x35: {  	s10 =	sld [smem:$0x3FB9];
	_ =	sdelay $0x3  }
0x36: {  	p1 =	seq.s32 s10, $0x1;
	s10 =	sld [smem:$0x3FBA];
	_ =	sdelay $0x3  }
0x37: {  	[smem:$0x3FBA] =	sst s10  }
0x38: {  	s10 =	sld [smem:$0x3FBB]  }
0x39: {  	_ = 	snop;
	(pc) =	sbr.ind lr, $3  }
0x3a: {  	_ = 	snop  }
0x3b: {  	_ = 	snop  }
0x3c: {  	p2 =	seq.s32 s10, $0x1;
	s10 =	sld [smem:$0x3FBA]  }
0x3d: {  	_ =	shalt  }
0x3e: {  	_ =	shalt  }
0x3f: {  	_ =	shalt  }
0x40: {  	_ =	shalt  }
0x41: {  	_ =	shalt  }
0x42: {  	_ =	shalt  }
0x43: {  	_ =	shalt  }
0x44: {  	_ =	shalt  }
0x45: {  	_ =	shalt  }
0x46: {  	_ =	shalt  }
0x47: {  	_ =	shalt  }
0x48: {  	_ =	shalt  }
0x49: {  	_ =	shalt  }
0x4a: {  	_ =	shalt  }
0x4b: {  	_ =	shalt  }
0x4c: {  	_ =	shalt  }
0x4d: {  	_ =	shalt  }
0x4e: {  	_ =	shalt  }
0x4f: {  	_ =	shalt  }
0x50: {  	_ =	shalt  }
0x51: {  	_ =	shalt  }
0x52: {  	_ =	shalt  }
0x53: {  	_ =	shalt  }
0x54: {  	_ =	shalt  }
0x55: {  	_ =	shalt  }
0x56: {  	_ =	shalt  }
0x57: {  	_ =	shalt  }
0x58: {  	_ =	shalt  }
0x59: {  	_ =	shalt  }
0x5a: {  	_ =	shalt  }
0x5b: {  	_ =	shalt  }
0x5c: {  	_ =	shalt  }
0x5d: {  	_ =	shalt  }
0x5e: {  	_ =	shalt  }
0x5f: {  	_ =	shalt  }
0x60: {  	_ =	shalt  }
0x61: {  	_ =	shalt  }
0x62: {  	_ =	shalt  }
0x63: {  	_ =	shalt  }
0x64: {  	_ =	shalt  }
0x65: {  	_ =	shalt  }
0x66: {  	_ =	shalt  }
0x67: {  	_ =	shalt  }
0x68: {  	_ =	shalt  }
0x69: {  	_ =	shalt  }
0x6a: {  	_ =	shalt  }
0x6b: {  	_ =	shalt  }
0x6c: {  	_ =	shalt  }
0x6d: {  	_ =	shalt  }
0x6e: {  	_ =	shalt  }
0x6f: {  	_ =	shalt  }
0x70: {  	_ =	shalt  }
0x71: {  	_ =	shalt  }
0x72: {  	_ =	shalt  }
0x73: {  	_ =	shalt  }
0x74: {  	_ =	shalt  }
0x75: {  	_ =	shalt  }
0x76: {  	_ =	shalt  }
0x77: {  	_ =	shalt  }
0x78: {  	_ =	shalt  }
0x79: {  	_ =	shalt  }
0x7a: {  	_ =	shalt  }
0x7b: {  	_ =	shalt  }
0x7c: {  	_ =	shalt  }
0x7d: {  	_ =	shalt  }
0x7e: {  	_ =	shalt  }
0x7f: {  	_ =	shalt  }
0x80: {  	_ =	shalt  }
0x81: {  	_ =	shalt  }
0x82: {  	_ =	shalt  }
0x83: {  	_ =	shalt  }
0x84: {  	_ =	shalt  }
0x85: {  	_ =	shalt  }
0x86: {  	_ =	shalt  }
0x87: {  	_ =	shalt  }
.Lfunc_end0:
.L_simem_size_0:
called_computation_lowered:
.L_overlay_start_0:
0x88: {  	s2 =	sld [smem:$0x3FD9]  }
0x89: {  	s3 =	sld [smem:$0x3FFE];
	_ =	sdelay $0x1  }
0x8a: {  	s1 =	srdreg.scid  }
0x8b: {  	s0 =	sand.u32 $0x1, s1  }
0x8c: {  	s17 =	sshll.u32 s0, $0xA;
	s2 =	sadd.s32 s3, s2  }
0x8d: {  	s2 =	sadd.s32 s2, s17  }
0x8e: {  	[smem:$0x3FC6] =	sst s2  }
0x8f: {  	_ = 	snop  }
0x90: {  	s2 =	sld [smem:$0x3FC8];
	(tm) =	ssettm $0x1  }
0x91: {  	s18 =	sld [smem:$0x3FFB];
	_ =	sdelay $0x3  }
0x92: {  	_ =	strace s18  }
0x93: {  	s3 =	sld [smem:$0x3FFC];
	_ =	sdelay $0x3  }
0x94: {  	_ =	strace s3  }
0x95: {  	s3 =	sld [smem:$0x3FFD];
	_ =	sdelay $0x3  }
0x96: {  	_ =	strace s3  }
0x97: {  	_ =	strace $0x8FFFFFFF  }
0x98: {  	s19 =	sld [smem:$0x3FDB];
	_ =	sdelay $0x1  }
0x99: {  	s4 =	simm.s32 $_scs_section_size  }
0x9a: {  	s5 =	simm.s32 $_size__tile_overlayer_lowered;
	s6 =	simm.s32 $_tile_overlayer_lowered  }
0x9b: {  	s22 =	simm.s32 $0x1BFF;
	s21 =	sshll.u32 s6, $0x1;
	s3 =	sadd.s32 s4, s19  }
0x9c: {  	s7 =	simm.s32 $0x0;
	s20 =	sshll.u32 s5, $0x1;
	s5 =	sadd.s32 s21, s3  }
0x9d: {  	[timem:s7], [sflag:s22] =	dma.local [hbm:s5], s20  }
0x9e: {  	_ =	swait.ge [sflag:s22], s20  }
0x9f: {  	s4 =	ssub.s32 $0x0, s20;
	[sflag:s22] =	ssyncset.done $0x0  }
0xa0: {  	[sflag:s22] =	ssyncadd.s32 s4;
	_ =	sdelay $0x1  }
0xa1: {  	s23 =	simm.s32 $0x1B8B  }
0xa2: {  	_ =	swait.ge [sflag:s23], $0x1  }
0xa3: {  	[sflag:s23] =	ssyncset.done $0x0  }
0xa4: {  	s25 =	simm.s32 $0x1B8E;
	s24 =	sld [smem:$0x3FFE];
	[sflag:s23] =	ssyncadd.s32 $0xFFFFFFFF  }
0xa5: {  	s26 =	simm.s32 $execute0_lowered;
	[smem:$0x3FD2] =	sst s25  }
0xa6: {  	s5 =	sshll.u32 s26, $0x1;
	_ =	strace $0x80000046;
	[dreg:$0x1] =	wrdreg $0xFFFFFFFF  }
0xa7: {  	s28 =	simm.s32 $_size_execute0_lowered;
	s3 =	sadd.s32 s3, s5;
	[dreg:$0x0] =	wrdreg $0x0  }
0xa8: {  	s5 =	sshll.u32 s28, $0x1;
	[dreg:$0x2] =	wrdreg s3  }
0xa9: {  	[dreg:$0x3] =	wrdreg s5  }
0xaa: {  	[dreg:$0x4] =	wrdreg $0xC0  }
0xab: {  	_ =	task [dreg:s7], $0x5FFFF  }
0xac: {  	[dreg:$0x1] =	wrdreg $0xFFFFFFFF  }
0xad: {  	[dreg:$0x0] =	wrdreg $0x60  }
0xae: {  	[dreg:$0x2] =	wrdreg s2  }
0xaf: {  	[dreg:$0x3] =	wrdreg s24  }
0xb0: {  	[dreg:$0x4] =	wrdreg $0x9  }
0xb1: {  	_ =	task.clear_ibuf [dreg:s7], $0x5FFFF;
	_ =	strace $0x90000046  }
0xb2: {  	s29 =	simm.s32 $0x9;
	_ =	strace $0x80000048  }
0xb3: {  	_ =	swait.ge [sflag:s29], $0x1  }
0xb4: {  	[sflag:s29] =	ssyncadd.s32 $0xFFFFFFFF  }
0xb5: {  	_ =	strace $0x90000048  }
0xb6: {  	_ =	sfence  }
0xb7: {  	s30 =	sld [smem:$0x0];
	_ =	sdelay $0x2  }
0xb8: {  	s31 =	sshll.u32 s1, $0xD;
	s1 =	sshrl.u32 s1, $0x2  }
0xb9: {  	s3 =	sand.u32 $0x4000, s31;
	s1 =	sadd.s32 s1, s30  }
0xba: {  	s0 =	sor.u32 s3, s0;
	s1 =	sshll.u32 s1, $0x11  }
0xbb: {  	s0 =	sor.u32 s1, s0  }
0xbc: {  	s0 =	sadd.s32 $0x8F2B, s0  }
0xbd: {  	[sflag:s0] =	ssyncadd.remote.s32 $0x1  }
0xbe: {  	_ =	sfence.sel $0xFFFF  }
0xbf: {  	[dreg:$0x0] =	wrdreg $0xFFFFFFFF;
	(pc) =	sbr.abs _section_cstart, $3  }
0xc0: {  	[dreg:$0x1] =	wrdreg $0xFFFFFFFF  }
0xc1: {  	_ =	task.clear_ibuf [dreg:s7], $0x2FFFF;
	_ =	strace $0x9FFFFFFF  }
0xc2: {  	(tm) =	ssettm $0x7FFFFFFF  }
0xc3: {  	_ =	shalt  }
tec
execute0_lowered:
.L_overlay_start_1:
0x0: {  	(tag) =	ssettag $0x1  }
0x1: {  	s4 =	rddreg [dreg:$0x0];
	s1 =	srdreg.scid  }
0x2: {  	s0 =	stileid.u32;
	s2 =	rddreg [dreg:$0x1];
	s3 =	simm.s32 $0x0  }
0x3: {  	s15 =	simm.s32 $0x1;
	s16 =	simm.s32 $0xA00;
	s17 =	simm.s32 $0x200  }
0x4: {  	s18 =	simm.s32 $0x300;
	s19 =	simm.s32 $0x400;
	s20 =	simm.s32 $0x500  }
0x5: {  	s21 =	simm.s32 $0x600;
	s22 =	simm.s32 $0x700;
	s23 =	simm.s32 $0x800  }
0x6: {  	s24 =	simm.s32 $0x900;
	s5 =	sand.u32 $0x1, s1;
	s1 =	rddreg [dreg:$0x2]  }
0x7: {  	s25 =	simm.s32 $0xE00;
	s6 =	sshll.u32 s0, $0x1;
	[smem:$0x7FF] =	sst s3  }
0x8: {  	s6 =	sor.u32 s5, s6;
	_ =	strace $0x80000047;
	s5 =	ssub.s32 $0x2, s5  }
0x9: {  	s7 =	sshll.u32 s6, $0x8;
	s31 =	sshll.u32 s6, $0x3;
	s8 =	sshrl.u32 s5, $0x1  }
0xa: {  	s6 =	sshll.u32 s6, $0x6;
	s12 =	sadd.s32 s7, s2;
	s13 =	sadd.s32 s31, s2  }
0xb: {  	s14 =	ssub.s32 s5, s8;
	s4 =	sadd.s32 s4, s6;
	s5 =	sadd.s32 $0x200, s12  }
0xc: {  	s6 =	sadd.s32 $0x220, s12;
	s7 =	sadd.s32 $0x240, s12;
	s8 =	sadd.s32 $0x260, s12  }
0xd: {  	s9 =	sadd.s32 $0x280, s12;
	s10 =	sadd.s32 $0x2A0, s12;
	s11 =	sadd.s32 $0x2C0, s12  }
0xe: {  	v0 =	vimm.f32 $0.0e+00;
	s12 =	sadd.s32 $0x2E0, s12;
	s13 =	sadd.s32 $0x2200, s13;
	s14 =	smax.u32 s14, $0x1  }
.LBB2_1:
0xf: {  	[tilespmem:s3], [sflag:$0x1] =	stream.linear.gather [hbm4b:s4+s3], $0x200, $0x38;
	[tilespmem:$0xE40] =	vst v63  }
0x10: {  	_ =	swait.ge [sflag:s15], $0x200  }
0x11: {  	[sflag:s15] =	ssyncset.done $0x0  }
0x12: {  	[sflag:s15] =	ssyncadd.s32 $0xFFFFFE00  }
0x13: {  	[tilespmem:s16], [sflag:$0x1] =	stream.linear.gather [hbm4b:s2+s3], $0x3E8, $0x38;
	[tilespmem:$0xE40] =	vst v63  }
0x14: {  	_ =	swait.ge [sflag:s15], $0x3E8  }
0x15: {  	[sflag:s15] =	ssyncset.done $0x0  }
0x16: {  	[sflag:s15] =	ssyncadd.s32 $0xFFFFFC18  }
0x17: {  	[tilespmem:s17], [sflag:$0x1] =	stream.linear.gather [hbm4b:s5+s3], $0x100, $0x38;
	[tilespmem:$0xE40] =	vst v63  }
0x18: {  	_ =	swait.ge [sflag:s15], $0x100  }
0x19: {  	[sflag:s15] =	ssyncset.done $0x0  }
0x1a: {  	[sflag:s15] =	ssyncadd.s32 $0xFFFFFF00  }
0x1b: {  	[tilespmem:s18], [sflag:$0x1] =	stream.linear.gather [hbm4b:s6+s3], $0x100, $0x38;
	[tilespmem:$0xE40] =	vst v63  }
0x1c: {  	_ =	swait.ge [sflag:s15], $0x100  }
0x1d: {  	[sflag:s15] =	ssyncset.done $0x0  }
0x1e: {  	[sflag:s15] =	ssyncadd.s32 $0xFFFFFF00  }
0x1f: {  	[tilespmem:s19], [sflag:$0x1] =	stream.linear.gather [hbm4b:s7+s3], $0x100, $0x38;
	[tilespmem:$0xE40] =	vst v63  }
0x20: {  	_ =	swait.ge [sflag:s15], $0x100  }
0x21: {  	[sflag:s15] =	ssyncset.done $0x0  }
0x22: {  	[sflag:s15] =	ssyncadd.s32 $0xFFFFFF00  }
0x23: {  	[tilespmem:s20], [sflag:$0x1] =	stream.linear.gather [hbm4b:s8+s3], $0x100, $0x38;
	[tilespmem:$0xE40] =	vst v63  }
0x24: {  	_ =	swait.ge [sflag:s15], $0x100  }
0x25: {  	[sflag:s15] =	ssyncset.done $0x0  }
0x26: {  	[sflag:s15] =	ssyncadd.s32 $0xFFFFFF00  }
0x27: {  	[tilespmem:s21], [sflag:$0x1] =	stream.linear.gather [hbm4b:s9+s3], $0x100, $0x38;
	[tilespmem:$0xE40] =	vst v63  }
0x28: {  	_ =	swait.ge [sflag:s15], $0x100  }
0x29: {  	[sflag:s15] =	ssyncset.done $0x0  }
0x2a: {  	[sflag:s15] =	ssyncadd.s32 $0xFFFFFF00  }
0x2b: {  	[tilespmem:s22], [sflag:$0x1] =	stream.linear.gather [hbm4b:s10+s3], $0x100, $0x38;
	[tilespmem:$0xE40] =	vst v63  }
0x2c: {  	_ =	swait.ge [sflag:s15], $0x100  }
0x2d: {  	[sflag:s15] =	ssyncset.done $0x0  }
0x2e: {  	[sflag:s15] =	ssyncadd.s32 $0xFFFFFF00  }
0x2f: {  	[tilespmem:s23], [sflag:$0x1] =	stream.linear.gather [hbm4b:s11+s3], $0x100, $0x38;
	[tilespmem:$0xE40] =	vst v63  }
0x30: {  	_ =	swait.ge [sflag:s15], $0x100  }
0x31: {  	[sflag:s15] =	ssyncset.done $0x0  }
0x32: {  	[sflag:s15] =	ssyncadd.s32 $0xFFFFFF00  }
0x33: {  	[tilespmem:s24], [sflag:$0x1] =	stream.linear.gather [hbm4b:s12+s3], $0x100, $0x38;
	[tilespmem:$0xE40] =	vst v63  }
0x34: {  	_ =	swait.ge [sflag:s15], $0x100  }
0x35: {  	[sflag:s15] =	ssyncset.done $0x0  }
0x36: {  	[sflag:s15] =	ssyncadd.s32 $0xFFFFFF00  }
0x37: {  	v1 =	vld [tilespmem:$0x240];
	_ =	sdelay $0x4  }
0x38: {  	v2 =	vand.u32 $0x7FFFFF, v1  }
0x39: {  	v4 =	vld [tilespmem:$0x250];
	v2 =	vor.u32 $0x3F800000, v2  }
0x3a: {  	v3 =	vmul.f32 $2.482583000e-02, v2;
	_ =	sdelay $0x1  }
0x3b: {  	v3 =	vsub.f32 $2.668607530e-01, v3;
	_ =	sdelay $0x1  }
0x3c: {  	v5 =	vand.u32 $0x7FFFFF, v4;
	v3 =	vmul.f32 v2, v3  }
0x3d: {  	v5 =	vor.u32 $0x3F800000, v5  }
0x3e: {  	v6 =	vmul.f32 $2.482583000e-02, v5;
	v3 =	vadd.f32 $-1.234270220e+00, v3;
	_ =	sdelay $0x1  }
0x3f: {  	v6 =	vsub.f32 $2.668607530e-01, v6;
	v3 =	vmul.f32 v2, v3;
	_ =	sdelay $0x1  }
0x40: {  	v6 =	vmul.f32 v5, v6;
	v3 =	vadd.f32 $3.218846080e+00, v3;
	_ =	sdelay $0x1  }
0x41: {  	v6 =	vadd.f32 $-1.234270220e+00, v6;
	v3 =	vmul.f32 v2, v3;
	_ =	sdelay $0x1  }
0x42: {  	v6 =	vmul.f32 v5, v6;
	v3 =	vadd.f32 $-5.264124870e+00, v3;
	_ =	sdelay $0x1  }
0x43: {  	v6 =	vadd.f32 $3.218846080e+00, v6;
	v3 =	vmul.f32 v2, v3  }
0x44: {  	v10 =	vld [tilespmem:$0x270]  }
0x45: {  	v15 =	vld [tilespmem:$0x340];
	v6 =	vmul.f32 v5, v6;
	v3 =	vadd.f32 $6.065838340e+00, v3  }
0x46: {  	v48 =	vld [tilespmem:$0x350]  }
0x47: {  	v6 =	vadd.f32 $-5.264124870e+00, v6;
	v2 =	vmul.f32 v2, v3;
	v3 =	vld [tilespmem:$0x260]  }
0x48: {  	v1 =	vshrl.u32 v1, $0x17  }
0x49: {  	v4 =	vshrl.u32 v4, $0x17;
	v1 =	vadd.s32 $0xFFFFFF81, v1;
	v6 =	vmul.f32 v5, v6  }
0x4a: {  	v31 =	vand.u32 $0x7FFFFF, v10;
	v1 =	vcvt.s32.f32 v1;
	v2 =	vadd.f32 $-3.028319360e+00, v2  }
0x4b: {  	v7 =	vld [tilespmem:$0x200];
	v39 =	vand.u32 $0x7FFFFF, v15;
	v10 =	vshrl.u32 v10, $0x17;
	v6 =	vadd.f32 $6.065838340e+00, v6  }
0x4c: {  	v20 =	vld [tilespmem:$0x360];
	v52 =	vand.u32 $0x7FFFFF, v48;
	v1 =	vadd.f32 v1, v2;
	v8 =	vand.u32 $0x7FFFFF, v3  }
0x4d: {  	v4 =	vadd.s32 $0xFFFFFF81, v4;
	v5 =	vmul.f32 v5, v6;
	v2 =	vld [tilespmem:$0x2C0];
	v8 =	vor.u32 $0x3F800000, v8  }
0x4e: {  	v12 =	vld [tilespmem:$0x0];
	v33 =	vor.u32 $0x3F800000, v31;
	v1 =	vmul.f32 $6.931471820e-01, v1;
	v9 =	vmul.f32 $2.482583000e-02, v8  }
0x4f: {  	v4 =	vcvt.s32.f32 v4;
	v11 =	vmul.f32 $2.482583000e-02, v33;
	v5 =	vadd.f32 $-3.028319360e+00, v5  }
0x50: {  	v30 =	vld [tilespmem:$0x210];
	v58 =	vshrl.u32 v15, $0x17;
	v1 =	vadd.f32 v1, v7;
	v27 =	vsub.f32 $2.668607530e-01, v9  }
0x51: {  	v59 =	vand.u32 $0x7FFFFF, v20;
	v11 =	vsub.f32 $2.668607530e-01, v11;
	v4 =	vadd.f32 v4, v5  }
0x52: {  	v34 =	vld [tilespmem:$0x2D0];
	v10 =	vadd.s32 $0xFFFFFF81, v10;
	v28 =	vsub.f32 v2, v1;
	v7 =	vmul.f32 v8, v27  }
0x53: {  	v15 =	vor.u32 $0x3F800000, v59;
	v35 =	vmul.f32 v33, v11;
	v4 =	vmul.f32 $6.931471820e-01, v4  }
0x54: {  	v10 =	vcvt.s32.f32 v10;
	v9 =	vmul.f32 $1.442695020e+00, v28;
	v29 =	vadd.f32 $-1.234270220e+00, v7  }
0x55: {  	v61 =	vmul.f32 $2.482583000e-02, v15;
	v4 =	vadd.f32 v4, v30;
	v7 =	vadd.f32 $-1.234270220e+00, v35  }
0x56: {  	v38 =	vld.idx.msk [tilespmem:v12+s16+$0x0], $0xffff;
	v12 =	vor.u32 $0x3F800000, v39;
	(erf) = vpow2.f32 v9;
	v6 =	vmul.f32 v8, v29  }
0x57: {  	v36 =	vld [tilespmem:$0x280];
	v3 =	vshrl.u32 v3, $0x17;
	v13 =	vsub.f32 v34, v4;
	v7 =	vmul.f32 v33, v7  }
0x58: {  	v45 =	vld [tilespmem:$0x290];
	v41 =	vmul.f32 $2.482583000e-02, v12;
	v3 =	vadd.s32 $0xFFFFFF81, v3;
	v32 =	vadd.f32 $3.218846080e+00, v6  }
0x59: {  	v16 =	vmul.f32 $1.000000000e+03, v1;
	v13 =	vmul.f32 $1.442695020e+00, v13;
	v7 =	vadd.f32 $3.218846080e+00, v7  }
0x5a: {  	v1 =	vsub.f32 v1, v2;
	v18 =	vmul.f32 $1.000000000e+03, v4;
	v5 =	vmul.f32 v8, v32  }
0x5b: {  	v4 =	vsub.f32 v4, v34;
	(erf) = vpow2.f32 v13;
	v7 =	vmul.f32 v33, v7  }
0x5c: {  	v40 =	vld [tilespmem:$0x10];
	v3 =	vcvt.s32.f32 v3;
	v37 =	vsub.f32 v16, v36;
	v5 =	vadd.f32 $-5.264124870e+00, v5  }
0x5d: {  	v1 =	vmul.f32 $6.496496200e-01, v1;
	v11 =	vsub.f32 v18, v45;
	v7 =	vadd.f32 $-5.264124870e+00, v7  }
0x5e: {  	v4 =	vmul.f32 $6.496496200e-01, v4;
	v35 =	vshrl.u32 v48, $0x17;
	v5 =	vmul.f32 v8, v5  }
0x5f: {  	v22 =	vld [tilespmem:$0x370];
	v50 =	vmul.f32 $3.503503390e-04, v11;
	v11 =	vor.u32 $0x3F800000, v52;
	v14 =	vpop (erf);
	v7 =	vmul.f32 v33, v7  }
0x60: {  	v36 =	vadd.s32 $0xFFFFFF81, v35;
	v14 =	vmax.f32 v14, $9.999999930e-09;
	v5 =	vadd.f32 $6.065838340e+00, v5  }
0x61: {  	v55 =	vmul.f32 $2.482583000e-02, v11;
	v14 =	vmin.f32 v14, $1.000000000e+00;
	v7 =	vadd.f32 $6.065838340e+00, v7  }
0x62: {  	v4 =	vadd.f32 v50, v4;
	v14 =	vmul.f32 $1.638400000e+04, v14;
	v5 =	vmul.f32 v8, v5  }
0x63: {  	v8 =	vmul.f32 $3.503503390e-04, v37;
	v6 =	vmul.f32 v33, v7;
	v7 =	vsub.f32 $2.668607530e-01, v55  }
0x64: {  	v13 =	vld.idx.msk [tilespmem:v40+s16+$0x0], $0xffff;
	v46 =	vpop (erf);
	v37 =	vand.u32 $0x7FFFFF, v22;
	vm0 =	vge.f32 v14, v38;
	v5 =	vadd.f32 $-3.028319360e+00, v5  }
0x65: {  	v2 =	vld [tilespmem:$0x220];
	v14 =	vmax.f32 v46, $9.999999930e-09;
	v1 =	vadd.f32 v8, v1;
	v43 =	vsel vm0, $0x3F800000, v0  }
0x66: {  	v14 =	vmin.f32 v14, $1.000000000e+00;
	v6 =	vadd.f32 $-3.028319360e+00, v6;
	v3 =	vadd.f32 v3, v5  }
0x67: {  	v49 =	vld [tilespmem:$0x230];
	v7 =	vmul.f32 v11, v7;
	v14 =	vmul.f32 $1.638400000e+04, v14;
	v5 =	vsub.f32 $2.668607530e-01, v41  }
0x68: {  	v42 =	vld [tilespmem:$0x2E0];
	v44 =	vmul.f32 v43, v1;
	v6 =	vadd.f32 v10, v6;
	v3 =	vmul.f32 $6.931471820e-01, v3  }
0x69: {  	v51 =	vld [tilespmem:$0x2F0];
	v1 =	vadd.f32 $0.0e+00, v1;
	v7 =	vadd.f32 $-1.234270220e+00, v7;
	vm9 =	vge.f32 v14, v13  }
0x6a: {  	v6 =	vmul.f32 $6.931471820e-01, v6;
	v2 =	vadd.f32 v3, v2;
	v3 =	vmul.f32 v12, v5  }
0x6b: {  	v46 =	vshrl.u32 v20, $0x17;
	v14 =	vsel vm9, $0x3F800000, v0;
	v1 =	vadd.f32 v4, v1  }
0x6c: {  	v7 =	vmul.f32 v11, v7;
	v6 =	vadd.f32 v6, v49;
	v3 =	vadd.f32 $-1.234270220e+00, v3  }
0x6d: {  	v53 =	vld [tilespmem:$0x2A0];
	v56 =	vmul.f32 v14, v4;
	v8 =	vadd.f32 v14, v43;
	v17 =	vsub.f32 v42, v2  }
0x6e: {  	v24 =	vld [tilespmem:$0x2B0];
	v7 =	vadd.f32 $3.218846080e+00, v7;
	v19 =	vsub.f32 v51, v6;
	v3 =	vmul.f32 v12, v3  }
0x6f: {  	v21 =	vmul.f32 $1.000000000e+03, v2;
	v2 =	vsub.f32 v2, v42;
	v47 =	vmul.f32 $1.442695020e+00, v17  }
0x70: {  	v7 =	vmul.f32 v11, v7;
	v30 =	vmul.f32 $1.000000000e+03, v6;
	v3 =	vadd.f32 $3.218846080e+00, v3  }
0x71: {  	v6 =	vsub.f32 v6, v51;
	v19 =	vmul.f32 $1.442695020e+00, v19;
	(erf) = vpow2.f32 v47  }
0x72: {  	v54 =	vld [tilespmem:$0x20];
	v13 =	vsub.f32 v21, v53;
	v7 =	vadd.f32 $-5.264124870e+00, v7;
	v3 =	vmul.f32 v12, v3  }
0x73: {  	v2 =	vmul.f32 $6.496496200e-01, v2;
	v14 =	vsub.f32 v30, v24;
	v6 =	vmul.f32 $6.496496200e-01, v6  }
0x74: {  	v13 =	vmul.f32 $3.503503390e-04, v13;
	v7 =	vmul.f32 v11, v7;
	v3 =	vadd.f32 $-5.264124870e+00, v3  }
0x75: {  	v5 =	vadd.f32 $0.0e+00, v44;
	v14 =	vmul.f32 $3.503503390e-04, v14;
	v47 =	vld [tilespmem:$0x440];
	(erf) = vpow2.f32 v19  }
0x76: {  	v19 =	vsub.f32 $2.668607530e-01, v61;
	v2 =	vadd.f32 v13, v2;
	v3 =	vmul.f32 v12, v3  }
0x77: {  	v7 =	vadd.f32 $6.065838340e+00, v7;
	v42 =	vadd.f32 v14, v6;
	v14 =	vadd.s32 $0xFFFFFF81, v46  }
0x78: {  	v26 =	vmul.f32 v15, v19;
	v14 =	vcvt.s32.f32 v14;
	v3 =	vadd.f32 $6.065838340e+00, v3  }
0x79: {  	v25 =	vld [tilespmem:$0x30];
	v5 =	vadd.f32 v56, v5;
	v7 =	vmul.f32 v11, v7;
	v11 =	vcvt.s32.f32 v36  }
0x7a: {  	v9 =	vld.idx.msk [tilespmem:v54+s16+$0x0], $0xffff;
	v1 =	vadd.f32 v2, v1;
	v55 =	vand.u32 $0x7FFFFF, v47;
	v57 =	vpop (erf);
	v3 =	vmul.f32 v12, v3  }
0x7b: {  	v7 =	vadd.f32 $-3.028319360e+00, v7;
	v18 =	vmax.f32 v57, $9.999999930e-09;
	v12 =	vadd.s32 $0xFFFFFF81, v58  }
0x7c: {  	v12 =	vcvt.s32.f32 v12;
	v18 =	vmin.f32 v18, $1.000000000e+00;
	v3 =	vadd.f32 $-3.028319360e+00, v3  }
0x7d: {  	v60 =	vld [tilespmem:$0x300];
	v1 =	vadd.f32 v42, v1;
	v7 =	vadd.f32 v11, v7;
	v62 =	vmul.f32 $1.638400000e+04, v18  }
0x7e: {  	v63 =	vld [tilespmem:$0x3C0];
	v19 =	vor.u32 $0x3F800000, v55;
	v3 =	vadd.f32 v12, v3;
	v12 =	vadd.f32 $-1.234270220e+00, v26  }
0x7f: {  	v38 =	vld [tilespmem:$0x310];
	v43 =	vmul.f32 $6.931471820e-01, v7;
	v57 =	vmul.f32 $2.482583000e-02, v19;
	vm10 =	vge.f32 v62, v9  }
0x80: {  	v29 =	vpop (erf);
	v27 =	vsel vm10, $0x3F800000, v0;
	v3 =	vmul.f32 $6.931471820e-01, v3;
	v12 =	vmul.f32 v15, v12  }
0x81: {  	v32 =	vmax.f32 v29, $9.999999930e-09;
	v58 =	vsub.f32 $2.668607530e-01, v57;
	v9 =	vld.idx.msk [tilespmem:v25+s16+$0x0], $0xffff;
	v28 =	vmul.f32 v27, v2  }
0x82: {  	v3 =	vadd.f32 v3, v60;
	v34 =	vadd.f32 $3.218846080e+00, v12;
	v12 =	vor.u32 $0x3F800000, v37  }
0x83: {  	v40 =	vld [tilespmem:$0x3D0];
	v4 =	vadd.f32 v28, v5;
	v5 =	vmin.f32 v32, $1.000000000e+00;
	v39 =	vmul.f32 $2.482583000e-02, v12  }
0x84: {  	v6 =	vadd.f32 v43, v38;
	v5 =	vmul.f32 $1.638400000e+04, v5;
	v31 =	vsub.f32 v63, v3  }
0x85: {  	v61 =	vmul.f32 v19, v58;
	v10 =	vmul.f32 v15, v34;
	v41 =	vsub.f32 $2.668607530e-01, v39  }
0x86: {  	v24 =	vmul.f32 $1.000000000e+03, v6;
	vm11 =	vge.f32 v5, v9;
	v33 =	vmul.f32 $1.442695020e+00, v31  }
0x87: {  	v29 =	vld [tilespmem:$0x450];
	v10 =	vadd.f32 $-5.264124870e+00, v10;
	v44 =	vsel vm11, $0x3F800000, v0;
	v13 =	vmul.f32 v12, v41  }
0x88: {  	v48 =	vsub.f32 v40, v6;
	v2 =	vmul.f32 v44, v42;
	(erf) = vpow2.f32 v33  }
0x89: {  	v26 =	vshrl.u32 v22, $0x17;
	v6 =	vsub.f32 v6, v40;
	v10 =	vmul.f32 v15, v10  }
0x8a: {  	v45 =	vld [tilespmem:$0x40];
	v13 =	vadd.f32 $-1.234270220e+00, v13;
	v2 =	vadd.f32 v2, v4;
	v4 =	vmul.f32 $1.442695020e+00, v48  }
0x8b: {  	v8 =	vadd.f32 v27, v8;
	v6 =	vmul.f32 $6.496496200e-01, v6;
	v10 =	vadd.f32 $6.065838340e+00, v10  }
0x8c: {  	v49 =	vld [tilespmem:$0x380];
	v11 =	vshrl.u32 v29, $0x17;
	v13 =	vmul.f32 v12, v13;
	(erf) = vpow2.f32 v4  }
0x8d: {  	v53 =	vmul.f32 $1.000000000e+03, v3;
	v3 =	vsub.f32 v3, v63;
	v10 =	vmul.f32 v15, v10  }
0x8e: {  	v52 =	vld [tilespmem:$0x320];
	v36 =	vand.u32 $0x7FFFFF, v29;
	v11 =	vadd.s32 $0xFFFFFF81, v11;
	v13 =	vadd.f32 $3.218846080e+00, v13  }
0x8f: {  	v40 =	vld [tilespmem:$0x460];
	v11 =	vcvt.s32.f32 v11;
	v3 =	vmul.f32 $6.496496200e-01, v3;
	v10 =	vadd.f32 $-3.028319360e+00, v10  }
0x90: {  	v54 =	vld [tilespmem:$0x3E0];
	v7 =	vadd.f32 v44, v8;
	v15 =	vshrl.u32 v47, $0x17;
	v13 =	vmul.f32 v12, v13  }
0x91: {  	v56 =	vld [tilespmem:$0x50];
	v15 =	vadd.s32 $0xFFFFFF81, v15;
	v10 =	vadd.f32 v14, v10;
	v14 =	vsub.f32 v53, v49;
	v50 =	vpop (erf)  }
0x92: {  	v9 =	vld.idx.msk [tilespmem:v45+s16+$0x0], $0xffff;
	v15 =	vcvt.s32.f32 v15;
	v13 =	vadd.f32 $-5.264124870e+00, v13;
	v51 =	vmax.f32 v50, $9.999999930e-09  }
0x93: {  	v60 =	vld [tilespmem:$0x390];
	v10 =	vmul.f32 $6.931471820e-01, v10;
	v14 =	vmul.f32 $3.503503390e-04, v14;
	v8 =	vmin.f32 v51, $1.000000000e+00  }
0x94: {  	v43 =	vand.u32 $0x7FFFFF, v40;
	v13 =	vmul.f32 v12, v13;
	v8 =	vmul.f32 $1.638400000e+04, v8  }
0x95: {  	v10 =	vadd.f32 v10, v52;
	v3 =	vadd.f32 v14, v3;
	v25 =	vpop (erf);
	v14 =	vor.u32 $0x3F800000, v36  }
0x96: {  	v13 =	vadd.f32 $6.065838340e+00, v13;
	v27 =	vmax.f32 v25, $9.999999930e-09;
	v39 =	vmul.f32 $2.482583000e-02, v14  }
0x97: {  	v59 =	vsub.f32 v54, v10;
	vm12 =	vge.f32 v8, v9;
	v9 =	vadd.f32 $-1.234270220e+00, v61  }
0x98: {  	v8 =	vsub.f32 v24, v60;
	v1 =	vadd.f32 v3, v1;
	v41 =	vmul.f32 $1.000000000e+03, v10  }
0x99: {  	v55 =	vld [tilespmem:$0x470];
	v4 =	vsub.f32 v10, v54;
	v62 =	vsel vm12, $0x3F800000, v0;
	v12 =	vmul.f32 v12, v13  }
0x9a: {  	v13 =	vmin.f32 v27, $1.000000000e+00;
	v5 =	vmul.f32 $1.442695020e+00, v59;
	v63 =	vmul.f32 v62, v3  }
0x9b: {  	v16 =	vld.idx.msk [tilespmem:v56+s16+$0x0], $0xffff;
	v20 =	vsub.f32 $2.668607530e-01, v39;
	v9 =	vmul.f32 v19, v9;
	v13 =	vmul.f32 $1.638400000e+04, v13  }
0x9c: {  	v35 =	vld [tilespmem:$0x3A0];
	v8 =	vmul.f32 $3.503503390e-04, v8;
	(erf) = vpow2.f32 v5;
	v5 =	vadd.s32 $0xFFFFFF81, v26  }
0x9d: {  	v28 =	vld [tilespmem:$0x330];
	v12 =	vadd.f32 $-3.028319360e+00, v12;
	v9 =	vadd.f32 $3.218846080e+00, v9;
	v5 =	vcvt.s32.f32 v5  }
0x9e: {  	v32 =	vld [tilespmem:$0x60];
	v7 =	vadd.f32 v62, v7;
	v4 =	vmul.f32 $6.496496200e-01, v4;
	v59 =	vand.u32 $0x7FFFFF, v55  }
0x9f: {  	v42 =	vmul.f32 v14, v20;
	v9 =	vmul.f32 v19, v9;
	v5 =	vadd.f32 v5, v12  }
0xa0: {  	v30 =	vld [tilespmem:$0x3F0];
	v60 =	vor.u32 $0x3F800000, v59;
	v2 =	vadd.f32 v63, v2;
	vm13 =	vge.f32 v13, v16  }
0xa1: {  	v31 =	vadd.f32 v8, v6;
	v33 =	vadd.f32 $-5.264124870e+00, v9;
	v3 =	vmul.f32 $6.931471820e-01, v5  }
0xa2: {  	v13 =	vsub.f32 v41, v35;
	v61 =	vmul.f32 $2.482583000e-02, v60;
	v34 =	vsel vm13, $0x3F800000, v0  }
0xa3: {  	v37 =	vmul.f32 v34, v31;
	v8 =	vmul.f32 v19, v33;
	v3 =	vadd.f32 v3, v28  }
0xa4: {  	v13 =	vmul.f32 $3.503503390e-04, v13;
	v7 =	vadd.f32 v34, v7;
	v1 =	vadd.f32 v31, v1  }
0xa5: {  	v31 =	vshrl.u32 v40, $0x17;
	v8 =	vadd.f32 $6.065838340e+00, v8;
	v18 =	vsub.f32 v30, v3  }
0xa6: {  	v6 =	vld.idx.msk [tilespmem:v32+s16+$0x0], $0xffff;
	v32 =	vadd.s32 $0xFFFFFF81, v31;
	v2 =	vadd.f32 v37, v2;
	v4 =	vadd.f32 v13, v4  }
0xa7: {  	v34 =	vld [tilespmem:$0x540];
	v8 =	vmul.f32 v19, v8;
	v19 =	vor.u32 $0x3F800000, v43;
	v18 =	vmul.f32 $1.442695020e+00, v18  }
0xa8: {  	v1 =	vadd.f32 v4, v1;
	v57 =	vmul.f32 $1.000000000e+03, v3;
	v45 =	vmul.f32 $2.482583000e-02, v19  }
0xa9: {  	v51 =	vld [tilespmem:$0x3B0];
	v38 =	vpop (erf);
	v8 =	vadd.f32 $-3.028319360e+00, v8;
	(erf) = vpow2.f32 v18;
	v18 =	vadd.f32 $-1.234270220e+00, v42  }
0xaa: {  	v44 =	vld [tilespmem:$0x400];
	v3 =	vsub.f32 v3, v30;
	v17 =	vmax.f32 v38, $9.999999930e-09;
	v47 =	vsub.f32 $2.668607530e-01, v45  }
0xab: {  	v48 =	vld [tilespmem:$0x70];
	v17 =	vmin.f32 v17, $1.000000000e+00;
	v8 =	vadd.f32 v15, v8;
	v18 =	vmul.f32 v14, v18  }
0xac: {  	v46 =	vld [tilespmem:$0x4C0];
	v40 =	vand.u32 $0x7FFFFF, v34;
	v17 =	vmul.f32 $1.638400000e+04, v17;
	v9 =	vmul.f32 v19, v47  }
0xad: {  	v3 =	vmul.f32 $6.496496200e-01, v3;
	v8 =	vmul.f32 $6.931471820e-01, v8;
	v49 =	vadd.f32 $3.218846080e+00, v18  }
0xae: {  	vm14 =	vge.f32 v17, v6;
	v17 =	vsub.f32 v57, v51;
	v9 =	vadd.f32 $-1.234270220e+00, v9  }
0xaf: {  	v50 =	vsel vm14, $0x3F800000, v0;
	v8 =	vadd.f32 v8, v44;
	v53 =	vmul.f32 v14, v49  }
0xb0: {  	v23 =	vshrl.u32 v34, $0x17;
	v52 =	vmul.f32 v50, v4;
	v9 =	vmul.f32 v19, v9  }
0xb1: {  	v58 =	vmul.f32 $3.503503390e-04, v17;
	v54 =	vsub.f32 v46, v8;
	v10 =	vadd.f32 $-5.264124870e+00, v53  }
0xb2: {  	v7 =	vadd.f32 v50, v7;
	v18 =	vshrl.u32 v55, $0x17;
	v9 =	vadd.f32 $3.218846080e+00, v9  }
0xb3: {  	v6 =	vld.idx.msk [tilespmem:v48+s16+$0x0], $0xffff;
	v3 =	vadd.f32 v58, v3;
	v56 =	vpop (erf);
	v13 =	vmul.f32 $1.442695020e+00, v54;
	v10 =	vmul.f32 v14, v10  }
0xb4: {  	v29 =	vld [tilespmem:$0x480];
	v33 =	vmul.f32 $1.000000000e+03, v8;
	v5 =	vmax.f32 v56, $9.999999930e-09;
	v9 =	vmul.f32 v19, v9  }
0xb5: {  	v62 =	vld [tilespmem:$0x80];
	v5 =	vmin.f32 v5, $1.000000000e+00;
	(erf) = vpow2.f32 v13;
	v10 =	vadd.f32 $6.065838340e+00, v10  }
0xb6: {  	v8 =	vsub.f32 v8, v46;
	v46 =	vld [tilespmem:$0x550];
	v5 =	vmul.f32 $1.638400000e+04, v5;
	v9 =	vadd.f32 $-5.264124870e+00, v9  }
0xb7: {  	v2 =	vadd.f32 v52, v2;
	v1 =	vadd.f32 v3, v1;
	v10 =	vmul.f32 v14, v10  }
0xb8: {  	v14 =	vsub.f32 $2.668607530e-01, v61;
	vm15 =	vge.f32 v5, v6;
	v24 =	vmul.f32 v19, v9  }
0xb9: {  	v8 =	vmul.f32 $6.496496200e-01, v8;
	v27 =	vsel vm15, $0x3F800000, v0;
	v10 =	vadd.f32 $-3.028319360e+00, v10  }
0xba: {  	v63 =	vld [tilespmem:$0x410];
	v26 =	vmul.f32 v60, v14;
	v6 =	vadd.f32 $6.065838340e+00, v24;
	v14 =	vsub.f32 v33, v29  }
0xbb: {  	v53 =	vand.u32 $0x7FFFFF, v46;
	v13 =	vmul.f32 v27, v3;
	v25 =	vadd.f32 v11, v10  }
0xbc: {  	v28 =	vld [tilespmem:$0x4D0];
	v10 =	vadd.f32 $-1.234270220e+00, v26;
	v6 =	vmul.f32 v19, v6;
	v14 =	vmul.f32 $3.503503390e-04, v14  }
0xbd: {  	v4 =	vadd.f32 v27, v7;
	v2 =	vadd.f32 v13, v2;
	v9 =	vmul.f32 $6.931471820e-01, v25  }
0xbe: {  	v17 =	vld.idx.msk [tilespmem:v62+s16+$0x0], $0xffff;
	v30 =	vpop (erf);
	v10 =	vmul.f32 v60, v10;
	v6 =	vadd.f32 $-3.028319360e+00, v6;
	v8 =	vadd.f32 v14, v8  }
0xbf: {  	v15 =	vmax.f32 v30, $9.999999930e-09;
	v5 =	vadd.f32 v9, v63;
	v9 =	vcvt.s32.f32 v32  }
0xc0: {  	v15 =	vmin.f32 v15, $1.000000000e+00;
	v10 =	vadd.f32 $3.218846080e+00, v10;
	v1 =	vadd.f32 v8, v1  }
0xc1: {  	v44 =	vld [tilespmem:$0x490];
	v15 =	vmul.f32 $1.638400000e+04, v15;
	v35 =	vsub.f32 v28, v5;
	v6 =	vadd.f32 v9, v6  }
0xc2: {  	v63 =	vld [tilespmem:$0x560];
	v10 =	vmul.f32 v60, v10;
	v48 =	vmul.f32 $1.000000000e+03, v5;
	v5 =	vsub.f32 v5, v28  }
0xc3: {  	v36 =	vld [tilespmem:$0x420];
	vm4 =	vge.f32 v15, v17;
	v17 =	vor.u32 $0x3F800000, v53;
	v37 =	vmul.f32 $1.442695020e+00, v35  }
0xc4: {  	v38 =	vld [tilespmem:$0x4E0];
	v6 =	vmul.f32 $6.931471820e-01, v6;
	v39 =	vadd.f32 $-5.264124870e+00, v10;
	v10 =	vor.u32 $0x3F800000, v40  }
0xc5: {  	v33 =	vld [tilespmem:$0x570];
	v15 =	vsel vm4, $0x3F800000, v0;
	v55 =	vmul.f32 $2.482583000e-02, v17;
	v5 =	vmul.f32 $6.496496200e-01, v5  }
0xc6: {  	v51 =	vsub.f32 v48, v44;
	v42 =	vmul.f32 $2.482583000e-02, v10;
	v3 =	vmul.f32 v15, v8  }
0xc7: {  	v4 =	vadd.f32 v15, v4;
	v24 =	vand.u32 $0x7FFFFF, v63;
	v53 =	vshrl.u32 v63, $0x17  }
0xc8: {  	(erf) = vpow2.f32 v37;
	v6 =	vadd.f32 v6, v36;
	v9 =	vmul.f32 v60, v39  }
0xc9: {  	v41 =	vld [tilespmem:$0x90];
	v57 =	vsub.f32 $2.668607530e-01, v55;
	v13 =	vor.u32 $0x3F800000, v24;
	v16 =	vsub.f32 $2.668607530e-01, v42  }
0xca: {  	v39 =	vand.u32 $0x7FFFFF, v33;
	v43 =	vsub.f32 v38, v6;
	v9 =	vadd.f32 $6.065838340e+00, v9  }
0xcb: {  	v55 =	vadd.s32 $0xFFFFFF81, v53;
	v2 =	vadd.f32 v3, v2;
	v45 =	vmul.f32 v10, v16  }
0xcc: {  	v3 =	vadd.s32 $0xFFFFFF81, v18;
	v14 =	vmul.f32 $1.442695020e+00, v43;
	v9 =	vmul.f32 v60, v9  }
0xcd: {  	v27 =	vmul.f32 $2.482583000e-02, v13;
	v40 =	vor.u32 $0x3F800000, v39;
	v12 =	vadd.f32 $-1.234270220e+00, v45  }
0xce: {  	v3 =	vcvt.s32.f32 v3;
	(erf) = vpow2.f32 v14;
	v9 =	vadd.f32 $-3.028319360e+00, v9  }
0xcf: {  	v49 =	vld [tilespmem:$0x430];
	v61 =	vmul.f32 $1.000000000e+03, v6;
	v6 =	vsub.f32 v6, v38;
	v50 =	vmul.f32 v10, v12  }
0xd0: {  	v52 =	vld [tilespmem:$0x4F0];
	v42 =	vmul.f32 $2.482583000e-02, v40;
	v16 =	vshrl.u32 v46, $0x17;
	v3 =	vadd.f32 v3, v9  }
0xd1: {  	v7 =	vld.idx.msk [tilespmem:v41+s16+$0x0], $0xffff;
	v6 =	vmul.f32 $6.496496200e-01, v6;
	v12 =	vmul.f32 $3.503503390e-04, v51;
	v47 =	vpop (erf);
	v9 =	vadd.f32 $3.218846080e+00, v50  }
0xd2: {  	v56 =	vld [tilespmem:$0x4A0];
	v16 =	vadd.s32 $0xFFFFFF81, v16;
	v8 =	vmax.f32 v47, $9.999999930e-09;
	v3 =	vmul.f32 $6.931471820e-01, v3  }
0xd3: {  	v54 =	vld [tilespmem:$0xA0];
	v5 =	vadd.f32 v12, v5;
	v8 =	vmin.f32 v8, $1.000000000e+00;
	v9 =	vmul.f32 v10, v9  }
0xd4: {  	v43 =	vsub.f32 $2.668607530e-01, v42;
	v8 =	vmul.f32 $1.638400000e+04, v8;
	v3 =	vadd.f32 v3, v49  }
0xd5: {  	v16 =	vcvt.s32.f32 v16;
	v1 =	vadd.f32 v5, v1;
	v9 =	vadd.f32 $-5.264124870e+00, v9  }
0xd6: {  	v49 =	vld [tilespmem:$0x640];
	vm5 =	vge.f32 v8, v7;
	v59 =	vsub.f32 v52, v3;
	v8 =	vmul.f32 v17, v57  }
0xd7: {  	v7 =	vsub.f32 v61, v56;
	v32 =	vmul.f32 $1.000000000e+03, v3;
	v3 =	vsub.f32 v3, v52;
	v60 =	vpop (erf)  }
0xd8: {  	v25 =	vld [tilespmem:$0x4B0];
	v58 =	vsel vm5, $0x3F800000, v0;
	v9 =	vmul.f32 v10, v9;
	v12 =	vmax.f32 v60, $9.999999930e-09  }
0xd9: {  	v18 =	vmul.f32 $1.442695020e+00, v59;
	v62 =	vmul.f32 v58, v5;
	v8 =	vadd.f32 $-1.234270220e+00, v8  }
0xda: {  	v7 =	vmul.f32 $3.503503390e-04, v7;
	v4 =	vadd.f32 v58, v4;
	v3 =	vmul.f32 $6.496496200e-01, v3  }
0xdb: {  	v11 =	vld.idx.msk [tilespmem:v54+s16+$0x0], $0xffff;
	v12 =	vmin.f32 v12, $1.000000000e+00;
	v9 =	vadd.f32 $6.065838340e+00, v9;
	v58 =	vand.u32 $0x7FFFFF, v49  }
0xdc: {  	(erf) = vpow2.f32 v18;
	v12 =	vmul.f32 $1.638400000e+04, v12;
	v2 =	vadd.f32 v62, v2  }
0xdd: {  	v8 =	vmul.f32 v17, v8;
	v6 =	vadd.f32 v7, v6;
	v18 =	vsub.f32 v32, v25  }
0xde: {  	v60 =	vor.u32 $0x3F800000, v58;
	v9 =	vmul.f32 v10, v9;
	v10 =	vadd.s32 $0xFFFFFF81, v23  }
0xdf: {  	v62 =	vmul.f32 $2.482583000e-02, v60;
	v8 =	vadd.f32 $3.218846080e+00, v8;
	v10 =	vcvt.s32.f32 v10  }
0xe0: {  	vm6 =	vge.f32 v12, v11;
	v11 =	vsub.f32 $2.668607530e-01, v27;
	v35 =	vmul.f32 $3.503503390e-04, v18  }
0xe1: {  	v1 =	vadd.f32 v6, v1;
	v12 =	vsel vm6, $0x3F800000, v0;
	v8 =	vmul.f32 v17, v8  }
0xe2: {  	v26 =	vld [tilespmem:$0x500];
	v9 =	vadd.f32 $-3.028319360e+00, v9;
	v29 =	vmul.f32 v12, v6;
	v11 =	vmul.f32 v13, v11  }
0xe3: {  	v28 =	vld [tilespmem:$0xB0];
	v4 =	vadd.f32 v12, v4;
	v3 =	vadd.f32 v35, v3;
	v12 =	vmul.f32 v40, v43  }
0xe4: {  	v18 =	vshrl.u32 v49, $0x17;
	v9 =	vadd.f32 v10, v9;
	v11 =	vadd.f32 $-1.234270220e+00, v11  }
0xe5: {  	v30 =	vld [tilespmem:$0x5C0];
	v6 =	vcvt.s32.f32 v55;
	v8 =	vadd.f32 $-5.264124870e+00, v8;
	v12 =	vadd.f32 $-1.234270220e+00, v12  }
0xe6: {  	v2 =	vadd.f32 v29, v2;
	v9 =	vmul.f32 $6.931471820e-01, v9;
	v11 =	vmul.f32 v13, v11  }
0xe7: {  	v1 =	vadd.f32 v3, v1;
	v8 =	vmul.f32 v17, v8;
	v12 =	vmul.f32 v40, v12  }
0xe8: {  	v31 =	vpop (erf);
	v7 =	vadd.f32 v9, v26;
	v9 =	vshrl.u32 v33, $0x17;
	v11 =	vadd.f32 $3.218846080e+00, v11  }
0xe9: {  	v5 =	vmax.f32 v31, $9.999999930e-09;
	v8 =	vadd.f32 $6.065838340e+00, v8;
	v12 =	vadd.f32 $3.218846080e+00, v12  }
0xea: {  	v29 =	vld [tilespmem:$0x650];
	v9 =	vadd.s32 $0xFFFFFF81, v9;
	v34 =	vsub.f32 v30, v7;
	v11 =	vmul.f32 v13, v11  }
0xeb: {  	v36 =	vld.idx.msk [tilespmem:v28+s16+$0x0], $0xffff;
	v5 =	vmin.f32 v5, $1.000000000e+00;
	v56 =	vmul.f32 $1.000000000e+03, v7;
	v8 =	vmul.f32 v17, v8  }
0xec: {  	v9 =	vcvt.s32.f32 v9;
	v37 =	vmul.f32 $1.442695020e+00, v34;
	v11 =	vadd.f32 $-5.264124870e+00, v11  }
0xed: {  	v38 =	vld [tilespmem:$0x510];
	v5 =	vmul.f32 $1.638400000e+04, v5;
	v59 =	vmul.f32 v40, v12;
	v8 =	vadd.f32 $-3.028319360e+00, v8  }
0xee: {  	v51 =	vld [tilespmem:$0x580];
	v7 =	vsub.f32 v7, v30;
	(erf) = vpow2.f32 v37;
	v11 =	vmul.f32 v13, v11  }
0xef: {  	v41 =	vld [tilespmem:$0x5D0];
	v17 =	vsub.f32 $2.668607530e-01, v62;
	v62 =	vshrl.u32 v29, $0x17;
	v8 =	vadd.f32 v16, v8  }
0xf0: {  	v46 =	vld [tilespmem:$0xC0];
	v7 =	vmul.f32 $6.496496200e-01, v7;
	vm7 =	vge.f32 v5, v36;
	v11 =	vadd.f32 $6.065838340e+00, v11  }
0xf1: {  	v34 =	vand.u32 $0x7FFFFF, v29;
	v45 =	vsel vm7, $0x3F800000, v0;
	v8 =	vmul.f32 $6.931471820e-01, v8  }
0xf2: {  	v23 =	vmul.f32 v60, v17;
	v4 =	vadd.f32 v45, v4;
	v11 =	vmul.f32 v13, v11  }
0xf3: {  	v47 =	vmul.f32 v45, v3;
	v44 =	vadd.f32 v8, v38;
	v8 =	vsub.f32 v56, v51  }
0xf4: {  	v45 =	vadd.s32 $0xFFFFFF81, v18;
	v16 =	vadd.s32 $0xFFFFFF81, v62;
	v11 =	vadd.f32 $-3.028319360e+00, v11  }
0xf5: {  	v57 =	vld [tilespmem:$0x520];
	v2 =	vadd.f32 v47, v2;
	v48 =	vsub.f32 v41, v44;
	v8 =	vmul.f32 $3.503503390e-04, v8  }
0xf6: {  	v30 =	vmul.f32 $1.000000000e+03, v44;
	v5 =	vsub.f32 v44, v41;
	v44 =	vld [tilespmem:$0x660];
	v6 =	vadd.f32 v6, v11  }
0xf7: {  	v50 =	vmul.f32 $1.442695020e+00, v48;
	v52 =	vpop (erf);
	v11 =	vadd.f32 $-5.264124870e+00, v59;
	v7 =	vadd.f32 v8, v7  }
0xf8: {  	v14 =	vld.idx.msk [tilespmem:v46+s16+$0x0], $0xffff;
	v8 =	vadd.f32 $-1.234270220e+00, v23;
	v5 =	vmul.f32 $6.496496200e-01, v5;
	v54 =	vmax.f32 v52, $9.999999930e-09  }
0xf9: {  	v25 =	vld [tilespmem:$0x590];
	(erf) = vpow2.f32 v50;
	v13 =	vmin.f32 v54, $1.000000000e+00;
	v6 =	vmul.f32 $6.931471820e-01, v6  }
0xfa: {  	v22 =	vmul.f32 v40, v11;
	v8 =	vmul.f32 v60, v8;
	v1 =	vadd.f32 v7, v1  }
0xfb: {  	v61 =	vld [tilespmem:$0x5E0];
	v13 =	vmul.f32 $1.638400000e+04, v13;
	v51 =	vand.u32 $0x7FFFFF, v44;
	v3 =	vadd.f32 v6, v57  }
0xfc: {  	v63 =	vld [tilespmem:$0xD0];
	v12 =	vshrl.u32 v44, $0x17;
	v6 =	vadd.f32 $6.065838340e+00, v22;
	v8 =	vadd.f32 $3.218846080e+00, v8  }
0xfd: {  	v19 =	vor.u32 $0x3F800000, v51;
	v22 =	vcvt.s32.f32 v16;
	v12 =	vadd.s32 $0xFFFFFF81, v12  }
0xfe: {  	v52 =	vld [tilespmem:$0xF0];
	vm8 =	vge.f32 v13, v14;
	v13 =	vsub.f32 v30, v25;
	v53 =	vmul.f32 $2.482583000e-02, v19  }
0xff: {  	v12 =	vcvt.s32.f32 v12;
	v24 =	vsel vm8, $0x3F800000, v0;
	v6 =	vmul.f32 v40, v6  }
0x100: {  	v27 =	vsub.f32 v61, v3;
	v8 =	vmul.f32 v60, v8;
	v43 =	vmul.f32 $1.000000000e+03, v3  }
0x101: {  	v37 =	vld [tilespmem:$0x5A0];
	v3 =	vsub.f32 v3, v61;
	v28 =	vmul.f32 v24, v7;
	v32 =	vmul.f32 $3.503503390e-04, v13  }
0x102: {  	v61 =	vld [tilespmem:$0x670];
	v13 =	vor.u32 $0x3F800000, v34;
	v4 =	vadd.f32 v24, v4;
	v17 =	vmul.f32 $1.442695020e+00, v27  }
0x103: {  	v6 =	vadd.f32 $-3.028319360e+00, v6;
	v8 =	vadd.f32 $-5.264124870e+00, v8;
	v36 =	vmul.f32 $2.482583000e-02, v13  }
0x104: {  	v20 =	vld.idx.msk [tilespmem:v63+s16+$0x0], $0xffff;
	v3 =	vmul.f32 $6.496496200e-01, v3;
	v2 =	vadd.f32 v28, v2;
	v5 =	vadd.f32 v32, v5  }
0x105: {  	v31 =	vld [tilespmem:$0x530];
	(erf) = vpow2.f32 v17;
	v6 =	vadd.f32 v9, v6;
	v38 =	vsub.f32 $2.668607530e-01, v36  }
0x106: {  	v7 =	vld.idx.msk [tilespmem:v52+s16+$0x0], $0xffff;
	v8 =	vmul.f32 v60, v8;
	v9 =	vsub.f32 v43, v37;
	v26 =	vpop (erf);
	v1 =	vadd.f32 v5, v1  }
0x107: {  	v32 =	vld [tilespmem:$0x740];
	v25 =	vand.u32 $0x7FFFFF, v61;
	v52 =	vshrl.u32 v61, $0x17;
	v14 =	vmax.f32 v26, $9.999999930e-09  }
0x108: {  	v33 =	vld [tilespmem:$0x5F0];
	v6 =	vmul.f32 $6.931471820e-01, v6;
	v8 =	vadd.f32 $6.065838340e+00, v8;
	v11 =	vmul.f32 v13, v38  }
0x109: {  	v9 =	vmul.f32 $3.503503390e-04, v9;
	v27 =	vor.u32 $0x3F800000, v25;
	v14 =	vmin.f32 v14, $1.000000000e+00  }
0x10a: {  	v35 =	vld [tilespmem:$0xE0];
	v16 =	vmul.f32 $2.482583000e-02, v27;
	v14 =	vmul.f32 $1.638400000e+04, v14;
	v6 =	vadd.f32 v6, v31  }
0x10b: {  	v8 =	vmul.f32 v60, v8;
	v11 =	vadd.f32 $-1.234270220e+00, v11;
	v3 =	vadd.f32 v9, v3  }
0x10c: {  	v9 =	vsub.f32 $2.668607530e-01, v53;
	v37 =	vand.u32 $0x7FFFFF, v32;
	v31 =	vsub.f32 $2.668607530e-01, v16  }
0x10d: {  	v38 =	vor.u32 $0x3F800000, v37;
	vm9 =	vge.f32 v14, v20;
	v40 =	vsub.f32 v33, v6  }
0x10e: {  	v8 =	vadd.f32 $-3.028319360e+00, v8;
	v11 =	vmul.f32 v13, v11;
	v59 =	vmul.f32 $1.000000000e+03, v6  }
0x10f: {  	v9 =	vmul.f32 v19, v9;
	v6 =	vsub.f32 v6, v33;
	v39 =	vsel vm9, $0x3F800000, v0  }
0x110: {  	v54 =	vld [tilespmem:$0x5B0];
	v1 =	vadd.f32 v3, v1;
	v41 =	vmul.f32 v39, v5;
	v14 =	vmul.f32 $1.442695020e+00, v40  }
0x111: {  	v11 =	vadd.f32 $3.218846080e+00, v11;
	v4 =	vadd.f32 v39, v4;
	v6 =	vmul.f32 $6.496496200e-01, v6  }
0x112: {  	v46 =	vld.idx.msk [tilespmem:v35+s16+$0x0], $0xffff;
	v9 =	vadd.f32 $-1.234270220e+00, v9;
	v42 =	vpop (erf);
	(erf) = vpow2.f32 v14;
	v14 =	vcvt.s32.f32 v45  }
0x113: {  	v48 =	vld [tilespmem:$0x600];
	v39 =	vmul.f32 $2.482583000e-02, v38;
	v20 =	vmax.f32 v42, $9.999999930e-09;
	v11 =	vmul.f32 v13, v11  }
0x114: {  	v9 =	vmul.f32 v19, v9;
	v47 =	vmin.f32 v20, $1.000000000e+00;
	v8 =	vadd.f32 v14, v8  }
0x115: {  	v49 =	vmul.f32 $1.638400000e+04, v47;
	v11 =	vadd.f32 $-5.264124870e+00, v11;
	v14 =	vsub.f32 v59, v54  }
0x116: {  	v50 =	vld [tilespmem:$0x6C0];
	v2 =	vadd.f32 v41, v2;
	v9 =	vadd.f32 $3.218846080e+00, v9;
	v8 =	vmul.f32 $6.931471820e-01, v8  }
0x117: {  	vm10 =	vge.f32 v49, v46;
	v11 =	vmul.f32 v13, v11;
	v63 =	vmul.f32 $3.503503390e-04, v14  }
0x118: {  	v9 =	vmul.f32 v19, v9;
	v55 =	vsel vm10, $0x3F800000, v0;
	v8 =	vadd.f32 v8, v48  }
0x119: {  	v14 =	vmul.f32 v27, v31;
	v46 =	vld [tilespmem:$0x750];
	v11 =	vadd.f32 $6.065838340e+00, v11;
	v4 =	vadd.f32 v55, v4  }
0x11a: {  	v56 =	vmul.f32 v55, v3;
	v6 =	vadd.f32 v63, v6;
	v9 =	vadd.f32 $-5.264124870e+00, v9  }
0x11b: {  	v14 =	vadd.f32 $-1.234270220e+00, v14;
	v58 =	vsub.f32 v50, v8;
	v11 =	vmul.f32 v13, v11  }
0x11c: {  	v24 =	vld [tilespmem:$0x610];
	v2 =	vadd.f32 v56, v2;
	v34 =	vmul.f32 $1.000000000e+03, v8;
	v9 =	vmul.f32 v19, v9  }
0x11d: {  	v26 =	vld [tilespmem:$0x680];
	v14 =	vmul.f32 v27, v14;
	v8 =	vsub.f32 v8, v50;
	v1 =	vadd.f32 v6, v1  }
0x11e: {  	v57 =	vpop (erf);
	v54 =	vand.u32 $0x7FFFFF, v46;
	v60 =	vmul.f32 $1.442695020e+00, v58;
	v21 =	vadd.f32 $-3.028319360e+00, v11  }
0x11f: {  	v18 =	vmax.f32 v57, $9.999999930e-09;
	v9 =	vadd.f32 $6.065838340e+00, v9;
	v14 =	vadd.f32 $3.218846080e+00, v14  }
0x120: {  	v18 =	vmin.f32 v18, $1.000000000e+00;
	(erf) = vpow2.f32 v60;
	v10 =	vadd.f32 v22, v21  }
0x121: {  	v29 =	vld [tilespmem:$0x100];
	v20 =	vor.u32 $0x3F800000, v54;
	v23 =	vmul.f32 $1.638400000e+04, v18;
	v9 =	vmul.f32 v19, v9  }
0x122: {  	v28 =	vld [tilespmem:$0x6D0];
	v35 =	vsub.f32 v34, v26;
	v56 =	vmul.f32 $2.482583000e-02, v20;
	v10 =	vmul.f32 $6.931471820e-01, v10  }
0x123: {  	v53 =	vld [tilespmem:$0x690];
	v41 =	vmul.f32 v27, v14;
	vm11 =	vge.f32 v23, v7;
	v9 =	vadd.f32 $-3.028319360e+00, v9  }
0x124: {  	v40 =	vld [tilespmem:$0x620];
	v58 =	vsub.f32 $2.668607530e-01, v56;
	v30 =	vsel vm11, $0x3F800000, v0;
	v10 =	vadd.f32 v10, v24  }
0x125: {  	v33 =	vmul.f32 v30, v6;
	v9 =	vadd.f32 v12, v9;
	v4 =	vadd.f32 v30, v4;
	v30 =	vld [tilespmem:$0x760]  }
0x126: {  	v8 =	vmul.f32 $6.496496200e-01, v8;
	v15 =	vmul.f32 $3.503503390e-04, v35;
	v12 =	vadd.f32 $-5.264124870e+00, v41  }
0x127: {  	v42 =	vld [tilespmem:$0x6E0];
	v61 =	vmul.f32 v20, v58;
	v36 =	vsub.f32 v28, v10;
	v9 =	vmul.f32 $6.931471820e-01, v9  }
0x128: {  	v2 =	vadd.f32 v33, v2;
	v12 =	vmul.f32 v27, v12;
	v5 =	vsub.f32 v10, v28  }
0x129: {  	v23 =	vmul.f32 $1.000000000e+03, v10;
	v18 =	vmul.f32 $1.442695020e+00, v36;
	v9 =	vadd.f32 v9, v40  }
0x12a: {  	v12 =	vadd.f32 $6.065838340e+00, v12;
	v5 =	vmul.f32 $6.496496200e-01, v5;
	v3 =	vpop (erf);
	v34 =	vand.u32 $0x7FFFFF, v30  }
0x12b: {  	v26 =	vld [tilespmem:$0x6A0];
	v3 =	vmax.f32 v3, $9.999999930e-09;
	(erf) = vpow2.f32 v18;
	v18 =	vsub.f32 $2.668607530e-01, v39  }
0x12c: {  	v7 =	vld.idx.msk [tilespmem:v29+s16+$0x0], $0xffff;
	v49 =	vsub.f32 v42, v9;
	v11 =	vmul.f32 v27, v12;
	v12 =	vsub.f32 v23, v53  }
0x12d: {  	v43 =	vld [tilespmem:$0x110];
	v31 =	vmul.f32 $1.000000000e+03, v9;
	v14 =	vor.u32 $0x3F800000, v34;
	v3 =	vmin.f32 v3, $1.000000000e+00  }
0x12e: {  	v9 =	vsub.f32 v9, v42;
	v37 =	vmul.f32 $2.482583000e-02, v14;
	v3 =	vmul.f32 $1.638400000e+04, v3  }
0x12f: {  	v18 =	vmul.f32 v38, v18;
	v51 =	vmul.f32 $1.442695020e+00, v49;
	v11 =	vadd.f32 $-3.028319360e+00, v11  }
0x130: {  	v62 =	vmul.f32 $3.503503390e-04, v12;
	v16 =	vsub.f32 v31, v26;
	v35 =	vmul.f32 $6.496496200e-01, v9  }
0x131: {  	v39 =	vsub.f32 $2.668607530e-01, v37;
	vm12 =	vge.f32 v3, v7;
	v44 =	vadd.f32 $-1.234270220e+00, v18  }
0x132: {  	v3 =	vadd.f32 v15, v8;
	v18 =	vadd.s32 $0xFFFFFF81, v52;
	(erf) = vpow2.f32 v51  }
0x133: {  	v16 =	vmul.f32 $3.503503390e-04, v16;
	v45 =	vsel vm12, $0x3F800000, v0;
	v7 =	vmul.f32 v38, v44  }
0x134: {  	v55 =	vld [tilespmem:$0x630];
	v5 =	vadd.f32 v62, v5;
	v18 =	vcvt.s32.f32 v18;
	v47 =	vmul.f32 v45, v3  }
0x135: {  	v13 =	vld.idx.msk [tilespmem:v43+s16+$0x0], $0xffff;
	v8 =	vadd.f32 v16, v35;
	v16 =	vmul.f32 v14, v39;
	v7 =	vadd.f32 $3.218846080e+00, v7  }
0x136: {  	v57 =	vld [tilespmem:$0x6F0];
	v24 =	vshrl.u32 v32, $0x17;
	v1 =	vadd.f32 v3, v1;
	v11 =	vadd.f32 v18, v11  }
0x137: {  	v2 =	vadd.f32 v47, v2;
	v16 =	vadd.f32 $-1.234270220e+00, v16;
	v47 =	vld [tilespmem:$0x770];
	v48 =	vpop (erf);
	v7 =	vmul.f32 v38, v7  }
0x138: {  	v1 =	vadd.f32 v5, v1;
	v59 =	vmul.f32 $6.931471820e-01, v11;
	v50 =	vmax.f32 v48, $9.999999930e-09  }
0x139: {  	v16 =	vmul.f32 v14, v16;
	v6 =	vmin.f32 v50, $1.000000000e+00;
	v7 =	vadd.f32 $-5.264124870e+00, v7  }
0x13a: {  	v63 =	vld [tilespmem:$0x120];
	v4 =	vadd.f32 v45, v4;
	v10 =	vadd.f32 v59, v55;
	v6 =	vmul.f32 $1.638400000e+04, v6  }
0x13b: {  	v1 =	vadd.f32 v8, v1;
	v49 =	vadd.f32 $3.218846080e+00, v16;
	v7 =	vmul.f32 v38, v7  }
0x13c: {  	v25 =	vsub.f32 v57, v10;
	v56 =	vand.u32 $0x7FFFFF, v47;
	vm13 =	vge.f32 v6, v13  }
0x13d: {  	v36 =	vld [tilespmem:$0x6B0];
	v3 =	vpop (erf);
	v13 =	vadd.s32 $0xFFFFFF81, v24;
	v60 =	vadd.f32 $6.065838340e+00, v7;
	v7 =	vadd.f32 $-1.234270220e+00, v61  }
0x13e: {  	v3 =	vmax.f32 v3, $9.999999930e-09;
	v13 =	vcvt.s32.f32 v13;
	v11 =	vmul.f32 $1.442695020e+00, v25  }
0x13f: {  	v32 =	vld [tilespmem:$0x7C0];
	v24 =	vshrl.u32 v30, $0x17;
	v6 =	vmul.f32 v38, v60;
	v7 =	vmul.f32 v20, v7  }
0x140: {  	v27 =	vsel vm13, $0x3F800000, v0;
	(erf) = vpow2.f32 v11;
	v38 =	vmul.f32 $1.000000000e+03, v10;
	v60 =	vld [tilespmem:$0x840]  }
0x141: {  	v33 =	vld [tilespmem:$0x130];
	v3 =	vmin.f32 v3, $1.000000000e+00;
	v6 =	vadd.f32 $-3.028319360e+00, v6;
	v7 =	vadd.f32 $3.218846080e+00, v7  }
0x142: {  	v12 =	vld.idx.msk [tilespmem:v63+s16+$0x0], $0xffff;
	v29 =	vmul.f32 v27, v5;
	v10 =	vsub.f32 v10, v57;
	v9 =	vsub.f32 v38, v36  }
0x143: {  	v28 =	vld [tilespmem:$0x700];
	v3 =	vmul.f32 $1.638400000e+04, v3;
	v6 =	vadd.f32 v13, v6;
	v7 =	vmul.f32 v20, v7  }
0x144: {  	v2 =	vadd.f32 v29, v2;
	v29 =	vld [tilespmem:$0x850];
	v10 =	vmul.f32 $6.496496200e-01, v10;
	v9 =	vmul.f32 $3.503503390e-04, v9  }
0x145: {  	v25 =	vand.u32 $0x7FFFFF, v60;
	v6 =	vmul.f32 $6.931471820e-01, v6;
	v7 =	vadd.f32 $-5.264124870e+00, v7  }
0x146: {  	v9 =	vadd.f32 v9, v10;
	v10 =	vmul.f32 v14, v49;
	v13 =	vor.u32 $0x3F800000, v25  }
0x147: {  	v4 =	vadd.f32 v27, v4;
	vm14 =	vge.f32 v3, v12;
	v26 =	vmul.f32 $2.482583000e-02, v13  }
0x148: {  	v6 =	vadd.f32 v6, v28;
	v7 =	vmul.f32 v20, v7;
	v10 =	vadd.f32 $-5.264124870e+00, v10  }
0x149: {  	v42 =	vld.idx.msk [tilespmem:v33+s16+$0x0], $0xffff;
	v39 =	vand.u32 $0x7FFFFF, v29;
	v40 =	vpop (erf);
	v1 =	vadd.f32 v9, v1;
	v28 =	vsub.f32 $2.668607530e-01, v26  }
0x14a: {  	v51 =	vld [tilespmem:$0x780];
	v41 =	vmax.f32 v40, $9.999999930e-09;
	v18 =	vsub.f32 v32, v6;
	v7 =	vadd.f32 $6.065838340e+00, v7  }
0x14b: {  	v43 =	vmin.f32 v41, $1.000000000e+00;
	v57 =	vmul.f32 $1.000000000e+03, v6;
	v10 =	vmul.f32 v14, v10  }
0x14c: {  	v6 =	vsub.f32 v6, v32;
	v12 =	vmul.f32 $1.638400000e+04, v43;
	v43 =	vshrl.u32 v47, $0x17  }
0x14d: {  	v3 =	vmul.f32 $1.442695020e+00, v18;
	v7 =	vmul.f32 v20, v7;
	v20 =	vor.u32 $0x3F800000, v56  }
0x14e: {  	v18 =	vadd.f32 $6.065838340e+00, v10;
	v6 =	vmul.f32 $6.496496200e-01, v6;
	vm15 =	vge.f32 v12, v42  }
0x14f: {  	v59 =	vmul.f32 $2.482583000e-02, v20;
	v12 =	vsub.f32 v57, v51;
	(erf) = vpow2.f32 v3  }
0x150: {  	v3 =	vshrl.u32 v46, $0x17;
	v7 =	vadd.f32 $-3.028319360e+00, v7;
	v46 =	vsel vm14, $0x3F800000, v0  }
0x151: {  	v50 =	vsel vm15, $0x3F800000, v0;
	v3 =	vadd.s32 $0xFFFFFF81, v3;
	v48 =	vmul.f32 v46, v8  }
0x152: {  	v4 =	vadd.f32 v46, v4;
	v52 =	vmul.f32 v50, v9;
	v62 =	vsub.f32 $2.668607530e-01, v59  }
0x153: {  	v21 =	vmul.f32 $3.503503390e-04, v12;
	v12 =	vadd.s32 $0xFFFFFF81, v24;
	v3 =	vcvt.s32.f32 v3  }
0x154: {  	v54 =	vld [tilespmem:$0x140];
	v12 =	vcvt.s32.f32 v12;
	v2 =	vadd.f32 v48, v2;
	v4 =	vadd.f32 v50, v4  }
0x155: {  	v8 =	vmul.f32 v20, v62;
	v30 =	vadd.f32 v21, v6;
	v21 =	vor.u32 $0x3F800000, v39  }
0x156: {  	v44 =	vld [tilespmem:$0x710];
	v3 =	vadd.f32 v3, v7;
	v7 =	vmul.f32 v14, v18;
	v41 =	vmul.f32 $2.482583000e-02, v21  }
0x157: {  	v14 =	vshrl.u32 v29, $0x17;
	v2 =	vadd.f32 v52, v2;
	v8 =	vadd.f32 $-1.234270220e+00, v8  }
0x158: {  	v45 =	vld [tilespmem:$0x7D0];
	v52 =	vshrl.u32 v60, $0x17;
	v14 =	vadd.s32 $0xFFFFFF81, v14;
	v3 =	vmul.f32 $6.931471820e-01, v3  }
0x159: {  	v7 =	vadd.f32 $-3.028319360e+00, v7;
	v56 =	vadd.s32 $0xFFFFFF81, v52;
	v14 =	vcvt.s32.f32 v14  }
0x15a: {  	v1 =	vadd.f32 v30, v1;
	v8 =	vmul.f32 v20, v8;
	v10 =	vcvt.s32.f32 v56  }
0x15b: {  	v27 =	vld [tilespmem:$0x720];
	v3 =	vadd.f32 v3, v44;
	v7 =	vadd.f32 v12, v7;
	v44 =	vadd.s32 $0xFFFFFF81, v43  }
0x15c: {  	v23 =	vld.idx.msk [tilespmem:v54+s16+$0x0], $0xffff;
	v12 =	vmul.f32 v13, v28;
	v53 =	vpop (erf);
	v8 =	vadd.f32 $3.218846080e+00, v8;
	v17 =	vcvt.s32.f32 v44  }
0x15d: {  	v33 =	vld [tilespmem:$0x790];
	v15 =	vmax.f32 v53, $9.999999930e-09;
	v55 =	vsub.f32 v45, v3;
	v7 =	vmul.f32 $6.931471820e-01, v7  }
0x15e: {  	v31 =	vld [tilespmem:$0x7E0];
	v37 =	vadd.f32 $-1.234270220e+00, v12;
	v38 =	vmul.f32 $1.000000000e+03, v3;
	v12 =	vsub.f32 $2.668607530e-01, v41  }
0x15f: {  	v3 =	vsub.f32 v3, v45;
	v61 =	vmin.f32 v15, $1.000000000e+00;
	v8 =	vmul.f32 v20, v8  }
0x160: {  	v58 =	vmul.f32 $1.442695020e+00, v55;
	v63 =	vmul.f32 $1.638400000e+04, v61;
	v7 =	vadd.f32 v7, v27  }
0x161: {  	v53 =	vld [tilespmem:$0x860];
	v9 =	vmul.f32 v13, v37;
	v12 =	vmul.f32 v21, v12;
	v8 =	vadd.f32 $-5.264124870e+00, v8  }
0x162: {  	v11 =	vsub.f32 v38, v33;
	v3 =	vmul.f32 $6.496496200e-01, v3;
	(erf) = vpow2.f32 v58  }
0x163: {  	v54 =	vld [tilespmem:$0x7A0];
	vm4 =	vge.f32 v63, v23;
	v40 =	vsub.f32 v31, v7;
	v8 =	vmul.f32 v20, v8  }
0x164: {  	v9 =	vadd.f32 $3.218846080e+00, v9;
	v11 =	vmul.f32 $3.503503390e-04, v11;
	v12 =	vadd.f32 $-1.234270220e+00, v12  }
0x165: {  	v60 =	vmul.f32 $1.000000000e+03, v7;
	v6 =	vsub.f32 v7, v31;
	v8 =	vadd.f32 $6.065838340e+00, v8  }
0x166: {  	v32 =	vsel vm4, $0x3F800000, v0;
	v63 =	vand.u32 $0x7FFFFF, v53;
	v9 =	vmul.f32 v13, v9  }
0x167: {  	v36 =	vld [tilespmem:$0x150];
	v23 =	vmul.f32 $1.442695020e+00, v40;
	v3 =	vadd.f32 v11, v3;
	v8 =	vmul.f32 v20, v8  }
0x168: {  	v35 =	vmul.f32 v32, v30;
	v18 =	vsub.f32 v60, v54;
	v9 =	vadd.f32 $-5.264124870e+00, v9  }
0x169: {  	v6 =	vmul.f32 $6.496496200e-01, v6;
	(erf) = vpow2.f32 v23;
	v8 =	vadd.f32 $-3.028319360e+00, v8  }
0x16a: {  	v45 =	vld [tilespmem:$0x730];
	v4 =	vadd.f32 v32, v4;
	v18 =	vmul.f32 $3.503503390e-04, v18;
	v9 =	vmul.f32 v13, v9  }
0x16b: {  	v47 =	vmul.f32 v21, v12;
	v1 =	vadd.f32 v3, v1;
	v46 =	vadd.f32 v17, v8  }
0x16c: {  	v48 =	vld [tilespmem:$0x7F0];
	v24 =	vor.u32 $0x3F800000, v63;
	v6 =	vadd.f32 v18, v6;
	v9 =	vadd.f32 $6.065838340e+00, v9  }
0x16d: {  	v25 =	vmul.f32 $2.482583000e-02, v24;
	v8 =	vadd.f32 $3.218846080e+00, v47;
	v5 =	vmul.f32 $6.931471820e-01, v46  }
0x16e: {  	v2 =	vadd.f32 v35, v2;
	v35 =	vld [tilespmem:$0x870];
	v1 =	vadd.f32 v6, v1;
	v34 =	vpop (erf);
	v9 =	vmul.f32 v13, v9  }
0x16f: {  	v42 =	vld.idx.msk [tilespmem:v36+s16+$0x0], $0xffff;
	v15 =	vmax.f32 v34, $9.999999930e-09;
	v8 =	vmul.f32 v21, v8;
	v5 =	vadd.f32 v5, v45  }
0x170: {  	v50 =	vld [tilespmem:$0x160];
	v13 =	vshrl.u32 v53, $0x17;
	v15 =	vmin.f32 v15, $1.000000000e+00;
	v9 =	vadd.f32 $-3.028319360e+00, v9  }
0x171: {  	v59 =	vld [tilespmem:$0x800];
	v13 =	vadd.s32 $0xFFFFFF81, v13;
	v8 =	vadd.f32 $-5.264124870e+00, v8;
	v58 =	vsub.f32 v48, v5  }
0x172: {  	v15 =	vmul.f32 $1.638400000e+04, v15;
	v13 =	vcvt.s32.f32 v13;
	v9 =	vadd.f32 v10, v9  }
0x173: {  	v62 =	vld [tilespmem:$0x8C0];
	v41 =	vand.u32 $0x7FFFFF, v35;
	v55 =	vpop (erf);
	v8 =	vmul.f32 v21, v8;
	v61 =	vmul.f32 $1.442695020e+00, v58  }
0x174: {  	v26 =	vld [tilespmem:$0x170];
	vm5 =	vge.f32 v15, v42;
	v57 =	vmax.f32 v55, $9.999999930e-09;
	v9 =	vmul.f32 $6.931471820e-01, v9  }
0x175: {  	v30 =	vld [tilespmem:$0x7B0];
	v10 =	vsub.f32 $2.668607530e-01, v25;
	v8 =	vadd.f32 $6.065838340e+00, v8;
	(erf) = vpow2.f32 v61  }
0x176: {  	v63 =	vld [tilespmem:$0x960];
	v49 =	vsel vm5, $0x3F800000, v0;
	v17 =	vmin.f32 v57, $1.000000000e+00;
	v9 =	vadd.f32 v9, v59  }
0x177: {  	v33 =	vmul.f32 $1.000000000e+03, v5;
	v5 =	vsub.f32 v5, v48;
	v8 =	vmul.f32 v21, v8  }
0x178: {  	v15 =	vld.idx.msk [tilespmem:v50+s16+$0x0], $0xffff;
	v51 =	vmul.f32 v49, v3;
	v17 =	vmul.f32 $1.638400000e+04, v17;
	v20 =	vsub.f32 v62, v9  }
0x179: {  	v50 =	vld [tilespmem:$0x940];
	v10 =	vmul.f32 v24, v10;
	v4 =	vadd.f32 v49, v4;
	v8 =	vadd.f32 $-3.028319360e+00, v8  }
0x17a: {  	v28 =	vld [tilespmem:$0x810];
	v12 =	vsub.f32 v33, v30;
	v5 =	vmul.f32 $6.496496200e-01, v5;
	v27 =	vmul.f32 $1.442695020e+00, v20  }
0x17b: {  	v33 =	vand.u32 $0x7FFFFF, v63;
	v10 =	vadd.f32 $-1.234270220e+00, v10;
	v8 =	vadd.f32 v14, v8  }
0x17c: {  	v32 =	vld [tilespmem:$0x8D0];
	v2 =	vadd.f32 v51, v2;
	v11 =	vor.u32 $0x3F800000, v33;
	(erf) = vpow2.f32 v27  }
0x17d: {  	vm6 =	vge.f32 v17, v15;
	v10 =	vmul.f32 v24, v10;
	v8 =	vmul.f32 $6.931471820e-01, v8  }
0x17e: {  	v7 =	vld.idx.msk [tilespmem:v26+s16+$0x0], $0xffff;
	v12 =	vmul.f32 $3.503503390e-04, v12;
	v56 =	vand.u32 $0x7FFFFF, v50;
	v29 =	vsel vm6, $0x3F800000, v0;
	v3 =	vpop (erf)  }
0x17f: {  	v10 =	vadd.f32 $3.218846080e+00, v10;
	v8 =	vadd.f32 v8, v28;
	v3 =	vmax.f32 v3, $9.999999930e-09  }
0x180: {  	v44 =	vmul.f32 $1.000000000e+03, v9;
	v9 =	vsub.f32 v9, v62;
	v3 =	vmin.f32 v3, $1.000000000e+00  }
0x181: {  	v39 =	vld [tilespmem:$0x880];
	v10 =	vmul.f32 v24, v10;
	v36 =	vsub.f32 v32, v8;
	v3 =	vmul.f32 $1.638400000e+04, v3  }
0x182: {  	v34 =	vld [tilespmem:$0x180];
	v15 =	vor.u32 $0x3F800000, v56;
	v31 =	vmul.f32 v29, v6;
	v4 =	vadd.f32 v29, v4  }
0x183: {  	v37 =	vadd.f32 $-5.264124870e+00, v10;
	vm7 =	vge.f32 v3, v7;
	v3 =	vmul.f32 $1.442695020e+00, v36  }
0x184: {  	v60 =	vld [tilespmem:$0x950];
	v5 =	vadd.f32 v12, v5;
	v59 =	vmul.f32 $2.482583000e-02, v15;
	v9 =	vmul.f32 $6.496496200e-01, v9  }
0x185: {  	v46 =	vld [tilespmem:$0x890];
	v2 =	vadd.f32 v31, v2;
	v40 =	vpop (erf);
	(erf) = vpow2.f32 v3;
	v3 =	vmul.f32 v24, v37  }
0x186: {  	v1 =	vadd.f32 v5, v1;
	v10 =	vsub.f32 v44, v39;
	v7 =	vor.u32 $0x3F800000, v41  }
0x187: {  	v27 =	vshrl.u32 v35, $0x17;
	v43 =	vmul.f32 $2.482583000e-02, v7;
	v3 =	vadd.f32 $6.065838340e+00, v3  }
0x188: {  	v47 =	vmul.f32 $3.503503390e-04, v10;
	v52 =	vmul.f32 $1.000000000e+03, v8;
	v8 =	vsub.f32 v8, v32  }
0x189: {  	v45 =	vld [tilespmem:$0x190];
	v28 =	vand.u32 $0x7FFFFF, v60;
	v17 =	vsub.f32 $2.668607530e-01, v43;
	v3 =	vmul.f32 v24, v3  }
0x18a: {  	v14 =	vld.idx.msk [tilespmem:v34+s16+$0x0], $0xffff;
	v6 =	vadd.f32 v47, v9;
	v16 =	vsub.f32 v52, v46;
	v58 =	vmul.f32 $6.496496200e-01, v8  }
0x18b: {  	v34 =	vld [tilespmem:$0x970];
	v12 =	vmax.f32 v40, $9.999999930e-09;
	v17 =	vmul.f32 v7, v17;
	v3 =	vadd.f32 $-3.028319360e+00, v3  }
0x18c: {  	v48 =	vld [tilespmem:$0x820];
	v8 =	vsub.f32 $2.668607530e-01, v59;
	v55 =	vmul.f32 $3.503503390e-04, v16;
	v12 =	vmin.f32 v12, $1.000000000e+00  }
0x18d: {  	v12 =	vmul.f32 $1.638400000e+04, v12;
	v49 =	vadd.f32 $-1.234270220e+00, v17;
	v3 =	vadd.f32 v13, v3  }
0x18e: {  	v8 =	vmul.f32 v15, v8;
	v38 =	vsel vm7, $0x3F800000, v0;
	v37 =	vmul.f32 $2.482583000e-02, v11  }
0x18f: {  	vm8 =	vge.f32 v12, v14;
	v12 =	vmul.f32 v7, v49;
	v3 =	vmul.f32 $6.931471820e-01, v3  }
0x190: {  	v40 =	vand.u32 $0x7FFFFF, v34;
	v4 =	vadd.f32 v38, v4;
	v18 =	vsub.f32 $2.668607530e-01, v37  }
0x191: {  	v42 =	vmul.f32 v38, v5;
	v10 =	vadd.f32 v3, v48;
	v3 =	vadd.f32 $3.218846080e+00, v12  }
0x192: {  	v5 =	vadd.f32 v55, v58;
	v14 =	vsel vm8, $0x3F800000, v0;
	v18 =	vmul.f32 v11, v18  }
0x193: {  	v54 =	vld.idx.msk [tilespmem:v45+s16+$0x0], $0xffff;
	v2 =	vadd.f32 v42, v2;
	v53 =	vmul.f32 v14, v6;
	v51 =	vpop (erf);
	v3 =	vmul.f32 v7, v3  }
0x194: {  	v4 =	vadd.f32 v14, v4;
	v6 =	vadd.f32 v6, v1;
	v9 =	vmax.f32 v51, $9.999999930e-09  }
0x195: {  	v19 =	vld [tilespmem:$0x8E0];
	v18 =	vadd.f32 $-1.234270220e+00, v18;
	v9 =	vmin.f32 v9, $1.000000000e+00;
	v3 =	vadd.f32 $-5.264124870e+00, v3  }
0x196: {  	v2 =	vadd.f32 v53, v2;
	v13 =	vshrl.u32 v50, $0x17;
	v9 =	vmul.f32 $1.638400000e+04, v9  }
0x197: {  	v44 =	vmul.f32 v11, v18;
	v13 =	vadd.s32 $0xFFFFFF81, v13;
	v3 =	vmul.f32 v7, v3  }
0x198: {  	v13 =	vcvt.s32.f32 v13;
	v12 =	vshrl.u32 v34, $0x17;
	vm9 =	vge.f32 v9, v54  }
0x199: {  	v12 =	vadd.s32 $0xFFFFFF81, v12;
	v61 =	vsel vm9, $0x3F800000, v0;
	v3 =	vadd.f32 $6.065838340e+00, v3  }
0x19a: {  	v43 =	vld [tilespmem:$0x8A0];
	v57 =	vsub.f32 v19, v10;
	v46 =	vmul.f32 $1.000000000e+03, v10;
	v62 =	vmul.f32 v61, v5  }
0x19b: {  	v10 =	vsub.f32 v10, v19;
	v3 =	vmul.f32 v7, v3;
	v7 =	vor.u32 $0x3F800000, v28  }
0x19c: {  	v1 =	vadd.f32 v62, v2;
	v2 =	vadd.f32 $-1.234270220e+00, v8;
	v31 =	vmul.f32 $2.482583000e-02, v7  }
0x19d: {  	v9 =	vshrl.u32 v60, $0x17;
	v12 =	vcvt.s32.f32 v12;
	v16 =	vmul.f32 $1.442695020e+00, v57  }
0x19e: {  	v9 =	vadd.s32 $0xFFFFFF81, v9;
	v29 =	vmul.f32 v15, v2;
	v17 =	vsub.f32 $2.668607530e-01, v31  }
0x19f: {  	v48 =	vsub.f32 v46, v43;
	v9 =	vcvt.s32.f32 v9;
	(erf) = vpow2.f32 v16  }
0x1a0: {  	v8 =	vadd.s32 $0xFFFFFF81, v27;
	v32 =	vadd.f32 $3.218846080e+00, v29;
	v17 =	vmul.f32 v7, v17  }
0x1a1: {  	v8 =	vcvt.s32.f32 v8;
	v2 =	vadd.f32 v61, v4;
	v3 =	vadd.f32 $-3.028319360e+00, v3  }
0x1a2: {  	v30 =	vld [tilespmem:$0x830];
	v4 =	vmul.f32 v15, v32;
	v39 =	vadd.f32 $-1.234270220e+00, v17;
	v17 =	vor.u32 $0x3F800000, v40  }
0x1a3: {  	v38 =	vld [tilespmem:$0x1A0];
	v10 =	vmul.f32 $6.496496200e-01, v10;
	v42 =	vmul.f32 $2.482583000e-02, v17  }
0x1a4: {  	v53 =	vmul.f32 $3.503503390e-04, v48;
	v8 =	vadd.f32 v8, v3;
	v4 =	vadd.f32 $-5.264124870e+00, v4  }
0x1a5: {  	v36 =	vld [tilespmem:$0x8F0];
	v16 =	vshrl.u32 v63, $0x17;
	v14 =	vmul.f32 v7, v39;
	v22 =	vsub.f32 $2.668607530e-01, v42  }
0x1a6: {  	v16 =	vadd.s32 $0xFFFFFF81, v16;
	v8 =	vmul.f32 $6.931471820e-01, v8;
	v4 =	vmul.f32 v15, v4  }
0x1a7: {  	v10 =	vadd.f32 v53, v10;
	v14 =	vadd.f32 $3.218846080e+00, v14;
	v45 =	vmul.f32 v17, v22  }
0x1a8: {  	v62 =	vcvt.s32.f32 v16;
	v8 =	vadd.f32 v8, v30;
	v4 =	vadd.f32 $6.065838340e+00, v4  }
0x1a9: {  	v3 =	vadd.f32 v5, v6;
	v35 =	vpop (erf);
	v14 =	vmul.f32 v7, v14;
	v18 =	vadd.f32 $-1.234270220e+00, v45  }
0x1aa: {  	v5 =	vmax.f32 v35, $9.999999930e-09;
	v41 =	vsub.f32 v36, v8;
	v4 =	vmul.f32 v15, v4  }
0x1ab: {  	v20 =	vld.idx.msk [tilespmem:v38+s16+$0x0], $0xffff;
	v15 =	vadd.f32 $3.218846080e+00, v44;
	v14 =	vadd.f32 $-5.264124870e+00, v14;
	v18 =	vmul.f32 v17, v18  }
0x1ac: {  	v3 =	vadd.f32 v10, v3;
	v5 =	vmin.f32 v5, $1.000000000e+00;
	v47 =	vmul.f32 $1.442695020e+00, v41  }
0x1ad: {  	v15 =	vmul.f32 v11, v15;
	v14 =	vmul.f32 v7, v14;
	v52 =	vadd.f32 $3.218846080e+00, v18  }
0x1ae: {  	v5 =	vmul.f32 $1.638400000e+04, v5;
	v4 =	vadd.f32 $-3.028319360e+00, v4;
	(erf) = vpow2.f32 v47  }
0x1af: {  	v24 =	vld [tilespmem:$0x900];
	v50 =	vadd.f32 $-5.264124870e+00, v15;
	v51 =	vadd.f32 $6.065838340e+00, v14;
	v54 =	vmul.f32 v17, v52  }
0x1b0: {  	v56 =	vld [tilespmem:$0x1B0];
	vm10 =	vge.f32 v5, v20;
	v6 =	vsub.f32 v8, v36;
	v4 =	vadd.f32 v13, v4  }
0x1b1: {  	v49 =	vld [tilespmem:$0x9C0];
	v13 =	vmul.f32 v11, v50;
	v5 =	vmul.f32 v7, v51;
	v7 =	vadd.f32 $-5.264124870e+00, v54  }
0x1b2: {  	v23 =	vmul.f32 $1.000000000e+03, v8;
	v33 =	vsel vm10, $0x3F800000, v0;
	v4 =	vmul.f32 $6.931471820e-01, v4  }
0x1b3: {  	v21 =	vld [tilespmem:$0x920];
	v6 =	vmul.f32 $6.496496200e-01, v6;
	v13 =	vadd.f32 $6.065838340e+00, v13;
	v7 =	vmul.f32 v17, v7  }
0x1b4: {  	v59 =	vld [tilespmem:$0x910];
	v35 =	vmul.f32 v33, v10;
	v2 =	vadd.f32 v33, v2;
	v4 =	vadd.f32 v4, v24  }
0x1b5: {  	v57 =	vld [tilespmem:$0x8B0];
	v11 =	vmul.f32 v11, v13;
	v5 =	vadd.f32 $-3.028319360e+00, v5;
	v7 =	vadd.f32 $6.065838340e+00, v7  }
0x1b6: {  	v60 =	vld [tilespmem:$0x9D0];
	v1 =	vadd.f32 v35, v1;
	v55 =	vsub.f32 v49, v4;
	v38 =	vmul.f32 $1.000000000e+03, v4  }
0x1b7: {  	v32 =	vld [tilespmem:$0x980];
	v61 =	vadd.f32 $-3.028319360e+00, v11;
	v63 =	vpop (erf);
	v5 =	vadd.f32 v9, v5;
	v7 =	vmul.f32 v17, v7  }
0x1b8: {  	v27 =	vld [tilespmem:$0x930];
	v4 =	vsub.f32 v4, v49;
	v58 =	vmul.f32 $1.442695020e+00, v55;
	v16 =	vmax.f32 v63, $9.999999930e-09  }
0x1b9: {  	v18 =	vld.idx.msk [tilespmem:v56+s16+$0x0], $0xffff;
	v9 =	vadd.f32 v62, v61;
	v5 =	vmul.f32 $6.931471820e-01, v5;
	v7 =	vadd.f32 $-3.028319360e+00, v7  }
0x1ba: {  	v24 =	vld [tilespmem:$0x9E0];
	v11 =	vsub.f32 v23, v57;
	(erf) = vpow2.f32 v58;
	v16 =	vmin.f32 v16, $1.000000000e+00  }
0x1bb: {  	v25 =	vld [tilespmem:$0x1C0];
	v9 =	vmul.f32 $6.931471820e-01, v9;
	v5 =	vadd.f32 v5, v59;
	v7 =	vadd.f32 v12, v7  }
0x1bc: {  	v31 =	vld [tilespmem:$0x9F0];
	v13 =	vsub.f32 v38, v32;
	v4 =	vmul.f32 $6.496496200e-01, v4;
	v16 =	vmul.f32 $1.638400000e+04, v16  }
0x1bd: {  	v9 =	vadd.f32 v9, v21;
	v26 =	vsub.f32 v60, v5;
	v7 =	vmul.f32 $6.931471820e-01, v7  }
0x1be: {  	v28 =	vmul.f32 $3.503503390e-04, v11;
	v13 =	vmul.f32 $3.503503390e-04, v13;
	vm11 =	vge.f32 v16, v18  }
0x1bf: {  	v44 =	vld [tilespmem:$0x990];
	v30 =	vsub.f32 v24, v9;
	v29 =	vmul.f32 $1.442695020e+00, v26;
	v7 =	vadd.f32 v7, v27  }
0x1c0: {  	v6 =	vadd.f32 v28, v6;
	v4 =	vadd.f32 v13, v4;
	v39 =	vsel vm11, $0x3F800000, v0  }
0x1c1: {  	v50 =	vld [tilespmem:$0x9A0];
	v34 =	vmul.f32 $1.442695020e+00, v30;
	(erf) = vpow2.f32 v29;
	v42 =	vsub.f32 v31, v7  }
0x1c2: {  	v36 =	vld [tilespmem:$0x1D0];
	v3 =	vadd.f32 v6, v3;
	v43 =	vmul.f32 v39, v6;
	v45 =	vmul.f32 $1.000000000e+03, v5  }
0x1c3: {  	v37 =	vld.idx.msk [tilespmem:v25+s16+$0x0], $0xffff;
	v5 =	vsub.f32 v5, v60;
	(erf) = vpow2.f32 v34;
	v18 =	vmul.f32 $1.442695020e+00, v42  }
0x1c4: {  	v41 =	vld [tilespmem:$0x1E0];
	v53 =	vmul.f32 $1.000000000e+03, v9;
	v9 =	vsub.f32 v9, v24;
	v40 =	vpop (erf);
	v8 =	vsub.f32 v45, v44  }
0x1c5: {  	v5 =	vmul.f32 $6.496496200e-01, v5;
	v12 =	vmax.f32 v40, $9.999999930e-09;
	(erf) = vpow2.f32 v18  }
0x1c6: {  	v46 =	vld [tilespmem:$0x1F0];
	v56 =	vsub.f32 v53, v50;
	v12 =	vmin.f32 v12, $1.000000000e+00;
	v8 =	vmul.f32 $3.503503390e-04, v8  }
0x1c7: {  	v54 =	vld [tilespmem:$0x9B0];
	v2 =	vadd.f32 v39, v2;
	v3 =	vadd.f32 v4, v3;
	v12 =	vmul.f32 $1.638400000e+04, v12  }
0x1c8: {  	v9 =	vmul.f32 $6.496496200e-01, v9;
	v5 =	vadd.f32 v8, v5;
	v8 =	vmul.f32 $3.503503390e-04, v56  }
0x1c9: {  	v1 =	vadd.f32 v43, v1;
	vm12 =	vge.f32 v12, v37;
	v58 =	vmul.f32 $1.000000000e+03, v7  }
0x1ca: {  	v49 =	vld.idx.msk [tilespmem:v36+s16+$0x0], $0xffff;
	v7 =	vsub.f32 v7, v31;
	v48 =	vsel vm12, $0x3F800000, v0;
	v8 =	vadd.f32 v8, v9;
	v47 =	vpop (erf)  }
0x1cb: {  	v3 =	vadd.f32 v5, v3;
	v52 =	vmul.f32 v48, v4;
	v12 =	vmax.f32 v47, $9.999999930e-09  }
0x1cc: {  	v14 =	vld.idx.msk [tilespmem:v41+s16+$0x0], $0xffff;
	v13 =	vsub.f32 v58, v54;
	v7 =	vmul.f32 $6.496496200e-01, v7;
	v51 =	vpop (erf);
	v12 =	vmin.f32 v12, $1.000000000e+00  }
0x1cd: {  	v2 =	vadd.f32 v48, v2;
	v16 =	vmax.f32 v51, $9.999999930e-09;
	v12 =	vmul.f32 $1.638400000e+04, v12  }
0x1ce: {  	v10 =	vld.idx.msk [tilespmem:v46+s16+$0x0], $0xffff;
	v3 =	vadd.f32 v8, v3;
	v1 =	vadd.f32 v52, v1;
	v16 =	vmin.f32 v16, $1.000000000e+00;
	v57 =	vpop (erf)  }
0x1cf: {  	v55 =	vmul.f32 $1.638400000e+04, v16;
	vm13 =	vge.f32 v12, v49;
	v6 =	vmax.f32 v57, $9.999999930e-09  }
0x1d0: {  	v13 =	vmul.f32 $3.503503390e-04, v13;
	v12 =	vsel vm13, $0x3F800000, v0;
	v6 =	vmin.f32 v6, $1.000000000e+00  }
0x1d1: {  	vm14 =	vge.f32 v55, v14;
	v59 =	vmul.f32 v12, v5;
	v6 =	vmul.f32 $1.638400000e+04, v6  }
0x1d2: {  	v60 =	vadd.f32 v13, v7;
	v14 =	vsel vm14, $0x3F800000, v0;
	v2 =	vadd.f32 v12, v2  }
0x1d3: {  	v61 =	vmul.f32 v14, v8;
	v1 =	vadd.f32 v59, v1;
	vm15 =	vge.f32 v6, v10  }
0x1d4: {  	v2 =	vadd.f32 v14, v2;
	v62 =	vsel vm15, $0x3F800000, v0  }
0x1d5: {  	v3 =	vadd.f32 v60, v3;
	v1 =	vadd.f32 v61, v1;
	v63 =	vmul.f32 v62, v60  }
0x1d6: {  	[tilespmem:$0xE30] =	vst v0;
	v2 =	vadd.f32 v62, v2  }
0x1d7: {  	[tilespmem:$0xE20] =	vst v3;
	v1 =	vadd.f32 v63, v1  }
0x1d8: {  	p0 =	sne.s32 s14, $0x1;
	[tilespmem:$0xE10] =	vst v2  }
.Ltmp0:
0x1d9: {  	[tilespmem:$0xE00] =	vst v1;
	(pc) =	sbr.rel @p0 .LBB2_1-.Ltmp0, $4  }
0x1da: {  	[hbm4b:s13+s3] =	stream.linear.scatter [tilespmem:s25], [sflag:$0x1], $0x40, $0x38;
	[tilespmem:$0xE40] =	vst v63  }
0x1db: {  	_ =	swait.ge [sflag:s15], $0x40  }
0x1dc: {  	[sflag:s15] =	ssyncset.done $0x0  }
0x1dd: {  	s14 =	sadd.s32 $0xFFFFFFFF, s14;
	[sflag:s15] =	ssyncadd.s32 $0xFFFFFFC0  }
0x1de: {  	_ =	sfence.sel $0x180000  }
0x1df: {  	[bflag:$0x0] =	sbarrier.arrive $0xFFFF  }
0x1e0: {  	p0 =	sne.s32 s0, $0x0;
	_ =	strace $0x90000047  }
0x1e1: {  	s0 =	sadd.s32 @!p0 $0x100000, s1;
	[bflag:$0x2] =	sbarrier.arrive $0xFFFF  }
0x1e2: {  	[sflag:s0] =	ssyncadd.tile.s32 @!p0 $0x1;
	_ =	shalt  }
.Lfunc_end2:
_tile_overlayer_lowered:
.L_overlay_start_2:
0x1e3: {  	(tag) =	ssettag $0x2  }
0x1e4: {  	s0 =	rddreg [dreg:$0x0];
	s2 =	stileid.u32  }
0x1e5: {  	s1 =	rddreg [dreg:$0x1];
	p0 =	sne.s32 s2, $0x0  }
0x1e6: {  	s3 =	rddreg [dreg:$0x2];
	[bflag:$0x3] =	sbarrier.arrive $0xFFFF;
	s2 =	simm.s32 @!p0 $0x1C01  }
0x1e7: {  	[timem:s3], [sflag:s2] =	dma.local @!p0 [hbm:s0], s1  }
0x1e8: {  	s0 =	simm.s32 @!p0 $0x1  }
0x1e9: {  	_ =	swait.ge @!p0 [sflag:s0], s1  }
0x1ea: {  	s1 =	ssub.s32 @!p0 $0x0, s1;
	[sflag:s0] =	ssyncset.done @!p0 $0x0  }
0x1eb: {  	[sflag:s0] =	ssyncadd.s32 @!p0 s1  }
0x1ec: {  	[bflag:$0x3] =	sbarrier.arrive $0xFFFF  }
0x1ed: {  	_ =	shalt  }

</sc_bundles>
